<compile_context>
chip_gen: v7x
topology: tpu7x:2x2x1
jax: 0.10.2.dev20260603
libtpu: 0.0.44.dev20260713+nightly
codegen_flags: <defaults>
</compile_context>

<pallas_src>
import functools

import jax
import jax.numpy as jnp
from jax import lax
from jax.experimental import pallas as pl
from jax.experimental.pallas import tpu as pltpu
from jax.experimental.pallas import tpu_sc as plsc

VOCAB, DIM, BATCH = 1000000, 32, 16384
NC, NS, L = 2, 16, 16
NW = NC * NS
BPW = BATCH // NW
GSZ = 8
HALF = BPW // 2
NGH = HALF // GSZ

sc_mesh = plsc.VectorSubcoreMesh(core_axis_name="c", subcore_axis_name="s")

@functools.partial(
    pl.kernel,
    out_type=jax.ShapeDtypeStruct((BATCH, DIM), jnp.float32),
    mesh=sc_mesh,
    scratch_types=[
        pltpu.VMEM((BPW + L,), jnp.int32),
        pltpu.VMEM((2 * GSZ, DIM, 128), jnp.float32),
        pltpu.VMEM((HALF, DIM), jnp.float32),
        pltpu.SemaphoreType.DMA,
        pltpu.SemaphoreType.DMA,
    ],
    compiler_params=pltpu.CompilerParams(
        use_tc_tiling_on_sc=True, needs_layout_passes=False
    ),
)
def sc_embed(idx_hbm, tt_hbm, out_hbm, idx_v, blk_v, out_v, sem0, sem1):
    wid = lax.axis_index("s") * NC + lax.axis_index("c")
    base = wid * BPW
    pltpu.sync_copy(idx_hbm.at[pl.ds(base, BPW)], idx_v.at[pl.ds(0, BPW)])

    lane = lax.iota(jnp.int32, L)
    emask = lane < GSZ

    def fire(goff, ring_half, sem):
        iv = idx_v[pl.ds(goff * GSZ, L)]
        for e in range(GSZ):
            r = iv[e]
            c128 = pl.multiple_of((r // 128) * 128, 128)
            pltpu.async_copy(
                tt_hbm.at[:, pl.ds(c128, 128)],
                blk_v.at[ring_half * GSZ + e],
                sem,
            )

    def drain(ring_half, sem):
        for e in range(GSZ):
            pltpu.make_async_copy(
                tt_hbm.at[:, pl.ds(0, 128)],
                blk_v.at[ring_half * GSZ + e],
                sem,
            ).wait()

    def half(h):
        hoff = h * NGH

        fire(hoff, 0, sem0)

        def pair(p):
            g0 = 2 * p
            g1 = 2 * p + 1

            @pl.when(g1 < NGH)
            def _():
                fire(hoff + g1, 1, sem1)

            drain(0, sem0)
            extract(hoff + g0, 0, g0)

            @pl.when(g1 + 1 < NGH)
            def _():
                fire(hoff + g1 + 1, 0, sem0)

            @pl.when(g1 < NGH)
            def _():
                drain(1, sem1)
                extract(hoff + g1, 1, g1)

        def extract(gabs, ring_half, glocal):
            iv = idx_v[pl.ds(gabs * GSZ, L)]
            lvec = lax.rem(iv, jnp.full((L,), 128, jnp.int32))
            slot = lane + ring_half * GSZ
            orow = glocal * GSZ + lane
            for d in range(DIM):
                dvec = jnp.full((L,), d, jnp.int32)
                vals = plsc.load_gather(blk_v, [slot, dvec, lvec])
                plsc.store_scatter(out_v, [orow, dvec], vals, mask=emask)

        pl.loop(0, NGH // 2)(pair)
        pltpu.sync_copy(out_v, out_hbm.at[pl.ds(base + h * HALF, HALF)])

    half(0)
    half(1)


@jax.jit
def kernel(action, table):
    idx = action.astype(jnp.int32)
    return sc_embed(idx, table.T)

# --- scband reference (transcript-rebuilt; emitter-appended) ---
"""Pipeline reference for scband-action-feature-extractor-46815143526699 (READ-ONLY COPY).

The authoritative reference and input builder live on the scoring server;
editing this copy changes nothing except your own understanding.
"""

import jax, jax.numpy as jnp
import numpy as np

VOCAB = 1000000
EMBED_DIM = 32
BATCH = 16384

def setup_inputs(seed: int = 0) -> dict:
    key = jax.random.key(seed)
    k1, k2 = jax.random.split(key)
    action = jax.random.randint(k1, (BATCH,), 0, VOCAB, dtype=jnp.int64 if jax.config.jax_enable_x64 else jnp.int32)
    # Learned embedding table (nn.Embedding default init ~ N(0,1))
    table = jax.random.normal(k2, (VOCAB, EMBED_DIM), dtype=jnp.float32)
    return {"action": action, "table": table}

def reference(action, table):
    # nn.Embedding forward: gather rows of the table by index
    return jnp.take(table, action, axis=0)

if __name__ == "__main__":
    import jax
    _d = setup_inputs()
    print(jax.jit(kernel)(*tuple(_d.values())))

</pallas_src>

<mosaic_0001>
#map = affine_map<(d0, d1) -> (0)>
#map1 = affine_map<(d0, d1) -> (0, 0)>
module attributes {stable_mosaic.version = 14 : i64} {
  func.func @sc_embed(%arg0: i32, %arg1: i32, %arg2: memref<16384xi32, #tpu.memory_space<hbm>>, %arg3: memref<32x1000000xf32, #tpu.memory_space<hbm>>, %arg4: memref<16384x32xf32, #tpu.memory_space<hbm>>, %arg5: memref<528xi32, #tpu.memory_space<vmem>>, %arg6: memref<16x32x128xf32, #tpu.memory_space<vmem>>, %arg7: memref<256x32xf32, #tpu.memory_space<vmem>>, %arg8: memref<!tpu.dma_semaphore, #tpu.memory_space<semaphore_mem>>, %arg9: memref<!tpu.dma_semaphore, #tpu.memory_space<semaphore_mem>>) attributes {dimension_semantics = [#tpu.dimension_semantics<core_parallel>, #tpu.dimension_semantics<subcore_parallel>], iteration_bounds = array<i64: 2, 16>, scalar_prefetch = 0 : i64, scratch_operands = 5 : i64, tpu.core_type = #tpu.core_type<sc_vector_subcore>, window_params = [{transform_indices = #map}, {transform_indices = #map1}, {transform_indices = #map1}]} {
    %mul3A = arith.constant 2 : i32
    %mul3A_0 = arith.muli %arg1, %mul3A : i32
    %add3A = arith.addi %mul3A_0, %arg0 : i32
    %mul3A_1 = arith.constant 512 : i32
    %mul3A_2 = arith.muli %add3A, %mul3A_1 : i32
    "tpu.region"() ({
      %run_scoped3A = tpu.sem_alloc : memref<!tpu.dma_semaphore, #tpu.memory_space<semaphore_mem>>
      %dma_start3A_681 = arith.constant 0 : i32
      %dma_start3A_682 = tpu.memref_slice %arg5[%dma_start3A_681] : memref<528xi32, #tpu.memory_space<vmem>> -> memref<512xi32, #tpu.memory_space<vmem>>
      %dma_start3A_683 = tpu.memref_slice %arg2[%mul3A_2] : memref<16384xi32, #tpu.memory_space<hbm>> -> memref<512xi32, #tpu.memory_space<hbm>>
      %dma_start3A_684 = arith.constant 0 : i32
      %dma_start3A_685 = tpu.memref_slice %arg5[%dma_start3A_684] : memref<528xi32, #tpu.memory_space<vmem>> -> memref<512xi32, #tpu.memory_space<vmem>>
      %dma_start3A_686 = tpu.memref_slice %arg2[%mul3A_2] : memref<16384xi32, #tpu.memory_space<hbm>> -> memref<512xi32, #tpu.memory_space<hbm>>
      tpu.enqueue_dma source(%dma_start3A_686 : memref<512xi32, #tpu.memory_space<hbm>>) target(%dma_start3A_685 : memref<512xi32, #tpu.memory_space<vmem>>) target_semaphore(%run_scoped3A : memref<!tpu.dma_semaphore, #tpu.memory_space<semaphore_mem>>)
      %dma_wait3A = arith.constant 0 : i32
      %dma_wait3A_687 = tpu.memref_slice %arg5[%dma_wait3A] : memref<528xi32, #tpu.memory_space<vmem>> -> memref<512xi32, #tpu.memory_space<vmem>>
      %dma_wait3A_688 = tpu.memref_slice %arg2[%mul3A_2] : memref<16384xi32, #tpu.memory_space<hbm>> -> memref<512xi32, #tpu.memory_space<hbm>>
      %dma_wait3A_689 = arith.constant 0 : i32
      %dma_wait3A_690 = tpu.memref_slice %arg5[%dma_wait3A_689] : memref<528xi32, #tpu.memory_space<vmem>> -> memref<512xi32, #tpu.memory_space<vmem>>
      %dma_wait3A_691 = tpu.memref_slice %arg2[%mul3A_2] : memref<16384xi32, #tpu.memory_space<hbm>> -> memref<512xi32, #tpu.memory_space<hbm>>
      tpu.wait_dma2 semaphore(%run_scoped3A : memref<!tpu.dma_semaphore, #tpu.memory_space<semaphore_mem>>) src(%dma_wait3A_691 : memref<512xi32, #tpu.memory_space<hbm>>) dst(%dma_wait3A_690 : memref<512xi32, #tpu.memory_space<vmem>>)
      tpu.yield
    }) : () -> ()
    %iota3A = tpu.iota {dimensions = array<i32: 0>} : vector<16xi32>
    %lt3A = arith.constant 8 : i32
    %lt3A_3 = vector.broadcast %lt3A : i32 to vector<16xi32>
    %lt3A_4 = arith.cmpi slt, %iota3A, %lt3A_3 : vector<16xi32>
    %get3A = arith.constant 0 : index
    %get3A_5 = tpu.vector_load %arg5[%get3A] {strides = array<i32>} : memref<528xi32, #tpu.memory_space<vmem>>, vector<16xi32>,
    %slice3A = vector.extract_strided_slice %get3A_5 {offsets = [0], sizes = [1], strides = [1]} : vector<16xi32> to vector<1xi32>
    %squeeze3A = vector.extract %slice3A[0] : i32 from vector<1xi32>
    %jit3A = arith.constant 128 : i32
    %div3A = arith.divsi %squeeze3A, %jit3A : i32
    %sign3A = arith.constant 0 : i32
    %sign3A_6 = arith.cmpi sgt, %squeeze3A, %sign3A : i32
    %sign3A_7 = arith.extui %sign3A_6 : i1 to i32
    %sign3A_8 = arith.constant 0 : i32
    %sign3A_9 = arith.cmpi slt, %squeeze3A, %sign3A_8 : i32
    %sign3A_10 = arith.extui %sign3A_9 : i1 to i32
    %sign3A_11 = arith.subi %sign3A_7, %sign3A_10 : i32
    %sign3A_12 = arith.constant 0 : i32
    %sign3A_13 = arith.cmpi sgt, %jit3A, %sign3A_12 : i32
    %sign3A_14 = arith.extui %sign3A_13 : i1 to i32
    %sign3A_15 = arith.constant 0 : i32
    %sign3A_16 = arith.cmpi slt, %jit3A, %sign3A_15 : i32
    %sign3A_17 = arith.extui %sign3A_16 : i1 to i32
    %sign3A_18 = arith.subi %sign3A_14, %sign3A_17 : i32
    %ne3A = arith.cmpi ne, %sign3A_11, %sign3A_18 : i32
    %rem3A = arith.remsi %squeeze3A, %jit3A : i32
    %ne3A_19 = arith.constant 0 : i32
    %ne3A_20 = arith.cmpi ne, %rem3A, %ne3A_19 : i32
    %and3A = arith.andi %ne3A, %ne3A_20 : i1
    %sub3A = arith.constant 1 : i32
    %sub3A_21 = arith.subi %div3A, %sub3A : i32
    %select_n3A = arith.select %and3A, %sub3A_21, %div3A : i32
    %mul3A_22 = arith.constant 128 : i32
    %mul3A_23 = arith.muli %select_n3A, %mul3A_22 : i32
    %multiple_of3A = tpu.assume_multiple %mul3A_23, 128 : i32
    %dma_start3A = arith.constant 0 : i32
    %dma_start3A_24 = arith.constant 0 : i32
    %dma_start3A_25 = arith.constant 0 : i32
    %dma_start3A_26 = tpu.memref_slice %arg6[%dma_start3A, %dma_start3A_24, %dma_start3A_25] : memref<16x32x128xf32, #tpu.memory_space<vmem>> -> memref<1x32x128xf32, #tpu.memory_space<vmem>>
    %dma_start3A_27 = tpu.memref_squeeze %dma_start3A_26 : memref<1x32x128xf32, #tpu.memory_space<vmem>> -> memref<32x128xf32, #tpu.memory_space<vmem>>
    %dma_start3A_28 = arith.constant 0 : i32
    %dma_start3A_29 = tpu.memref_slice %arg3[%dma_start3A_28, %multiple_of3A] : memref<32x1000000xf32, #tpu.memory_space<hbm>> -> memref<32x128xf32, #tpu.memory_space<hbm>>
    %dma_start3A_30 = arith.constant 0 : i32
    %dma_start3A_31 = arith.constant 0 : i32
    %dma_start3A_32 = tpu.memref_slice %arg6[%dma_start3A, %dma_start3A_30, %dma_start3A_31] : memref<16x32x128xf32, #tpu.memory_space<vmem>> -> memref<1x32x128xf32, #tpu.memory_space<vmem>>
    %dma_start3A_33 = tpu.memref_squeeze %dma_start3A_32 : memref<1x32x128xf32, #tpu.memory_space<vmem>> -> memref<32x128xf32, #tpu.memory_space<vmem>>
    %dma_start3A_34 = arith.constant 0 : i32
    %dma_start3A_35 = tpu.memref_slice %arg3[%dma_start3A_34, %multiple_of3A] : memref<32x1000000xf32, #tpu.memory_space<hbm>> -> memref<32x128xf32, #tpu.memory_space<hbm>>
    tpu.enqueue_dma source(%dma_start3A_35 : memref<32x128xf32, #tpu.memory_space<hbm>>) target(%dma_start3A_33 : memref<32x128xf32, #tpu.memory_space<vmem>>) target_semaphore(%arg8 : memref<!tpu.dma_semaphore, #tpu.memory_space<semaphore_mem>>)
    %slice3A_36 = vector.extract_strided_slice %get3A_5 {offsets = [1], sizes = [1], strides = [1]} : vector<16xi32> to vector<1xi32>
    %squeeze3A_37 = vector.extract %slice3A_36[0] : i32 from vector<1xi32>
    %jit3A_38 = arith.constant 128 : i32
    %div3A_39 = arith.divsi %squeeze3A_37, %jit3A_38 : i32
    %sign3A_40 = arith.constant 0 : i32
    %sign3A_41 = arith.cmpi sgt, %squeeze3A_37, %sign3A_40 : i32
    %sign3A_42 = arith.extui %sign3A_41 : i1 to i32
    %sign3A_43 = arith.constant 0 : i32
    %sign3A_44 = arith.cmpi slt, %squeeze3A_37, %sign3A_43 : i32
    %sign3A_45 = arith.extui %sign3A_44 : i1 to i32
    %sign3A_46 = arith.subi %sign3A_42, %sign3A_45 : i32
    %sign3A_47 = arith.constant 0 : i32
    %sign3A_48 = arith.cmpi sgt, %jit3A_38, %sign3A_47 : i32
    %sign3A_49 = arith.extui %sign3A_48 : i1 to i32
    %sign3A_50 = arith.constant 0 : i32
    %sign3A_51 = arith.cmpi slt, %jit3A_38, %sign3A_50 : i32
    %sign3A_52 = arith.extui %sign3A_51 : i1 to i32
    %sign3A_53 = arith.subi %sign3A_49, %sign3A_52 : i32
    %ne3A_54 = arith.cmpi ne, %sign3A_46, %sign3A_53 : i32
    %rem3A_55 = arith.remsi %squeeze3A_37, %jit3A_38 : i32
    %ne3A_56 = arith.constant 0 : i32
    %ne3A_57 = arith.cmpi ne, %rem3A_55, %ne3A_56 : i32
    %and3A_58 = arith.andi %ne3A_54, %ne3A_57 : i1
    %sub3A_59 = arith.constant 1 : i32
    %sub3A_60 = arith.subi %div3A_39, %sub3A_59 : i32
    %select_n3A_61 = arith.select %and3A_58, %sub3A_60, %div3A_39 : i32
    %mul3A_62 = arith.constant 128 : i32
    %mul3A_63 = arith.muli %select_n3A_61, %mul3A_62 : i32
    %multiple_of3A_64 = tpu.assume_multiple %mul3A_63, 128 : i32
    %dma_start3A_65 = arith.constant 1 : i32
    %dma_start3A_66 = arith.constant 0 : i32
    %dma_start3A_67 = arith.constant 0 : i32
    %dma_start3A_68 = tpu.memref_slice %arg6[%dma_start3A_65, %dma_start3A_66, %dma_start3A_67] : memref<16x32x128xf32, #tpu.memory_space<vmem>> -> memref<1x32x128xf32, #tpu.memory_space<vmem>>
    %dma_start3A_69 = tpu.memref_squeeze %dma_start3A_68 : memref<1x32x128xf32, #tpu.memory_space<vmem>> -> memref<32x128xf32, #tpu.memory_space<vmem>>
    %dma_start3A_70 = arith.constant 0 : i32
    %dma_start3A_71 = tpu.memref_slice %arg3[%dma_start3A_70, %multiple_of3A_64] : memref<32x1000000xf32, #tpu.memory_space<hbm>> -> memref<32x128xf32, #tpu.memory_space<hbm>>
    %dma_start3A_72 = arith.constant 0 : i32
    %dma_start3A_73 = arith.constant 0 : i32
    %dma_start3A_74 = tpu.memref_slice %arg6[%dma_start3A_65, %dma_start3A_72, %dma_start3A_73] : memref<16x32x128xf32, #tpu.memory_space<vmem>> -> memref<1x32x128xf32, #tpu.memory_space<vmem>>
    %dma_start3A_75 = tpu.memref_squeeze %dma_start3A_74 : memref<1x32x128xf32, #tpu.memory_space<vmem>> -> memref<32x128xf32, #tpu.memory_space<vmem>>
    %dma_start3A_76 = arith.constant 0 : i32
    %dma_start3A_77 = tpu.memref_slice %arg3[%dma_start3A_76, %multiple_of3A_64] : memref<32x1000000xf32, #tpu.memory_space<hbm>> -> memref<32x128xf32, #tpu.memory_space<hbm>>
    tpu.enqueue_dma source(%dma_start3A_77 : memref<32x128xf32, #tpu.memory_space<hbm>>) target(%dma_start3A_75 : memref<32x128xf32, #tpu.memory_space<vmem>>) target_semaphore(%arg8 : memref<!tpu.dma_semaphore, #tpu.memory_space<semaphore_mem>>)
    %slice3A_78 = vector.extract_strided_slice %get3A_5 {offsets = [2], sizes = [1], strides = [1]} : vector<16xi32> to vector<1xi32>
    %squeeze3A_79 = vector.extract %slice3A_78[0] : i32 from vector<1xi32>
    %jit3A_80 = arith.constant 128 : i32
    %div3A_81 = arith.divsi %squeeze3A_79, %jit3A_80 : i32
    %sign3A_82 = arith.constant 0 : i32
    %sign3A_83 = arith.cmpi sgt, %squeeze3A_79, %sign3A_82 : i32
    %sign3A_84 = arith.extui %sign3A_83 : i1 to i32
    %sign3A_85 = arith.constant 0 : i32
    %sign3A_86 = arith.cmpi slt, %squeeze3A_79, %sign3A_85 : i32
    %sign3A_87 = arith.extui %sign3A_86 : i1 to i32
    %sign3A_88 = arith.subi %sign3A_84, %sign3A_87 : i32
    %sign3A_89 = arith.constant 0 : i32
    %sign3A_90 = arith.cmpi sgt, %jit3A_80, %sign3A_89 : i32
    %sign3A_91 = arith.extui %sign3A_90 : i1 to i32
    %sign3A_92 = arith.constant 0 : i32
    %sign3A_93 = arith.cmpi slt, %jit3A_80, %sign3A_92 : i32
    %sign3A_94 = arith.extui %sign3A_93 : i1 to i32
    %sign3A_95 = arith.subi %sign3A_91, %sign3A_94 : i32
    %ne3A_96 = arith.cmpi ne, %sign3A_88, %sign3A_95 : i32
    %rem3A_97 = arith.remsi %squeeze3A_79, %jit3A_80 : i32
    %ne3A_98 = arith.constant 0 : i32
    %ne3A_99 = arith.cmpi ne, %rem3A_97, %ne3A_98 : i32
    %and3A_100 = arith.andi %ne3A_96, %ne3A_99 : i1
    %sub3A_101 = arith.constant 1 : i32
    %sub3A_102 = arith.subi %div3A_81, %sub3A_101 : i32
    %select_n3A_103 = arith.select %and3A_100, %sub3A_102, %div3A_81 : i32
    %mul3A_104 = arith.constant 128 : i32
    %mul3A_105 = arith.muli %select_n3A_103, %mul3A_104 : i32
    %multiple_of3A_106 = tpu.assume_multiple %mul3A_105, 128 : i32
    %dma_start3A_107 = arith.constant 2 : i32
    %dma_start3A_108 = arith.constant 0 : i32
    %dma_start3A_109 = arith.constant 0 : i32
    %dma_start3A_110 = tpu.memref_slice %arg6[%dma_start3A_107, %dma_start3A_108, %dma_start3A_109] : memref<16x32x128xf32, #tpu.memory_space<vmem>> -> memref<1x32x128xf32, #tpu.memory_space<vmem>>
    %dma_start3A_111 = tpu.memref_squeeze %dma_start3A_110 : memref<1x32x128xf32, #tpu.memory_space<vmem>> -> memref<32x128xf32, #tpu.memory_space<vmem>>
    %dma_start3A_112 = arith.constant 0 : i32
    %dma_start3A_113 = tpu.memref_slice %arg3[%dma_start3A_112, %multiple_of3A_106] : memref<32x1000000xf32, #tpu.memory_space<hbm>> -> memref<32x128xf32, #tpu.memory_space<hbm>>
    %dma_start3A_114 = arith.constant 0 : i32
    %dma_start3A_115 = arith.constant 0 : i32
    %dma_start3A_116 = tpu.memref_slice %arg6[%dma_start3A_107, %dma_start3A_114, %dma_start3A_115] : memref<16x32x128xf32, #tpu.memory_space<vmem>> -> memref<1x32x128xf32, #tpu.memory_space<vmem>>
    %dma_start3A_117 = tpu.memref_squeeze %dma_start3A_116 : memref<1x32x128xf32, #tpu.memory_space<vmem>> -> memref<32x128xf32, #tpu.memory_space<vmem>>
    %dma_start3A_118 = arith.constant 0 : i32
    %dma_start3A_119 = tpu.memref_slice %arg3[%dma_start3A_118, %multiple_of3A_106] : memref<32x1000000xf32, #tpu.memory_space<hbm>> -> memref<32x128xf32, #tpu.memory_space<hbm>>
    tpu.enqueue_dma source(%dma_start3A_119 : memref<32x128xf32, #tpu.memory_space<hbm>>) target(%dma_start3A_117 : memref<32x128xf32, #tpu.memory_space<vmem>>) target_semaphore(%arg8 : memref<!tpu.dma_semaphore, #tpu.memory_space<semaphore_mem>>)
    %slice3A_120 = vector.extract_strided_slice %get3A_5 {offsets = [3], sizes = [1], strides = [1]} : vector<16xi32> to vector<1xi32>
    %squeeze3A_121 = vector.extract %slice3A_120[0] : i32 from vector<1xi32>
    %jit3A_122 = arith.constant 128 : i32
    %div3A_123 = arith.divsi %squeeze3A_121, %jit3A_122 : i32
    %sign3A_124 = arith.constant 0 : i32
    %sign3A_125 = arith.cmpi sgt, %squeeze3A_121, %sign3A_124 : i32
    %sign3A_126 = arith.extui %sign3A_125 : i1 to i32
    %sign3A_127 = arith.constant 0 : i32
    %sign3A_128 = arith.cmpi slt, %squeeze3A_121, %sign3A_127 : i32
    %sign3A_129 = arith.extui %sign3A_128 : i1 to i32
    %sign3A_130 = arith.subi %sign3A_126, %sign3A_129 : i32
    %sign3A_131 = arith.constant 0 : i32
    %sign3A_132 = arith.cmpi sgt, %jit3A_122, %sign3A_131 : i32
    %sign3A_133 = arith.extui %sign3A_132 : i1 to i32
    %sign3A_134 = arith.constant 0 : i32
    %sign3A_135 = arith.cmpi slt, %jit3A_122, %sign3A_134 : i32
    %sign3A_136 = arith.extui %sign3A_135 : i1 to i32
    %sign3A_137 = arith.subi %sign3A_133, %sign3A_136 : i32
    %ne3A_138 = arith.cmpi ne, %sign3A_130, %sign3A_137 : i32
    %rem3A_139 = arith.remsi %squeeze3A_121, %jit3A_122 : i32
    %ne3A_140 = arith.constant 0 : i32
    %ne3A_141 = arith.cmpi ne, %rem3A_139, %ne3A_140 : i32
    %and3A_142 = arith.andi %ne3A_138, %ne3A_141 : i1
    %sub3A_143 = arith.constant 1 : i32
    %sub3A_144 = arith.subi %div3A_123, %sub3A_143 : i32
    %select_n3A_145 = arith.select %and3A_142, %sub3A_144, %div3A_123 : i32
    %mul3A_146 = arith.constant 128 : i32
    %mul3A_147 = arith.muli %select_n3A_145, %mul3A_146 : i32
    %multiple_of3A_148 = tpu.assume_multiple %mul3A_147, 128 : i32
    %dma_start3A_149 = arith.constant 3 : i32
    %dma_start3A_150 = arith.constant 0 : i32
    %dma_start3A_151 = arith.constant 0 : i32
    %dma_start3A_152 = tpu.memref_slice %arg6[%dma_start3A_149, %dma_start3A_150, %dma_start3A_151] : memref<16x32x128xf32, #tpu.memory_space<vmem>> -> memref<1x32x128xf32, #tpu.memory_space<vmem>>
    %dma_start3A_153 = tpu.memref_squeeze %dma_start3A_152 : memref<1x32x128xf32, #tpu.memory_space<vmem>> -> memref<32x128xf32, #tpu.memory_space<vmem>>
    %dma_start3A_154 = arith.constant 0 : i32
    %dma_start3A_155 = tpu.memref_slice %arg3[%dma_start3A_154, %multiple_of3A_148] : memref<32x1000000xf32, #tpu.memory_space<hbm>> -> memref<32x128xf32, #tpu.memory_space<hbm>>
    %dma_start3A_156 = arith.constant 0 : i32
    %dma_start3A_157 = arith.constant 0 : i32
    %dma_start3A_158 = tpu.memref_slice %arg6[%dma_start3A_149, %dma_start3A_156, %dma_start3A_157] : memref<16x32x128xf32, #tpu.memory_space<vmem>> -> memref<1x32x128xf32, #tpu.memory_space<vmem>>
    %dma_start3A_159 = tpu.memref_squeeze %dma_start3A_158 : memref<1x32x128xf32, #tpu.memory_space<vmem>> -> memref<32x128xf32, #tpu.memory_space<vmem>>
    %dma_start3A_160 = arith.constant 0 : i32
    %dma_start3A_161 = tpu.memref_slice %arg3[%dma_start3A_160, %multiple_of3A_148] : memref<32x1000000xf32, #tpu.memory_space<hbm>> -> memref<32x128xf32, #tpu.memory_space<hbm>>
    tpu.enqueue_dma source(%dma_start3A_161 : memref<32x128xf32, #tpu.memory_space<hbm>>) target(%dma_start3A_159 : memref<32x128xf32, #tpu.memory_space<vmem>>) target_semaphore(%arg8 : memref<!tpu.dma_semaphore, #tpu.memory_space<semaphore_mem>>)
    %slice3A_162 = vector.extract_strided_slice %get3A_5 {offsets = [4], sizes = [1], strides = [1]} : vector<16xi32> to vector<1xi32>
    %squeeze3A_163 = vector.extract %slice3A_162[0] : i32 from vector<1xi32>
    %jit3A_164 = arith.constant 128 : i32
    %div3A_165 = arith.divsi %squeeze3A_163, %jit3A_164 : i32
    %sign3A_166 = arith.constant 0 : i32
    %sign3A_167 = arith.cmpi sgt, %squeeze3A_163, %sign3A_166 : i32
    %sign3A_168 = arith.extui %sign3A_167 : i1 to i32
    %sign3A_169 = arith.constant 0 : i32
    %sign3A_170 = arith.cmpi slt, %squeeze3A_163, %sign3A_169 : i32
    %sign3A_171 = arith.extui %sign3A_170 : i1 to i32
    %sign3A_172 = arith.subi %sign3A_168, %sign3A_171 : i32
    %sign3A_173 = arith.constant 0 : i32
    %sign3A_174 = arith.cmpi sgt, %jit3A_164, %sign3A_173 : i32
    %sign3A_175 = arith.extui %sign3A_174 : i1 to i32
    %sign3A_176 = arith.constant 0 : i32
    %sign3A_177 = arith.cmpi slt, %jit3A_164, %sign3A_176 : i32
    %sign3A_178 = arith.extui %sign3A_177 : i1 to i32
    %sign3A_179 = arith.subi %sign3A_175, %sign3A_178 : i32
    %ne3A_180 = arith.cmpi ne, %sign3A_172, %sign3A_179 : i32
    %rem3A_181 = arith.remsi %squeeze3A_163, %jit3A_164 : i32
    %ne3A_182 = arith.constant 0 : i32
    %ne3A_183 = arith.cmpi ne, %rem3A_181, %ne3A_182 : i32
    %and3A_184 = arith.andi %ne3A_180, %ne3A_183 : i1
    %sub3A_185 = arith.constant 1 : i32
    %sub3A_186 = arith.subi %div3A_165, %sub3A_185 : i32
    %select_n3A_187 = arith.select %and3A_184, %sub3A_186, %div3A_165 : i32
    %mul3A_188 = arith.constant 128 : i32
    %mul3A_189 = arith.muli %select_n3A_187, %mul3A_188 : i32
    %multiple_of3A_190 = tpu.assume_multiple %mul3A_189, 128 : i32
    %dma_start3A_191 = arith.constant 4 : i32
    %dma_start3A_192 = arith.constant 0 : i32
    %dma_start3A_193 = arith.constant 0 : i32
    %dma_start3A_194 = tpu.memref_slice %arg6[%dma_start3A_191, %dma_start3A_192, %dma_start3A_193] : memref<16x32x128xf32, #tpu.memory_space<vmem>> -> memref<1x32x128xf32, #tpu.memory_space<vmem>>
    %dma_start3A_195 = tpu.memref_squeeze %dma_start3A_194 : memref<1x32x128xf32, #tpu.memory_space<vmem>> -> memref<32x128xf32, #tpu.memory_space<vmem>>
    %dma_start3A_196 = arith.constant 0 : i32
    %dma_start3A_197 = tpu.memref_slice %arg3[%dma_start3A_196, %multiple_of3A_190] : memref<32x1000000xf32, #tpu.memory_space<hbm>> -> memref<32x128xf32, #tpu.memory_space<hbm>>
    %dma_start3A_198 = arith.constant 0 : i32
    %dma_start3A_199 = arith.constant 0 : i32
    %dma_start3A_200 = tpu.memref_slice %arg6[%dma_start3A_191, %dma_start3A_198, %dma_start3A_199] : memref<16x32x128xf32, #tpu.memory_space<vmem>> -> memref<1x32x128xf32, #tpu.memory_space<vmem>>
    %dma_start3A_201 = tpu.memref_squeeze %dma_start3A_200 : memref<1x32x128xf32, #tpu.memory_space<vmem>> -> memref<32x128xf32, #tpu.memory_space<vmem>>
    %dma_start3A_202 = arith.constant 0 : i32
    %dma_start3A_203 = tpu.memref_slice %arg3[%dma_start3A_202, %multiple_of3A_190] : memref<32x1000000xf32, #tpu.memory_space<hbm>> -> memref<32x128xf32, #tpu.memory_space<hbm>>
    tpu.enqueue_dma source(%dma_start3A_203 : memref<32x128xf32, #tpu.memory_space<hbm>>) target(%dma_start3A_201 : memref<32x128xf32, #tpu.memory_space<vmem>>) target_semaphore(%arg8 : memref<!tpu.dma_semaphore, #tpu.memory_space<semaphore_mem>>)
    %slice3A_204 = vector.extract_strided_slice %get3A_5 {offsets = [5], sizes = [1], strides = [1]} : vector<16xi32> to vector<1xi32>
    %squeeze3A_205 = vector.extract %slice3A_204[0] : i32 from vector<1xi32>
    %jit3A_206 = arith.constant 128 : i32
    %div3A_207 = arith.divsi %squeeze3A_205, %jit3A_206 : i32
    %sign3A_208 = arith.constant 0 : i32
    %sign3A_209 = arith.cmpi sgt, %squeeze3A_205, %sign3A_208 : i32
    %sign3A_210 = arith.extui %sign3A_209 : i1 to i32
    %sign3A_211 = arith.constant 0 : i32
    %sign3A_212 = arith.cmpi slt, %squeeze3A_205, %sign3A_211 : i32
    %sign3A_213 = arith.extui %sign3A_212 : i1 to i32
    %sign3A_214 = arith.subi %sign3A_210, %sign3A_213 : i32
    %sign3A_215 = arith.constant 0 : i32
    %sign3A_216 = arith.cmpi sgt, %jit3A_206, %sign3A_215 : i32
    %sign3A_217 = arith.extui %sign3A_216 : i1 to i32
    %sign3A_218 = arith.constant 0 : i32
    %sign3A_219 = arith.cmpi slt, %jit3A_206, %sign3A_218 : i32
    %sign3A_220 = arith.extui %sign3A_219 : i1 to i32
    %sign3A_221 = arith.subi %sign3A_217, %sign3A_220 : i32
    %ne3A_222 = arith.cmpi ne, %sign3A_214, %sign3A_221 : i32
    %rem3A_223 = arith.remsi %squeeze3A_205, %jit3A_206 : i32
    %ne3A_224 = arith.constant 0 : i32
    %ne3A_225 = arith.cmpi ne, %rem3A_223, %ne3A_224 : i32
    %and3A_226 = arith.andi %ne3A_222, %ne3A_225 : i1
    %sub3A_227 = arith.constant 1 : i32
    %sub3A_228 = arith.subi %div3A_207, %sub3A_227 : i32
    %select_n3A_229 = arith.select %and3A_226, %sub3A_228, %div3A_207 : i32
    %mul3A_230 = arith.constant 128 : i32
    %mul3A_231 = arith.muli %select_n3A_229, %mul3A_230 : i32
    %multiple_of3A_232 = tpu.assume_multiple %mul3A_231, 128 : i32
    %dma_start3A_233 = arith.constant 5 : i32
    %dma_start3A_234 = arith.constant 0 : i32
    %dma_start3A_235 = arith.constant 0 : i32
    %dma_start3A_236 = tpu.memref_slice %arg6[%dma_start3A_233, %dma_start3A_234, %dma_start3A_235] : memref<16x32x128xf32, #tpu.memory_space<vmem>> -> memref<1x32x128xf32, #tpu.memory_space<vmem>>
    %dma_start3A_237 = tpu.memref_squeeze %dma_start3A_236 : memref<1x32x128xf32, #tpu.memory_space<vmem>> -> memref<32x128xf32, #tpu.memory_space<vmem>>
    %dma_start3A_238 = arith.constant 0 : i32
    %dma_start3A_239 = tpu.memref_slice %arg3[%dma_start3A_238, %multiple_of3A_232] : memref<32x1000000xf32, #tpu.memory_space<hbm>> -> memref<32x128xf32, #tpu.memory_space<hbm>>
    %dma_start3A_240 = arith.constant 0 : i32
    %dma_start3A_241 = arith.constant 0 : i32
    %dma_start3A_242 = tpu.memref_slice %arg6[%dma_start3A_233, %dma_start3A_240, %dma_start3A_241] : memref<16x32x128xf32, #tpu.memory_space<vmem>> -> memref<1x32x128xf32, #tpu.memory_space<vmem>>
    %dma_start3A_243 = tpu.memref_squeeze %dma_start3A_242 : memref<1x32x128xf32, #tpu.memory_space<vmem>> -> memref<32x128xf32, #tpu.memory_space<vmem>>
    %dma_start3A_244 = arith.constant 0 : i32
    %dma_start3A_245 = tpu.memref_slice %arg3[%dma_start3A_244, %multiple_of3A_232] : memref<32x1000000xf32, #tpu.memory_space<hbm>> -> memref<32x128xf32, #tpu.memory_space<hbm>>
    tpu.enqueue_dma source(%dma_start3A_245 : memref<32x128xf32, #tpu.memory_space<hbm>>) target(%dma_start3A_243 : memref<32x128xf32, #tpu.memory_space<vmem>>) target_semaphore(%arg8 : memref<!tpu.dma_semaphore, #tpu.memory_space<semaphore_mem>>)
    %slice3A_246 = vector.extract_strided_slice %get3A_5 {offsets = [6], sizes = [1], strides = [1]} : vector<16xi32> to vector<1xi32>
    %squeeze3A_247 = vector.extract %slice3A_246[0] : i32 from vector<1xi32>
    %jit3A_248 = arith.constant 128 : i32
    %div3A_249 = arith.divsi %squeeze3A_247, %jit3A_248 : i32
    %sign3A_250 = arith.constant 0 : i32
    %sign3A_251 = arith.cmpi sgt, %squeeze3A_247, %sign3A_250 : i32
    %sign3A_252 = arith.extui %sign3A_251 : i1 to i32
    %sign3A_253 = arith.constant 0 : i32
    %sign3A_254 = arith.cmpi slt, %squeeze3A_247, %sign3A_253 : i32
    %sign3A_255 = arith.extui %sign3A_254 : i1 to i32
    %sign3A_256 = arith.subi %sign3A_252, %sign3A_255 : i32
    %sign3A_257 = arith.constant 0 : i32
    %sign3A_258 = arith.cmpi sgt, %jit3A_248, %sign3A_257 : i32
    %sign3A_259 = arith.extui %sign3A_258 : i1 to i32
    %sign3A_260 = arith.constant 0 : i32
    %sign3A_261 = arith.cmpi slt, %jit3A_248, %sign3A_260 : i32
    %sign3A_262 = arith.extui %sign3A_261 : i1 to i32
    %sign3A_263 = arith.subi %sign3A_259, %sign3A_262 : i32
    %ne3A_264 = arith.cmpi ne, %sign3A_256, %sign3A_263 : i32
    %rem3A_265 = arith.remsi %squeeze3A_247, %jit3A_248 : i32
    %ne3A_266 = arith.constant 0 : i32
    %ne3A_267 = arith.cmpi ne, %rem3A_265, %ne3A_266 : i32
    %and3A_268 = arith.andi %ne3A_264, %ne3A_267 : i1
    %sub3A_269 = arith.constant 1 : i32
    %sub3A_270 = arith.subi %div3A_249, %sub3A_269 : i32
    %select_n3A_271 = arith.select %and3A_268, %sub3A_270, %div3A_249 : i32
    %mul3A_272 = arith.constant 128 : i32
    %mul3A_273 = arith.muli %select_n3A_271, %mul3A_272 : i32
    %multiple_of3A_274 = tpu.assume_multiple %mul3A_273, 128 : i32
    %dma_start3A_275 = arith.constant 6 : i32
    %dma_start3A_276 = arith.constant 0 : i32
    %dma_start3A_277 = arith.constant 0 : i32
    %dma_start3A_278 = tpu.memref_slice %arg6[%dma_start3A_275, %dma_start3A_276, %dma_start3A_277] : memref<16x32x128xf32, #tpu.memory_space<vmem>> -> memref<1x32x128xf32, #tpu.memory_space<vmem>>
    %dma_start3A_279 = tpu.memref_squeeze %dma_start3A_278 : memref<1x32x128xf32, #tpu.memory_space<vmem>> -> memref<32x128xf32, #tpu.memory_space<vmem>>
    %dma_start3A_280 = arith.constant 0 : i32
    %dma_start3A_281 = tpu.memref_slice %arg3[%dma_start3A_280, %multiple_of3A_274] : memref<32x1000000xf32, #tpu.memory_space<hbm>> -> memref<32x128xf32, #tpu.memory_space<hbm>>
    %dma_start3A_282 = arith.constant 0 : i32
    %dma_start3A_283 = arith.constant 0 : i32
    %dma_start3A_284 = tpu.memref_slice %arg6[%dma_start3A_275, %dma_start3A_282, %dma_start3A_283] : memref<16x32x128xf32, #tpu.memory_space<vmem>> -> memref<1x32x128xf32, #tpu.memory_space<vmem>>
    %dma_start3A_285 = tpu.memref_squeeze %dma_start3A_284 : memref<1x32x128xf32, #tpu.memory_space<vmem>> -> memref<32x128xf32, #tpu.memory_space<vmem>>
    %dma_start3A_286 = arith.constant 0 : i32
    %dma_start3A_287 = tpu.memref_slice %arg3[%dma_start3A_286, %multiple_of3A_274] : memref<32x1000000xf32, #tpu.memory_space<hbm>> -> memref<32x128xf32, #tpu.memory_space<hbm>>
    tpu.enqueue_dma source(%dma_start3A_287 : memref<32x128xf32, #tpu.memory_space<hbm>>) target(%dma_start3A_285 : memref<32x128xf32, #tpu.memory_space<vmem>>) target_semaphore(%arg8 : memref<!tpu.dma_semaphore, #tpu.memory_space<semaphore_mem>>)
    %slice3A_288 = vector.extract_strided_slice %get3A_5 {offsets = [7], sizes = [1], strides = [1]} : vector<16xi32> to vector<1xi32>
    %squeeze3A_289 = vector.extract %slice3A_288[0] : i32 from vector<1xi32>
    %jit3A_290 = arith.constant 128 : i32
    %div3A_291 = arith.divsi %squeeze3A_289, %jit3A_290 : i32
    %sign3A_292 = arith.constant 0 : i32
    %sign3A_293 = arith.cmpi sgt, %squeeze3A_289, %sign3A_292 : i32
    %sign3A_294 = arith.extui %sign3A_293 : i1 to i32
    %sign3A_295 = arith.constant 0 : i32
    %sign3A_296 = arith.cmpi slt, %squeeze3A_289, %sign3A_295 : i32
    %sign3A_297 = arith.extui %sign3A_296 : i1 to i32
    %sign3A_298 = arith.subi %sign3A_294, %sign3A_297 : i32
    %sign3A_299 = arith.constant 0 : i32
    %sign3A_300 = arith.cmpi sgt, %jit3A_290, %sign3A_299 : i32
    %sign3A_301 = arith.extui %sign3A_300 : i1 to i32
    %sign3A_302 = arith.constant 0 : i32
    %sign3A_303 = arith.cmpi slt, %jit3A_290, %sign3A_302 : i32
    %sign3A_304 = arith.extui %sign3A_303 : i1 to i32
    %sign3A_305 = arith.subi %sign3A_301, %sign3A_304 : i32
    %ne3A_306 = arith.cmpi ne, %sign3A_298, %sign3A_305 : i32
    %rem3A_307 = arith.remsi %squeeze3A_289, %jit3A_290 : i32
    %ne3A_308 = arith.constant 0 : i32
    %ne3A_309 = arith.cmpi ne, %rem3A_307, %ne3A_308 : i32
    %and3A_310 = arith.andi %ne3A_306, %ne3A_309 : i1
    %sub3A_311 = arith.constant 1 : i32
    %sub3A_312 = arith.subi %div3A_291, %sub3A_311 : i32
    %select_n3A_313 = arith.select %and3A_310, %sub3A_312, %div3A_291 : i32
    %mul3A_314 = arith.constant 128 : i32
    %mul3A_315 = arith.muli %select_n3A_313, %mul3A_314 : i32
    %multiple_of3A_316 = tpu.assume_multiple %mul3A_315, 128 : i32
    %dma_start3A_317 = arith.constant 7 : i32
    %dma_start3A_318 = arith.constant 0 : i32
    %dma_start3A_319 = arith.constant 0 : i32
    %dma_start3A_320 = tpu.memref_slice %arg6[%dma_start3A_317, %dma_start3A_318, %dma_start3A_319] : memref<16x32x128xf32, #tpu.memory_space<vmem>> -> memref<1x32x128xf32, #tpu.memory_space<vmem>>
    %dma_start3A_321 = tpu.memref_squeeze %dma_start3A_320 : memref<1x32x128xf32, #tpu.memory_space<vmem>> -> memref<32x128xf32, #tpu.memory_space<vmem>>
    %dma_start3A_322 = arith.constant 0 : i32
    %dma_start3A_323 = tpu.memref_slice %arg3[%dma_start3A_322, %multiple_of3A_316] : memref<32x1000000xf32, #tpu.memory_space<hbm>> -> memref<32x128xf32, #tpu.memory_space<hbm>>
    %dma_start3A_324 = arith.constant 0 : i32
    %dma_start3A_325 = arith.constant 0 : i32
    %dma_start3A_326 = tpu.memref_slice %arg6[%dma_start3A_317, %dma_start3A_324, %dma_start3A_325] : memref<16x32x128xf32, #tpu.memory_space<vmem>> -> memref<1x32x128xf32, #tpu.memory_space<vmem>>
    %dma_start3A_327 = tpu.memref_squeeze %dma_start3A_326 : memref<1x32x128xf32, #tpu.memory_space<vmem>> -> memref<32x128xf32, #tpu.memory_space<vmem>>
    %dma_start3A_328 = arith.constant 0 : i32
    %dma_start3A_329 = tpu.memref_slice %arg3[%dma_start3A_328, %multiple_of3A_316] : memref<32x1000000xf32, #tpu.memory_space<hbm>> -> memref<32x128xf32, #tpu.memory_space<hbm>>
    tpu.enqueue_dma source(%dma_start3A_329 : memref<32x128xf32, #tpu.memory_space<hbm>>) target(%dma_start3A_327 : memref<32x128xf32, #tpu.memory_space<vmem>>) target_semaphore(%arg8 : memref<!tpu.dma_semaphore, #tpu.memory_space<semaphore_mem>>)
    %scan3A = arith.constant 0 : i32
    %scan3A_330 = arith.constant 16 : i32
    %scan3A_331 = arith.addi %scan3A, %scan3A_330 : i32
    %scan3A_332 = arith.constant 1 : i32
    scf.for %scan3A_681 = %scan3A to %scan3A_331 step %scan3A_332  : i32 {
      %mul3A_682 = arith.constant 1 : i32
      %mul3A_683 = arith.muli %scan3A_681, %mul3A_682 : i32
      %add3A_684 = arith.constant 0 : i32
      %add3A_685 = arith.addi %add3A_684, %mul3A_683 : i32
      %mul3A_686 = arith.constant 2 : i32
      %mul3A_687 = arith.muli %mul3A_686, %add3A_685 : i32
      %mul3A_688 = arith.constant 2 : i32
      %mul3A_689 = arith.muli %mul3A_688, %add3A_685 : i32
      %add3A_690 = arith.constant 1 : i32
      %add3A_691 = arith.addi %mul3A_689, %add3A_690 : i32
      %lt3A_692 = arith.constant 32 : i32
      %lt3A_693 = arith.cmpi slt, %add3A_691, %lt3A_692 : i32
      %convert_element_type3A = arith.extui %lt3A_693 : i1 to i32
      %cond3A = arith.constant 0 : i32
      %cond3A_694 = arith.cmpi ne, %convert_element_type3A, %cond3A : i32
      scf.if %cond3A_694 {
        %add3A_936 = arith.constant 0 : i32
        %add3A_937 = arith.addi %add3A_936, %add3A_691 : i32
        %mul3A_938 = arith.constant 8 : i32
        %mul3A_939 = arith.muli %add3A_937, %mul3A_938 : i32
        %get3A_940 = arith.index_cast %mul3A_939 : i32 to index
        %get3A_941 = tpu.vector_load %arg5[%get3A_940] {strides = array<i32>} : memref<528xi32, #tpu.memory_space<vmem>>, vector<16xi32>,
        %slice3A_942 = vector.extract_strided_slice %get3A_941 {offsets = [0], sizes = [1], strides = [1]} : vector<16xi32> to vector<1xi32>
        %squeeze3A_943 = vector.extract %slice3A_942[0] : i32 from vector<1xi32>
        %jit3A_944 = arith.constant 128 : i32
        %div3A_945 = arith.divsi %squeeze3A_943, %jit3A_944 : i32
        %sign3A_946 = arith.constant 0 : i32
        %sign3A_947 = arith.cmpi sgt, %squeeze3A_943, %sign3A_946 : i32
        %sign3A_948 = arith.extui %sign3A_947 : i1 to i32
        %sign3A_949 = arith.constant 0 : i32
        %sign3A_950 = arith.cmpi slt, %squeeze3A_943, %sign3A_949 : i32
        %sign3A_951 = arith.extui %sign3A_950 : i1 to i32
        %sign3A_952 = arith.subi %sign3A_948, %sign3A_951 : i32
        %sign3A_953 = arith.constant 0 : i32
        %sign3A_954 = arith.cmpi sgt, %jit3A_944, %sign3A_953 : i32
        %sign3A_955 = arith.extui %sign3A_954 : i1 to i32
        %sign3A_956 = arith.constant 0 : i32
        %sign3A_957 = arith.cmpi slt, %jit3A_944, %sign3A_956 : i32
        %sign3A_958 = arith.extui %sign3A_957 : i1 to i32
        %sign3A_959 = arith.subi %sign3A_955, %sign3A_958 : i32
        %ne3A_960 = arith.cmpi ne, %sign3A_952, %sign3A_959 : i32
        %rem3A_961 = arith.remsi %squeeze3A_943, %jit3A_944 : i32
        %ne3A_962 = arith.constant 0 : i32
        %ne3A_963 = arith.cmpi ne, %rem3A_961, %ne3A_962 : i32
        %and3A_964 = arith.andi %ne3A_960, %ne3A_963 : i1
        %sub3A_965 = arith.constant 1 : i32
        %sub3A_966 = arith.subi %div3A_945, %sub3A_965 : i32
        %select_n3A_967 = arith.select %and3A_964, %sub3A_966, %div3A_945 : i32
        %mul3A_968 = arith.constant 128 : i32
        %mul3A_969 = arith.muli %select_n3A_967, %mul3A_968 : i32
        %multiple_of3A_970 = tpu.assume_multiple %mul3A_969, 128 : i32
        %dma_start3A_971 = arith.constant 8 : i32
        %dma_start3A_972 = arith.constant 0 : i32
        %dma_start3A_973 = arith.constant 0 : i32
        %dma_start3A_974 = tpu.memref_slice %arg6[%dma_start3A_971, %dma_start3A_972, %dma_start3A_973] : memref<16x32x128xf32, #tpu.memory_space<vmem>> -> memref<1x32x128xf32, #tpu.memory_space<vmem>>
        %dma_start3A_975 = tpu.memref_squeeze %dma_start3A_974 : memref<1x32x128xf32, #tpu.memory_space<vmem>> -> memref<32x128xf32, #tpu.memory_space<vmem>>
        %dma_start3A_976 = arith.constant 0 : i32
        %dma_start3A_977 = tpu.memref_slice %arg3[%dma_start3A_976, %multiple_of3A_970] : memref<32x1000000xf32, #tpu.memory_space<hbm>> -> memref<32x128xf32, #tpu.memory_space<hbm>>
        %dma_start3A_978 = arith.constant 0 : i32
        %dma_start3A_979 = arith.constant 0 : i32
        %dma_start3A_980 = tpu.memref_slice %arg6[%dma_start3A_971, %dma_start3A_978, %dma_start3A_979] : memref<16x32x128xf32, #tpu.memory_space<vmem>> -> memref<1x32x128xf32, #tpu.memory_space<vmem>>
        %dma_start3A_981 = tpu.memref_squeeze %dma_start3A_980 : memref<1x32x128xf32, #tpu.memory_space<vmem>> -> memref<32x128xf32, #tpu.memory_space<vmem>>
        %dma_start3A_982 = arith.constant 0 : i32
        %dma_start3A_983 = tpu.memref_slice %arg3[%dma_start3A_982, %multiple_of3A_970] : memref<32x1000000xf32, #tpu.memory_space<hbm>> -> memref<32x128xf32, #tpu.memory_space<hbm>>
        tpu.enqueue_dma source(%dma_start3A_983 : memref<32x128xf32, #tpu.memory_space<hbm>>) target(%dma_start3A_981 : memref<32x128xf32, #tpu.memory_space<vmem>>) target_semaphore(%arg9 : memref<!tpu.dma_semaphore, #tpu.memory_space<semaphore_mem>>)
        %slice3A_984 = vector.extract_strided_slice %get3A_941 {offsets = [1], sizes = [1], strides = [1]} : vector<16xi32> to vector<1xi32>
        %squeeze3A_985 = vector.extract %slice3A_984[0] : i32 from vector<1xi32>
        %jit3A_986 = arith.constant 128 : i32
        %div3A_987 = arith.divsi %squeeze3A_985, %jit3A_986 : i32
        %sign3A_988 = arith.constant 0 : i32
        %sign3A_989 = arith.cmpi sgt, %squeeze3A_985, %sign3A_988 : i32
        %sign3A_990 = arith.extui %sign3A_989 : i1 to i32
        %sign3A_991 = arith.constant 0 : i32
        %sign3A_992 = arith.cmpi slt, %squeeze3A_985, %sign3A_991 : i32
        %sign3A_993 = arith.extui %sign3A_992 : i1 to i32
        %sign3A_994 = arith.subi %sign3A_990, %sign3A_993 : i32
        %sign3A_995 = arith.constant 0 : i32
        %sign3A_996 = arith.cmpi sgt, %jit3A_986, %sign3A_995 : i32
        %sign3A_997 = arith.extui %sign3A_996 : i1 to i32
        %sign3A_998 = arith.constant 0 : i32
        %sign3A_999 = arith.cmpi slt, %jit3A_986, %sign3A_998 : i32
        %sign3A_1000 = arith.extui %sign3A_999 : i1 to i32
        %sign3A_1001 = arith.subi %sign3A_997, %sign3A_1000 : i32
        %ne3A_1002 = arith.cmpi ne, %sign3A_994, %sign3A_1001 : i32
        %rem3A_1003 = arith.remsi %squeeze3A_985, %jit3A_986 : i32
        %ne3A_1004 = arith.constant 0 : i32
        %ne3A_1005 = arith.cmpi ne, %rem3A_1003, %ne3A_1004 : i32
        %and3A_1006 = arith.andi %ne3A_1002, %ne3A_1005 : i1
        %sub3A_1007 = arith.constant 1 : i32
        %sub3A_1008 = arith.subi %div3A_987, %sub3A_1007 : i32
        %select_n3A_1009 = arith.select %and3A_1006, %sub3A_1008, %div3A_987 : i32
        %mul3A_1010 = arith.constant 128 : i32
        %mul3A_1011 = arith.muli %select_n3A_1009, %mul3A_1010 : i32
        %multiple_of3A_1012 = tpu.assume_multiple %mul3A_1011, 128 : i32
        %dma_start3A_1013 = arith.constant 9 : i32
        %dma_start3A_1014 = arith.constant 0 : i32
        %dma_start3A_1015 = arith.constant 0 : i32
        %dma_start3A_1016 = tpu.memref_slice %arg6[%dma_start3A_1013, %dma_start3A_1014, %dma_start3A_1015] : memref<16x32x128xf32, #tpu.memory_space<vmem>> -> memref<1x32x128xf32, #tpu.memory_space<vmem>>
        %dma_start3A_1017 = tpu.memref_squeeze %dma_start3A_1016 : memref<1x32x128xf32, #tpu.memory_space<vmem>> -> memref<32x128xf32, #tpu.memory_space<vmem>>
        %dma_start3A_1018 = arith.constant 0 : i32
        %dma_start3A_1019 = tpu.memref_slice %arg3[%dma_start3A_1018, %multiple_of3A_1012] : memref<32x1000000xf32, #tpu.memory_space<hbm>> -> memref<32x128xf32, #tpu.memory_space<hbm>>
        %dma_start3A_1020 = arith.constant 0 : i32
        %dma_start3A_1021 = arith.constant 0 : i32
        %dma_start3A_1022 = tpu.memref_slice %arg6[%dma_start3A_1013, %dma_start3A_1020, %dma_start3A_1021] : memref<16x32x128xf32, #tpu.memory_space<vmem>> -> memref<1x32x128xf32, #tpu.memory_space<vmem>>
        %dma_start3A_1023 = tpu.memref_squeeze %dma_start3A_1022 : memref<1x32x128xf32, #tpu.memory_space<vmem>> -> memref<32x128xf32, #tpu.memory_space<vmem>>
        %dma_start3A_1024 = arith.constant 0 : i32
        %dma_start3A_1025 = tpu.memref_slice %arg3[%dma_start3A_1024, %multiple_of3A_1012] : memref<32x1000000xf32, #tpu.memory_space<hbm>> -> memref<32x128xf32, #tpu.memory_space<hbm>>
        tpu.enqueue_dma source(%dma_start3A_1025 : memref<32x128xf32, #tpu.memory_space<hbm>>) target(%dma_start3A_1023 : memref<32x128xf32, #tpu.memory_space<vmem>>) target_semaphore(%arg9 : memref<!tpu.dma_semaphore, #tpu.memory_space<semaphore_mem>>)
        %slice3A_1026 = vector.extract_strided_slice %get3A_941 {offsets = [2], sizes = [1], strides = [1]} : vector<16xi32> to vector<1xi32>
        %squeeze3A_1027 = vector.extract %slice3A_1026[0] : i32 from vector<1xi32>
        %jit3A_1028 = arith.constant 128 : i32
        %div3A_1029 = arith.divsi %squeeze3A_1027, %jit3A_1028 : i32
        %sign3A_1030 = arith.constant 0 : i32
        %sign3A_1031 = arith.cmpi sgt, %squeeze3A_1027, %sign3A_1030 : i32
        %sign3A_1032 = arith.extui %sign3A_1031 : i1 to i32
        %sign3A_1033 = arith.constant 0 : i32
        %sign3A_1034 = arith.cmpi slt, %squeeze3A_1027, %sign3A_1033 : i32
        %sign3A_1035 = arith.extui %sign3A_1034 : i1 to i32
        %sign3A_1036 = arith.subi %sign3A_1032, %sign3A_1035 : i32
        %sign3A_1037 = arith.constant 0 : i32
        %sign3A_1038 = arith.cmpi sgt, %jit3A_1028, %sign3A_1037 : i32
        %sign3A_1039 = arith.extui %sign3A_1038 : i1 to i32
        %sign3A_1040 = arith.constant 0 : i32
        %sign3A_1041 = arith.cmpi slt, %jit3A_1028, %sign3A_1040 : i32
        %sign3A_1042 = arith.extui %sign3A_1041 : i1 to i32
        %sign3A_1043 = arith.subi %sign3A_1039, %sign3A_1042 : i32
        %ne3A_1044 = arith.cmpi ne, %sign3A_1036, %sign3A_1043 : i32
        %rem3A_1045 = arith.remsi %squeeze3A_1027, %jit3A_1028 : i32
        %ne3A_1046 = arith.constant 0 : i32
        %ne3A_1047 = arith.cmpi ne, %rem3A_1045, %ne3A_1046 : i32
        %and3A_1048 = arith.andi %ne3A_1044, %ne3A_1047 : i1
        %sub3A_1049 = arith.constant 1 : i32
        %sub3A_1050 = arith.subi %div3A_1029, %sub3A_1049 : i32
        %select_n3A_1051 = arith.select %and3A_1048, %sub3A_1050, %div3A_1029 : i32
        %mul3A_1052 = arith.constant 128 : i32
        %mul3A_1053 = arith.muli %select_n3A_1051, %mul3A_1052 : i32
        %multiple_of3A_1054 = tpu.assume_multiple %mul3A_1053, 128 : i32
        %dma_start3A_1055 = arith.constant 10 : i32
        %dma_start3A_1056 = arith.constant 0 : i32
        %dma_start3A_1057 = arith.constant 0 : i32
        %dma_start3A_1058 = tpu.memref_slice %arg6[%dma_start3A_1055, %dma_start3A_1056, %dma_start3A_1057] : memref<16x32x128xf32, #tpu.memory_space<vmem>> -> memref<1x32x128xf32, #tpu.memory_space<vmem>>
        %dma_start3A_1059 = tpu.memref_squeeze %dma_start3A_1058 : memref<1x32x128xf32, #tpu.memory_space<vmem>> -> memref<32x128xf32, #tpu.memory_space<vmem>>
        %dma_start3A_1060 = arith.constant 0 : i32
        %dma_start3A_1061 = tpu.memref_slice %arg3[%dma_start3A_1060, %multiple_of3A_1054] : memref<32x1000000xf32, #tpu.memory_space<hbm>> -> memref<32x128xf32, #tpu.memory_space<hbm>>
        %dma_start3A_1062 = arith.constant 0 : i32
        %dma_start3A_1063 = arith.constant 0 : i32
        %dma_start3A_1064 = tpu.memref_slice %arg6[%dma_start3A_1055, %dma_start3A_1062, %dma_start3A_1063] : memref<16x32x128xf32, #tpu.memory_space<vmem>> -> memref<1x32x128xf32, #tpu.memory_space<vmem>>
        %dma_start3A_1065 = tpu.memref_squeeze %dma_start3A_1064 : memref<1x32x128xf32, #tpu.memory_space<vmem>> -> memref<32x128xf32, #tpu.memory_space<vmem>>
        %dma_start3A_1066 = arith.constant 0 : i32
        %dma_start3A_1067 = tpu.memref_slice %arg3[%dma_start3A_1066, %multiple_of3A_1054] : memref<32x1000000xf32, #tpu.memory_space<hbm>> -> memref<32x128xf32, #tpu.memory_space<hbm>>
        tpu.enqueue_dma source(%dma_start3A_1067 : memref<32x128xf32, #tpu.memory_space<hbm>>) target(%dma_start3A_1065 : memref<32x128xf32, #tpu.memory_space<vmem>>) target_semaphore(%arg9 : memref<!tpu.dma_semaphore, #tpu.memory_space<semaphore_mem>>)
        %slice3A_1068 = vector.extract_strided_slice %get3A_941 {offsets = [3], sizes = [1], strides = [1]} : vector<16xi32> to vector<1xi32>
        %squeeze3A_1069 = vector.extract %slice3A_1068[0] : i32 from vector<1xi32>
        %jit3A_1070 = arith.constant 128 : i32
        %div3A_1071 = arith.divsi %squeeze3A_1069, %jit3A_1070 : i32
        %sign3A_1072 = arith.constant 0 : i32
        %sign3A_1073 = arith.cmpi sgt, %squeeze3A_1069, %sign3A_1072 : i32
        %sign3A_1074 = arith.extui %sign3A_1073 : i1 to i32
        %sign3A_1075 = arith.constant 0 : i32
        %sign3A_1076 = arith.cmpi slt, %squeeze3A_1069, %sign3A_1075 : i32
        %sign3A_1077 = arith.extui %sign3A_1076 : i1 to i32
        %sign3A_1078 = arith.subi %sign3A_1074, %sign3A_1077 : i32
        %sign3A_1079 = arith.constant 0 : i32
        %sign3A_1080 = arith.cmpi sgt, %jit3A_1070, %sign3A_1079 : i32
        %sign3A_1081 = arith.extui %sign3A_1080 : i1 to i32
        %sign3A_1082 = arith.constant 0 : i32
        %sign3A_1083 = arith.cmpi slt, %jit3A_1070, %sign3A_1082 : i32
        %sign3A_1084 = arith.extui %sign3A_1083 : i1 to i32
        %sign3A_1085 = arith.subi %sign3A_1081, %sign3A_1084 : i32
        %ne3A_1086 = arith.cmpi ne, %sign3A_1078, %sign3A_1085 : i32
        %rem3A_1087 = arith.remsi %squeeze3A_1069, %jit3A_1070 : i32
        %ne3A_1088 = arith.constant 0 : i32
        %ne3A_1089 = arith.cmpi ne, %rem3A_1087, %ne3A_1088 : i32
        %and3A_1090 = arith.andi %ne3A_1086, %ne3A_1089 : i1
        %sub3A_1091 = arith.constant 1 : i32
        %sub3A_1092 = arith.subi %div3A_1071, %sub3A_1091 : i32
        %select_n3A_1093 = arith.select %and3A_1090, %sub3A_1092, %div3A_1071 : i32
        %mul3A_1094 = arith.constant 128 : i32
        %mul3A_1095 = arith.muli %select_n3A_1093, %mul3A_1094 : i32
        %multiple_of3A_1096 = tpu.assume_multiple %mul3A_1095, 128 : i32
        %dma_start3A_1097 = arith.constant 11 : i32
        %dma_start3A_1098 = arith.constant 0 : i32
        %dma_start3A_1099 = arith.constant 0 : i32
        %dma_start3A_1100 = tpu.memref_slice %arg6[%dma_start3A_1097, %dma_start3A_1098, %dma_start3A_1099] : memref<16x32x128xf32, #tpu.memory_space<vmem>> -> memref<1x32x128xf32, #tpu.memory_space<vmem>>
        %dma_start3A_1101 = tpu.memref_squeeze %dma_start3A_1100 : memref<1x32x128xf32, #tpu.memory_space<vmem>> -> memref<32x128xf32, #tpu.memory_space<vmem>>
        %dma_start3A_1102 = arith.constant 0 : i32
        %dma_start3A_1103 = tpu.memref_slice %arg3[%dma_start3A_1102, %multiple_of3A_1096] : memref<32x1000000xf32, #tpu.memory_space<hbm>> -> memref<32x128xf32, #tpu.memory_space<hbm>>
        %dma_start3A_1104 = arith.constant 0 : i32
        %dma_start3A_1105 = arith.constant 0 : i32
        %dma_start3A_1106 = tpu.memref_slice %arg6[%dma_start3A_1097, %dma_start3A_1104, %dma_start3A_1105] : memref<16x32x128xf32, #tpu.memory_space<vmem>> -> memref<1x32x128xf32, #tpu.memory_space<vmem>>
        %dma_start3A_1107 = tpu.memref_squeeze %dma_start3A_1106 : memref<1x32x128xf32, #tpu.memory_space<vmem>> -> memref<32x128xf32, #tpu.memory_space<vmem>>
        %dma_start3A_1108 = arith.constant 0 : i32
        %dma_start3A_1109 = tpu.memref_slice %arg3[%dma_start3A_1108, %multiple_of3A_1096] : memref<32x1000000xf32, #tpu.memory_space<hbm>> -> memref<32x128xf32, #tpu.memory_space<hbm>>
        tpu.enqueue_dma source(%dma_start3A_1109 : memref<32x128xf32, #tpu.memory_space<hbm>>) target(%dma_start3A_1107 : memref<32x128xf32, #tpu.memory_space<vmem>>) target_semaphore(%arg9 : memref<!tpu.dma_semaphore, #tpu.memory_space<semaphore_mem>>)
        %slice3A_1110 = vector.extract_strided_slice %get3A_941 {offsets = [4], sizes = [1], strides = [1]} : vector<16xi32> to vector<1xi32>
        %squeeze3A_1111 = vector.extract %slice3A_1110[0] : i32 from vector<1xi32>
        %jit3A_1112 = arith.constant 128 : i32
        %div3A_1113 = arith.divsi %squeeze3A_1111, %jit3A_1112 : i32
        %sign3A_1114 = arith.constant 0 : i32
        %sign3A_1115 = arith.cmpi sgt, %squeeze3A_1111, %sign3A_1114 : i32
        %sign3A_1116 = arith.extui %sign3A_1115 : i1 to i32
        %sign3A_1117 = arith.constant 0 : i32
        %sign3A_1118 = arith.cmpi slt, %squeeze3A_1111, %sign3A_1117 : i32
        %sign3A_1119 = arith.extui %sign3A_1118 : i1 to i32
        %sign3A_1120 = arith.subi %sign3A_1116, %sign3A_1119 : i32
        %sign3A_1121 = arith.constant 0 : i32
        %sign3A_1122 = arith.cmpi sgt, %jit3A_1112, %sign3A_1121 : i32
        %sign3A_1123 = arith.extui %sign3A_1122 : i1 to i32
        %sign3A_1124 = arith.constant 0 : i32
        %sign3A_1125 = arith.cmpi slt, %jit3A_1112, %sign3A_1124 : i32
        %sign3A_1126 = arith.extui %sign3A_1125 : i1 to i32
        %sign3A_1127 = arith.subi %sign3A_1123, %sign3A_1126 : i32
        %ne3A_1128 = arith.cmpi ne, %sign3A_1120, %sign3A_1127 : i32
        %rem3A_1129 = arith.remsi %squeeze3A_1111, %jit3A_1112 : i32
        %ne3A_1130 = arith.constant 0 : i32
        %ne3A_1131 = arith.cmpi ne, %rem3A_1129, %ne3A_1130 : i32
        %and3A_1132 = arith.andi %ne3A_1128, %ne3A_1131 : i1
        %sub3A_1133 = arith.constant 1 : i32
        %sub3A_1134 = arith.subi %div3A_1113, %sub3A_1133 : i32
        %select_n3A_1135 = arith.select %and3A_1132, %sub3A_1134, %div3A_1113 : i32
        %mul3A_1136 = arith.constant 128 : i32
        %mul3A_1137 = arith.muli %select_n3A_1135, %mul3A_1136 : i32
        %multiple_of3A_1138 = tpu.assume_multiple %mul3A_1137, 128 : i32
        %dma_start3A_1139 = arith.constant 12 : i32
        %dma_start3A_1140 = arith.constant 0 : i32
        %dma_start3A_1141 = arith.constant 0 : i32
        %dma_start3A_1142 = tpu.memref_slice %arg6[%dma_start3A_1139, %dma_start3A_1140, %dma_start3A_1141] : memref<16x32x128xf32, #tpu.memory_space<vmem>> -> memref<1x32x128xf32, #tpu.memory_space<vmem>>
        %dma_start3A_1143 = tpu.memref_squeeze %dma_start3A_1142 : memref<1x32x128xf32, #tpu.memory_space<vmem>> -> memref<32x128xf32, #tpu.memory_space<vmem>>
        %dma_start3A_1144 = arith.constant 0 : i32
        %dma_start3A_1145 = tpu.memref_slice %arg3[%dma_start3A_1144, %multiple_of3A_1138] : memref<32x1000000xf32, #tpu.memory_space<hbm>> -> memref<32x128xf32, #tpu.memory_space<hbm>>
        %dma_start3A_1146 = arith.constant 0 : i32
        %dma_start3A_1147 = arith.constant 0 : i32
        %dma_start3A_1148 = tpu.memref_slice %arg6[%dma_start3A_1139, %dma_start3A_1146, %dma_start3A_1147] : memref<16x32x128xf32, #tpu.memory_space<vmem>> -> memref<1x32x128xf32, #tpu.memory_space<vmem>>
        %dma_start3A_1149 = tpu.memref_squeeze %dma_start3A_1148 : memref<1x32x128xf32, #tpu.memory_space<vmem>> -> memref<32x128xf32, #tpu.memory_space<vmem>>
        %dma_start3A_1150 = arith.constant 0 : i32
        %dma_start3A_1151 = tpu.memref_slice %arg3[%dma_start3A_1150, %multiple_of3A_1138] : memref<32x1000000xf32, #tpu.memory_space<hbm>> -> memref<32x128xf32, #tpu.memory_space<hbm>>
        tpu.enqueue_dma source(%dma_start3A_1151 : memref<32x128xf32, #tpu.memory_space<hbm>>) target(%dma_start3A_1149 : memref<32x128xf32, #tpu.memory_space<vmem>>) target_semaphore(%arg9 : memref<!tpu.dma_semaphore, #tpu.memory_space<semaphore_mem>>)
        %slice3A_1152 = vector.extract_strided_slice %get3A_941 {offsets = [5], sizes = [1], strides = [1]} : vector<16xi32> to vector<1xi32>
        %squeeze3A_1153 = vector.extract %slice3A_1152[0] : i32 from vector<1xi32>
        %jit3A_1154 = arith.constant 128 : i32
        %div3A_1155 = arith.divsi %squeeze3A_1153, %jit3A_1154 : i32
        %sign3A_1156 = arith.constant 0 : i32
        %sign3A_1157 = arith.cmpi sgt, %squeeze3A_1153, %sign3A_1156 : i32
        %sign3A_1158 = arith.extui %sign3A_1157 : i1 to i32
        %sign3A_1159 = arith.constant 0 : i32
        %sign3A_1160 = arith.cmpi slt, %squeeze3A_1153, %sign3A_1159 : i32
        %sign3A_1161 = arith.extui %sign3A_1160 : i1 to i32
        %sign3A_1162 = arith.subi %sign3A_1158, %sign3A_1161 : i32
        %sign3A_1163 = arith.constant 0 : i32
        %sign3A_1164 = arith.cmpi sgt, %jit3A_1154, %sign3A_1163 : i32
        %sign3A_1165 = arith.extui %sign3A_1164 : i1 to i32
        %sign3A_1166 = arith.constant 0 : i32
        %sign3A_1167 = arith.cmpi slt, %jit3A_1154, %sign3A_1166 : i32
        %sign3A_1168 = arith.extui %sign3A_1167 : i1 to i32
        %sign3A_1169 = arith.subi %sign3A_1165, %sign3A_1168 : i32
        %ne3A_1170 = arith.cmpi ne, %sign3A_1162, %sign3A_1169 : i32
        %rem3A_1171 = arith.remsi %squeeze3A_1153, %jit3A_1154 : i32
        %ne3A_1172 = arith.constant 0 : i32
        %ne3A_1173 = arith.cmpi ne, %rem3A_1171, %ne3A_1172 : i32
        %and3A_1174 = arith.andi %ne3A_1170, %ne3A_1173 : i1
        %sub3A_1175 = arith.constant 1 : i32
        %sub3A_1176 = arith.subi %div3A_1155, %sub3A_1175 : i32
        %select_n3A_1177 = arith.select %and3A_1174, %sub3A_1176, %div3A_1155 : i32
        %mul3A_1178 = arith.constant 128 : i32
        %mul3A_1179 = arith.muli %select_n3A_1177, %mul3A_1178 : i32
        %multiple_of3A_1180 = tpu.assume_multiple %mul3A_1179, 128 : i32
        %dma_start3A_1181 = arith.constant 13 : i32
        %dma_start3A_1182 = arith.constant 0 : i32
        %dma_start3A_1183 = arith.constant 0 : i32
        %dma_start3A_1184 = tpu.memref_slice %arg6[%dma_start3A_1181, %dma_start3A_1182, %dma_start3A_1183] : memref<16x32x128xf32, #tpu.memory_space<vmem>> -> memref<1x32x128xf32, #tpu.memory_space<vmem>>
        %dma_start3A_1185 = tpu.memref_squeeze %dma_start3A_1184 : memref<1x32x128xf32, #tpu.memory_space<vmem>> -> memref<32x128xf32, #tpu.memory_space<vmem>>
        %dma_start3A_1186 = arith.constant 0 : i32
        %dma_start3A_1187 = tpu.memref_slice %arg3[%dma_start3A_1186, %multiple_of3A_1180] : memref<32x1000000xf32, #tpu.memory_space<hbm>> -> memref<32x128xf32, #tpu.memory_space<hbm>>
        %dma_start3A_1188 = arith.constant 0 : i32
        %dma_start3A_1189 = arith.constant 0 : i32
        %dma_start3A_1190 = tpu.memref_slice %arg6[%dma_start3A_1181, %dma_start3A_1188, %dma_start3A_1189] : memref<16x32x128xf32, #tpu.memory_space<vmem>> -> memref<1x32x128xf32, #tpu.memory_space<vmem>>
        %dma_start3A_1191 = tpu.memref_squeeze %dma_start3A_1190 : memref<1x32x128xf32, #tpu.memory_space<vmem>> -> memref<32x128xf32, #tpu.memory_space<vmem>>
        %dma_start3A_1192 = arith.constant 0 : i32
        %dma_start3A_1193 = tpu.memref_slice %arg3[%dma_start3A_1192, %multiple_of3A_1180] : memref<32x1000000xf32, #tpu.memory_space<hbm>> -> memref<32x128xf32, #tpu.memory_space<hbm>>
        tpu.enqueue_dma source(%dma_start3A_1193 : memref<32x128xf32, #tpu.memory_space<hbm>>) target(%dma_start3A_1191 : memref<32x128xf32, #tpu.memory_space<vmem>>) target_semaphore(%arg9 : memref<!tpu.dma_semaphore, #tpu.memory_space<semaphore_mem>>)
        %slice3A_1194 = vector.extract_strided_slice %get3A_941 {offsets = [6], sizes = [1], strides = [1]} : vector<16xi32> to vector<1xi32>
        %squeeze3A_1195 = vector.extract %slice3A_1194[0] : i32 from vector<1xi32>
        %jit3A_1196 = arith.constant 128 : i32
        %div3A_1197 = arith.divsi %squeeze3A_1195, %jit3A_1196 : i32
        %sign3A_1198 = arith.constant 0 : i32
        %sign3A_1199 = arith.cmpi sgt, %squeeze3A_1195, %sign3A_1198 : i32
        %sign3A_1200 = arith.extui %sign3A_1199 : i1 to i32
        %sign3A_1201 = arith.constant 0 : i32
        %sign3A_1202 = arith.cmpi slt, %squeeze3A_1195, %sign3A_1201 : i32
        %sign3A_1203 = arith.extui %sign3A_1202 : i1 to i32
        %sign3A_1204 = arith.subi %sign3A_1200, %sign3A_1203 : i32
        %sign3A_1205 = arith.constant 0 : i32
        %sign3A_1206 = arith.cmpi sgt, %jit3A_1196, %sign3A_1205 : i32
        %sign3A_1207 = arith.extui %sign3A_1206 : i1 to i32
        %sign3A_1208 = arith.constant 0 : i32
        %sign3A_1209 = arith.cmpi slt, %jit3A_1196, %sign3A_1208 : i32
        %sign3A_1210 = arith.extui %sign3A_1209 : i1 to i32
        %sign3A_1211 = arith.subi %sign3A_1207, %sign3A_1210 : i32
        %ne3A_1212 = arith.cmpi ne, %sign3A_1204, %sign3A_1211 : i32
        %rem3A_1213 = arith.remsi %squeeze3A_1195, %jit3A_1196 : i32
        %ne3A_1214 = arith.constant 0 : i32
        %ne3A_1215 = arith.cmpi ne, %rem3A_1213, %ne3A_1214 : i32
        %and3A_1216 = arith.andi %ne3A_1212, %ne3A_1215 : i1
        %sub3A_1217 = arith.constant 1 : i32
        %sub3A_1218 = arith.subi %div3A_1197, %sub3A_1217 : i32
        %select_n3A_1219 = arith.select %and3A_1216, %sub3A_1218, %div3A_1197 : i32
        %mul3A_1220 = arith.constant 128 : i32
        %mul3A_1221 = arith.muli %select_n3A_1219, %mul3A_1220 : i32
        %multiple_of3A_1222 = tpu.assume_multiple %mul3A_1221, 128 : i32
        %dma_start3A_1223 = arith.constant 14 : i32
        %dma_start3A_1224 = arith.constant 0 : i32
        %dma_start3A_1225 = arith.constant 0 : i32
        %dma_start3A_1226 = tpu.memref_slice %arg6[%dma_start3A_1223, %dma_start3A_1224, %dma_start3A_1225] : memref<16x32x128xf32, #tpu.memory_space<vmem>> -> memref<1x32x128xf32, #tpu.memory_space<vmem>>
        %dma_start3A_1227 = tpu.memref_squeeze %dma_start3A_1226 : memref<1x32x128xf32, #tpu.memory_space<vmem>> -> memref<32x128xf32, #tpu.memory_space<vmem>>
        %dma_start3A_1228 = arith.constant 0 : i32
        %dma_start3A_1229 = tpu.memref_slice %arg3[%dma_start3A_1228, %multiple_of3A_1222] : memref<32x1000000xf32, #tpu.memory_space<hbm>> -> memref<32x128xf32, #tpu.memory_space<hbm>>
        %dma_start3A_1230 = arith.constant 0 : i32
        %dma_start3A_1231 = arith.constant 0 : i32
        %dma_start3A_1232 = tpu.memref_slice %arg6[%dma_start3A_1223, %dma_start3A_1230, %dma_start3A_1231] : memref<16x32x128xf32, #tpu.memory_space<vmem>> -> memref<1x32x128xf32, #tpu.memory_space<vmem>>
        %dma_start3A_1233 = tpu.memref_squeeze %dma_start3A_1232 : memref<1x32x128xf32, #tpu.memory_space<vmem>> -> memref<32x128xf32, #tpu.memory_space<vmem>>
        %dma_start3A_1234 = arith.constant 0 : i32
        %dma_start3A_1235 = tpu.memref_slice %arg3[%dma_start3A_1234, %multiple_of3A_1222] : memref<32x1000000xf32, #tpu.memory_space<hbm>> -> memref<32x128xf32, #tpu.memory_space<hbm>>
        tpu.enqueue_dma source(%dma_start3A_1235 : memref<32x128xf32, #tpu.memory_space<hbm>>) target(%dma_start3A_1233 : memref<32x128xf32, #tpu.memory_space<vmem>>) target_semaphore(%arg9 : memref<!tpu.dma_semaphore, #tpu.memory_space<semaphore_mem>>)
        %slice3A_1236 = vector.extract_strided_slice %get3A_941 {offsets = [7], sizes = [1], strides = [1]} : vector<16xi32> to vector<1xi32>
        %squeeze3A_1237 = vector.extract %slice3A_1236[0] : i32 from vector<1xi32>
        %jit3A_1238 = arith.constant 128 : i32
        %div3A_1239 = arith.divsi %squeeze3A_1237, %jit3A_1238 : i32
        %sign3A_1240 = arith.constant 0 : i32
        %sign3A_1241 = arith.cmpi sgt, %squeeze3A_1237, %sign3A_1240 : i32
        %sign3A_1242 = arith.extui %sign3A_1241 : i1 to i32
        %sign3A_1243 = arith.constant 0 : i32
        %sign3A_1244 = arith.cmpi slt, %squeeze3A_1237, %sign3A_1243 : i32
        %sign3A_1245 = arith.extui %sign3A_1244 : i1 to i32
        %sign3A_1246 = arith.subi %sign3A_1242, %sign3A_1245 : i32
        %sign3A_1247 = arith.constant 0 : i32
        %sign3A_1248 = arith.cmpi sgt, %jit3A_1238, %sign3A_1247 : i32
        %sign3A_1249 = arith.extui %sign3A_1248 : i1 to i32
        %sign3A_1250 = arith.constant 0 : i32
        %sign3A_1251 = arith.cmpi slt, %jit3A_1238, %sign3A_1250 : i32
        %sign3A_1252 = arith.extui %sign3A_1251 : i1 to i32
        %sign3A_1253 = arith.subi %sign3A_1249, %sign3A_1252 : i32
        %ne3A_1254 = arith.cmpi ne, %sign3A_1246, %sign3A_1253 : i32
        %rem3A_1255 = arith.remsi %squeeze3A_1237, %jit3A_1238 : i32
        %ne3A_1256 = arith.constant 0 : i32
        %ne3A_1257 = arith.cmpi ne, %rem3A_1255, %ne3A_1256 : i32
        %and3A_1258 = arith.andi %ne3A_1254, %ne3A_1257 : i1
        %sub3A_1259 = arith.constant 1 : i32
        %sub3A_1260 = arith.subi %div3A_1239, %sub3A_1259 : i32
        %select_n3A_1261 = arith.select %and3A_1258, %sub3A_1260, %div3A_1239 : i32
        %mul3A_1262 = arith.constant 128 : i32
        %mul3A_1263 = arith.muli %select_n3A_1261, %mul3A_1262 : i32
        %multiple_of3A_1264 = tpu.assume_multiple %mul3A_1263, 128 : i32
        %dma_start3A_1265 = arith.constant 15 : i32
        %dma_start3A_1266 = arith.constant 0 : i32
        %dma_start3A_1267 = arith.constant 0 : i32
        %dma_start3A_1268 = tpu.memref_slice %arg6[%dma_start3A_1265, %dma_start3A_1266, %dma_start3A_1267] : memref<16x32x128xf32, #tpu.memory_space<vmem>> -> memref<1x32x128xf32, #tpu.memory_space<vmem>>
        %dma_start3A_1269 = tpu.memref_squeeze %dma_start3A_1268 : memref<1x32x128xf32, #tpu.memory_space<vmem>> -> memref<32x128xf32, #tpu.memory_space<vmem>>
        %dma_start3A_1270 = arith.constant 0 : i32
        %dma_start3A_1271 = tpu.memref_slice %arg3[%dma_start3A_1270, %multiple_of3A_1264] : memref<32x1000000xf32, #tpu.memory_space<hbm>> -> memref<32x128xf32, #tpu.memory_space<hbm>>
        %dma_start3A_1272 = arith.constant 0 : i32
        %dma_start3A_1273 = arith.constant 0 : i32
        %dma_start3A_1274 = tpu.memref_slice %arg6[%dma_start3A_1265, %dma_start3A_1272, %dma_start3A_1273] : memref<16x32x128xf32, #tpu.memory_space<vmem>> -> memref<1x32x128xf32, #tpu.memory_space<vmem>>
        %dma_start3A_1275 = tpu.memref_squeeze %dma_start3A_1274 : memref<1x32x128xf32, #tpu.memory_space<vmem>> -> memref<32x128xf32, #tpu.memory_space<vmem>>
        %dma_start3A_1276 = arith.constant 0 : i32
        %dma_start3A_1277 = tpu.memref_slice %arg3[%dma_start3A_1276, %multiple_of3A_1264] : memref<32x1000000xf32, #tpu.memory_space<hbm>> -> memref<32x128xf32, #tpu.memory_space<hbm>>
        tpu.enqueue_dma source(%dma_start3A_1277 : memref<32x128xf32, #tpu.memory_space<hbm>>) target(%dma_start3A_1275 : memref<32x128xf32, #tpu.memory_space<vmem>>) target_semaphore(%arg9 : memref<!tpu.dma_semaphore, #tpu.memory_space<semaphore_mem>>)
      } else {
      }
      %dma_wait3A = arith.constant 0 : i32
      %dma_wait3A_695 = arith.constant 0 : i32
      %dma_wait3A_696 = arith.constant 0 : i32
      %dma_wait3A_697 = tpu.memref_slice %arg6[%dma_wait3A, %dma_wait3A_695, %dma_wait3A_696] : memref<16x32x128xf32, #tpu.memory_space<vmem>> -> memref<1x32x128xf32, #tpu.memory_space<vmem>>
      %dma_wait3A_698 = tpu.memref_squeeze %dma_wait3A_697 : memref<1x32x128xf32, #tpu.memory_space<vmem>> -> memref<32x128xf32, #tpu.memory_space<vmem>>
      %dma_wait3A_699 = arith.constant 0 : i32
      %dma_wait3A_700 = arith.constant 0 : i32
      %dma_wait3A_701 = tpu.memref_slice %arg3[%dma_wait3A_699, %dma_wait3A_700] : memref<32x1000000xf32, #tpu.memory_space<hbm>> -> memref<32x128xf32, #tpu.memory_space<hbm>>
      %dma_wait3A_702 = arith.constant 0 : i32
      %dma_wait3A_703 = arith.constant 0 : i32
      %dma_wait3A_704 = tpu.memref_slice %arg6[%dma_wait3A, %dma_wait3A_702, %dma_wait3A_703] : memref<16x32x128xf32, #tpu.memory_space<vmem>> -> memref<1x32x128xf32, #tpu.memory_space<vmem>>
      %dma_wait3A_705 = tpu.memref_squeeze %dma_wait3A_704 : memref<1x32x128xf32, #tpu.memory_space<vmem>> -> memref<32x128xf32, #tpu.memory_space<vmem>>
      %dma_wait3A_706 = arith.constant 0 : i32
      %dma_wait3A_707 = arith.constant 0 : i32
      %dma_wait3A_708 = tpu.memref_slice %arg3[%dma_wait3A_706, %dma_wait3A_707] : memref<32x1000000xf32, #tpu.memory_space<hbm>> -> memref<32x128xf32, #tpu.memory_space<hbm>>
      tpu.wait_dma2 semaphore(%arg8 : memref<!tpu.dma_semaphore, #tpu.memory_space<semaphore_mem>>) src(%dma_wait3A_708 : memref<32x128xf32, #tpu.memory_space<hbm>>) dst(%dma_wait3A_705 : memref<32x128xf32, #tpu.memory_space<vmem>>)
      %dma_wait3A_709 = arith.constant 1 : i32
      %dma_wait3A_710 = arith.constant 0 : i32
      %dma_wait3A_711 = arith.constant 0 : i32
      %dma_wait3A_712 = tpu.memref_slice %arg6[%dma_wait3A_709, %dma_wait3A_710, %dma_wait3A_711] : memref<16x32x128xf32, #tpu.memory_space<vmem>> -> memref<1x32x128xf32, #tpu.memory_space<vmem>>
      %dma_wait3A_713 = tpu.memref_squeeze %dma_wait3A_712 : memref<1x32x128xf32, #tpu.memory_space<vmem>> -> memref<32x128xf32, #tpu.memory_space<vmem>>
      %dma_wait3A_714 = arith.constant 0 : i32
      %dma_wait3A_715 = arith.constant 0 : i32
      %dma_wait3A_716 = tpu.memref_slice %arg3[%dma_wait3A_714, %dma_wait3A_715] : memref<32x1000000xf32, #tpu.memory_space<hbm>> -> memref<32x128xf32, #tpu.memory_space<hbm>>
      %dma_wait3A_717 = arith.constant 0 : i32
      %dma_wait3A_718 = arith.constant 0 : i32
      %dma_wait3A_719 = tpu.memref_slice %arg6[%dma_wait3A_709, %dma_wait3A_717, %dma_wait3A_718] : memref<16x32x128xf32, #tpu.memory_space<vmem>> -> memref<1x32x128xf32, #tpu.memory_space<vmem>>
      %dma_wait3A_720 = tpu.memref_squeeze %dma_wait3A_719 : memref<1x32x128xf32, #tpu.memory_space<vmem>> -> memref<32x128xf32, #tpu.memory_space<vmem>>
      %dma_wait3A_721 = arith.constant 0 : i32
      %dma_wait3A_722 = arith.constant 0 : i32
      %dma_wait3A_723 = tpu.memref_slice %arg3[%dma_wait3A_721, %dma_wait3A_722] : memref<32x1000000xf32, #tpu.memory_space<hbm>> -> memref<32x128xf32, #tpu.memory_space<hbm>>
      tpu.wait_dma2 semaphore(%arg8 : memref<!tpu.dma_semaphore, #tpu.memory_space<semaphore_mem>>) src(%dma_wait3A_723 : memref<32x128xf32, #tpu.memory_space<hbm>>) dst(%dma_wait3A_720 : memref<32x128xf32, #tpu.memory_space<vmem>>)
      %dma_wait3A_724 = arith.constant 2 : i32
      %dma_wait3A_725 = arith.constant 0 : i32
      %dma_wait3A_726 = arith.constant 0 : i32
      %dma_wait3A_727 = tpu.memref_slice %arg6[%dma_wait3A_724, %dma_wait3A_725, %dma_wait3A_726] : memref<16x32x128xf32, #tpu.memory_space<vmem>> -> memref<1x32x128xf32, #tpu.memory_space<vmem>>
      %dma_wait3A_728 = tpu.memref_squeeze %dma_wait3A_727 : memref<1x32x128xf32, #tpu.memory_space<vmem>> -> memref<32x128xf32, #tpu.memory_space<vmem>>
      %dma_wait3A_729 = arith.constant 0 : i32
      %dma_wait3A_730 = arith.constant 0 : i32
      %dma_wait3A_731 = tpu.memref_slice %arg3[%dma_wait3A_729, %dma_wait3A_730] : memref<32x1000000xf32, #tpu.memory_space<hbm>> -> memref<32x128xf32, #tpu.memory_space<hbm>>
      %dma_wait3A_732 = arith.constant 0 : i32
      %dma_wait3A_733 = arith.constant 0 : i32
      %dma_wait3A_734 = tpu.memref_slice %arg6[%dma_wait3A_724, %dma_wait3A_732, %dma_wait3A_733] : memref<16x32x128xf32, #tpu.memory_space<vmem>> -> memref<1x32x128xf32, #tpu.memory_space<vmem>>
      %dma_wait3A_735 = tpu.memref_squeeze %dma_wait3A_734 : memref<1x32x128xf32, #tpu.memory_space<vmem>> -> memref<32x128xf32, #tpu.memory_space<vmem>>
      %dma_wait3A_736 = arith.constant 0 : i32
      %dma_wait3A_737 = arith.constant 0 : i32
      %dma_wait3A_738 = tpu.memref_slice %arg3[%dma_wait3A_736, %dma_wait3A_737] : memref<32x1000000xf32, #tpu.memory_space<hbm>> -> memref<32x128xf32, #tpu.memory_space<hbm>>
      tpu.wait_dma2 semaphore(%arg8 : memref<!tpu.dma_semaphore, #tpu.memory_space<semaphore_mem>>) src(%dma_wait3A_738 : memref<32x128xf32, #tpu.memory_space<hbm>>) dst(%dma_wait3A_735 : memref<32x128xf32, #tpu.memory_space<vmem>>)
      %dma_wait3A_739 = arith.constant 3 : i32
      %dma_wait3A_740 = arith.constant 0 : i32
      %dma_wait3A_741 = arith.constant 0 : i32
      %dma_wait3A_742 = tpu.memref_slice %arg6[%dma_wait3A_739, %dma_wait3A_740, %dma_wait3A_741] : memref<16x32x128xf32, #tpu.memory_space<vmem>> -> memref<1x32x128xf32, #tpu.memory_space<vmem>>
      %dma_wait3A_743 = tpu.memref_squeeze %dma_wait3A_742 : memref<1x32x128xf32, #tpu.memory_space<vmem>> -> memref<32x128xf32, #tpu.memory_space<vmem>>
      %dma_wait3A_744 = arith.constant 0 : i32
      %dma_wait3A_745 = arith.constant 0 : i32
      %dma_wait3A_746 = tpu.memref_slice %arg3[%dma_wait3A_744, %dma_wait3A_745] : memref<32x1000000xf32, #tpu.memory_space<hbm>> -> memref<32x128xf32, #tpu.memory_space<hbm>>
      %dma_wait3A_747 = arith.constant 0 : i32
      %dma_wait3A_748 = arith.constant 0 : i32
      %dma_wait3A_749 = tpu.memref_slice %arg6[%dma_wait3A_739, %dma_wait3A_747, %dma_wait3A_748] : memref<16x32x128xf32, #tpu.memory_space<vmem>> -> memref<1x32x128xf32, #tpu.memory_space<vmem>>
      %dma_wait3A_750 = tpu.memref_squeeze %dma_wait3A_749 : memref<1x32x128xf32, #tpu.memory_space<vmem>> -> memref<32x128xf32, #tpu.memory_space<vmem>>
      %dma_wait3A_751 = arith.constant 0 : i32
      %dma_wait3A_752 = arith.constant 0 : i32
      %dma_wait3A_753 = tpu.memref_slice %arg3[%dma_wait3A_751, %dma_wait3A_752] : memref<32x1000000xf32, #tpu.memory_space<hbm>> -> memref<32x128xf32, #tpu.memory_space<hbm>>
      tpu.wait_dma2 semaphore(%arg8 : memref<!tpu.dma_semaphore, #tpu.memory_space<semaphore_mem>>) src(%dma_wait3A_753 : memref<32x128xf32, #tpu.memory_space<hbm>>) dst(%dma_wait3A_750 : memref<32x128xf32, #tpu.memory_space<vmem>>)
      %dma_wait3A_754 = arith.constant 4 : i32
      %dma_wait3A_755 = arith.constant 0 : i32
      %dma_wait3A_756 = arith.constant 0 : i32
      %dma_wait3A_757 = tpu.memref_slice %arg6[%dma_wait3A_754, %dma_wait3A_755, %dma_wait3A_756] : memref<16x32x128xf32, #tpu.memory_space<vmem>> -> memref<1x32x128xf32, #tpu.memory_space<vmem>>
      %dma_wait3A_758 = tpu.memref_squeeze %dma_wait3A_757 : memref<1x32x128xf32, #tpu.memory_space<vmem>> -> memref<32x128xf32, #tpu.memory_space<vmem>>
      %dma_wait3A_759 = arith.constant 0 : i32
      %dma_wait3A_760 = arith.constant 0 : i32
      %dma_wait3A_761 = tpu.memref_slice %arg3[%dma_wait3A_759, %dma_wait3A_760] : memref<32x1000000xf32, #tpu.memory_space<hbm>> -> memref<32x128xf32, #tpu.memory_space<hbm>>
      %dma_wait3A_762 = arith.constant 0 : i32
      %dma_wait3A_763 = arith.constant 0 : i32
      %dma_wait3A_764 = tpu.memref_slice %arg6[%dma_wait3A_754, %dma_wait3A_762, %dma_wait3A_763] : memref<16x32x128xf32, #tpu.memory_space<vmem>> -> memref<1x32x128xf32, #tpu.memory_space<vmem>>
      %dma_wait3A_765 = tpu.memref_squeeze %dma_wait3A_764 : memref<1x32x128xf32, #tpu.memory_space<vmem>> -> memref<32x128xf32, #tpu.memory_space<vmem>>
      %dma_wait3A_766 = arith.constant 0 : i32
      %dma_wait3A_767 = arith.constant 0 : i32
      %dma_wait3A_768 = tpu.memref_slice %arg3[%dma_wait3A_766, %dma_wait3A_767] : memref<32x1000000xf32, #tpu.memory_space<hbm>> -> memref<32x128xf32, #tpu.memory_space<hbm>>
      tpu.wait_dma2 semaphore(%arg8 : memref<!tpu.dma_semaphore, #tpu.memory_space<semaphore_mem>>) src(%dma_wait3A_768 : memref<32x128xf32, #tpu.memory_space<hbm>>) dst(%dma_wait3A_765 : memref<32x128xf32, #tpu.memory_space<vmem>>)
      %dma_wait3A_769 = arith.constant 5 : i32
      %dma_wait3A_770 = arith.constant 0 : i32
      %dma_wait3A_771 = arith.constant 0 : i32
      %dma_wait3A_772 = tpu.memref_slice %arg6[%dma_wait3A_769, %dma_wait3A_770, %dma_wait3A_771] : memref<16x32x128xf32, #tpu.memory_space<vmem>> -> memref<1x32x128xf32, #tpu.memory_space<vmem>>
      %dma_wait3A_773 = tpu.memref_squeeze %dma_wait3A_772 : memref<1x32x128xf32, #tpu.memory_space<vmem>> -> memref<32x128xf32, #tpu.memory_space<vmem>>
      %dma_wait3A_774 = arith.constant 0 : i32
      %dma_wait3A_775 = arith.constant 0 : i32
      %dma_wait3A_776 = tpu.memref_slice %arg3[%dma_wait3A_774, %dma_wait3A_775] : memref<32x1000000xf32, #tpu.memory_space<hbm>> -> memref<32x128xf32, #tpu.memory_space<hbm>>
      %dma_wait3A_777 = arith.constant 0 : i32
      %dma_wait3A_778 = arith.constant 0 : i32
      %dma_wait3A_779 = tpu.memref_slice %arg6[%dma_wait3A_769, %dma_wait3A_777, %dma_wait3A_778] : memref<16x32x128xf32, #tpu.memory_space<vmem>> -> memref<1x32x128xf32, #tpu.memory_space<vmem>>
      %dma_wait3A_780 = tpu.memref_squeeze %dma_wait3A_779 : memref<1x32x128xf32, #tpu.memory_space<vmem>> -> memref<32x128xf32, #tpu.memory_space<vmem>>
      %dma_wait3A_781 = arith.constant 0 : i32
      %dma_wait3A_782 = arith.constant 0 : i32
      %dma_wait3A_783 = tpu.memref_slice %arg3[%dma_wait3A_781, %dma_wait3A_782] : memref<32x1000000xf32, #tpu.memory_space<hbm>> -> memref<32x128xf32, #tpu.memory_space<hbm>>
      tpu.wait_dma2 semaphore(%arg8 : memref<!tpu.dma_semaphore, #tpu.memory_space<semaphore_mem>>) src(%dma_wait3A_783 : memref<32x128xf32, #tpu.memory_space<hbm>>) dst(%dma_wait3A_780 : memref<32x128xf32, #tpu.memory_space<vmem>>)
      %dma_wait3A_784 = arith.constant 6 : i32
      %dma_wait3A_785 = arith.constant 0 : i32
      %dma_wait3A_786 = arith.constant 0 : i32
      %dma_wait3A_787 = tpu.memref_slice %arg6[%dma_wait3A_784, %dma_wait3A_785, %dma_wait3A_786] : memref<16x32x128xf32, #tpu.memory_space<vmem>> -> memref<1x32x128xf32, #tpu.memory_space<vmem>>
      %dma_wait3A_788 = tpu.memref_squeeze %dma_wait3A_787 : memref<1x32x128xf32, #tpu.memory_space<vmem>> -> memref<32x128xf32, #tpu.memory_space<vmem>>
      %dma_wait3A_789 = arith.constant 0 : i32
      %dma_wait3A_790 = arith.constant 0 : i32
      %dma_wait3A_791 = tpu.memref_slice %arg3[%dma_wait3A_789, %dma_wait3A_790] : memref<32x1000000xf32, #tpu.memory_space<hbm>> -> memref<32x128xf32, #tpu.memory_space<hbm>>
      %dma_wait3A_792 = arith.constant 0 : i32
      %dma_wait3A_793 = arith.constant 0 : i32
      %dma_wait3A_794 = tpu.memref_slice %arg6[%dma_wait3A_784, %dma_wait3A_792, %dma_wait3A_793] : memref<16x32x128xf32, #tpu.memory_space<vmem>> -> memref<1x32x128xf32, #tpu.memory_space<vmem>>
      %dma_wait3A_795 = tpu.memref_squeeze %dma_wait3A_794 : memref<1x32x128xf32, #tpu.memory_space<vmem>> -> memref<32x128xf32, #tpu.memory_space<vmem>>
      %dma_wait3A_796 = arith.constant 0 : i32
      %dma_wait3A_797 = arith.constant 0 : i32
      %dma_wait3A_798 = tpu.memref_slice %arg3[%dma_wait3A_796, %dma_wait3A_797] : memref<32x1000000xf32, #tpu.memory_space<hbm>> -> memref<32x128xf32, #tpu.memory_space<hbm>>
      tpu.wait_dma2 semaphore(%arg8 : memref<!tpu.dma_semaphore, #tpu.memory_space<semaphore_mem>>) src(%dma_wait3A_798 : memref<32x128xf32, #tpu.memory_space<hbm>>) dst(%dma_wait3A_795 : memref<32x128xf32, #tpu.memory_space<vmem>>)
      %dma_wait3A_799 = arith.constant 7 : i32
      %dma_wait3A_800 = arith.constant 0 : i32
      %dma_wait3A_801 = arith.constant 0 : i32
      %dma_wait3A_802 = tpu.memref_slice %arg6[%dma_wait3A_799, %dma_wait3A_800, %dma_wait3A_801] : memref<16x32x128xf32, #tpu.memory_space<vmem>> -> memref<1x32x128xf32, #tpu.memory_space<vmem>>
      %dma_wait3A_803 = tpu.memref_squeeze %dma_wait3A_802 : memref<1x32x128xf32, #tpu.memory_space<vmem>> -> memref<32x128xf32, #tpu.memory_space<vmem>>
      %dma_wait3A_804 = arith.constant 0 : i32
      %dma_wait3A_805 = arith.constant 0 : i32
      %dma_wait3A_806 = tpu.memref_slice %arg3[%dma_wait3A_804, %dma_wait3A_805] : memref<32x1000000xf32, #tpu.memory_space<hbm>> -> memref<32x128xf32, #tpu.memory_space<hbm>>
      %dma_wait3A_807 = arith.constant 0 : i32
      %dma_wait3A_808 = arith.constant 0 : i32
      %dma_wait3A_809 = tpu.memref_slice %arg6[%dma_wait3A_799, %dma_wait3A_807, %dma_wait3A_808] : memref<16x32x128xf32, #tpu.memory_space<vmem>> -> memref<1x32x128xf32, #tpu.memory_space<vmem>>
      %dma_wait3A_810 = tpu.memref_squeeze %dma_wait3A_809 : memref<1x32x128xf32, #tpu.memory_space<vmem>> -> memref<32x128xf32, #tpu.memory_space<vmem>>
      %dma_wait3A_811 = arith.constant 0 : i32
      %dma_wait3A_812 = arith.constant 0 : i32
      %dma_wait3A_813 = tpu.memref_slice %arg3[%dma_wait3A_811, %dma_wait3A_812] : memref<32x1000000xf32, #tpu.memory_space<hbm>> -> memref<32x128xf32, #tpu.memory_space<hbm>>
      tpu.wait_dma2 semaphore(%arg8 : memref<!tpu.dma_semaphore, #tpu.memory_space<semaphore_mem>>) src(%dma_wait3A_813 : memref<32x128xf32, #tpu.memory_space<hbm>>) dst(%dma_wait3A_810 : memref<32x128xf32, #tpu.memory_space<vmem>>)
      %add3A_814 = arith.constant 0 : i32
      %add3A_815 = arith.addi %add3A_814, %mul3A_687 : i32
      %mul3A_816 = arith.constant 8 : i32
      %mul3A_817 = arith.muli %add3A_815, %mul3A_816 : i32
      %get3A_818 = arith.index_cast %mul3A_817 : i32 to index
      %get3A_819 = tpu.vector_load %arg5[%get3A_818] {strides = array<i32>} : memref<528xi32, #tpu.memory_space<vmem>>, vector<16xi32>,
      %broadcast_in_dim3A = arith.constant 128 : i32
      %broadcast_in_dim3A_820 = vector.broadcast %broadcast_in_dim3A : i32 to vector<16xi32>
      %rem3A_821 = arith.remsi %get3A_819, %broadcast_in_dim3A_820 : vector<16xi32>
      %add3A_822 = arith.constant 0 : i32
      %add3A_823 = vector.broadcast %add3A_822 : i32 to vector<16xi32>
      %add3A_824 = arith.addi %iota3A, %add3A_823 : vector<16xi32>
      %mul3A_825 = arith.constant 8 : i32
      %mul3A_826 = arith.muli %mul3A_687, %mul3A_825 : i32
      %add3A_827 = vector.broadcast %mul3A_826 : i32 to vector<16xi32>
      %add3A_828 = arith.addi %add3A_827, %iota3A : vector<16xi32>
      %broadcast_in_dim3A_829 = arith.constant 0 : i32
      %broadcast_in_dim3A_830 = vector.broadcast %broadcast_in_dim3A_829 : i32 to vector<16xi32>
      %gather3A = tpu.vector_load_idx %arg6[%add3A_824, %broadcast_in_dim3A_830, %rem3A_821] : memref<16x32x128xf32, #tpu.memory_space<vmem>>[vector<16xi32>, vector<16xi32>, vector<16xi32>], vector<16xf32>,
      tpu.vector_store_idx %arg7[%add3A_828, %broadcast_in_dim3A_830], %gather3A masked %lt3A_4 : memref<256x32xf32, #tpu.memory_space<vmem>>[vector<16xi32>, vector<16xi32>], vector<16xf32>, vector<16xi1>
      %broadcast_in_dim3A_831 = arith.constant 1 : i32
      %broadcast_in_dim3A_832 = vector.broadcast %broadcast_in_dim3A_831 : i32 to vector<16xi32>
      %gather3A_833 = tpu.vector_load_idx %arg6[%add3A_824, %broadcast_in_dim3A_832, %rem3A_821] : memref<16x32x128xf32, #tpu.memory_space<vmem>>[vector<16xi32>, vector<16xi32>, vector<16xi32>], vector<16xf32>,
      tpu.vector_store_idx %arg7[%add3A_828, %broadcast_in_dim3A_832], %gather3A_833 masked %lt3A_4 : memref<256x32xf32, #tpu.memory_space<vmem>>[vector<16xi32>, vector<16xi32>], vector<16xf32>, vector<16xi1>
      %broadcast_in_dim3A_834 = arith.constant 2 : i32
      %broadcast_in_dim3A_835 = vector.broadcast %broadcast_in_dim3A_834 : i32 to vector<16xi32>
      %gather3A_836 = tpu.vector_load_idx %arg6[%add3A_824, %broadcast_in_dim3A_835, %rem3A_821] : memref<16x32x128xf32, #tpu.memory_space<vmem>>[vector<16xi32>, vector<16xi32>, vector<16xi32>], vector<16xf32>,
      tpu.vector_store_idx %arg7[%add3A_828, %broadcast_in_dim3A_835], %gather3A_836 masked %lt3A_4 : memref<256x32xf32, #tpu.memory_space<vmem>>[vector<16xi32>, vector<16xi32>], vector<16xf32>, vector<16xi1>
      %broadcast_in_dim3A_837 = arith.constant 3 : i32
      %broadcast_in_dim3A_838 = vector.broadcast %broadcast_in_dim3A_837 : i32 to vector<16xi32>
      %gather3A_839 = tpu.vector_load_idx %arg6[%add3A_824, %broadcast_in_dim3A_838, %rem3A_821] : memref<16x32x128xf32, #tpu.memory_space<vmem>>[vector<16xi32>, vector<16xi32>, vector<16xi32>], vector<16xf32>,
      tpu.vector_store_idx %arg7[%add3A_828, %broadcast_in_dim3A_838], %gather3A_839 masked %lt3A_4 : memref<256x32xf32, #tpu.memory_space<vmem>>[vector<16xi32>, vector<16xi32>], vector<16xf32>, vector<16xi1>
      %broadcast_in_dim3A_840 = arith.constant 4 : i32
      %broadcast_in_dim3A_841 = vector.broadcast %broadcast_in_dim3A_840 : i32 to vector<16xi32>
      %gather3A_842 = tpu.vector_load_idx %arg6[%add3A_824, %broadcast_in_dim3A_841, %rem3A_821] : memref<16x32x128xf32, #tpu.memory_space<vmem>>[vector<16xi32>, vector<16xi32>, vector<16xi32>], vector<16xf32>,
      tpu.vector_store_idx %arg7[%add3A_828, %broadcast_in_dim3A_841], %gather3A_842 masked %lt3A_4 : memref<256x32xf32, #tpu.memory_space<vmem>>[vector<16xi32>, vector<16xi32>], vector<16xf32>, vector<16xi1>
      %broadcast_in_dim3A_843 = arith.constant 5 : i32
      %broadcast_in_dim3A_844 = vector.broadcast %broadcast_in_dim3A_843 : i32 to vector<16xi32>
      %gather3A_845 = tpu.vector_load_idx %arg6[%add3A_824, %broadcast_in_dim3A_844, %rem3A_821] : memref<16x32x128xf32, #tpu.memory_space<vmem>>[vector<16xi32>, vector<16xi32>, vector<16xi32>], vector<16xf32>,
      tpu.vector_store_idx %arg7[%add3A_828, %broadcast_in_dim3A_844], %gather3A_845 masked %lt3A_4 : memref<256x32xf32, #tpu.memory_space<vmem>>[vector<16xi32>, vector<16xi32>], vector<16xf32>, vector<16xi1>
      %broadcast_in_dim3A_846 = arith.constant 6 : i32
      %broadcast_in_dim3A_847 = vector.broadcast %broadcast_in_dim3A_846 : i32 to vector<16xi32>
      %gather3A_848 = tpu.vector_load_idx %arg6[%add3A_824, %broadcast_in_dim3A_847, %rem3A_821] : memref<16x32x128xf32, #tpu.memory_space<vmem>>[vector<16xi32>, vector<16xi32>, vector<16xi32>], vector<16xf32>,
      tpu.vector_store_idx %arg7[%add3A_828, %broadcast_in_dim3A_847], %gather3A_848 masked %lt3A_4 : memref<256x32xf32, #tpu.memory_space<vmem>>[vector<16xi32>, vector<16xi32>], vector<16xf32>, vector<16xi1>
      %broadcast_in_dim3A_849 = arith.constant 7 : i32
      %broadcast_in_dim3A_850 = vector.broadcast %broadcast_in_dim3A_849 : i32 to vector<16xi32>
      %gather3A_851 = tpu.vector_load_idx %arg6[%add3A_824, %broadcast_in_dim3A_850, %rem3A_821] : memref<16x32x128xf32, #tpu.memory_space<vmem>>[vector<16xi32>, vector<16xi32>, vector<16xi32>], vector<16xf32>,
      tpu.vector_store_idx %arg7[%add3A_828, %broadcast_in_dim3A_850], %gather3A_851 masked %lt3A_4 : memref<256x32xf32, #tpu.memory_space<vmem>>[vector<16xi32>, vector<16xi32>], vector<16xf32>, vector<16xi1>
      %broadcast_in_dim3A_852 = arith.constant 8 : i32
      %broadcast_in_dim3A_853 = vector.broadcast %broadcast_in_dim3A_852 : i32 to vector<16xi32>
      %gather3A_854 = tpu.vector_load_idx %arg6[%add3A_824, %broadcast_in_dim3A_853, %rem3A_821] : memref<16x32x128xf32, #tpu.memory_space<vmem>>[vector<16xi32>, vector<16xi32>, vector<16xi32>], vector<16xf32>,
      tpu.vector_store_idx %arg7[%add3A_828, %broadcast_in_dim3A_853], %gather3A_854 masked %lt3A_4 : memref<256x32xf32, #tpu.memory_space<vmem>>[vector<16xi32>, vector<16xi32>], vector<16xf32>, vector<16xi1>
      %broadcast_in_dim3A_855 = arith.constant 9 : i32
      %broadcast_in_dim3A_856 = vector.broadcast %broadcast_in_dim3A_855 : i32 to vector<16xi32>
      %gather3A_857 = tpu.vector_load_idx %arg6[%add3A_824, %broadcast_in_dim3A_856, %rem3A_821] : memref<16x32x128xf32, #tpu.memory_space<vmem>>[vector<16xi32>, vector<16xi32>, vector<16xi32>], vector<16xf32>,
      tpu.vector_store_idx %arg7[%add3A_828, %broadcast_in_dim3A_856], %gather3A_857 masked %lt3A_4 : memref<256x32xf32, #tpu.memory_space<vmem>>[vector<16xi32>, vector<16xi32>], vector<16xf32>, vector<16xi1>
      %broadcast_in_dim3A_858 = arith.constant 10 : i32
      %broadcast_in_dim3A_859 = vector.broadcast %broadcast_in_dim3A_858 : i32 to vector<16xi32>
      %gather3A_860 = tpu.vector_load_idx %arg6[%add3A_824, %broadcast_in_dim3A_859, %rem3A_821] : memref<16x32x128xf32, #tpu.memory_space<vmem>>[vector<16xi32>, vector<16xi32>, vector<16xi32>], vector<16xf32>,
      tpu.vector_store_idx %arg7[%add3A_828, %broadcast_in_dim3A_859], %gather3A_860 masked %lt3A_4 : memref<256x32xf32, #tpu.memory_space<vmem>>[vector<16xi32>, vector<16xi32>], vector<16xf32>, vector<16xi1>
      %broadcast_in_dim3A_861 = arith.constant 11 : i32
      %broadcast_in_dim3A_862 = vector.broadcast %broadcast_in_dim3A_861 : i32 to vector<16xi32>
      %gather3A_863 = tpu.vector_load_idx %arg6[%add3A_824, %broadcast_in_dim3A_862, %rem3A_821] : memref<16x32x128xf32, #tpu.memory_space<vmem>>[vector<16xi32>, vector<16xi32>, vector<16xi32>], vector<16xf32>,
      tpu.vector_store_idx %arg7[%add3A_828, %broadcast_in_dim3A_862], %gather3A_863 masked %lt3A_4 : memref<256x32xf32, #tpu.memory_space<vmem>>[vector<16xi32>, vector<16xi32>], vector<16xf32>, vector<16xi1>
      %broadcast_in_dim3A_864 = arith.constant 12 : i32
      %broadcast_in_dim3A_865 = vector.broadcast %broadcast_in_dim3A_864 : i32 to vector<16xi32>
      %gather3A_866 = tpu.vector_load_idx %arg6[%add3A_824, %broadcast_in_dim3A_865, %rem3A_821] : memref<16x32x128xf32, #tpu.memory_space<vmem>>[vector<16xi32>, vector<16xi32>, vector<16xi32>], vector<16xf32>,
      tpu.vector_store_idx %arg7[%add3A_828, %broadcast_in_dim3A_865], %gather3A_866 masked %lt3A_4 : memref<256x32xf32, #tpu.memory_space<vmem>>[vector<16xi32>, vector<16xi32>], vector<16xf32>, vector<16xi1>
      %broadcast_in_dim3A_867 = arith.constant 13 : i32
      %broadcast_in_dim3A_868 = vector.broadcast %broadcast_in_dim3A_867 : i32 to vector<16xi32>
      %gather3A_869 = tpu.vector_load_idx %arg6[%add3A_824, %broadcast_in_dim3A_868, %rem3A_821] : memref<16x32x128xf32, #tpu.memory_space<vmem>>[vector<16xi32>, vector<16xi32>, vector<16xi32>], vector<16xf32>,
      tpu.vector_store_idx %arg7[%add3A_828, %broadcast_in_dim3A_868], %gather3A_869 masked %lt3A_4 : memref<256x32xf32, #tpu.memory_space<vmem>>[vector<16xi32>, vector<16xi32>], vector<16xf32>, vector<16xi1>
      %broadcast_in_dim3A_870 = arith.constant 14 : i32
      %broadcast_in_dim3A_871 = vector.broadcast %broadcast_in_dim3A_870 : i32 to vector<16xi32>
      %gather3A_872 = tpu.vector_load_idx %arg6[%add3A_824, %broadcast_in_dim3A_871, %rem3A_821] : memref<16x32x128xf32, #tpu.memory_space<vmem>>[vector<16xi32>, vector<16xi32>, vector<16xi32>], vector<16xf32>,
      tpu.vector_store_idx %arg7[%add3A_828, %broadcast_in_dim3A_871], %gather3A_872 masked %lt3A_4 : memref<256x32xf32, #tpu.memory_space<vmem>>[vector<16xi32>, vector<16xi32>], vector<16xf32>, vector<16xi1>
      %broadcast_in_dim3A_873 = arith.constant 15 : i32
      %broadcast_in_dim3A_874 = vector.broadcast %broadcast_in_dim3A_873 : i32 to vector<16xi32>
      %gather3A_875 = tpu.vector_load_idx %arg6[%add3A_824, %broadcast_in_dim3A_874, %rem3A_821] : memref<16x32x128xf32, #tpu.memory_space<vmem>>[vector<16xi32>, vector<16xi32>, vector<16xi32>], vector<16xf32>,
      tpu.vector_store_idx %arg7[%add3A_828, %broadcast_in_dim3A_874], %gather3A_875 masked %lt3A_4 : memref<256x32xf32, #tpu.memory_space<vmem>>[vector<16xi32>, vector<16xi32>], vector<16xf32>, vector<16xi1>
      %broadcast_in_dim3A_876 = arith.constant 16 : i32
      %broadcast_in_dim3A_877 = vector.broadcast %broadcast_in_dim3A_876 : i32 to vector<16xi32>
      %gather3A_878 = tpu.vector_load_idx %arg6[%add3A_824, %broadcast_in_dim3A_877, %rem3A_821] : memref<16x32x128xf32, #tpu.memory_space<vmem>>[vector<16xi32>, vector<16xi32>, vector<16xi32>], vector<16xf32>,
      tpu.vector_store_idx %arg7[%add3A_828, %broadcast_in_dim3A_877], %gather3A_878 masked %lt3A_4 : memref<256x32xf32, #tpu.memory_space<vmem>>[vector<16xi32>, vector<16xi32>], vector<16xf32>, vector<16xi1>
      %broadcast_in_dim3A_879 = arith.constant 17 : i32
      %broadcast_in_dim3A_880 = vector.broadcast %broadcast_in_dim3A_879 : i32 to vector<16xi32>
      %gather3A_881 = tpu.vector_load_idx %arg6[%add3A_824, %broadcast_in_dim3A_880, %rem3A_821] : memref<16x32x128xf32, #tpu.memory_space<vmem>>[vector<16xi32>, vector<16xi32>, vector<16xi32>], vector<16xf32>,
      tpu.vector_store_idx %arg7[%add3A_828, %broadcast_in_dim3A_880], %gather3A_881 masked %lt3A_4 : memref<256x32xf32, #tpu.memory_space<vmem>>[vector<16xi32>, vector<16xi32>], vector<16xf32>, vector<16xi1>
      %broadcast_in_dim3A_882 = arith.constant 18 : i32
      %broadcast_in_dim3A_883 = vector.broadcast %broadcast_in_dim3A_882 : i32 to vector<16xi32>
      %gather3A_884 = tpu.vector_load_idx %arg6[%add3A_824, %broadcast_in_dim3A_883, %rem3A_821] : memref<16x32x128xf32, #tpu.memory_space<vmem>>[vector<16xi32>, vector<16xi32>, vector<16xi32>], vector<16xf32>,
      tpu.vector_store_idx %arg7[%add3A_828, %broadcast_in_dim3A_883], %gather3A_884 masked %lt3A_4 : memref<256x32xf32, #tpu.memory_space<vmem>>[vector<16xi32>, vector<16xi32>], vector<16xf32>, vector<16xi1>
      %broadcast_in_dim3A_885 = arith.constant 19 : i32
      %broadcast_in_dim3A_886 = vector.broadcast %broadcast_in_dim3A_885 : i32 to vector<16xi32>
      %gather3A_887 = tpu.vector_load_idx %arg6[%add3A_824, %broadcast_in_dim3A_886, %rem3A_821] : memref<16x32x128xf32, #tpu.memory_space<vmem>>[vector<16xi32>, vector<16xi32>, vector<16xi32>], vector<16xf32>,
      tpu.vector_store_idx %arg7[%add3A_828, %broadcast_in_dim3A_886], %gather3A_887 masked %lt3A_4 : memref<256x32xf32, #tpu.memory_space<vmem>>[vector<16xi32>, vector<16xi32>], vector<16xf32>, vector<16xi1>
      %broadcast_in_dim3A_888 = arith.constant 20 : i32
      %broadcast_in_dim3A_889 = vector.broadcast %broadcast_in_dim3A_888 : i32 to vector<16xi32>
      %gather3A_890 = tpu.vector_load_idx %arg6[%add3A_824, %broadcast_in_dim3A_889, %rem3A_821] : memref<16x32x128xf32, #tpu.memory_space<vmem>>[vector<16xi32>, vector<16xi32>, vector<16xi32>], vector<16xf32>,
      tpu.vector_store_idx %arg7[%add3A_828, %broadcast_in_dim3A_889], %gather3A_890 masked %lt3A_4 : memref<256x32xf32, #tpu.memory_space<vmem>>[vector<16xi32>, vector<16xi32>], vector<16xf32>, vector<16xi1>
      %broadcast_in_dim3A_891 = arith.constant 21 : i32
      %broadcast_in_dim3A_892 = vector.broadcast %broadcast_in_dim3A_891 : i32 to vector<16xi32>
      %gather3A_893 = tpu.vector_load_idx %arg6[%add3A_824, %broadcast_in_dim3A_892, %rem3A_821] : memref<16x32x128xf32, #tpu.memory_space<vmem>>[vector<16xi32>, vector<16xi32>, vector<16xi32>], vector<16xf32>,
      tpu.vector_store_idx %arg7[%add3A_828, %broadcast_in_dim3A_892], %gather3A_893 masked %lt3A_4 : memref<256x32xf32, #tpu.memory_space<vmem>>[vector<16xi32>, vector<16xi32>], vector<16xf32>, vector<16xi1>
      %broadcast_in_dim3A_894 = arith.constant 22 : i32
      %broadcast_in_dim3A_895 = vector.broadcast %broadcast_in_dim3A_894 : i32 to vector<16xi32>
      %gather3A_896 = tpu.vector_load_idx %arg6[%add3A_824, %broadcast_in_dim3A_895, %rem3A_821] : memref<16x32x128xf32, #tpu.memory_space<vmem>>[vector<16xi32>, vector<16xi32>, vector<16xi32>], vector<16xf32>,
      tpu.vector_store_idx %arg7[%add3A_828, %broadcast_in_dim3A_895], %gather3A_896 masked %lt3A_4 : memref<256x32xf32, #tpu.memory_space<vmem>>[vector<16xi32>, vector<16xi32>], vector<16xf32>, vector<16xi1>
      %broadcast_in_dim3A_897 = arith.constant 23 : i32
      %broadcast_in_dim3A_898 = vector.broadcast %broadcast_in_dim3A_897 : i32 to vector<16xi32>
      %gather3A_899 = tpu.vector_load_idx %arg6[%add3A_824, %broadcast_in_dim3A_898, %rem3A_821] : memref<16x32x128xf32, #tpu.memory_space<vmem>>[vector<16xi32>, vector<16xi32>, vector<16xi32>], vector<16xf32>,
      tpu.vector_store_idx %arg7[%add3A_828, %broadcast_in_dim3A_898], %gather3A_899 masked %lt3A_4 : memref<256x32xf32, #tpu.memory_space<vmem>>[vector<16xi32>, vector<16xi32>], vector<16xf32>, vector<16xi1>
      %broadcast_in_dim3A_900 = arith.constant 24 : i32
      %broadcast_in_dim3A_901 = vector.broadcast %broadcast_in_dim3A_900 : i32 to vector<16xi32>
      %gather3A_902 = tpu.vector_load_idx %arg6[%add3A_824, %broadcast_in_dim3A_901, %rem3A_821] : memref<16x32x128xf32, #tpu.memory_space<vmem>>[vector<16xi32>, vector<16xi32>, vector<16xi32>], vector<16xf32>,
      tpu.vector_store_idx %arg7[%add3A_828, %broadcast_in_dim3A_901], %gather3A_902 masked %lt3A_4 : memref<256x32xf32, #tpu.memory_space<vmem>>[vector<16xi32>, vector<16xi32>], vector<16xf32>, vector<16xi1>
      %broadcast_in_dim3A_903 = arith.constant 25 : i32
      %broadcast_in_dim3A_904 = vector.broadcast %broadcast_in_dim3A_903 : i32 to vector<16xi32>
      %gather3A_905 = tpu.vector_load_idx %arg6[%add3A_824, %broadcast_in_dim3A_904, %rem3A_821] : memref<16x32x128xf32, #tpu.memory_space<vmem>>[vector<16xi32>, vector<16xi32>, vector<16xi32>], vector<16xf32>,
      tpu.vector_store_idx %arg7[%add3A_828, %broadcast_in_dim3A_904], %gather3A_905 masked %lt3A_4 : memref<256x32xf32, #tpu.memory_space<vmem>>[vector<16xi32>, vector<16xi32>], vector<16xf32>, vector<16xi1>
      %broadcast_in_dim3A_906 = arith.constant 26 : i32
      %broadcast_in_dim3A_907 = vector.broadcast %broadcast_in_dim3A_906 : i32 to vector<16xi32>
      %gather3A_908 = tpu.vector_load_idx %arg6[%add3A_824, %broadcast_in_dim3A_907, %rem3A_821] : memref<16x32x128xf32, #tpu.memory_space<vmem>>[vector<16xi32>, vector<16xi32>, vector<16xi32>], vector<16xf32>,
      tpu.vector_store_idx %arg7[%add3A_828, %broadcast_in_dim3A_907], %gather3A_908 masked %lt3A_4 : memref<256x32xf32, #tpu.memory_space<vmem>>[vector<16xi32>, vector<16xi32>], vector<16xf32>, vector<16xi1>
      %broadcast_in_dim3A_909 = arith.constant 27 : i32
      %broadcast_in_dim3A_910 = vector.broadcast %broadcast_in_dim3A_909 : i32 to vector<16xi32>
      %gather3A_911 = tpu.vector_load_idx %arg6[%add3A_824, %broadcast_in_dim3A_910, %rem3A_821] : memref<16x32x128xf32, #tpu.memory_space<vmem>>[vector<16xi32>, vector<16xi32>, vector<16xi32>], vector<16xf32>,
      tpu.vector_store_idx %arg7[%add3A_828, %broadcast_in_dim3A_910], %gather3A_911 masked %lt3A_4 : memref<256x32xf32, #tpu.memory_space<vmem>>[vector<16xi32>, vector<16xi32>], vector<16xf32>, vector<16xi1>
      %broadcast_in_dim3A_912 = arith.constant 28 : i32
      %broadcast_in_dim3A_913 = vector.broadcast %broadcast_in_dim3A_912 : i32 to vector<16xi32>
      %gather3A_914 = tpu.vector_load_idx %arg6[%add3A_824, %broadcast_in_dim3A_913, %rem3A_821] : memref<16x32x128xf32, #tpu.memory_space<vmem>>[vector<16xi32>, vector<16xi32>, vector<16xi32>], vector<16xf32>,
      tpu.vector_store_idx %arg7[%add3A_828, %broadcast_in_dim3A_913], %gather3A_914 masked %lt3A_4 : memref<256x32xf32, #tpu.memory_space<vmem>>[vector<16xi32>, vector<16xi32>], vector<16xf32>, vector<16xi1>
      %broadcast_in_dim3A_915 = arith.constant 29 : i32
      %broadcast_in_dim3A_916 = vector.broadcast %broadcast_in_dim3A_915 : i32 to vector<16xi32>
      %gather3A_917 = tpu.vector_load_idx %arg6[%add3A_824, %broadcast_in_dim3A_916, %rem3A_821] : memref<16x32x128xf32, #tpu.memory_space<vmem>>[vector<16xi32>, vector<16xi32>, vector<16xi32>], vector<16xf32>,
      tpu.vector_store_idx %arg7[%add3A_828, %broadcast_in_dim3A_916], %gather3A_917 masked %lt3A_4 : memref<256x32xf32, #tpu.memory_space<vmem>>[vector<16xi32>, vector<16xi32>], vector<16xf32>, vector<16xi1>
      %broadcast_in_dim3A_918 = arith.constant 30 : i32
      %broadcast_in_dim3A_919 = vector.broadcast %broadcast_in_dim3A_918 : i32 to vector<16xi32>
      %gather3A_920 = tpu.vector_load_idx %arg6[%add3A_824, %broadcast_in_dim3A_919, %rem3A_821] : memref<16x32x128xf32, #tpu.memory_space<vmem>>[vector<16xi32>, vector<16xi32>, vector<16xi32>], vector<16xf32>,
      tpu.vector_store_idx %arg7[%add3A_828, %broadcast_in_dim3A_919], %gather3A_920 masked %lt3A_4 : memref<256x32xf32, #tpu.memory_space<vmem>>[vector<16xi32>, vector<16xi32>], vector<16xf32>, vector<16xi1>
      %broadcast_in_dim3A_921 = arith.constant 31 : i32
      %broadcast_in_dim3A_922 = vector.broadcast %broadcast_in_dim3A_921 : i32 to vector<16xi32>
      %gather3A_923 = tpu.vector_load_idx %arg6[%add3A_824, %broadcast_in_dim3A_922, %rem3A_821] : memref<16x32x128xf32, #tpu.memory_space<vmem>>[vector<16xi32>, vector<16xi32>, vector<16xi32>], vector<16xf32>,
      tpu.vector_store_idx %arg7[%add3A_828, %broadcast_in_dim3A_922], %gather3A_923 masked %lt3A_4 : memref<256x32xf32, #tpu.memory_space<vmem>>[vector<16xi32>, vector<16xi32>], vector<16xf32>, vector<16xi1>
      %add3A_924 = arith.constant 1 : i32
      %add3A_925 = arith.addi %add3A_691, %add3A_924 : i32
      %lt3A_926 = arith.constant 32 : i32
      %lt3A_927 = arith.cmpi slt, %add3A_925, %lt3A_926 : i32
      %convert_element_type3A_928 = arith.extui %lt3A_927 : i1 to i32
      %cond3A_929 = arith.constant 0 : i32
      %cond3A_930 = arith.cmpi ne, %convert_element_type3A_928, %cond3A_929 : i32
      scf.if %cond3A_930 {
        %add3A_936 = arith.constant 0 : i32
        %add3A_937 = arith.addi %add3A_936, %add3A_691 : i32
        %add3A_938 = arith.constant 1 : i32
        %add3A_939 = arith.addi %add3A_937, %add3A_938 : i32
        %mul3A_940 = arith.constant 8 : i32
        %mul3A_941 = arith.muli %add3A_939, %mul3A_940 : i32
        %get3A_942 = arith.index_cast %mul3A_941 : i32 to index
        %get3A_943 = tpu.vector_load %arg5[%get3A_942] {strides = array<i32>} : memref<528xi32, #tpu.memory_space<vmem>>, vector<16xi32>,
        %slice3A_944 = vector.extract_strided_slice %get3A_943 {offsets = [0], sizes = [1], strides = [1]} : vector<16xi32> to vector<1xi32>
        %squeeze3A_945 = vector.extract %slice3A_944[0] : i32 from vector<1xi32>
        %jit3A_946 = arith.constant 128 : i32
        %div3A_947 = arith.divsi %squeeze3A_945, %jit3A_946 : i32
        %sign3A_948 = arith.constant 0 : i32
        %sign3A_949 = arith.cmpi sgt, %squeeze3A_945, %sign3A_948 : i32
        %sign3A_950 = arith.extui %sign3A_949 : i1 to i32
        %sign3A_951 = arith.constant 0 : i32
        %sign3A_952 = arith.cmpi slt, %squeeze3A_945, %sign3A_951 : i32
        %sign3A_953 = arith.extui %sign3A_952 : i1 to i32
        %sign3A_954 = arith.subi %sign3A_950, %sign3A_953 : i32
        %sign3A_955 = arith.constant 0 : i32
        %sign3A_956 = arith.cmpi sgt, %jit3A_946, %sign3A_955 : i32
        %sign3A_957 = arith.extui %sign3A_956 : i1 to i32
        %sign3A_958 = arith.constant 0 : i32
        %sign3A_959 = arith.cmpi slt, %jit3A_946, %sign3A_958 : i32
        %sign3A_960 = arith.extui %sign3A_959 : i1 to i32
        %sign3A_961 = arith.subi %sign3A_957, %sign3A_960 : i32
        %ne3A_962 = arith.cmpi ne, %sign3A_954, %sign3A_961 : i32
        %rem3A_963 = arith.remsi %squeeze3A_945, %jit3A_946 : i32
        %ne3A_964 = arith.constant 0 : i32
        %ne3A_965 = arith.cmpi ne, %rem3A_963, %ne3A_964 : i32
        %and3A_966 = arith.andi %ne3A_962, %ne3A_965 : i1
        %sub3A_967 = arith.constant 1 : i32
        %sub3A_968 = arith.subi %div3A_947, %sub3A_967 : i32
        %select_n3A_969 = arith.select %and3A_966, %sub3A_968, %div3A_947 : i32
        %mul3A_970 = arith.constant 128 : i32
        %mul3A_971 = arith.muli %select_n3A_969, %mul3A_970 : i32
        %multiple_of3A_972 = tpu.assume_multiple %mul3A_971, 128 : i32
        %dma_start3A_973 = arith.constant 0 : i32
        %dma_start3A_974 = arith.constant 0 : i32
        %dma_start3A_975 = arith.constant 0 : i32
        %dma_start3A_976 = tpu.memref_slice %arg6[%dma_start3A_973, %dma_start3A_974, %dma_start3A_975] : memref<16x32x128xf32, #tpu.memory_space<vmem>> -> memref<1x32x128xf32, #tpu.memory_space<vmem>>
        %dma_start3A_977 = tpu.memref_squeeze %dma_start3A_976 : memref<1x32x128xf32, #tpu.memory_space<vmem>> -> memref<32x128xf32, #tpu.memory_space<vmem>>
        %dma_start3A_978 = arith.constant 0 : i32
        %dma_start3A_979 = tpu.memref_slice %arg3[%dma_start3A_978, %multiple_of3A_972] : memref<32x1000000xf32, #tpu.memory_space<hbm>> -> memref<32x128xf32, #tpu.memory_space<hbm>>
        %dma_start3A_980 = arith.constant 0 : i32
        %dma_start3A_981 = arith.constant 0 : i32
        %dma_start3A_982 = tpu.memref_slice %arg6[%dma_start3A_973, %dma_start3A_980, %dma_start3A_981] : memref<16x32x128xf32, #tpu.memory_space<vmem>> -> memref<1x32x128xf32, #tpu.memory_space<vmem>>
        %dma_start3A_983 = tpu.memref_squeeze %dma_start3A_982 : memref<1x32x128xf32, #tpu.memory_space<vmem>> -> memref<32x128xf32, #tpu.memory_space<vmem>>
        %dma_start3A_984 = arith.constant 0 : i32
        %dma_start3A_985 = tpu.memref_slice %arg3[%dma_start3A_984, %multiple_of3A_972] : memref<32x1000000xf32, #tpu.memory_space<hbm>> -> memref<32x128xf32, #tpu.memory_space<hbm>>
        tpu.enqueue_dma source(%dma_start3A_985 : memref<32x128xf32, #tpu.memory_space<hbm>>) target(%dma_start3A_983 : memref<32x128xf32, #tpu.memory_space<vmem>>) target_semaphore(%arg8 : memref<!tpu.dma_semaphore, #tpu.memory_space<semaphore_mem>>)
        %slice3A_986 = vector.extract_strided_slice %get3A_943 {offsets = [1], sizes = [1], strides = [1]} : vector<16xi32> to vector<1xi32>
        %squeeze3A_987 = vector.extract %slice3A_986[0] : i32 from vector<1xi32>
        %jit3A_988 = arith.constant 128 : i32
        %div3A_989 = arith.divsi %squeeze3A_987, %jit3A_988 : i32
        %sign3A_990 = arith.constant 0 : i32
        %sign3A_991 = arith.cmpi sgt, %squeeze3A_987, %sign3A_990 : i32
        %sign3A_992 = arith.extui %sign3A_991 : i1 to i32
        %sign3A_993 = arith.constant 0 : i32
        %sign3A_994 = arith.cmpi slt, %squeeze3A_987, %sign3A_993 : i32
        %sign3A_995 = arith.extui %sign3A_994 : i1 to i32
        %sign3A_996 = arith.subi %sign3A_992, %sign3A_995 : i32
        %sign3A_997 = arith.constant 0 : i32
        %sign3A_998 = arith.cmpi sgt, %jit3A_988, %sign3A_997 : i32
        %sign3A_999 = arith.extui %sign3A_998 : i1 to i32
        %sign3A_1000 = arith.constant 0 : i32
        %sign3A_1001 = arith.cmpi slt, %jit3A_988, %sign3A_1000 : i32
        %sign3A_1002 = arith.extui %sign3A_1001 : i1 to i32
        %sign3A_1003 = arith.subi %sign3A_999, %sign3A_1002 : i32
        %ne3A_1004 = arith.cmpi ne, %sign3A_996, %sign3A_1003 : i32
        %rem3A_1005 = arith.remsi %squeeze3A_987, %jit3A_988 : i32
        %ne3A_1006 = arith.constant 0 : i32
        %ne3A_1007 = arith.cmpi ne, %rem3A_1005, %ne3A_1006 : i32
        %and3A_1008 = arith.andi %ne3A_1004, %ne3A_1007 : i1
        %sub3A_1009 = arith.constant 1 : i32
        %sub3A_1010 = arith.subi %div3A_989, %sub3A_1009 : i32
        %select_n3A_1011 = arith.select %and3A_1008, %sub3A_1010, %div3A_989 : i32
        %mul3A_1012 = arith.constant 128 : i32
        %mul3A_1013 = arith.muli %select_n3A_1011, %mul3A_1012 : i32
        %multiple_of3A_1014 = tpu.assume_multiple %mul3A_1013, 128 : i32
        %dma_start3A_1015 = arith.constant 1 : i32
        %dma_start3A_1016 = arith.constant 0 : i32
        %dma_start3A_1017 = arith.constant 0 : i32
        %dma_start3A_1018 = tpu.memref_slice %arg6[%dma_start3A_1015, %dma_start3A_1016, %dma_start3A_1017] : memref<16x32x128xf32, #tpu.memory_space<vmem>> -> memref<1x32x128xf32, #tpu.memory_space<vmem>>
        %dma_start3A_1019 = tpu.memref_squeeze %dma_start3A_1018 : memref<1x32x128xf32, #tpu.memory_space<vmem>> -> memref<32x128xf32, #tpu.memory_space<vmem>>
        %dma_start3A_1020 = arith.constant 0 : i32
        %dma_start3A_1021 = tpu.memref_slice %arg3[%dma_start3A_1020, %multiple_of3A_1014] : memref<32x1000000xf32, #tpu.memory_space<hbm>> -> memref<32x128xf32, #tpu.memory_space<hbm>>
        %dma_start3A_1022 = arith.constant 0 : i32
        %dma_start3A_1023 = arith.constant 0 : i32
        %dma_start3A_1024 = tpu.memref_slice %arg6[%dma_start3A_1015, %dma_start3A_1022, %dma_start3A_1023] : memref<16x32x128xf32, #tpu.memory_space<vmem>> -> memref<1x32x128xf32, #tpu.memory_space<vmem>>
        %dma_start3A_1025 = tpu.memref_squeeze %dma_start3A_1024 : memref<1x32x128xf32, #tpu.memory_space<vmem>> -> memref<32x128xf32, #tpu.memory_space<vmem>>
        %dma_start3A_1026 = arith.constant 0 : i32
        %dma_start3A_1027 = tpu.memref_slice %arg3[%dma_start3A_1026, %multiple_of3A_1014] : memref<32x1000000xf32, #tpu.memory_space<hbm>> -> memref<32x128xf32, #tpu.memory_space<hbm>>
        tpu.enqueue_dma source(%dma_start3A_1027 : memref<32x128xf32, #tpu.memory_space<hbm>>) target(%dma_start3A_1025 : memref<32x128xf32, #tpu.memory_space<vmem>>) target_semaphore(%arg8 : memref<!tpu.dma_semaphore, #tpu.memory_space<semaphore_mem>>)
        %slice3A_1028 = vector.extract_strided_slice %get3A_943 {offsets = [2], sizes = [1], strides = [1]} : vector<16xi32> to vector<1xi32>
        %squeeze3A_1029 = vector.extract %slice3A_1028[0] : i32 from vector<1xi32>
        %jit3A_1030 = arith.constant 128 : i32
        %div3A_1031 = arith.divsi %squeeze3A_1029, %jit3A_1030 : i32
        %sign3A_1032 = arith.constant 0 : i32
        %sign3A_1033 = arith.cmpi sgt, %squeeze3A_1029, %sign3A_1032 : i32
        %sign3A_1034 = arith.extui %sign3A_1033 : i1 to i32
        %sign3A_1035 = arith.constant 0 : i32
        %sign3A_1036 = arith.cmpi slt, %squeeze3A_1029, %sign3A_1035 : i32
        %sign3A_1037 = arith.extui %sign3A_1036 : i1 to i32
        %sign3A_1038 = arith.subi %sign3A_1034, %sign3A_1037 : i32
        %sign3A_1039 = arith.constant 0 : i32
        %sign3A_1040 = arith.cmpi sgt, %jit3A_1030, %sign3A_1039 : i32
        %sign3A_1041 = arith.extui %sign3A_1040 : i1 to i32
        %sign3A_1042 = arith.constant 0 : i32
        %sign3A_1043 = arith.cmpi slt, %jit3A_1030, %sign3A_1042 : i32
        %sign3A_1044 = arith.extui %sign3A_1043 : i1 to i32
        %sign3A_1045 = arith.subi %sign3A_1041, %sign3A_1044 : i32
        %ne3A_1046 = arith.cmpi ne, %sign3A_1038, %sign3A_1045 : i32
        %rem3A_1047 = arith.remsi %squeeze3A_1029, %jit3A_1030 : i32
        %ne3A_1048 = arith.constant 0 : i32
        %ne3A_1049 = arith.cmpi ne, %rem3A_1047, %ne3A_1048 : i32
        %and3A_1050 = arith.andi %ne3A_1046, %ne3A_1049 : i1
        %sub3A_1051 = arith.constant 1 : i32
        %sub3A_1052 = arith.subi %div3A_1031, %sub3A_1051 : i32
        %select_n3A_1053 = arith.select %and3A_1050, %sub3A_1052, %div3A_1031 : i32
        %mul3A_1054 = arith.constant 128 : i32
        %mul3A_1055 = arith.muli %select_n3A_1053, %mul3A_1054 : i32
        %multiple_of3A_1056 = tpu.assume_multiple %mul3A_1055, 128 : i32
        %dma_start3A_1057 = arith.constant 2 : i32
        %dma_start3A_1058 = arith.constant 0 : i32
        %dma_start3A_1059 = arith.constant 0 : i32
        %dma_start3A_1060 = tpu.memref_slice %arg6[%dma_start3A_1057, %dma_start3A_1058, %dma_start3A_1059] : memref<16x32x128xf32, #tpu.memory_space<vmem>> -> memref<1x32x128xf32, #tpu.memory_space<vmem>>
        %dma_start3A_1061 = tpu.memref_squeeze %dma_start3A_1060 : memref<1x32x128xf32, #tpu.memory_space<vmem>> -> memref<32x128xf32, #tpu.memory_space<vmem>>
        %dma_start3A_1062 = arith.constant 0 : i32
        %dma_start3A_1063 = tpu.memref_slice %arg3[%dma_start3A_1062, %multiple_of3A_1056] : memref<32x1000000xf32, #tpu.memory_space<hbm>> -> memref<32x128xf32, #tpu.memory_space<hbm>>
        %dma_start3A_1064 = arith.constant 0 : i32
        %dma_start3A_1065 = arith.constant 0 : i32
        %dma_start3A_1066 = tpu.memref_slice %arg6[%dma_start3A_1057, %dma_start3A_1064, %dma_start3A_1065] : memref<16x32x128xf32, #tpu.memory_space<vmem>> -> memref<1x32x128xf32, #tpu.memory_space<vmem>>
        %dma_start3A_1067 = tpu.memref_squeeze %dma_start3A_1066 : memref<1x32x128xf32, #tpu.memory_space<vmem>> -> memref<32x128xf32, #tpu.memory_space<vmem>>
        %dma_start3A_1068 = arith.constant 0 : i32
        %dma_start3A_1069 = tpu.memref_slice %arg3[%dma_start3A_1068, %multiple_of3A_1056] : memref<32x1000000xf32, #tpu.memory_space<hbm>> -> memref<32x128xf32, #tpu.memory_space<hbm>>
        tpu.enqueue_dma source(%dma_start3A_1069 : memref<32x128xf32, #tpu.memory_space<hbm>>) target(%dma_start3A_1067 : memref<32x128xf32, #tpu.memory_space<vmem>>) target_semaphore(%arg8 : memref<!tpu.dma_semaphore, #tpu.memory_space<semaphore_mem>>)
        %slice3A_1070 = vector.extract_strided_slice %get3A_943 {offsets = [3], sizes = [1], strides = [1]} : vector<16xi32> to vector<1xi32>
        %squeeze3A_1071 = vector.extract %slice3A_1070[0] : i32 from vector<1xi32>
        %jit3A_1072 = arith.constant 128 : i32
        %div3A_1073 = arith.divsi %squeeze3A_1071, %jit3A_1072 : i32
        %sign3A_1074 = arith.constant 0 : i32
        %sign3A_1075 = arith.cmpi sgt, %squeeze3A_1071, %sign3A_1074 : i32
        %sign3A_1076 = arith.extui %sign3A_1075 : i1 to i32
        %sign3A_1077 = arith.constant 0 : i32
        %sign3A_1078 = arith.cmpi slt, %squeeze3A_1071, %sign3A_1077 : i32
        %sign3A_1079 = arith.extui %sign3A_1078 : i1 to i32
        %sign3A_1080 = arith.subi %sign3A_1076, %sign3A_1079 : i32
        %sign3A_1081 = arith.constant 0 : i32
        %sign3A_1082 = arith.cmpi sgt, %jit3A_1072, %sign3A_1081 : i32
        %sign3A_1083 = arith.extui %sign3A_1082 : i1 to i32
        %sign3A_1084 = arith.constant 0 : i32
        %sign3A_1085 = arith.cmpi slt, %jit3A_1072, %sign3A_1084 : i32
        %sign3A_1086 = arith.extui %sign3A_1085 : i1 to i32
        %sign3A_1087 = arith.subi %sign3A_1083, %sign3A_1086 : i32
        %ne3A_1088 = arith.cmpi ne, %sign3A_1080, %sign3A_1087 : i32
        %rem3A_1089 = arith.remsi %squeeze3A_1071, %jit3A_1072 : i32
        %ne3A_1090 = arith.constant 0 : i32
        %ne3A_1091 = arith.cmpi ne, %rem3A_1089, %ne3A_1090 : i32
        %and3A_1092 = arith.andi %ne3A_1088, %ne3A_1091 : i1
        %sub3A_1093 = arith.constant 1 : i32
        %sub3A_1094 = arith.subi %div3A_1073, %sub3A_1093 : i32
        %select_n3A_1095 = arith.select %and3A_1092, %sub3A_1094, %div3A_1073 : i32
        %mul3A_1096 = arith.constant 128 : i32
        %mul3A_1097 = arith.muli %select_n3A_1095, %mul3A_1096 : i32
        %multiple_of3A_1098 = tpu.assume_multiple %mul3A_1097, 128 : i32
        %dma_start3A_1099 = arith.constant 3 : i32
        %dma_start3A_1100 = arith.constant 0 : i32
        %dma_start3A_1101 = arith.constant 0 : i32
        %dma_start3A_1102 = tpu.memref_slice %arg6[%dma_start3A_1099, %dma_start3A_1100, %dma_start3A_1101] : memref<16x32x128xf32, #tpu.memory_space<vmem>> -> memref<1x32x128xf32, #tpu.memory_space<vmem>>
        %dma_start3A_1103 = tpu.memref_squeeze %dma_start3A_1102 : memref<1x32x128xf32, #tpu.memory_space<vmem>> -> memref<32x128xf32, #tpu.memory_space<vmem>>
        %dma_start3A_1104 = arith.constant 0 : i32
        %dma_start3A_1105 = tpu.memref_slice %arg3[%dma_start3A_1104, %multiple_of3A_1098] : memref<32x1000000xf32, #tpu.memory_space<hbm>> -> memref<32x128xf32, #tpu.memory_space<hbm>>
        %dma_start3A_1106 = arith.constant 0 : i32
        %dma_start3A_1107 = arith.constant 0 : i32
        %dma_start3A_1108 = tpu.memref_slice %arg6[%dma_start3A_1099, %dma_start3A_1106, %dma_start3A_1107] : memref<16x32x128xf32, #tpu.memory_space<vmem>> -> memref<1x32x128xf32, #tpu.memory_space<vmem>>
        %dma_start3A_1109 = tpu.memref_squeeze %dma_start3A_1108 : memref<1x32x128xf32, #tpu.memory_space<vmem>> -> memref<32x128xf32, #tpu.memory_space<vmem>>
        %dma_start3A_1110 = arith.constant 0 : i32
        %dma_start3A_1111 = tpu.memref_slice %arg3[%dma_start3A_1110, %multiple_of3A_1098] : memref<32x1000000xf32, #tpu.memory_space<hbm>> -> memref<32x128xf32, #tpu.memory_space<hbm>>
        tpu.enqueue_dma source(%dma_start3A_1111 : memref<32x128xf32, #tpu.memory_space<hbm>>) target(%dma_start3A_1109 : memref<32x128xf32, #tpu.memory_space<vmem>>) target_semaphore(%arg8 : memref<!tpu.dma_semaphore, #tpu.memory_space<semaphore_mem>>)
        %slice3A_1112 = vector.extract_strided_slice %get3A_943 {offsets = [4], sizes = [1], strides = [1]} : vector<16xi32> to vector<1xi32>
        %squeeze3A_1113 = vector.extract %slice3A_1112[0] : i32 from vector<1xi32>
        %jit3A_1114 = arith.constant 128 : i32
        %div3A_1115 = arith.divsi %squeeze3A_1113, %jit3A_1114 : i32
        %sign3A_1116 = arith.constant 0 : i32
        %sign3A_1117 = arith.cmpi sgt, %squeeze3A_1113, %sign3A_1116 : i32
        %sign3A_1118 = arith.extui %sign3A_1117 : i1 to i32
        %sign3A_1119 = arith.constant 0 : i32
        %sign3A_1120 = arith.cmpi slt, %squeeze3A_1113, %sign3A_1119 : i32
        %sign3A_1121 = arith.extui %sign3A_1120 : i1 to i32
        %sign3A_1122 = arith.subi %sign3A_1118, %sign3A_1121 : i32
        %sign3A_1123 = arith.constant 0 : i32
        %sign3A_1124 = arith.cmpi sgt, %jit3A_1114, %sign3A_1123 : i32
        %sign3A_1125 = arith.extui %sign3A_1124 : i1 to i32
        %sign3A_1126 = arith.constant 0 : i32
        %sign3A_1127 = arith.cmpi slt, %jit3A_1114, %sign3A_1126 : i32
        %sign3A_1128 = arith.extui %sign3A_1127 : i1 to i32
        %sign3A_1129 = arith.subi %sign3A_1125, %sign3A_1128 : i32
        %ne3A_1130 = arith.cmpi ne, %sign3A_1122, %sign3A_1129 : i32
        %rem3A_1131 = arith.remsi %squeeze3A_1113, %jit3A_1114 : i32
        %ne3A_1132 = arith.constant 0 : i32
        %ne3A_1133 = arith.cmpi ne, %rem3A_1131, %ne3A_1132 : i32
        %and3A_1134 = arith.andi %ne3A_1130, %ne3A_1133 : i1
        %sub3A_1135 = arith.constant 1 : i32
        %sub3A_1136 = arith.subi %div3A_1115, %sub3A_1135 : i32
        %select_n3A_1137 = arith.select %and3A_1134, %sub3A_1136, %div3A_1115 : i32
        %mul3A_1138 = arith.constant 128 : i32
        %mul3A_1139 = arith.muli %select_n3A_1137, %mul3A_1138 : i32
        %multiple_of3A_1140 = tpu.assume_multiple %mul3A_1139, 128 : i32
        %dma_start3A_1141 = arith.constant 4 : i32
        %dma_start3A_1142 = arith.constant 0 : i32
        %dma_start3A_1143 = arith.constant 0 : i32
        %dma_start3A_1144 = tpu.memref_slice %arg6[%dma_start3A_1141, %dma_start3A_1142, %dma_start3A_1143] : memref<16x32x128xf32, #tpu.memory_space<vmem>> -> memref<1x32x128xf32, #tpu.memory_space<vmem>>
        %dma_start3A_1145 = tpu.memref_squeeze %dma_start3A_1144 : memref<1x32x128xf32, #tpu.memory_space<vmem>> -> memref<32x128xf32, #tpu.memory_space<vmem>>
        %dma_start3A_1146 = arith.constant 0 : i32
        %dma_start3A_1147 = tpu.memref_slice %arg3[%dma_start3A_1146, %multiple_of3A_1140] : memref<32x1000000xf32, #tpu.memory_space<hbm>> -> memref<32x128xf32, #tpu.memory_space<hbm>>
        %dma_start3A_1148 = arith.constant 0 : i32
        %dma_start3A_1149 = arith.constant 0 : i32
        %dma_start3A_1150 = tpu.memref_slice %arg6[%dma_start3A_1141, %dma_start3A_1148, %dma_start3A_1149] : memref<16x32x128xf32, #tpu.memory_space<vmem>> -> memref<1x32x128xf32, #tpu.memory_space<vmem>>
        %dma_start3A_1151 = tpu.memref_squeeze %dma_start3A_1150 : memref<1x32x128xf32, #tpu.memory_space<vmem>> -> memref<32x128xf32, #tpu.memory_space<vmem>>
        %dma_start3A_1152 = arith.constant 0 : i32
        %dma_start3A_1153 = tpu.memref_slice %arg3[%dma_start3A_1152, %multiple_of3A_1140] : memref<32x1000000xf32, #tpu.memory_space<hbm>> -> memref<32x128xf32, #tpu.memory_space<hbm>>
        tpu.enqueue_dma source(%dma_start3A_1153 : memref<32x128xf32, #tpu.memory_space<hbm>>) target(%dma_start3A_1151 : memref<32x128xf32, #tpu.memory_space<vmem>>) target_semaphore(%arg8 : memref<!tpu.dma_semaphore, #tpu.memory_space<semaphore_mem>>)
        %slice3A_1154 = vector.extract_strided_slice %get3A_943 {offsets = [5], sizes = [1], strides = [1]} : vector<16xi32> to vector<1xi32>
        %squeeze3A_1155 = vector.extract %slice3A_1154[0] : i32 from vector<1xi32>
        %jit3A_1156 = arith.constant 128 : i32
        %div3A_1157 = arith.divsi %squeeze3A_1155, %jit3A_1156 : i32
        %sign3A_1158 = arith.constant 0 : i32
        %sign3A_1159 = arith.cmpi sgt, %squeeze3A_1155, %sign3A_1158 : i32
        %sign3A_1160 = arith.extui %sign3A_1159 : i1 to i32
        %sign3A_1161 = arith.constant 0 : i32
        %sign3A_1162 = arith.cmpi slt, %squeeze3A_1155, %sign3A_1161 : i32
        %sign3A_1163 = arith.extui %sign3A_1162 : i1 to i32
        %sign3A_1164 = arith.subi %sign3A_1160, %sign3A_1163 : i32
        %sign3A_1165 = arith.constant 0 : i32
        %sign3A_1166 = arith.cmpi sgt, %jit3A_1156, %sign3A_1165 : i32
        %sign3A_1167 = arith.extui %sign3A_1166 : i1 to i32
        %sign3A_1168 = arith.constant 0 : i32
        %sign3A_1169 = arith.cmpi slt, %jit3A_1156, %sign3A_1168 : i32
        %sign3A_1170 = arith.extui %sign3A_1169 : i1 to i32
        %sign3A_1171 = arith.subi %sign3A_1167, %sign3A_1170 : i32
        %ne3A_1172 = arith.cmpi ne, %sign3A_1164, %sign3A_1171 : i32
        %rem3A_1173 = arith.remsi %squeeze3A_1155, %jit3A_1156 : i32
        %ne3A_1174 = arith.constant 0 : i32
        %ne3A_1175 = arith.cmpi ne, %rem3A_1173, %ne3A_1174 : i32
        %and3A_1176 = arith.andi %ne3A_1172, %ne3A_1175 : i1
        %sub3A_1177 = arith.constant 1 : i32
        %sub3A_1178 = arith.subi %div3A_1157, %sub3A_1177 : i32
        %select_n3A_1179 = arith.select %and3A_1176, %sub3A_1178, %div3A_1157 : i32
        %mul3A_1180 = arith.constant 128 : i32
        %mul3A_1181 = arith.muli %select_n3A_1179, %mul3A_1180 : i32
        %multiple_of3A_1182 = tpu.assume_multiple %mul3A_1181, 128 : i32
        %dma_start3A_1183 = arith.constant 5 : i32
        %dma_start3A_1184 = arith.constant 0 : i32
        %dma_start3A_1185 = arith.constant 0 : i32
        %dma_start3A_1186 = tpu.memref_slice %arg6[%dma_start3A_1183, %dma_start3A_1184, %dma_start3A_1185] : memref<16x32x128xf32, #tpu.memory_space<vmem>> -> memref<1x32x128xf32, #tpu.memory_space<vmem>>
        %dma_start3A_1187 = tpu.memref_squeeze %dma_start3A_1186 : memref<1x32x128xf32, #tpu.memory_space<vmem>> -> memref<32x128xf32, #tpu.memory_space<vmem>>
        %dma_start3A_1188 = arith.constant 0 : i32
        %dma_start3A_1189 = tpu.memref_slice %arg3[%dma_start3A_1188, %multiple_of3A_1182] : memref<32x1000000xf32, #tpu.memory_space<hbm>> -> memref<32x128xf32, #tpu.memory_space<hbm>>
        %dma_start3A_1190 = arith.constant 0 : i32
        %dma_start3A_1191 = arith.constant 0 : i32
        %dma_start3A_1192 = tpu.memref_slice %arg6[%dma_start3A_1183, %dma_start3A_1190, %dma_start3A_1191] : memref<16x32x128xf32, #tpu.memory_space<vmem>> -> memref<1x32x128xf32, #tpu.memory_space<vmem>>
        %dma_start3A_1193 = tpu.memref_squeeze %dma_start3A_1192 : memref<1x32x128xf32, #tpu.memory_space<vmem>> -> memref<32x128xf32, #tpu.memory_space<vmem>>
        %dma_start3A_1194 = arith.constant 0 : i32
        %dma_start3A_1195 = tpu.memref_slice %arg3[%dma_start3A_1194, %multiple_of3A_1182] : memref<32x1000000xf32, #tpu.memory_space<hbm>> -> memref<32x128xf32, #tpu.memory_space<hbm>>
        tpu.enqueue_dma source(%dma_start3A_1195 : memref<32x128xf32, #tpu.memory_space<hbm>>) target(%dma_start3A_1193 : memref<32x128xf32, #tpu.memory_space<vmem>>) target_semaphore(%arg8 : memref<!tpu.dma_semaphore, #tpu.memory_space<semaphore_mem>>)
        %slice3A_1196 = vector.extract_strided_slice %get3A_943 {offsets = [6], sizes = [1], strides = [1]} : vector<16xi32> to vector<1xi32>
        %squeeze3A_1197 = vector.extract %slice3A_1196[0] : i32 from vector<1xi32>
        %jit3A_1198 = arith.constant 128 : i32
        %div3A_1199 = arith.divsi %squeeze3A_1197, %jit3A_1198 : i32
        %sign3A_1200 = arith.constant 0 : i32
        %sign3A_1201 = arith.cmpi sgt, %squeeze3A_1197, %sign3A_1200 : i32
        %sign3A_1202 = arith.extui %sign3A_1201 : i1 to i32
        %sign3A_1203 = arith.constant 0 : i32
        %sign3A_1204 = arith.cmpi slt, %squeeze3A_1197, %sign3A_1203 : i32
        %sign3A_1205 = arith.extui %sign3A_1204 : i1 to i32
        %sign3A_1206 = arith.subi %sign3A_1202, %sign3A_1205 : i32
        %sign3A_1207 = arith.constant 0 : i32
        %sign3A_1208 = arith.cmpi sgt, %jit3A_1198, %sign3A_1207 : i32
        %sign3A_1209 = arith.extui %sign3A_1208 : i1 to i32
        %sign3A_1210 = arith.constant 0 : i32
        %sign3A_1211 = arith.cmpi slt, %jit3A_1198, %sign3A_1210 : i32
        %sign3A_1212 = arith.extui %sign3A_1211 : i1 to i32
        %sign3A_1213 = arith.subi %sign3A_1209, %sign3A_1212 : i32
        %ne3A_1214 = arith.cmpi ne, %sign3A_1206, %sign3A_1213 : i32
        %rem3A_1215 = arith.remsi %squeeze3A_1197, %jit3A_1198 : i32
        %ne3A_1216 = arith.constant 0 : i32
        %ne3A_1217 = arith.cmpi ne, %rem3A_1215, %ne3A_1216 : i32
        %and3A_1218 = arith.andi %ne3A_1214, %ne3A_1217 : i1
        %sub3A_1219 = arith.constant 1 : i32
        %sub3A_1220 = arith.subi %div3A_1199, %sub3A_1219 : i32
        %select_n3A_1221 = arith.select %and3A_1218, %sub3A_1220, %div3A_1199 : i32
        %mul3A_1222 = arith.constant 128 : i32
        %mul3A_1223 = arith.muli %select_n3A_1221, %mul3A_1222 : i32
        %multiple_of3A_1224 = tpu.assume_multiple %mul3A_1223, 128 : i32
        %dma_start3A_1225 = arith.constant 6 : i32
        %dma_start3A_1226 = arith.constant 0 : i32
        %dma_start3A_1227 = arith.constant 0 : i32
        %dma_start3A_1228 = tpu.memref_slice %arg6[%dma_start3A_1225, %dma_start3A_1226, %dma_start3A_1227] : memref<16x32x128xf32, #tpu.memory_space<vmem>> -> memref<1x32x128xf32, #tpu.memory_space<vmem>>
        %dma_start3A_1229 = tpu.memref_squeeze %dma_start3A_1228 : memref<1x32x128xf32, #tpu.memory_space<vmem>> -> memref<32x128xf32, #tpu.memory_space<vmem>>
        %dma_start3A_1230 = arith.constant 0 : i32
        %dma_start3A_1231 = tpu.memref_slice %arg3[%dma_start3A_1230, %multiple_of3A_1224] : memref<32x1000000xf32, #tpu.memory_space<hbm>> -> memref<32x128xf32, #tpu.memory_space<hbm>>
        %dma_start3A_1232 = arith.constant 0 : i32
        %dma_start3A_1233 = arith.constant 0 : i32
        %dma_start3A_1234 = tpu.memref_slice %arg6[%dma_start3A_1225, %dma_start3A_1232, %dma_start3A_1233] : memref<16x32x128xf32, #tpu.memory_space<vmem>> -> memref<1x32x128xf32, #tpu.memory_space<vmem>>
        %dma_start3A_1235 = tpu.memref_squeeze %dma_start3A_1234 : memref<1x32x128xf32, #tpu.memory_space<vmem>> -> memref<32x128xf32, #tpu.memory_space<vmem>>
        %dma_start3A_1236 = arith.constant 0 : i32
        %dma_start3A_1237 = tpu.memref_slice %arg3[%dma_start3A_1236, %multiple_of3A_1224] : memref<32x1000000xf32, #tpu.memory_space<hbm>> -> memref<32x128xf32, #tpu.memory_space<hbm>>
        tpu.enqueue_dma source(%dma_start3A_1237 : memref<32x128xf32, #tpu.memory_space<hbm>>) target(%dma_start3A_1235 : memref<32x128xf32, #tpu.memory_space<vmem>>) target_semaphore(%arg8 : memref<!tpu.dma_semaphore, #tpu.memory_space<semaphore_mem>>)
        %slice3A_1238 = vector.extract_strided_slice %get3A_943 {offsets = [7], sizes = [1], strides = [1]} : vector<16xi32> to vector<1xi32>
        %squeeze3A_1239 = vector.extract %slice3A_1238[0] : i32 from vector<1xi32>
        %jit3A_1240 = arith.constant 128 : i32
        %div3A_1241 = arith.divsi %squeeze3A_1239, %jit3A_1240 : i32
        %sign3A_1242 = arith.constant 0 : i32
        %sign3A_1243 = arith.cmpi sgt, %squeeze3A_1239, %sign3A_1242 : i32
        %sign3A_1244 = arith.extui %sign3A_1243 : i1 to i32
        %sign3A_1245 = arith.constant 0 : i32
        %sign3A_1246 = arith.cmpi slt, %squeeze3A_1239, %sign3A_1245 : i32
        %sign3A_1247 = arith.extui %sign3A_1246 : i1 to i32
        %sign3A_1248 = arith.subi %sign3A_1244, %sign3A_1247 : i32
        %sign3A_1249 = arith.constant 0 : i32
        %sign3A_1250 = arith.cmpi sgt, %jit3A_1240, %sign3A_1249 : i32
        %sign3A_1251 = arith.extui %sign3A_1250 : i1 to i32
        %sign3A_1252 = arith.constant 0 : i32
        %sign3A_1253 = arith.cmpi slt, %jit3A_1240, %sign3A_1252 : i32
        %sign3A_1254 = arith.extui %sign3A_1253 : i1 to i32
        %sign3A_1255 = arith.subi %sign3A_1251, %sign3A_1254 : i32
        %ne3A_1256 = arith.cmpi ne, %sign3A_1248, %sign3A_1255 : i32
        %rem3A_1257 = arith.remsi %squeeze3A_1239, %jit3A_1240 : i32
        %ne3A_1258 = arith.constant 0 : i32
        %ne3A_1259 = arith.cmpi ne, %rem3A_1257, %ne3A_1258 : i32
        %and3A_1260 = arith.andi %ne3A_1256, %ne3A_1259 : i1
        %sub3A_1261 = arith.constant 1 : i32
        %sub3A_1262 = arith.subi %div3A_1241, %sub3A_1261 : i32
        %select_n3A_1263 = arith.select %and3A_1260, %sub3A_1262, %div3A_1241 : i32
        %mul3A_1264 = arith.constant 128 : i32
        %mul3A_1265 = arith.muli %select_n3A_1263, %mul3A_1264 : i32
        %multiple_of3A_1266 = tpu.assume_multiple %mul3A_1265, 128 : i32
        %dma_start3A_1267 = arith.constant 7 : i32
        %dma_start3A_1268 = arith.constant 0 : i32
        %dma_start3A_1269 = arith.constant 0 : i32
        %dma_start3A_1270 = tpu.memref_slice %arg6[%dma_start3A_1267, %dma_start3A_1268, %dma_start3A_1269] : memref<16x32x128xf32, #tpu.memory_space<vmem>> -> memref<1x32x128xf32, #tpu.memory_space<vmem>>
        %dma_start3A_1271 = tpu.memref_squeeze %dma_start3A_1270 : memref<1x32x128xf32, #tpu.memory_space<vmem>> -> memref<32x128xf32, #tpu.memory_space<vmem>>
        %dma_start3A_1272 = arith.constant 0 : i32
        %dma_start3A_1273 = tpu.memref_slice %arg3[%dma_start3A_1272, %multiple_of3A_1266] : memref<32x1000000xf32, #tpu.memory_space<hbm>> -> memref<32x128xf32, #tpu.memory_space<hbm>>
        %dma_start3A_1274 = arith.constant 0 : i32
        %dma_start3A_1275 = arith.constant 0 : i32
        %dma_start3A_1276 = tpu.memref_slice %arg6[%dma_start3A_1267, %dma_start3A_1274, %dma_start3A_1275] : memref<16x32x128xf32, #tpu.memory_space<vmem>> -> memref<1x32x128xf32, #tpu.memory_space<vmem>>
        %dma_start3A_1277 = tpu.memref_squeeze %dma_start3A_1276 : memref<1x32x128xf32, #tpu.memory_space<vmem>> -> memref<32x128xf32, #tpu.memory_space<vmem>>
        %dma_start3A_1278 = arith.constant 0 : i32
        %dma_start3A_1279 = tpu.memref_slice %arg3[%dma_start3A_1278, %multiple_of3A_1266] : memref<32x1000000xf32, #tpu.memory_space<hbm>> -> memref<32x128xf32, #tpu.memory_space<hbm>>
        tpu.enqueue_dma source(%dma_start3A_1279 : memref<32x128xf32, #tpu.memory_space<hbm>>) target(%dma_start3A_1277 : memref<32x128xf32, #tpu.memory_space<vmem>>) target_semaphore(%arg8 : memref<!tpu.dma_semaphore, #tpu.memory_space<semaphore_mem>>)
      } else {
      }
      %lt3A_931 = arith.constant 32 : i32
      %lt3A_932 = arith.cmpi slt, %add3A_691, %lt3A_931 : i32
      %convert_element_type3A_933 = arith.extui %lt3A_932 : i1 to i32
      %cond3A_934 = arith.constant 0 : i32
      %cond3A_935 = arith.cmpi ne, %convert_element_type3A_933, %cond3A_934 : i32
      scf.if %cond3A_935 {
        %dma_wait3A_936 = arith.constant 8 : i32
        %dma_wait3A_937 = arith.constant 0 : i32
        %dma_wait3A_938 = arith.constant 0 : i32
        %dma_wait3A_939 = tpu.memref_slice %arg6[%dma_wait3A_936, %dma_wait3A_937, %dma_wait3A_938] : memref<16x32x128xf32, #tpu.memory_space<vmem>> -> memref<1x32x128xf32, #tpu.memory_space<vmem>>
        %dma_wait3A_940 = tpu.memref_squeeze %dma_wait3A_939 : memref<1x32x128xf32, #tpu.memory_space<vmem>> -> memref<32x128xf32, #tpu.memory_space<vmem>>
        %dma_wait3A_941 = arith.constant 0 : i32
        %dma_wait3A_942 = arith.constant 0 : i32
        %dma_wait3A_943 = tpu.memref_slice %arg3[%dma_wait3A_941, %dma_wait3A_942] : memref<32x1000000xf32, #tpu.memory_space<hbm>> -> memref<32x128xf32, #tpu.memory_space<hbm>>
        %dma_wait3A_944 = arith.constant 0 : i32
        %dma_wait3A_945 = arith.constant 0 : i32
        %dma_wait3A_946 = tpu.memref_slice %arg6[%dma_wait3A_936, %dma_wait3A_944, %dma_wait3A_945] : memref<16x32x128xf32, #tpu.memory_space<vmem>> -> memref<1x32x128xf32, #tpu.memory_space<vmem>>
        %dma_wait3A_947 = tpu.memref_squeeze %dma_wait3A_946 : memref<1x32x128xf32, #tpu.memory_space<vmem>> -> memref<32x128xf32, #tpu.memory_space<vmem>>
        %dma_wait3A_948 = arith.constant 0 : i32
        %dma_wait3A_949 = arith.constant 0 : i32
        %dma_wait3A_950 = tpu.memref_slice %arg3[%dma_wait3A_948, %dma_wait3A_949] : memref<32x1000000xf32, #tpu.memory_space<hbm>> -> memref<32x128xf32, #tpu.memory_space<hbm>>
        tpu.wait_dma2 semaphore(%arg9 : memref<!tpu.dma_semaphore, #tpu.memory_space<semaphore_mem>>) src(%dma_wait3A_950 : memref<32x128xf32, #tpu.memory_space<hbm>>) dst(%dma_wait3A_947 : memref<32x128xf32, #tpu.memory_space<vmem>>)
        %dma_wait3A_951 = arith.constant 9 : i32
        %dma_wait3A_952 = arith.constant 0 : i32
        %dma_wait3A_953 = arith.constant 0 : i32
        %dma_wait3A_954 = tpu.memref_slice %arg6[%dma_wait3A_951, %dma_wait3A_952, %dma_wait3A_953] : memref<16x32x128xf32, #tpu.memory_space<vmem>> -> memref<1x32x128xf32, #tpu.memory_space<vmem>>
        %dma_wait3A_955 = tpu.memref_squeeze %dma_wait3A_954 : memref<1x32x128xf32, #tpu.memory_space<vmem>> -> memref<32x128xf32, #tpu.memory_space<vmem>>
        %dma_wait3A_956 = arith.constant 0 : i32
        %dma_wait3A_957 = arith.constant 0 : i32
        %dma_wait3A_958 = tpu.memref_slice %arg3[%dma_wait3A_956, %dma_wait3A_957] : memref<32x1000000xf32, #tpu.memory_space<hbm>> -> memref<32x128xf32, #tpu.memory_space<hbm>>
        %dma_wait3A_959 = arith.constant 0 : i32
        %dma_wait3A_960 = arith.constant 0 : i32
        %dma_wait3A_961 = tpu.memref_slice %arg6[%dma_wait3A_951, %dma_wait3A_959, %dma_wait3A_960] : memref<16x32x128xf32, #tpu.memory_space<vmem>> -> memref<1x32x128xf32, #tpu.memory_space<vmem>>
        %dma_wait3A_962 = tpu.memref_squeeze %dma_wait3A_961 : memref<1x32x128xf32, #tpu.memory_space<vmem>> -> memref<32x128xf32, #tpu.memory_space<vmem>>
        %dma_wait3A_963 = arith.constant 0 : i32
        %dma_wait3A_964 = arith.constant 0 : i32
        %dma_wait3A_965 = tpu.memref_slice %arg3[%dma_wait3A_963, %dma_wait3A_964] : memref<32x1000000xf32, #tpu.memory_space<hbm>> -> memref<32x128xf32, #tpu.memory_space<hbm>>
        tpu.wait_dma2 semaphore(%arg9 : memref<!tpu.dma_semaphore, #tpu.memory_space<semaphore_mem>>) src(%dma_wait3A_965 : memref<32x128xf32, #tpu.memory_space<hbm>>) dst(%dma_wait3A_962 : memref<32x128xf32, #tpu.memory_space<vmem>>)
        %dma_wait3A_966 = arith.constant 10 : i32
        %dma_wait3A_967 = arith.constant 0 : i32
        %dma_wait3A_968 = arith.constant 0 : i32
        %dma_wait3A_969 = tpu.memref_slice %arg6[%dma_wait3A_966, %dma_wait3A_967, %dma_wait3A_968] : memref<16x32x128xf32, #tpu.memory_space<vmem>> -> memref<1x32x128xf32, #tpu.memory_space<vmem>>
        %dma_wait3A_970 = tpu.memref_squeeze %dma_wait3A_969 : memref<1x32x128xf32, #tpu.memory_space<vmem>> -> memref<32x128xf32, #tpu.memory_space<vmem>>
        %dma_wait3A_971 = arith.constant 0 : i32
        %dma_wait3A_972 = arith.constant 0 : i32
        %dma_wait3A_973 = tpu.memref_slice %arg3[%dma_wait3A_971, %dma_wait3A_972] : memref<32x1000000xf32, #tpu.memory_space<hbm>> -> memref<32x128xf32, #tpu.memory_space<hbm>>
        %dma_wait3A_974 = arith.constant 0 : i32
        %dma_wait3A_975 = arith.constant 0 : i32
        %dma_wait3A_976 = tpu.memref_slice %arg6[%dma_wait3A_966, %dma_wait3A_974, %dma_wait3A_975] : memref<16x32x128xf32, #tpu.memory_space<vmem>> -> memref<1x32x128xf32, #tpu.memory_space<vmem>>
        %dma_wait3A_977 = tpu.memref_squeeze %dma_wait3A_976 : memref<1x32x128xf32, #tpu.memory_space<vmem>> -> memref<32x128xf32, #tpu.memory_space<vmem>>
        %dma_wait3A_978 = arith.constant 0 : i32
        %dma_wait3A_979 = arith.constant 0 : i32
        %dma_wait3A_980 = tpu.memref_slice %arg3[%dma_wait3A_978, %dma_wait3A_979] : memref<32x1000000xf32, #tpu.memory_space<hbm>> -> memref<32x128xf32, #tpu.memory_space<hbm>>
        tpu.wait_dma2 semaphore(%arg9 : memref<!tpu.dma_semaphore, #tpu.memory_space<semaphore_mem>>) src(%dma_wait3A_980 : memref<32x128xf32, #tpu.memory_space<hbm>>) dst(%dma_wait3A_977 : memref<32x128xf32, #tpu.memory_space<vmem>>)
        %dma_wait3A_981 = arith.constant 11 : i32
        %dma_wait3A_982 = arith.constant 0 : i32
        %dma_wait3A_983 = arith.constant 0 : i32
        %dma_wait3A_984 = tpu.memref_slice %arg6[%dma_wait3A_981, %dma_wait3A_982, %dma_wait3A_983] : memref<16x32x128xf32, #tpu.memory_space<vmem>> -> memref<1x32x128xf32, #tpu.memory_space<vmem>>
        %dma_wait3A_985 = tpu.memref_squeeze %dma_wait3A_984 : memref<1x32x128xf32, #tpu.memory_space<vmem>> -> memref<32x128xf32, #tpu.memory_space<vmem>>
        %dma_wait3A_986 = arith.constant 0 : i32
        %dma_wait3A_987 = arith.constant 0 : i32
        %dma_wait3A_988 = tpu.memref_slice %arg3[%dma_wait3A_986, %dma_wait3A_987] : memref<32x1000000xf32, #tpu.memory_space<hbm>> -> memref<32x128xf32, #tpu.memory_space<hbm>>
        %dma_wait3A_989 = arith.constant 0 : i32
        %dma_wait3A_990 = arith.constant 0 : i32
        %dma_wait3A_991 = tpu.memref_slice %arg6[%dma_wait3A_981, %dma_wait3A_989, %dma_wait3A_990] : memref<16x32x128xf32, #tpu.memory_space<vmem>> -> memref<1x32x128xf32, #tpu.memory_space<vmem>>
        %dma_wait3A_992 = tpu.memref_squeeze %dma_wait3A_991 : memref<1x32x128xf32, #tpu.memory_space<vmem>> -> memref<32x128xf32, #tpu.memory_space<vmem>>
        %dma_wait3A_993 = arith.constant 0 : i32
        %dma_wait3A_994 = arith.constant 0 : i32
        %dma_wait3A_995 = tpu.memref_slice %arg3[%dma_wait3A_993, %dma_wait3A_994] : memref<32x1000000xf32, #tpu.memory_space<hbm>> -> memref<32x128xf32, #tpu.memory_space<hbm>>
        tpu.wait_dma2 semaphore(%arg9 : memref<!tpu.dma_semaphore, #tpu.memory_space<semaphore_mem>>) src(%dma_wait3A_995 : memref<32x128xf32, #tpu.memory_space<hbm>>) dst(%dma_wait3A_992 : memref<32x128xf32, #tpu.memory_space<vmem>>)
        %dma_wait3A_996 = arith.constant 12 : i32
        %dma_wait3A_997 = arith.constant 0 : i32
        %dma_wait3A_998 = arith.constant 0 : i32
        %dma_wait3A_999 = tpu.memref_slice %arg6[%dma_wait3A_996, %dma_wait3A_997, %dma_wait3A_998] : memref<16x32x128xf32, #tpu.memory_space<vmem>> -> memref<1x32x128xf32, #tpu.memory_space<vmem>>
        %dma_wait3A_1000 = tpu.memref_squeeze %dma_wait3A_999 : memref<1x32x128xf32, #tpu.memory_space<vmem>> -> memref<32x128xf32, #tpu.memory_space<vmem>>
        %dma_wait3A_1001 = arith.constant 0 : i32
        %dma_wait3A_1002 = arith.constant 0 : i32
        %dma_wait3A_1003 = tpu.memref_slice %arg3[%dma_wait3A_1001, %dma_wait3A_1002] : memref<32x1000000xf32, #tpu.memory_space<hbm>> -> memref<32x128xf32, #tpu.memory_space<hbm>>
        %dma_wait3A_1004 = arith.constant 0 : i32
        %dma_wait3A_1005 = arith.constant 0 : i32
        %dma_wait3A_1006 = tpu.memref_slice %arg6[%dma_wait3A_996, %dma_wait3A_1004, %dma_wait3A_1005] : memref<16x32x128xf32, #tpu.memory_space<vmem>> -> memref<1x32x128xf32, #tpu.memory_space<vmem>>
        %dma_wait3A_1007 = tpu.memref_squeeze %dma_wait3A_1006 : memref<1x32x128xf32, #tpu.memory_space<vmem>> -> memref<32x128xf32, #tpu.memory_space<vmem>>
        %dma_wait3A_1008 = arith.constant 0 : i32
        %dma_wait3A_1009 = arith.constant 0 : i32
        %dma_wait3A_1010 = tpu.memref_slice %arg3[%dma_wait3A_1008, %dma_wait3A_1009] : memref<32x1000000xf32, #tpu.memory_space<hbm>> -> memref<32x128xf32, #tpu.memory_space<hbm>>
        tpu.wait_dma2 semaphore(%arg9 : memref<!tpu.dma_semaphore, #tpu.memory_space<semaphore_mem>>) src(%dma_wait3A_1010 : memref<32x128xf32, #tpu.memory_space<hbm>>) dst(%dma_wait3A_1007 : memref<32x128xf32, #tpu.memory_space<vmem>>)
        %dma_wait3A_1011 = arith.constant 13 : i32
        %dma_wait3A_1012 = arith.constant 0 : i32
        %dma_wait3A_1013 = arith.constant 0 : i32
        %dma_wait3A_1014 = tpu.memref_slice %arg6[%dma_wait3A_1011, %dma_wait3A_1012, %dma_wait3A_1013] : memref<16x32x128xf32, #tpu.memory_space<vmem>> -> memref<1x32x128xf32, #tpu.memory_space<vmem>>
        %dma_wait3A_1015 = tpu.memref_squeeze %dma_wait3A_1014 : memref<1x32x128xf32, #tpu.memory_space<vmem>> -> memref<32x128xf32, #tpu.memory_space<vmem>>
        %dma_wait3A_1016 = arith.constant 0 : i32
        %dma_wait3A_1017 = arith.constant 0 : i32
        %dma_wait3A_1018 = tpu.memref_slice %arg3[%dma_wait3A_1016, %dma_wait3A_1017] : memref<32x1000000xf32, #tpu.memory_space<hbm>> -> memref<32x128xf32, #tpu.memory_space<hbm>>
        %dma_wait3A_1019 = arith.constant 0 : i32
        %dma_wait3A_1020 = arith.constant 0 : i32
        %dma_wait3A_1021 = tpu.memref_slice %arg6[%dma_wait3A_1011, %dma_wait3A_1019, %dma_wait3A_1020] : memref<16x32x128xf32, #tpu.memory_space<vmem>> -> memref<1x32x128xf32, #tpu.memory_space<vmem>>
        %dma_wait3A_1022 = tpu.memref_squeeze %dma_wait3A_1021 : memref<1x32x128xf32, #tpu.memory_space<vmem>> -> memref<32x128xf32, #tpu.memory_space<vmem>>
        %dma_wait3A_1023 = arith.constant 0 : i32
        %dma_wait3A_1024 = arith.constant 0 : i32
        %dma_wait3A_1025 = tpu.memref_slice %arg3[%dma_wait3A_1023, %dma_wait3A_1024] : memref<32x1000000xf32, #tpu.memory_space<hbm>> -> memref<32x128xf32, #tpu.memory_space<hbm>>
        tpu.wait_dma2 semaphore(%arg9 : memref<!tpu.dma_semaphore, #tpu.memory_space<semaphore_mem>>) src(%dma_wait3A_1025 : memref<32x128xf32, #tpu.memory_space<hbm>>) dst(%dma_wait3A_1022 : memref<32x128xf32, #tpu.memory_space<vmem>>)
        %dma_wait3A_1026 = arith.constant 14 : i32
        %dma_wait3A_1027 = arith.constant 0 : i32
        %dma_wait3A_1028 = arith.constant 0 : i32
        %dma_wait3A_1029 = tpu.memref_slice %arg6[%dma_wait3A_1026, %dma_wait3A_1027, %dma_wait3A_1028] : memref<16x32x128xf32, #tpu.memory_space<vmem>> -> memref<1x32x128xf32, #tpu.memory_space<vmem>>
        %dma_wait3A_1030 = tpu.memref_squeeze %dma_wait3A_1029 : memref<1x32x128xf32, #tpu.memory_space<vmem>> -> memref<32x128xf32, #tpu.memory_space<vmem>>
        %dma_wait3A_1031 = arith.constant 0 : i32
        %dma_wait3A_1032 = arith.constant 0 : i32
        %dma_wait3A_1033 = tpu.memref_slice %arg3[%dma_wait3A_1031, %dma_wait3A_1032] : memref<32x1000000xf32, #tpu.memory_space<hbm>> -> memref<32x128xf32, #tpu.memory_space<hbm>>
        %dma_wait3A_1034 = arith.constant 0 : i32
        %dma_wait3A_1035 = arith.constant 0 : i32
        %dma_wait3A_1036 = tpu.memref_slice %arg6[%dma_wait3A_1026, %dma_wait3A_1034, %dma_wait3A_1035] : memref<16x32x128xf32, #tpu.memory_space<vmem>> -> memref<1x32x128xf32, #tpu.memory_space<vmem>>
        %dma_wait3A_1037 = tpu.memref_squeeze %dma_wait3A_1036 : memref<1x32x128xf32, #tpu.memory_space<vmem>> -> memref<32x128xf32, #tpu.memory_space<vmem>>
        %dma_wait3A_1038 = arith.constant 0 : i32
        %dma_wait3A_1039 = arith.constant 0 : i32
        %dma_wait3A_1040 = tpu.memref_slice %arg3[%dma_wait3A_1038, %dma_wait3A_1039] : memref<32x1000000xf32, #tpu.memory_space<hbm>> -> memref<32x128xf32, #tpu.memory_space<hbm>>
        tpu.wait_dma2 semaphore(%arg9 : memref<!tpu.dma_semaphore, #tpu.memory_space<semaphore_mem>>) src(%dma_wait3A_1040 : memref<32x128xf32, #tpu.memory_space<hbm>>) dst(%dma_wait3A_1037 : memref<32x128xf32, #tpu.memory_space<vmem>>)
        %dma_wait3A_1041 = arith.constant 15 : i32
        %dma_wait3A_1042 = arith.constant 0 : i32
        %dma_wait3A_1043 = arith.constant 0 : i32
        %dma_wait3A_1044 = tpu.memref_slice %arg6[%dma_wait3A_1041, %dma_wait3A_1042, %dma_wait3A_1043] : memref<16x32x128xf32, #tpu.memory_space<vmem>> -> memref<1x32x128xf32, #tpu.memory_space<vmem>>
        %dma_wait3A_1045 = tpu.memref_squeeze %dma_wait3A_1044 : memref<1x32x128xf32, #tpu.memory_space<vmem>> -> memref<32x128xf32, #tpu.memory_space<vmem>>
        %dma_wait3A_1046 = arith.constant 0 : i32
        %dma_wait3A_1047 = arith.constant 0 : i32
        %dma_wait3A_1048 = tpu.memref_slice %arg3[%dma_wait3A_1046, %dma_wait3A_1047] : memref<32x1000000xf32, #tpu.memory_space<hbm>> -> memref<32x128xf32, #tpu.memory_space<hbm>>
        %dma_wait3A_1049 = arith.constant 0 : i32
        %dma_wait3A_1050 = arith.constant 0 : i32
        %dma_wait3A_1051 = tpu.memref_slice %arg6[%dma_wait3A_1041, %dma_wait3A_1049, %dma_wait3A_1050] : memref<16x32x128xf32, #tpu.memory_space<vmem>> -> memref<1x32x128xf32, #tpu.memory_space<vmem>>
        %dma_wait3A_1052 = tpu.memref_squeeze %dma_wait3A_1051 : memref<1x32x128xf32, #tpu.memory_space<vmem>> -> memref<32x128xf32, #tpu.memory_space<vmem>>
        %dma_wait3A_1053 = arith.constant 0 : i32
        %dma_wait3A_1054 = arith.constant 0 : i32
        %dma_wait3A_1055 = tpu.memref_slice %arg3[%dma_wait3A_1053, %dma_wait3A_1054] : memref<32x1000000xf32, #tpu.memory_space<hbm>> -> memref<32x128xf32, #tpu.memory_space<hbm>>
        tpu.wait_dma2 semaphore(%arg9 : memref<!tpu.dma_semaphore, #tpu.memory_space<semaphore_mem>>) src(%dma_wait3A_1055 : memref<32x128xf32, #tpu.memory_space<hbm>>) dst(%dma_wait3A_1052 : memref<32x128xf32, #tpu.memory_space<vmem>>)
        %add3A_1056 = arith.constant 0 : i32
        %add3A_1057 = arith.addi %add3A_1056, %add3A_691 : i32
        %mul3A_1058 = arith.constant 8 : i32
        %mul3A_1059 = arith.muli %add3A_1057, %mul3A_1058 : i32
        %get3A_1060 = arith.index_cast %mul3A_1059 : i32 to index
        %get3A_1061 = tpu.vector_load %arg5[%get3A_1060] {strides = array<i32>} : memref<528xi32, #tpu.memory_space<vmem>>, vector<16xi32>,
        %broadcast_in_dim3A_1062 = arith.constant 128 : i32
        %broadcast_in_dim3A_1063 = vector.broadcast %broadcast_in_dim3A_1062 : i32 to vector<16xi32>
        %rem3A_1064 = arith.remsi %get3A_1061, %broadcast_in_dim3A_1063 : vector<16xi32>
        %add3A_1065 = arith.constant 8 : i32
        %add3A_1066 = vector.broadcast %add3A_1065 : i32 to vector<16xi32>
        %add3A_1067 = arith.addi %iota3A, %add3A_1066 : vector<16xi32>
        %mul3A_1068 = arith.constant 8 : i32
        %mul3A_1069 = arith.muli %add3A_691, %mul3A_1068 : i32
        %add3A_1070 = vector.broadcast %mul3A_1069 : i32 to vector<16xi32>
        %add3A_1071 = arith.addi %add3A_1070, %iota3A : vector<16xi32>
        %broadcast_in_dim3A_1072 = arith.constant 0 : i32
        %broadcast_in_dim3A_1073 = vector.broadcast %broadcast_in_dim3A_1072 : i32 to vector<16xi32>
        %gather3A_1074 = tpu.vector_load_idx %arg6[%add3A_1067, %broadcast_in_dim3A_1073, %rem3A_1064] : memref<16x32x128xf32, #tpu.memory_space<vmem>>[vector<16xi32>, vector<16xi32>, vector<16xi32>], vector<16xf32>,
        tpu.vector_store_idx %arg7[%add3A_1071, %broadcast_in_dim3A_1073], %gather3A_1074 masked %lt3A_4 : memref<256x32xf32, #tpu.memory_space<vmem>>[vector<16xi32>, vector<16xi32>], vector<16xf32>, vector<16xi1>
        %broadcast_in_dim3A_1075 = arith.constant 1 : i32
        %broadcast_in_dim3A_1076 = vector.broadcast %broadcast_in_dim3A_1075 : i32 to vector<16xi32>
        %gather3A_1077 = tpu.vector_load_idx %arg6[%add3A_1067, %broadcast_in_dim3A_1076, %rem3A_1064] : memref<16x32x128xf32, #tpu.memory_space<vmem>>[vector<16xi32>, vector<16xi32>, vector<16xi32>], vector<16xf32>,
        tpu.vector_store_idx %arg7[%add3A_1071, %broadcast_in_dim3A_1076], %gather3A_1077 masked %lt3A_4 : memref<256x32xf32, #tpu.memory_space<vmem>>[vector<16xi32>, vector<16xi32>], vector<16xf32>, vector<16xi1>
        %broadcast_in_dim3A_1078 = arith.constant 2 : i32
        %broadcast_in_dim3A_1079 = vector.broadcast %broadcast_in_dim3A_1078 : i32 to vector<16xi32>
        %gather3A_1080 = tpu.vector_load_idx %arg6[%add3A_1067, %broadcast_in_dim3A_1079, %rem3A_1064] : memref<16x32x128xf32, #tpu.memory_space<vmem>>[vector<16xi32>, vector<16xi32>, vector<16xi32>], vector<16xf32>,
        tpu.vector_store_idx %arg7[%add3A_1071, %broadcast_in_dim3A_1079], %gather3A_1080 masked %lt3A_4 : memref<256x32xf32, #tpu.memory_space<vmem>>[vector<16xi32>, vector<16xi32>], vector<16xf32>, vector<16xi1>
        %broadcast_in_dim3A_1081 = arith.constant 3 : i32
        %broadcast_in_dim3A_1082 = vector.broadcast %broadcast_in_dim3A_1081 : i32 to vector<16xi32>
        %gather3A_1083 = tpu.vector_load_idx %arg6[%add3A_1067, %broadcast_in_dim3A_1082, %rem3A_1064] : memref<16x32x128xf32, #tpu.memory_space<vmem>>[vector<16xi32>, vector<16xi32>, vector<16xi32>], vector<16xf32>,
        tpu.vector_store_idx %arg7[%add3A_1071, %broadcast_in_dim3A_1082], %gather3A_1083 masked %lt3A_4 : memref<256x32xf32, #tpu.memory_space<vmem>>[vector<16xi32>, vector<16xi32>], vector<16xf32>, vector<16xi1>
        %broadcast_in_dim3A_1084 = arith.constant 4 : i32
        %broadcast_in_dim3A_1085 = vector.broadcast %broadcast_in_dim3A_1084 : i32 to vector<16xi32>
        %gather3A_1086 = tpu.vector_load_idx %arg6[%add3A_1067, %broadcast_in_dim3A_1085, %rem3A_1064] : memref<16x32x128xf32, #tpu.memory_space<vmem>>[vector<16xi32>, vector<16xi32>, vector<16xi32>], vector<16xf32>,
        tpu.vector_store_idx %arg7[%add3A_1071, %broadcast_in_dim3A_1085], %gather3A_1086 masked %lt3A_4 : memref<256x32xf32, #tpu.memory_space<vmem>>[vector<16xi32>, vector<16xi32>], vector<16xf32>, vector<16xi1>
        %broadcast_in_dim3A_1087 = arith.constant 5 : i32
        %broadcast_in_dim3A_1088 = vector.broadcast %broadcast_in_dim3A_1087 : i32 to vector<16xi32>
        %gather3A_1089 = tpu.vector_load_idx %arg6[%add3A_1067, %broadcast_in_dim3A_1088, %rem3A_1064] : memref<16x32x128xf32, #tpu.memory_space<vmem>>[vector<16xi32>, vector<16xi32>, vector<16xi32>], vector<16xf32>,
        tpu.vector_store_idx %arg7[%add3A_1071, %broadcast_in_dim3A_1088], %gather3A_1089 masked %lt3A_4 : memref<256x32xf32, #tpu.memory_space<vmem>>[vector<16xi32>, vector<16xi32>], vector<16xf32>, vector<16xi1>
        %broadcast_in_dim3A_1090 = arith.constant 6 : i32
        %broadcast_in_dim3A_1091 = vector.broadcast %broadcast_in_dim3A_1090 : i32 to vector<16xi32>
        %gather3A_1092 = tpu.vector_load_idx %arg6[%add3A_1067, %broadcast_in_dim3A_1091, %rem3A_1064] : memref<16x32x128xf32, #tpu.memory_space<vmem>>[vector<16xi32>, vector<16xi32>, vector<16xi32>], vector<16xf32>,
        tpu.vector_store_idx %arg7[%add3A_1071, %broadcast_in_dim3A_1091], %gather3A_1092 masked %lt3A_4 : memref<256x32xf32, #tpu.memory_space<vmem>>[vector<16xi32>, vector<16xi32>], vector<16xf32>, vector<16xi1>
        %broadcast_in_dim3A_1093 = arith.constant 7 : i32
        %broadcast_in_dim3A_1094 = vector.broadcast %broadcast_in_dim3A_1093 : i32 to vector<16xi32>
        %gather3A_1095 = tpu.vector_load_idx %arg6[%add3A_1067, %broadcast_in_dim3A_1094, %rem3A_1064] : memref<16x32x128xf32, #tpu.memory_space<vmem>>[vector<16xi32>, vector<16xi32>, vector<16xi32>], vector<16xf32>,
        tpu.vector_store_idx %arg7[%add3A_1071, %broadcast_in_dim3A_1094], %gather3A_1095 masked %lt3A_4 : memref<256x32xf32, #tpu.memory_space<vmem>>[vector<16xi32>, vector<16xi32>], vector<16xf32>, vector<16xi1>
        %broadcast_in_dim3A_1096 = arith.constant 8 : i32
        %broadcast_in_dim3A_1097 = vector.broadcast %broadcast_in_dim3A_1096 : i32 to vector<16xi32>
        %gather3A_1098 = tpu.vector_load_idx %arg6[%add3A_1067, %broadcast_in_dim3A_1097, %rem3A_1064] : memref<16x32x128xf32, #tpu.memory_space<vmem>>[vector<16xi32>, vector<16xi32>, vector<16xi32>], vector<16xf32>,
        tpu.vector_store_idx %arg7[%add3A_1071, %broadcast_in_dim3A_1097], %gather3A_1098 masked %lt3A_4 : memref<256x32xf32, #tpu.memory_space<vmem>>[vector<16xi32>, vector<16xi32>], vector<16xf32>, vector<16xi1>
        %broadcast_in_dim3A_1099 = arith.constant 9 : i32
        %broadcast_in_dim3A_1100 = vector.broadcast %broadcast_in_dim3A_1099 : i32 to vector<16xi32>
        %gather3A_1101 = tpu.vector_load_idx %arg6[%add3A_1067, %broadcast_in_dim3A_1100, %rem3A_1064] : memref<16x32x128xf32, #tpu.memory_space<vmem>>[vector<16xi32>, vector<16xi32>, vector<16xi32>], vector<16xf32>,
        tpu.vector_store_idx %arg7[%add3A_1071, %broadcast_in_dim3A_1100], %gather3A_1101 masked %lt3A_4 : memref<256x32xf32, #tpu.memory_space<vmem>>[vector<16xi32>, vector<16xi32>], vector<16xf32>, vector<16xi1>
        %broadcast_in_dim3A_1102 = arith.constant 10 : i32
        %broadcast_in_dim3A_1103 = vector.broadcast %broadcast_in_dim3A_1102 : i32 to vector<16xi32>
        %gather3A_1104 = tpu.vector_load_idx %arg6[%add3A_1067, %broadcast_in_dim3A_1103, %rem3A_1064] : memref<16x32x128xf32, #tpu.memory_space<vmem>>[vector<16xi32>, vector<16xi32>, vector<16xi32>], vector<16xf32>,
        tpu.vector_store_idx %arg7[%add3A_1071, %broadcast_in_dim3A_1103], %gather3A_1104 masked %lt3A_4 : memref<256x32xf32, #tpu.memory_space<vmem>>[vector<16xi32>, vector<16xi32>], vector<16xf32>, vector<16xi1>
        %broadcast_in_dim3A_1105 = arith.constant 11 : i32
        %broadcast_in_dim3A_1106 = vector.broadcast %broadcast_in_dim3A_1105 : i32 to vector<16xi32>
        %gather3A_1107 = tpu.vector_load_idx %arg6[%add3A_1067, %broadcast_in_dim3A_1106, %rem3A_1064] : memref<16x32x128xf32, #tpu.memory_space<vmem>>[vector<16xi32>, vector<16xi32>, vector<16xi32>], vector<16xf32>,
        tpu.vector_store_idx %arg7[%add3A_1071, %broadcast_in_dim3A_1106], %gather3A_1107 masked %lt3A_4 : memref<256x32xf32, #tpu.memory_space<vmem>>[vector<16xi32>, vector<16xi32>], vector<16xf32>, vector<16xi1>
        %broadcast_in_dim3A_1108 = arith.constant 12 : i32
        %broadcast_in_dim3A_1109 = vector.broadcast %broadcast_in_dim3A_1108 : i32 to vector<16xi32>
        %gather3A_1110 = tpu.vector_load_idx %arg6[%add3A_1067, %broadcast_in_dim3A_1109, %rem3A_1064] : memref<16x32x128xf32, #tpu.memory_space<vmem>>[vector<16xi32>, vector<16xi32>, vector<16xi32>], vector<16xf32>,
        tpu.vector_store_idx %arg7[%add3A_1071, %broadcast_in_dim3A_1109], %gather3A_1110 masked %lt3A_4 : memref<256x32xf32, #tpu.memory_space<vmem>>[vector<16xi32>, vector<16xi32>], vector<16xf32>, vector<16xi1>
        %broadcast_in_dim3A_1111 = arith.constant 13 : i32
        %broadcast_in_dim3A_1112 = vector.broadcast %broadcast_in_dim3A_1111 : i32 to vector<16xi32>
        %gather3A_1113 = tpu.vector_load_idx %arg6[%add3A_1067, %broadcast_in_dim3A_1112, %rem3A_1064] : memref<16x32x128xf32, #tpu.memory_space<vmem>>[vector<16xi32>, vector<16xi32>, vector<16xi32>], vector<16xf32>,
        tpu.vector_store_idx %arg7[%add3A_1071, %broadcast_in_dim3A_1112], %gather3A_1113 masked %lt3A_4 : memref<256x32xf32, #tpu.memory_space<vmem>>[vector<16xi32>, vector<16xi32>], vector<16xf32>, vector<16xi1>
        %broadcast_in_dim3A_1114 = arith.constant 14 : i32
        %broadcast_in_dim3A_1115 = vector.broadcast %broadcast_in_dim3A_1114 : i32 to vector<16xi32>
        %gather3A_1116 = tpu.vector_load_idx %arg6[%add3A_1067, %broadcast_in_dim3A_1115, %rem3A_1064] : memref<16x32x128xf32, #tpu.memory_space<vmem>>[vector<16xi32>, vector<16xi32>, vector<16xi32>], vector<16xf32>,
        tpu.vector_store_idx %arg7[%add3A_1071, %broadcast_in_dim3A_1115], %gather3A_1116 masked %lt3A_4 : memref<256x32xf32, #tpu.memory_space<vmem>>[vector<16xi32>, vector<16xi32>], vector<16xf32>, vector<16xi1>
        %broadcast_in_dim3A_1117 = arith.constant 15 : i32
        %broadcast_in_dim3A_1118 = vector.broadcast %broadcast_in_dim3A_1117 : i32 to vector<16xi32>
        %gather3A_1119 = tpu.vector_load_idx %arg6[%add3A_1067, %broadcast_in_dim3A_1118, %rem3A_1064] : memref<16x32x128xf32, #tpu.memory_space<vmem>>[vector<16xi32>, vector<16xi32>, vector<16xi32>], vector<16xf32>,
        tpu.vector_store_idx %arg7[%add3A_1071, %broadcast_in_dim3A_1118], %gather3A_1119 masked %lt3A_4 : memref<256x32xf32, #tpu.memory_space<vmem>>[vector<16xi32>, vector<16xi32>], vector<16xf32>, vector<16xi1>
        %broadcast_in_dim3A_1120 = arith.constant 16 : i32
        %broadcast_in_dim3A_1121 = vector.broadcast %broadcast_in_dim3A_1120 : i32 to vector<16xi32>
        %gather3A_1122 = tpu.vector_load_idx %arg6[%add3A_1067, %broadcast_in_dim3A_1121, %rem3A_1064] : memref<16x32x128xf32, #tpu.memory_space<vmem>>[vector<16xi32>, vector<16xi32>, vector<16xi32>], vector<16xf32>,
        tpu.vector_store_idx %arg7[%add3A_1071, %broadcast_in_dim3A_1121], %gather3A_1122 masked %lt3A_4 : memref<256x32xf32, #tpu.memory_space<vmem>>[vector<16xi32>, vector<16xi32>], vector<16xf32>, vector<16xi1>
        %broadcast_in_dim3A_1123 = arith.constant 17 : i32
        %broadcast_in_dim3A_1124 = vector.broadcast %broadcast_in_dim3A_1123 : i32 to vector<16xi32>
        %gather3A_1125 = tpu.vector_load_idx %arg6[%add3A_1067, %broadcast_in_dim3A_1124, %rem3A_1064] : memref<16x32x128xf32, #tpu.memory_space<vmem>>[vector<16xi32>, vector<16xi32>, vector<16xi32>], vector<16xf32>,
        tpu.vector_store_idx %arg7[%add3A_1071, %broadcast_in_dim3A_1124], %gather3A_1125 masked %lt3A_4 : memref<256x32xf32, #tpu.memory_space<vmem>>[vector<16xi32>, vector<16xi32>], vector<16xf32>, vector<16xi1>
        %broadcast_in_dim3A_1126 = arith.constant 18 : i32
        %broadcast_in_dim3A_1127 = vector.broadcast %broadcast_in_dim3A_1126 : i32 to vector<16xi32>
        %gather3A_1128 = tpu.vector_load_idx %arg6[%add3A_1067, %broadcast_in_dim3A_1127, %rem3A_1064] : memref<16x32x128xf32, #tpu.memory_space<vmem>>[vector<16xi32>, vector<16xi32>, vector<16xi32>], vector<16xf32>,
        tpu.vector_store_idx %arg7[%add3A_1071, %broadcast_in_dim3A_1127], %gather3A_1128 masked %lt3A_4 : memref<256x32xf32, #tpu.memory_space<vmem>>[vector<16xi32>, vector<16xi32>], vector<16xf32>, vector<16xi1>
        %broadcast_in_dim3A_1129 = arith.constant 19 : i32
        %broadcast_in_dim3A_1130 = vector.broadcast %broadcast_in_dim3A_1129 : i32 to vector<16xi32>
        %gather3A_1131 = tpu.vector_load_idx %arg6[%add3A_1067, %broadcast_in_dim3A_1130, %rem3A_1064] : memref<16x32x128xf32, #tpu.memory_space<vmem>>[vector<16xi32>, vector<16xi32>, vector<16xi32>], vector<16xf32>,
        tpu.vector_store_idx %arg7[%add3A_1071, %broadcast_in_dim3A_1130], %gather3A_1131 masked %lt3A_4 : memref<256x32xf32, #tpu.memory_space<vmem>>[vector<16xi32>, vector<16xi32>], vector<16xf32>, vector<16xi1>
        %broadcast_in_dim3A_1132 = arith.constant 20 : i32
        %broadcast_in_dim3A_1133 = vector.broadcast %broadcast_in_dim3A_1132 : i32 to vector<16xi32>
        %gather3A_1134 = tpu.vector_load_idx %arg6[%add3A_1067, %broadcast_in_dim3A_1133, %rem3A_1064] : memref<16x32x128xf32, #tpu.memory_space<vmem>>[vector<16xi32>, vector<16xi32>, vector<16xi32>], vector<16xf32>,
        tpu.vector_store_idx %arg7[%add3A_1071, %broadcast_in_dim3A_1133], %gather3A_1134 masked %lt3A_4 : memref<256x32xf32, #tpu.memory_space<vmem>>[vector<16xi32>, vector<16xi32>], vector<16xf32>, vector<16xi1>
        %broadcast_in_dim3A_1135 = arith.constant 21 : i32
        %broadcast_in_dim3A_1136 = vector.broadcast %broadcast_in_dim3A_1135 : i32 to vector<16xi32>
        %gather3A_1137 = tpu.vector_load_idx %arg6[%add3A_1067, %broadcast_in_dim3A_1136, %rem3A_1064] : memref<16x32x128xf32, #tpu.memory_space<vmem>>[vector<16xi32>, vector<16xi32>, vector<16xi32>], vector<16xf32>,
        tpu.vector_store_idx %arg7[%add3A_1071, %broadcast_in_dim3A_1136], %gather3A_1137 masked %lt3A_4 : memref<256x32xf32, #tpu.memory_space<vmem>>[vector<16xi32>, vector<16xi32>], vector<16xf32>, vector<16xi1>
        %broadcast_in_dim3A_1138 = arith.constant 22 : i32
        %broadcast_in_dim3A_1139 = vector.broadcast %broadcast_in_dim3A_1138 : i32 to vector<16xi32>
        %gather3A_1140 = tpu.vector_load_idx %arg6[%add3A_1067, %broadcast_in_dim3A_1139, %rem3A_1064] : memref<16x32x128xf32, #tpu.memory_space<vmem>>[vector<16xi32>, vector<16xi32>, vector<16xi32>], vector<16xf32>,
        tpu.vector_store_idx %arg7[%add3A_1071, %broadcast_in_dim3A_1139], %gather3A_1140 masked %lt3A_4 : memref<256x32xf32, #tpu.memory_space<vmem>>[vector<16xi32>, vector<16xi32>], vector<16xf32>, vector<16xi1>
        %broadcast_in_dim3A_1141 = arith.constant 23 : i32
        %broadcast_in_dim3A_1142 = vector.broadcast %broadcast_in_dim3A_1141 : i32 to vector<16xi32>
        %gather3A_1143 = tpu.vector_load_idx %arg6[%add3A_1067, %broadcast_in_dim3A_1142, %rem3A_1064] : memref<16x32x128xf32, #tpu.memory_space<vmem>>[vector<16xi32>, vector<16xi32>, vector<16xi32>], vector<16xf32>,
        tpu.vector_store_idx %arg7[%add3A_1071, %broadcast_in_dim3A_1142], %gather3A_1143 masked %lt3A_4 : memref<256x32xf32, #tpu.memory_space<vmem>>[vector<16xi32>, vector<16xi32>], vector<16xf32>, vector<16xi1>
        %broadcast_in_dim3A_1144 = arith.constant 24 : i32
        %broadcast_in_dim3A_1145 = vector.broadcast %broadcast_in_dim3A_1144 : i32 to vector<16xi32>
        %gather3A_1146 = tpu.vector_load_idx %arg6[%add3A_1067, %broadcast_in_dim3A_1145, %rem3A_1064] : memref<16x32x128xf32, #tpu.memory_space<vmem>>[vector<16xi32>, vector<16xi32>, vector<16xi32>], vector<16xf32>,
        tpu.vector_store_idx %arg7[%add3A_1071, %broadcast_in_dim3A_1145], %gather3A_1146 masked %lt3A_4 : memref<256x32xf32, #tpu.memory_space<vmem>>[vector<16xi32>, vector<16xi32>], vector<16xf32>, vector<16xi1>
        %broadcast_in_dim3A_1147 = arith.constant 25 : i32
        %broadcast_in_dim3A_1148 = vector.broadcast %broadcast_in_dim3A_1147 : i32 to vector<16xi32>
        %gather3A_1149 = tpu.vector_load_idx %arg6[%add3A_1067, %broadcast_in_dim3A_1148, %rem3A_1064] : memref<16x32x128xf32, #tpu.memory_space<vmem>>[vector<16xi32>, vector<16xi32>, vector<16xi32>], vector<16xf32>,
        tpu.vector_store_idx %arg7[%add3A_1071, %broadcast_in_dim3A_1148], %gather3A_1149 masked %lt3A_4 : memref<256x32xf32, #tpu.memory_space<vmem>>[vector<16xi32>, vector<16xi32>], vector<16xf32>, vector<16xi1>
        %broadcast_in_dim3A_1150 = arith.constant 26 : i32
        %broadcast_in_dim3A_1151 = vector.broadcast %broadcast_in_dim3A_1150 : i32 to vector<16xi32>
        %gather3A_1152 = tpu.vector_load_idx %arg6[%add3A_1067, %broadcast_in_dim3A_1151, %rem3A_1064] : memref<16x32x128xf32, #tpu.memory_space<vmem>>[vector<16xi32>, vector<16xi32>, vector<16xi32>], vector<16xf32>,
        tpu.vector_store_idx %arg7[%add3A_1071, %broadcast_in_dim3A_1151], %gather3A_1152 masked %lt3A_4 : memref<256x32xf32, #tpu.memory_space<vmem>>[vector<16xi32>, vector<16xi32>], vector<16xf32>, vector<16xi1>
        %broadcast_in_dim3A_1153 = arith.constant 27 : i32
        %broadcast_in_dim3A_1154 = vector.broadcast %broadcast_in_dim3A_1153 : i32 to vector<16xi32>
        %gather3A_1155 = tpu.vector_load_idx %arg6[%add3A_1067, %broadcast_in_dim3A_1154, %rem3A_1064] : memref<16x32x128xf32, #tpu.memory_space<vmem>>[vector<16xi32>, vector<16xi32>, vector<16xi32>], vector<16xf32>,
        tpu.vector_store_idx %arg7[%add3A_1071, %broadcast_in_dim3A_1154], %gather3A_1155 masked %lt3A_4 : memref<256x32xf32, #tpu.memory_space<vmem>>[vector<16xi32>, vector<16xi32>], vector<16xf32>, vector<16xi1>
        %broadcast_in_dim3A_1156 = arith.constant 28 : i32
        %broadcast_in_dim3A_1157 = vector.broadcast %broadcast_in_dim3A_1156 : i32 to vector<16xi32>
        %gather3A_1158 = tpu.vector_load_idx %arg6[%add3A_1067, %broadcast_in_dim3A_1157, %rem3A_1064] : memref<16x32x128xf32, #tpu.memory_space<vmem>>[vector<16xi32>, vector<16xi32>, vector<16xi32>], vector<16xf32>,
        tpu.vector_store_idx %arg7[%add3A_1071, %broadcast_in_dim3A_1157], %gather3A_1158 masked %lt3A_4 : memref<256x32xf32, #tpu.memory_space<vmem>>[vector<16xi32>, vector<16xi32>], vector<16xf32>, vector<16xi1>
        %broadcast_in_dim3A_1159 = arith.constant 29 : i32
        %broadcast_in_dim3A_1160 = vector.broadcast %broadcast_in_dim3A_1159 : i32 to vector<16xi32>
        %gather3A_1161 = tpu.vector_load_idx %arg6[%add3A_1067, %broadcast_in_dim3A_1160, %rem3A_1064] : memref<16x32x128xf32, #tpu.memory_space<vmem>>[vector<16xi32>, vector<16xi32>, vector<16xi32>], vector<16xf32>,
        tpu.vector_store_idx %arg7[%add3A_1071, %broadcast_in_dim3A_1160], %gather3A_1161 masked %lt3A_4 : memref<256x32xf32, #tpu.memory_space<vmem>>[vector<16xi32>, vector<16xi32>], vector<16xf32>, vector<16xi1>
        %broadcast_in_dim3A_1162 = arith.constant 30 : i32
        %broadcast_in_dim3A_1163 = vector.broadcast %broadcast_in_dim3A_1162 : i32 to vector<16xi32>
        %gather3A_1164 = tpu.vector_load_idx %arg6[%add3A_1067, %broadcast_in_dim3A_1163, %rem3A_1064] : memref<16x32x128xf32, #tpu.memory_space<vmem>>[vector<16xi32>, vector<16xi32>, vector<16xi32>], vector<16xf32>,
        tpu.vector_store_idx %arg7[%add3A_1071, %broadcast_in_dim3A_1163], %gather3A_1164 masked %lt3A_4 : memref<256x32xf32, #tpu.memory_space<vmem>>[vector<16xi32>, vector<16xi32>], vector<16xf32>, vector<16xi1>
        %broadcast_in_dim3A_1165 = arith.constant 31 : i32
        %broadcast_in_dim3A_1166 = vector.broadcast %broadcast_in_dim3A_1165 : i32 to vector<16xi32>
        %gather3A_1167 = tpu.vector_load_idx %arg6[%add3A_1067, %broadcast_in_dim3A_1166, %rem3A_1064] : memref<16x32x128xf32, #tpu.memory_space<vmem>>[vector<16xi32>, vector<16xi32>, vector<16xi32>], vector<16xf32>,
        tpu.vector_store_idx %arg7[%add3A_1071, %broadcast_in_dim3A_1166], %gather3A_1167 masked %lt3A_4 : memref<256x32xf32, #tpu.memory_space<vmem>>[vector<16xi32>, vector<16xi32>], vector<16xf32>, vector<16xi1>
      } else {
      }
    }
    %scan3A_333 = arith.constant 16 : i32
    %add3A_334 = arith.constant 0 : i32
    %add3A_335 = arith.addi %mul3A_2, %add3A_334 : i32
    "tpu.region"() ({
      %run_scoped3A = tpu.sem_alloc : memref<!tpu.dma_semaphore, #tpu.memory_space<semaphore_mem>>
      %dma_start3A_681 = arith.constant 0 : i32
      %dma_start3A_682 = tpu.memref_slice %arg4[%add3A_335, %dma_start3A_681] : memref<16384x32xf32, #tpu.memory_space<hbm>> -> memref<256x32xf32, #tpu.memory_space<hbm>>
      %dma_start3A_683 = arith.constant 0 : i32
      %dma_start3A_684 = tpu.memref_slice %arg4[%add3A_335, %dma_start3A_683] : memref<16384x32xf32, #tpu.memory_space<hbm>> -> memref<256x32xf32, #tpu.memory_space<hbm>>
      tpu.enqueue_dma source(%arg7 : memref<256x32xf32, #tpu.memory_space<vmem>>) target(%dma_start3A_684 : memref<256x32xf32, #tpu.memory_space<hbm>>) target_semaphore(%run_scoped3A : memref<!tpu.dma_semaphore, #tpu.memory_space<semaphore_mem>>)
      %dma_wait3A = arith.constant 0 : i32
      %dma_wait3A_685 = tpu.memref_slice %arg4[%add3A_335, %dma_wait3A] : memref<16384x32xf32, #tpu.memory_space<hbm>> -> memref<256x32xf32, #tpu.memory_space<hbm>>
      %dma_wait3A_686 = arith.constant 0 : i32
      %dma_wait3A_687 = tpu.memref_slice %arg4[%add3A_335, %dma_wait3A_686] : memref<16384x32xf32, #tpu.memory_space<hbm>> -> memref<256x32xf32, #tpu.memory_space<hbm>>
      tpu.wait_dma2 semaphore(%run_scoped3A : memref<!tpu.dma_semaphore, #tpu.memory_space<semaphore_mem>>) src(%arg7 : memref<256x32xf32, #tpu.memory_space<vmem>>) dst(%dma_wait3A_687 : memref<256x32xf32, #tpu.memory_space<hbm>>)
      tpu.yield
    }) : () -> ()
    %get3A_336 = arith.constant 256 : index
    %get3A_337 = tpu.vector_load %arg5[%get3A_336] {strides = array<i32>} : memref<528xi32, #tpu.memory_space<vmem>>, vector<16xi32>,
    %slice3A_338 = vector.extract_strided_slice %get3A_337 {offsets = [0], sizes = [1], strides = [1]} : vector<16xi32> to vector<1xi32>
    %squeeze3A_339 = vector.extract %slice3A_338[0] : i32 from vector<1xi32>
    %jit3A_340 = arith.constant 128 : i32
    %div3A_341 = arith.divsi %squeeze3A_339, %jit3A_340 : i32
    %sign3A_342 = arith.constant 0 : i32
    %sign3A_343 = arith.cmpi sgt, %squeeze3A_339, %sign3A_342 : i32
    %sign3A_344 = arith.extui %sign3A_343 : i1 to i32
    %sign3A_345 = arith.constant 0 : i32
    %sign3A_346 = arith.cmpi slt, %squeeze3A_339, %sign3A_345 : i32
    %sign3A_347 = arith.extui %sign3A_346 : i1 to i32
    %sign3A_348 = arith.subi %sign3A_344, %sign3A_347 : i32
    %sign3A_349 = arith.constant 0 : i32
    %sign3A_350 = arith.cmpi sgt, %jit3A_340, %sign3A_349 : i32
    %sign3A_351 = arith.extui %sign3A_350 : i1 to i32
    %sign3A_352 = arith.constant 0 : i32
    %sign3A_353 = arith.cmpi slt, %jit3A_340, %sign3A_352 : i32
    %sign3A_354 = arith.extui %sign3A_353 : i1 to i32
    %sign3A_355 = arith.subi %sign3A_351, %sign3A_354 : i32
    %ne3A_356 = arith.cmpi ne, %sign3A_348, %sign3A_355 : i32
    %rem3A_357 = arith.remsi %squeeze3A_339, %jit3A_340 : i32
    %ne3A_358 = arith.constant 0 : i32
    %ne3A_359 = arith.cmpi ne, %rem3A_357, %ne3A_358 : i32
    %and3A_360 = arith.andi %ne3A_356, %ne3A_359 : i1
    %sub3A_361 = arith.constant 1 : i32
    %sub3A_362 = arith.subi %div3A_341, %sub3A_361 : i32
    %select_n3A_363 = arith.select %and3A_360, %sub3A_362, %div3A_341 : i32
    %mul3A_364 = arith.constant 128 : i32
    %mul3A_365 = arith.muli %select_n3A_363, %mul3A_364 : i32
    %multiple_of3A_366 = tpu.assume_multiple %mul3A_365, 128 : i32
    %dma_start3A_367 = arith.constant 0 : i32
    %dma_start3A_368 = arith.constant 0 : i32
    %dma_start3A_369 = arith.constant 0 : i32
    %dma_start3A_370 = tpu.memref_slice %arg6[%dma_start3A_367, %dma_start3A_368, %dma_start3A_369] : memref<16x32x128xf32, #tpu.memory_space<vmem>> -> memref<1x32x128xf32, #tpu.memory_space<vmem>>
    %dma_start3A_371 = tpu.memref_squeeze %dma_start3A_370 : memref<1x32x128xf32, #tpu.memory_space<vmem>> -> memref<32x128xf32, #tpu.memory_space<vmem>>
    %dma_start3A_372 = arith.constant 0 : i32
    %dma_start3A_373 = tpu.memref_slice %arg3[%dma_start3A_372, %multiple_of3A_366] : memref<32x1000000xf32, #tpu.memory_space<hbm>> -> memref<32x128xf32, #tpu.memory_space<hbm>>
    %dma_start3A_374 = arith.constant 0 : i32
    %dma_start3A_375 = arith.constant 0 : i32
    %dma_start3A_376 = tpu.memref_slice %arg6[%dma_start3A_367, %dma_start3A_374, %dma_start3A_375] : memref<16x32x128xf32, #tpu.memory_space<vmem>> -> memref<1x32x128xf32, #tpu.memory_space<vmem>>
    %dma_start3A_377 = tpu.memref_squeeze %dma_start3A_376 : memref<1x32x128xf32, #tpu.memory_space<vmem>> -> memref<32x128xf32, #tpu.memory_space<vmem>>
    %dma_start3A_378 = arith.constant 0 : i32
    %dma_start3A_379 = tpu.memref_slice %arg3[%dma_start3A_378, %multiple_of3A_366] : memref<32x1000000xf32, #tpu.memory_space<hbm>> -> memref<32x128xf32, #tpu.memory_space<hbm>>
    tpu.enqueue_dma source(%dma_start3A_379 : memref<32x128xf32, #tpu.memory_space<hbm>>) target(%dma_start3A_377 : memref<32x128xf32, #tpu.memory_space<vmem>>) target_semaphore(%arg8 : memref<!tpu.dma_semaphore, #tpu.memory_space<semaphore_mem>>)
    %slice3A_380 = vector.extract_strided_slice %get3A_337 {offsets = [1], sizes = [1], strides = [1]} : vector<16xi32> to vector<1xi32>
    %squeeze3A_381 = vector.extract %slice3A_380[0] : i32 from vector<1xi32>
    %jit3A_382 = arith.constant 128 : i32
    %div3A_383 = arith.divsi %squeeze3A_381, %jit3A_382 : i32
    %sign3A_384 = arith.constant 0 : i32
    %sign3A_385 = arith.cmpi sgt, %squeeze3A_381, %sign3A_384 : i32
    %sign3A_386 = arith.extui %sign3A_385 : i1 to i32
    %sign3A_387 = arith.constant 0 : i32
    %sign3A_388 = arith.cmpi slt, %squeeze3A_381, %sign3A_387 : i32
    %sign3A_389 = arith.extui %sign3A_388 : i1 to i32
    %sign3A_390 = arith.subi %sign3A_386, %sign3A_389 : i32
    %sign3A_391 = arith.constant 0 : i32
    %sign3A_392 = arith.cmpi sgt, %jit3A_382, %sign3A_391 : i32
    %sign3A_393 = arith.extui %sign3A_392 : i1 to i32
    %sign3A_394 = arith.constant 0 : i32
    %sign3A_395 = arith.cmpi slt, %jit3A_382, %sign3A_394 : i32
    %sign3A_396 = arith.extui %sign3A_395 : i1 to i32
    %sign3A_397 = arith.subi %sign3A_393, %sign3A_396 : i32
    %ne3A_398 = arith.cmpi ne, %sign3A_390, %sign3A_397 : i32
    %rem3A_399 = arith.remsi %squeeze3A_381, %jit3A_382 : i32
    %ne3A_400 = arith.constant 0 : i32
    %ne3A_401 = arith.cmpi ne, %rem3A_399, %ne3A_400 : i32
    %and3A_402 = arith.andi %ne3A_398, %ne3A_401 : i1
    %sub3A_403 = arith.constant 1 : i32
    %sub3A_404 = arith.subi %div3A_383, %sub3A_403 : i32
    %select_n3A_405 = arith.select %and3A_402, %sub3A_404, %div3A_383 : i32
    %mul3A_406 = arith.constant 128 : i32
    %mul3A_407 = arith.muli %select_n3A_405, %mul3A_406 : i32
    %multiple_of3A_408 = tpu.assume_multiple %mul3A_407, 128 : i32
    %dma_start3A_409 = arith.constant 1 : i32
    %dma_start3A_410 = arith.constant 0 : i32
    %dma_start3A_411 = arith.constant 0 : i32
    %dma_start3A_412 = tpu.memref_slice %arg6[%dma_start3A_409, %dma_start3A_410, %dma_start3A_411] : memref<16x32x128xf32, #tpu.memory_space<vmem>> -> memref<1x32x128xf32, #tpu.memory_space<vmem>>
    %dma_start3A_413 = tpu.memref_squeeze %dma_start3A_412 : memref<1x32x128xf32, #tpu.memory_space<vmem>> -> memref<32x128xf32, #tpu.memory_space<vmem>>
    %dma_start3A_414 = arith.constant 0 : i32
    %dma_start3A_415 = tpu.memref_slice %arg3[%dma_start3A_414, %multiple_of3A_408] : memref<32x1000000xf32, #tpu.memory_space<hbm>> -> memref<32x128xf32, #tpu.memory_space<hbm>>
    %dma_start3A_416 = arith.constant 0 : i32
    %dma_start3A_417 = arith.constant 0 : i32
    %dma_start3A_418 = tpu.memref_slice %arg6[%dma_start3A_409, %dma_start3A_416, %dma_start3A_417] : memref<16x32x128xf32, #tpu.memory_space<vmem>> -> memref<1x32x128xf32, #tpu.memory_space<vmem>>
    %dma_start3A_419 = tpu.memref_squeeze %dma_start3A_418 : memref<1x32x128xf32, #tpu.memory_space<vmem>> -> memref<32x128xf32, #tpu.memory_space<vmem>>
    %dma_start3A_420 = arith.constant 0 : i32
    %dma_start3A_421 = tpu.memref_slice %arg3[%dma_start3A_420, %multiple_of3A_408] : memref<32x1000000xf32, #tpu.memory_space<hbm>> -> memref<32x128xf32, #tpu.memory_space<hbm>>
    tpu.enqueue_dma source(%dma_start3A_421 : memref<32x128xf32, #tpu.memory_space<hbm>>) target(%dma_start3A_419 : memref<32x128xf32, #tpu.memory_space<vmem>>) target_semaphore(%arg8 : memref<!tpu.dma_semaphore, #tpu.memory_space<semaphore_mem>>)
    %slice3A_422 = vector.extract_strided_slice %get3A_337 {offsets = [2], sizes = [1], strides = [1]} : vector<16xi32> to vector<1xi32>
    %squeeze3A_423 = vector.extract %slice3A_422[0] : i32 from vector<1xi32>
    %jit3A_424 = arith.constant 128 : i32
    %div3A_425 = arith.divsi %squeeze3A_423, %jit3A_424 : i32
    %sign3A_426 = arith.constant 0 : i32
    %sign3A_427 = arith.cmpi sgt, %squeeze3A_423, %sign3A_426 : i32
    %sign3A_428 = arith.extui %sign3A_427 : i1 to i32
    %sign3A_429 = arith.constant 0 : i32
    %sign3A_430 = arith.cmpi slt, %squeeze3A_423, %sign3A_429 : i32
    %sign3A_431 = arith.extui %sign3A_430 : i1 to i32
    %sign3A_432 = arith.subi %sign3A_428, %sign3A_431 : i32
    %sign3A_433 = arith.constant 0 : i32
    %sign3A_434 = arith.cmpi sgt, %jit3A_424, %sign3A_433 : i32
    %sign3A_435 = arith.extui %sign3A_434 : i1 to i32
    %sign3A_436 = arith.constant 0 : i32
    %sign3A_437 = arith.cmpi slt, %jit3A_424, %sign3A_436 : i32
    %sign3A_438 = arith.extui %sign3A_437 : i1 to i32
    %sign3A_439 = arith.subi %sign3A_435, %sign3A_438 : i32
    %ne3A_440 = arith.cmpi ne, %sign3A_432, %sign3A_439 : i32
    %rem3A_441 = arith.remsi %squeeze3A_423, %jit3A_424 : i32
    %ne3A_442 = arith.constant 0 : i32
    %ne3A_443 = arith.cmpi ne, %rem3A_441, %ne3A_442 : i32
    %and3A_444 = arith.andi %ne3A_440, %ne3A_443 : i1
    %sub3A_445 = arith.constant 1 : i32
    %sub3A_446 = arith.subi %div3A_425, %sub3A_445 : i32
    %select_n3A_447 = arith.select %and3A_444, %sub3A_446, %div3A_425 : i32
    %mul3A_448 = arith.constant 128 : i32
    %mul3A_449 = arith.muli %select_n3A_447, %mul3A_448 : i32
    %multiple_of3A_450 = tpu.assume_multiple %mul3A_449, 128 : i32
    %dma_start3A_451 = arith.constant 2 : i32
    %dma_start3A_452 = arith.constant 0 : i32
    %dma_start3A_453 = arith.constant 0 : i32
    %dma_start3A_454 = tpu.memref_slice %arg6[%dma_start3A_451, %dma_start3A_452, %dma_start3A_453] : memref<16x32x128xf32, #tpu.memory_space<vmem>> -> memref<1x32x128xf32, #tpu.memory_space<vmem>>
    %dma_start3A_455 = tpu.memref_squeeze %dma_start3A_454 : memref<1x32x128xf32, #tpu.memory_space<vmem>> -> memref<32x128xf32, #tpu.memory_space<vmem>>
    %dma_start3A_456 = arith.constant 0 : i32
    %dma_start3A_457 = tpu.memref_slice %arg3[%dma_start3A_456, %multiple_of3A_450] : memref<32x1000000xf32, #tpu.memory_space<hbm>> -> memref<32x128xf32, #tpu.memory_space<hbm>>
    %dma_start3A_458 = arith.constant 0 : i32
    %dma_start3A_459 = arith.constant 0 : i32
    %dma_start3A_460 = tpu.memref_slice %arg6[%dma_start3A_451, %dma_start3A_458, %dma_start3A_459] : memref<16x32x128xf32, #tpu.memory_space<vmem>> -> memref<1x32x128xf32, #tpu.memory_space<vmem>>
    %dma_start3A_461 = tpu.memref_squeeze %dma_start3A_460 : memref<1x32x128xf32, #tpu.memory_space<vmem>> -> memref<32x128xf32, #tpu.memory_space<vmem>>
    %dma_start3A_462 = arith.constant 0 : i32
    %dma_start3A_463 = tpu.memref_slice %arg3[%dma_start3A_462, %multiple_of3A_450] : memref<32x1000000xf32, #tpu.memory_space<hbm>> -> memref<32x128xf32, #tpu.memory_space<hbm>>
    tpu.enqueue_dma source(%dma_start3A_463 : memref<32x128xf32, #tpu.memory_space<hbm>>) target(%dma_start3A_461 : memref<32x128xf32, #tpu.memory_space<vmem>>) target_semaphore(%arg8 : memref<!tpu.dma_semaphore, #tpu.memory_space<semaphore_mem>>)
    %slice3A_464 = vector.extract_strided_slice %get3A_337 {offsets = [3], sizes = [1], strides = [1]} : vector<16xi32> to vector<1xi32>
    %squeeze3A_465 = vector.extract %slice3A_464[0] : i32 from vector<1xi32>
    %jit3A_466 = arith.constant 128 : i32
    %div3A_467 = arith.divsi %squeeze3A_465, %jit3A_466 : i32
    %sign3A_468 = arith.constant 0 : i32
    %sign3A_469 = arith.cmpi sgt, %squeeze3A_465, %sign3A_468 : i32
    %sign3A_470 = arith.extui %sign3A_469 : i1 to i32
    %sign3A_471 = arith.constant 0 : i32
    %sign3A_472 = arith.cmpi slt, %squeeze3A_465, %sign3A_471 : i32
    %sign3A_473 = arith.extui %sign3A_472 : i1 to i32
    %sign3A_474 = arith.subi %sign3A_470, %sign3A_473 : i32
    %sign3A_475 = arith.constant 0 : i32
    %sign3A_476 = arith.cmpi sgt, %jit3A_466, %sign3A_475 : i32
    %sign3A_477 = arith.extui %sign3A_476 : i1 to i32
    %sign3A_478 = arith.constant 0 : i32
    %sign3A_479 = arith.cmpi slt, %jit3A_466, %sign3A_478 : i32
    %sign3A_480 = arith.extui %sign3A_479 : i1 to i32
    %sign3A_481 = arith.subi %sign3A_477, %sign3A_480 : i32
    %ne3A_482 = arith.cmpi ne, %sign3A_474, %sign3A_481 : i32
    %rem3A_483 = arith.remsi %squeeze3A_465, %jit3A_466 : i32
    %ne3A_484 = arith.constant 0 : i32
    %ne3A_485 = arith.cmpi ne, %rem3A_483, %ne3A_484 : i32
    %and3A_486 = arith.andi %ne3A_482, %ne3A_485 : i1
    %sub3A_487 = arith.constant 1 : i32
    %sub3A_488 = arith.subi %div3A_467, %sub3A_487 : i32
    %select_n3A_489 = arith.select %and3A_486, %sub3A_488, %div3A_467 : i32
    %mul3A_490 = arith.constant 128 : i32
    %mul3A_491 = arith.muli %select_n3A_489, %mul3A_490 : i32
    %multiple_of3A_492 = tpu.assume_multiple %mul3A_491, 128 : i32
    %dma_start3A_493 = arith.constant 3 : i32
    %dma_start3A_494 = arith.constant 0 : i32
    %dma_start3A_495 = arith.constant 0 : i32
    %dma_start3A_496 = tpu.memref_slice %arg6[%dma_start3A_493, %dma_start3A_494, %dma_start3A_495] : memref<16x32x128xf32, #tpu.memory_space<vmem>> -> memref<1x32x128xf32, #tpu.memory_space<vmem>>
    %dma_start3A_497 = tpu.memref_squeeze %dma_start3A_496 : memref<1x32x128xf32, #tpu.memory_space<vmem>> -> memref<32x128xf32, #tpu.memory_space<vmem>>
    %dma_start3A_498 = arith.constant 0 : i32
    %dma_start3A_499 = tpu.memref_slice %arg3[%dma_start3A_498, %multiple_of3A_492] : memref<32x1000000xf32, #tpu.memory_space<hbm>> -> memref<32x128xf32, #tpu.memory_space<hbm>>
    %dma_start3A_500 = arith.constant 0 : i32
    %dma_start3A_501 = arith.constant 0 : i32
    %dma_start3A_502 = tpu.memref_slice %arg6[%dma_start3A_493, %dma_start3A_500, %dma_start3A_501] : memref<16x32x128xf32, #tpu.memory_space<vmem>> -> memref<1x32x128xf32, #tpu.memory_space<vmem>>
    %dma_start3A_503 = tpu.memref_squeeze %dma_start3A_502 : memref<1x32x128xf32, #tpu.memory_space<vmem>> -> memref<32x128xf32, #tpu.memory_space<vmem>>
    %dma_start3A_504 = arith.constant 0 : i32
    %dma_start3A_505 = tpu.memref_slice %arg3[%dma_start3A_504, %multiple_of3A_492] : memref<32x1000000xf32, #tpu.memory_space<hbm>> -> memref<32x128xf32, #tpu.memory_space<hbm>>
    tpu.enqueue_dma source(%dma_start3A_505 : memref<32x128xf32, #tpu.memory_space<hbm>>) target(%dma_start3A_503 : memref<32x128xf32, #tpu.memory_space<vmem>>) target_semaphore(%arg8 : memref<!tpu.dma_semaphore, #tpu.memory_space<semaphore_mem>>)
    %slice3A_506 = vector.extract_strided_slice %get3A_337 {offsets = [4], sizes = [1], strides = [1]} : vector<16xi32> to vector<1xi32>
    %squeeze3A_507 = vector.extract %slice3A_506[0] : i32 from vector<1xi32>
    %jit3A_508 = arith.constant 128 : i32
    %div3A_509 = arith.divsi %squeeze3A_507, %jit3A_508 : i32
    %sign3A_510 = arith.constant 0 : i32
    %sign3A_511 = arith.cmpi sgt, %squeeze3A_507, %sign3A_510 : i32
    %sign3A_512 = arith.extui %sign3A_511 : i1 to i32
    %sign3A_513 = arith.constant 0 : i32
    %sign3A_514 = arith.cmpi slt, %squeeze3A_507, %sign3A_513 : i32
    %sign3A_515 = arith.extui %sign3A_514 : i1 to i32
    %sign3A_516 = arith.subi %sign3A_512, %sign3A_515 : i32
    %sign3A_517 = arith.constant 0 : i32
    %sign3A_518 = arith.cmpi sgt, %jit3A_508, %sign3A_517 : i32
    %sign3A_519 = arith.extui %sign3A_518 : i1 to i32
    %sign3A_520 = arith.constant 0 : i32
    %sign3A_521 = arith.cmpi slt, %jit3A_508, %sign3A_520 : i32
    %sign3A_522 = arith.extui %sign3A_521 : i1 to i32
    %sign3A_523 = arith.subi %sign3A_519, %sign3A_522 : i32
    %ne3A_524 = arith.cmpi ne, %sign3A_516, %sign3A_523 : i32
    %rem3A_525 = arith.remsi %squeeze3A_507, %jit3A_508 : i32
    %ne3A_526 = arith.constant 0 : i32
    %ne3A_527 = arith.cmpi ne, %rem3A_525, %ne3A_526 : i32
    %and3A_528 = arith.andi %ne3A_524, %ne3A_527 : i1
    %sub3A_529 = arith.constant 1 : i32
    %sub3A_530 = arith.subi %div3A_509, %sub3A_529 : i32
    %select_n3A_531 = arith.select %and3A_528, %sub3A_530, %div3A_509 : i32
    %mul3A_532 = arith.constant 128 : i32
    %mul3A_533 = arith.muli %select_n3A_531, %mul3A_532 : i32
    %multiple_of3A_534 = tpu.assume_multiple %mul3A_533, 128 : i32
    %dma_start3A_535 = arith.constant 4 : i32
    %dma_start3A_536 = arith.constant 0 : i32
    %dma_start3A_537 = arith.constant 0 : i32
    %dma_start3A_538 = tpu.memref_slice %arg6[%dma_start3A_535, %dma_start3A_536, %dma_start3A_537] : memref<16x32x128xf32, #tpu.memory_space<vmem>> -> memref<1x32x128xf32, #tpu.memory_space<vmem>>
    %dma_start3A_539 = tpu.memref_squeeze %dma_start3A_538 : memref<1x32x128xf32, #tpu.memory_space<vmem>> -> memref<32x128xf32, #tpu.memory_space<vmem>>
    %dma_start3A_540 = arith.constant 0 : i32
    %dma_start3A_541 = tpu.memref_slice %arg3[%dma_start3A_540, %multiple_of3A_534] : memref<32x1000000xf32, #tpu.memory_space<hbm>> -> memref<32x128xf32, #tpu.memory_space<hbm>>
    %dma_start3A_542 = arith.constant 0 : i32
    %dma_start3A_543 = arith.constant 0 : i32
    %dma_start3A_544 = tpu.memref_slice %arg6[%dma_start3A_535, %dma_start3A_542, %dma_start3A_543] : memref<16x32x128xf32, #tpu.memory_space<vmem>> -> memref<1x32x128xf32, #tpu.memory_space<vmem>>
    %dma_start3A_545 = tpu.memref_squeeze %dma_start3A_544 : memref<1x32x128xf32, #tpu.memory_space<vmem>> -> memref<32x128xf32, #tpu.memory_space<vmem>>
    %dma_start3A_546 = arith.constant 0 : i32
    %dma_start3A_547 = tpu.memref_slice %arg3[%dma_start3A_546, %multiple_of3A_534] : memref<32x1000000xf32, #tpu.memory_space<hbm>> -> memref<32x128xf32, #tpu.memory_space<hbm>>
    tpu.enqueue_dma source(%dma_start3A_547 : memref<32x128xf32, #tpu.memory_space<hbm>>) target(%dma_start3A_545 : memref<32x128xf32, #tpu.memory_space<vmem>>) target_semaphore(%arg8 : memref<!tpu.dma_semaphore, #tpu.memory_space<semaphore_mem>>)
    %slice3A_548 = vector.extract_strided_slice %get3A_337 {offsets = [5], sizes = [1], strides = [1]} : vector<16xi32> to vector<1xi32>
    %squeeze3A_549 = vector.extract %slice3A_548[0] : i32 from vector<1xi32>
    %jit3A_550 = arith.constant 128 : i32
    %div3A_551 = arith.divsi %squeeze3A_549, %jit3A_550 : i32
    %sign3A_552 = arith.constant 0 : i32
    %sign3A_553 = arith.cmpi sgt, %squeeze3A_549, %sign3A_552 : i32
    %sign3A_554 = arith.extui %sign3A_553 : i1 to i32
    %sign3A_555 = arith.constant 0 : i32
    %sign3A_556 = arith.cmpi slt, %squeeze3A_549, %sign3A_555 : i32
    %sign3A_557 = arith.extui %sign3A_556 : i1 to i32
    %sign3A_558 = arith.subi %sign3A_554, %sign3A_557 : i32
    %sign3A_559 = arith.constant 0 : i32
    %sign3A_560 = arith.cmpi sgt, %jit3A_550, %sign3A_559 : i32
    %sign3A_561 = arith.extui %sign3A_560 : i1 to i32
    %sign3A_562 = arith.constant 0 : i32
    %sign3A_563 = arith.cmpi slt, %jit3A_550, %sign3A_562 : i32
    %sign3A_564 = arith.extui %sign3A_563 : i1 to i32
    %sign3A_565 = arith.subi %sign3A_561, %sign3A_564 : i32
    %ne3A_566 = arith.cmpi ne, %sign3A_558, %sign3A_565 : i32
    %rem3A_567 = arith.remsi %squeeze3A_549, %jit3A_550 : i32
    %ne3A_568 = arith.constant 0 : i32
    %ne3A_569 = arith.cmpi ne, %rem3A_567, %ne3A_568 : i32
    %and3A_570 = arith.andi %ne3A_566, %ne3A_569 : i1
    %sub3A_571 = arith.constant 1 : i32
    %sub3A_572 = arith.subi %div3A_551, %sub3A_571 : i32
    %select_n3A_573 = arith.select %and3A_570, %sub3A_572, %div3A_551 : i32
    %mul3A_574 = arith.constant 128 : i32
    %mul3A_575 = arith.muli %select_n3A_573, %mul3A_574 : i32
    %multiple_of3A_576 = tpu.assume_multiple %mul3A_575, 128 : i32
    %dma_start3A_577 = arith.constant 5 : i32
    %dma_start3A_578 = arith.constant 0 : i32
    %dma_start3A_579 = arith.constant 0 : i32
    %dma_start3A_580 = tpu.memref_slice %arg6[%dma_start3A_577, %dma_start3A_578, %dma_start3A_579] : memref<16x32x128xf32, #tpu.memory_space<vmem>> -> memref<1x32x128xf32, #tpu.memory_space<vmem>>
    %dma_start3A_581 = tpu.memref_squeeze %dma_start3A_580 : memref<1x32x128xf32, #tpu.memory_space<vmem>> -> memref<32x128xf32, #tpu.memory_space<vmem>>
    %dma_start3A_582 = arith.constant 0 : i32
    %dma_start3A_583 = tpu.memref_slice %arg3[%dma_start3A_582, %multiple_of3A_576] : memref<32x1000000xf32, #tpu.memory_space<hbm>> -> memref<32x128xf32, #tpu.memory_space<hbm>>
    %dma_start3A_584 = arith.constant 0 : i32
    %dma_start3A_585 = arith.constant 0 : i32
    %dma_start3A_586 = tpu.memref_slice %arg6[%dma_start3A_577, %dma_start3A_584, %dma_start3A_585] : memref<16x32x128xf32, #tpu.memory_space<vmem>> -> memref<1x32x128xf32, #tpu.memory_space<vmem>>
    %dma_start3A_587 = tpu.memref_squeeze %dma_start3A_586 : memref<1x32x128xf32, #tpu.memory_space<vmem>> -> memref<32x128xf32, #tpu.memory_space<vmem>>
    %dma_start3A_588 = arith.constant 0 : i32
    %dma_start3A_589 = tpu.memref_slice %arg3[%dma_start3A_588, %multiple_of3A_576] : memref<32x1000000xf32, #tpu.memory_space<hbm>> -> memref<32x128xf32, #tpu.memory_space<hbm>>
    tpu.enqueue_dma source(%dma_start3A_589 : memref<32x128xf32, #tpu.memory_space<hbm>>) target(%dma_start3A_587 : memref<32x128xf32, #tpu.memory_space<vmem>>) target_semaphore(%arg8 : memref<!tpu.dma_semaphore, #tpu.memory_space<semaphore_mem>>)
    %slice3A_590 = vector.extract_strided_slice %get3A_337 {offsets = [6], sizes = [1], strides = [1]} : vector<16xi32> to vector<1xi32>
    %squeeze3A_591 = vector.extract %slice3A_590[0] : i32 from vector<1xi32>
    %jit3A_592 = arith.constant 128 : i32
    %div3A_593 = arith.divsi %squeeze3A_591, %jit3A_592 : i32
    %sign3A_594 = arith.constant 0 : i32
    %sign3A_595 = arith.cmpi sgt, %squeeze3A_591, %sign3A_594 : i32
    %sign3A_596 = arith.extui %sign3A_595 : i1 to i32
    %sign3A_597 = arith.constant 0 : i32
    %sign3A_598 = arith.cmpi slt, %squeeze3A_591, %sign3A_597 : i32
    %sign3A_599 = arith.extui %sign3A_598 : i1 to i32
    %sign3A_600 = arith.subi %sign3A_596, %sign3A_599 : i32
    %sign3A_601 = arith.constant 0 : i32
    %sign3A_602 = arith.cmpi sgt, %jit3A_592, %sign3A_601 : i32
    %sign3A_603 = arith.extui %sign3A_602 : i1 to i32
    %sign3A_604 = arith.constant 0 : i32
    %sign3A_605 = arith.cmpi slt, %jit3A_592, %sign3A_604 : i32
    %sign3A_606 = arith.extui %sign3A_605 : i1 to i32
    %sign3A_607 = arith.subi %sign3A_603, %sign3A_606 : i32
    %ne3A_608 = arith.cmpi ne, %sign3A_600, %sign3A_607 : i32
    %rem3A_609 = arith.remsi %squeeze3A_591, %jit3A_592 : i32
    %ne3A_610 = arith.constant 0 : i32
    %ne3A_611 = arith.cmpi ne, %rem3A_609, %ne3A_610 : i32
    %and3A_612 = arith.andi %ne3A_608, %ne3A_611 : i1
    %sub3A_613 = arith.constant 1 : i32
    %sub3A_614 = arith.subi %div3A_593, %sub3A_613 : i32
    %select_n3A_615 = arith.select %and3A_612, %sub3A_614, %div3A_593 : i32
    %mul3A_616 = arith.constant 128 : i32
    %mul3A_617 = arith.muli %select_n3A_615, %mul3A_616 : i32
    %multiple_of3A_618 = tpu.assume_multiple %mul3A_617, 128 : i32
    %dma_start3A_619 = arith.constant 6 : i32
    %dma_start3A_620 = arith.constant 0 : i32
    %dma_start3A_621 = arith.constant 0 : i32
    %dma_start3A_622 = tpu.memref_slice %arg6[%dma_start3A_619, %dma_start3A_620, %dma_start3A_621] : memref<16x32x128xf32, #tpu.memory_space<vmem>> -> memref<1x32x128xf32, #tpu.memory_space<vmem>>
    %dma_start3A_623 = tpu.memref_squeeze %dma_start3A_622 : memref<1x32x128xf32, #tpu.memory_space<vmem>> -> memref<32x128xf32, #tpu.memory_space<vmem>>
    %dma_start3A_624 = arith.constant 0 : i32
    %dma_start3A_625 = tpu.memref_slice %arg3[%dma_start3A_624, %multiple_of3A_618] : memref<32x1000000xf32, #tpu.memory_space<hbm>> -> memref<32x128xf32, #tpu.memory_space<hbm>>
    %dma_start3A_626 = arith.constant 0 : i32
    %dma_start3A_627 = arith.constant 0 : i32
    %dma_start3A_628 = tpu.memref_slice %arg6[%dma_start3A_619, %dma_start3A_626, %dma_start3A_627] : memref<16x32x128xf32, #tpu.memory_space<vmem>> -> memref<1x32x128xf32, #tpu.memory_space<vmem>>
    %dma_start3A_629 = tpu.memref_squeeze %dma_start3A_628 : memref<1x32x128xf32, #tpu.memory_space<vmem>> -> memref<32x128xf32, #tpu.memory_space<vmem>>
    %dma_start3A_630 = arith.constant 0 : i32
    %dma_start3A_631 = tpu.memref_slice %arg3[%dma_start3A_630, %multiple_of3A_618] : memref<32x1000000xf32, #tpu.memory_space<hbm>> -> memref<32x128xf32, #tpu.memory_space<hbm>>
    tpu.enqueue_dma source(%dma_start3A_631 : memref<32x128xf32, #tpu.memory_space<hbm>>) target(%dma_start3A_629 : memref<32x128xf32, #tpu.memory_space<vmem>>) target_semaphore(%arg8 : memref<!tpu.dma_semaphore, #tpu.memory_space<semaphore_mem>>)
    %slice3A_632 = vector.extract_strided_slice %get3A_337 {offsets = [7], sizes = [1], strides = [1]} : vector<16xi32> to vector<1xi32>
    %squeeze3A_633 = vector.extract %slice3A_632[0] : i32 from vector<1xi32>
    %jit3A_634 = arith.constant 128 : i32
    %div3A_635 = arith.divsi %squeeze3A_633, %jit3A_634 : i32
    %sign3A_636 = arith.constant 0 : i32
    %sign3A_637 = arith.cmpi sgt, %squeeze3A_633, %sign3A_636 : i32
    %sign3A_638 = arith.extui %sign3A_637 : i1 to i32
    %sign3A_639 = arith.constant 0 : i32
    %sign3A_640 = arith.cmpi slt, %squeeze3A_633, %sign3A_639 : i32
    %sign3A_641 = arith.extui %sign3A_640 : i1 to i32
    %sign3A_642 = arith.subi %sign3A_638, %sign3A_641 : i32
    %sign3A_643 = arith.constant 0 : i32
    %sign3A_644 = arith.cmpi sgt, %jit3A_634, %sign3A_643 : i32
    %sign3A_645 = arith.extui %sign3A_644 : i1 to i32
    %sign3A_646 = arith.constant 0 : i32
    %sign3A_647 = arith.cmpi slt, %jit3A_634, %sign3A_646 : i32
    %sign3A_648 = arith.extui %sign3A_647 : i1 to i32
    %sign3A_649 = arith.subi %sign3A_645, %sign3A_648 : i32
    %ne3A_650 = arith.cmpi ne, %sign3A_642, %sign3A_649 : i32
    %rem3A_651 = arith.remsi %squeeze3A_633, %jit3A_634 : i32
    %ne3A_652 = arith.constant 0 : i32
    %ne3A_653 = arith.cmpi ne, %rem3A_651, %ne3A_652 : i32
    %and3A_654 = arith.andi %ne3A_650, %ne3A_653 : i1
    %sub3A_655 = arith.constant 1 : i32
    %sub3A_656 = arith.subi %div3A_635, %sub3A_655 : i32
    %select_n3A_657 = arith.select %and3A_654, %sub3A_656, %div3A_635 : i32
    %mul3A_658 = arith.constant 128 : i32
    %mul3A_659 = arith.muli %select_n3A_657, %mul3A_658 : i32
    %multiple_of3A_660 = tpu.assume_multiple %mul3A_659, 128 : i32
    %dma_start3A_661 = arith.constant 7 : i32
    %dma_start3A_662 = arith.constant 0 : i32
    %dma_start3A_663 = arith.constant 0 : i32
    %dma_start3A_664 = tpu.memref_slice %arg6[%dma_start3A_661, %dma_start3A_662, %dma_start3A_663] : memref<16x32x128xf32, #tpu.memory_space<vmem>> -> memref<1x32x128xf32, #tpu.memory_space<vmem>>
    %dma_start3A_665 = tpu.memref_squeeze %dma_start3A_664 : memref<1x32x128xf32, #tpu.memory_space<vmem>> -> memref<32x128xf32, #tpu.memory_space<vmem>>
    %dma_start3A_666 = arith.constant 0 : i32
    %dma_start3A_667 = tpu.memref_slice %arg3[%dma_start3A_666, %multiple_of3A_660] : memref<32x1000000xf32, #tpu.memory_space<hbm>> -> memref<32x128xf32, #tpu.memory_space<hbm>>
    %dma_start3A_668 = arith.constant 0 : i32
    %dma_start3A_669 = arith.constant 0 : i32
    %dma_start3A_670 = tpu.memref_slice %arg6[%dma_start3A_661, %dma_start3A_668, %dma_start3A_669] : memref<16x32x128xf32, #tpu.memory_space<vmem>> -> memref<1x32x128xf32, #tpu.memory_space<vmem>>
    %dma_start3A_671 = tpu.memref_squeeze %dma_start3A_670 : memref<1x32x128xf32, #tpu.memory_space<vmem>> -> memref<32x128xf32, #tpu.memory_space<vmem>>
    %dma_start3A_672 = arith.constant 0 : i32
    %dma_start3A_673 = tpu.memref_slice %arg3[%dma_start3A_672, %multiple_of3A_660] : memref<32x1000000xf32, #tpu.memory_space<hbm>> -> memref<32x128xf32, #tpu.memory_space<hbm>>
    tpu.enqueue_dma source(%dma_start3A_673 : memref<32x128xf32, #tpu.memory_space<hbm>>) target(%dma_start3A_671 : memref<32x128xf32, #tpu.memory_space<vmem>>) target_semaphore(%arg8 : memref<!tpu.dma_semaphore, #tpu.memory_space<semaphore_mem>>)
    %scan3A_674 = arith.constant 0 : i32
    %scan3A_675 = arith.constant 16 : i32
    %scan3A_676 = arith.addi %scan3A_674, %scan3A_675 : i32
    %scan3A_677 = arith.constant 1 : i32
    scf.for %scan3A_681 = %scan3A_674 to %scan3A_676 step %scan3A_677  : i32 {
      %mul3A_682 = arith.constant 1 : i32
      %mul3A_683 = arith.muli %scan3A_681, %mul3A_682 : i32
      %add3A_684 = arith.constant 0 : i32
      %add3A_685 = arith.addi %add3A_684, %mul3A_683 : i32
      %mul3A_686 = arith.constant 2 : i32
      %mul3A_687 = arith.muli %mul3A_686, %add3A_685 : i32
      %mul3A_688 = arith.constant 2 : i32
      %mul3A_689 = arith.muli %mul3A_688, %add3A_685 : i32
      %add3A_690 = arith.constant 1 : i32
      %add3A_691 = arith.addi %mul3A_689, %add3A_690 : i32
      %lt3A_692 = arith.constant 32 : i32
      %lt3A_693 = arith.cmpi slt, %add3A_691, %lt3A_692 : i32
      %convert_element_type3A = arith.extui %lt3A_693 : i1 to i32
      %cond3A = arith.constant 0 : i32
      %cond3A_694 = arith.cmpi ne, %convert_element_type3A, %cond3A : i32
      scf.if %cond3A_694 {
        %add3A_936 = arith.constant 32 : i32
        %add3A_937 = arith.addi %add3A_936, %add3A_691 : i32
        %mul3A_938 = arith.constant 8 : i32
        %mul3A_939 = arith.muli %add3A_937, %mul3A_938 : i32
        %get3A_940 = arith.index_cast %mul3A_939 : i32 to index
        %get3A_941 = tpu.vector_load %arg5[%get3A_940] {strides = array<i32>} : memref<528xi32, #tpu.memory_space<vmem>>, vector<16xi32>,
        %slice3A_942 = vector.extract_strided_slice %get3A_941 {offsets = [0], sizes = [1], strides = [1]} : vector<16xi32> to vector<1xi32>
        %squeeze3A_943 = vector.extract %slice3A_942[0] : i32 from vector<1xi32>
        %jit3A_944 = arith.constant 128 : i32
        %div3A_945 = arith.divsi %squeeze3A_943, %jit3A_944 : i32
        %sign3A_946 = arith.constant 0 : i32
        %sign3A_947 = arith.cmpi sgt, %squeeze3A_943, %sign3A_946 : i32
        %sign3A_948 = arith.extui %sign3A_947 : i1 to i32
        %sign3A_949 = arith.constant 0 : i32
        %sign3A_950 = arith.cmpi slt, %squeeze3A_943, %sign3A_949 : i32
        %sign3A_951 = arith.extui %sign3A_950 : i1 to i32
        %sign3A_952 = arith.subi %sign3A_948, %sign3A_951 : i32
        %sign3A_953 = arith.constant 0 : i32
        %sign3A_954 = arith.cmpi sgt, %jit3A_944, %sign3A_953 : i32
        %sign3A_955 = arith.extui %sign3A_954 : i1 to i32
        %sign3A_956 = arith.constant 0 : i32
        %sign3A_957 = arith.cmpi slt, %jit3A_944, %sign3A_956 : i32
        %sign3A_958 = arith.extui %sign3A_957 : i1 to i32
        %sign3A_959 = arith.subi %sign3A_955, %sign3A_958 : i32
        %ne3A_960 = arith.cmpi ne, %sign3A_952, %sign3A_959 : i32
        %rem3A_961 = arith.remsi %squeeze3A_943, %jit3A_944 : i32
        %ne3A_962 = arith.constant 0 : i32
        %ne3A_963 = arith.cmpi ne, %rem3A_961, %ne3A_962 : i32
        %and3A_964 = arith.andi %ne3A_960, %ne3A_963 : i1
        %sub3A_965 = arith.constant 1 : i32
        %sub3A_966 = arith.subi %div3A_945, %sub3A_965 : i32
        %select_n3A_967 = arith.select %and3A_964, %sub3A_966, %div3A_945 : i32
        %mul3A_968 = arith.constant 128 : i32
        %mul3A_969 = arith.muli %select_n3A_967, %mul3A_968 : i32
        %multiple_of3A_970 = tpu.assume_multiple %mul3A_969, 128 : i32
        %dma_start3A_971 = arith.constant 8 : i32
        %dma_start3A_972 = arith.constant 0 : i32
        %dma_start3A_973 = arith.constant 0 : i32
        %dma_start3A_974 = tpu.memref_slice %arg6[%dma_start3A_971, %dma_start3A_972, %dma_start3A_973] : memref<16x32x128xf32, #tpu.memory_space<vmem>> -> memref<1x32x128xf32, #tpu.memory_space<vmem>>
        %dma_start3A_975 = tpu.memref_squeeze %dma_start3A_974 : memref<1x32x128xf32, #tpu.memory_space<vmem>> -> memref<32x128xf32, #tpu.memory_space<vmem>>
        %dma_start3A_976 = arith.constant 0 : i32
        %dma_start3A_977 = tpu.memref_slice %arg3[%dma_start3A_976, %multiple_of3A_970] : memref<32x1000000xf32, #tpu.memory_space<hbm>> -> memref<32x128xf32, #tpu.memory_space<hbm>>
        %dma_start3A_978 = arith.constant 0 : i32
        %dma_start3A_979 = arith.constant 0 : i32
        %dma_start3A_980 = tpu.memref_slice %arg6[%dma_start3A_971, %dma_start3A_978, %dma_start3A_979] : memref<16x32x128xf32, #tpu.memory_space<vmem>> -> memref<1x32x128xf32, #tpu.memory_space<vmem>>
        %dma_start3A_981 = tpu.memref_squeeze %dma_start3A_980 : memref<1x32x128xf32, #tpu.memory_space<vmem>> -> memref<32x128xf32, #tpu.memory_space<vmem>>
        %dma_start3A_982 = arith.constant 0 : i32
        %dma_start3A_983 = tpu.memref_slice %arg3[%dma_start3A_982, %multiple_of3A_970] : memref<32x1000000xf32, #tpu.memory_space<hbm>> -> memref<32x128xf32, #tpu.memory_space<hbm>>
        tpu.enqueue_dma source(%dma_start3A_983 : memref<32x128xf32, #tpu.memory_space<hbm>>) target(%dma_start3A_981 : memref<32x128xf32, #tpu.memory_space<vmem>>) target_semaphore(%arg9 : memref<!tpu.dma_semaphore, #tpu.memory_space<semaphore_mem>>)
        %slice3A_984 = vector.extract_strided_slice %get3A_941 {offsets = [1], sizes = [1], strides = [1]} : vector<16xi32> to vector<1xi32>
        %squeeze3A_985 = vector.extract %slice3A_984[0] : i32 from vector<1xi32>
        %jit3A_986 = arith.constant 128 : i32
        %div3A_987 = arith.divsi %squeeze3A_985, %jit3A_986 : i32
        %sign3A_988 = arith.constant 0 : i32
        %sign3A_989 = arith.cmpi sgt, %squeeze3A_985, %sign3A_988 : i32
        %sign3A_990 = arith.extui %sign3A_989 : i1 to i32
        %sign3A_991 = arith.constant 0 : i32
        %sign3A_992 = arith.cmpi slt, %squeeze3A_985, %sign3A_991 : i32
        %sign3A_993 = arith.extui %sign3A_992 : i1 to i32
        %sign3A_994 = arith.subi %sign3A_990, %sign3A_993 : i32
        %sign3A_995 = arith.constant 0 : i32
        %sign3A_996 = arith.cmpi sgt, %jit3A_986, %sign3A_995 : i32
        %sign3A_997 = arith.extui %sign3A_996 : i1 to i32
        %sign3A_998 = arith.constant 0 : i32
        %sign3A_999 = arith.cmpi slt, %jit3A_986, %sign3A_998 : i32
        %sign3A_1000 = arith.extui %sign3A_999 : i1 to i32
        %sign3A_1001 = arith.subi %sign3A_997, %sign3A_1000 : i32
        %ne3A_1002 = arith.cmpi ne, %sign3A_994, %sign3A_1001 : i32
        %rem3A_1003 = arith.remsi %squeeze3A_985, %jit3A_986 : i32
        %ne3A_1004 = arith.constant 0 : i32
        %ne3A_1005 = arith.cmpi ne, %rem3A_1003, %ne3A_1004 : i32
        %and3A_1006 = arith.andi %ne3A_1002, %ne3A_1005 : i1
        %sub3A_1007 = arith.constant 1 : i32
        %sub3A_1008 = arith.subi %div3A_987, %sub3A_1007 : i32
        %select_n3A_1009 = arith.select %and3A_1006, %sub3A_1008, %div3A_987 : i32
        %mul3A_1010 = arith.constant 128 : i32
        %mul3A_1011 = arith.muli %select_n3A_1009, %mul3A_1010 : i32
        %multiple_of3A_1012 = tpu.assume_multiple %mul3A_1011, 128 : i32
        %dma_start3A_1013 = arith.constant 9 : i32
        %dma_start3A_1014 = arith.constant 0 : i32
        %dma_start3A_1015 = arith.constant 0 : i32
        %dma_start3A_1016 = tpu.memref_slice %arg6[%dma_start3A_1013, %dma_start3A_1014, %dma_start3A_1015] : memref<16x32x128xf32, #tpu.memory_space<vmem>> -> memref<1x32x128xf32, #tpu.memory_space<vmem>>
        %dma_start3A_1017 = tpu.memref_squeeze %dma_start3A_1016 : memref<1x32x128xf32, #tpu.memory_space<vmem>> -> memref<32x128xf32, #tpu.memory_space<vmem>>
        %dma_start3A_1018 = arith.constant 0 : i32
        %dma_start3A_1019 = tpu.memref_slice %arg3[%dma_start3A_1018, %multiple_of3A_1012] : memref<32x1000000xf32, #tpu.memory_space<hbm>> -> memref<32x128xf32, #tpu.memory_space<hbm>>
        %dma_start3A_1020 = arith.constant 0 : i32
        %dma_start3A_1021 = arith.constant 0 : i32
        %dma_start3A_1022 = tpu.memref_slice %arg6[%dma_start3A_1013, %dma_start3A_1020, %dma_start3A_1021] : memref<16x32x128xf32, #tpu.memory_space<vmem>> -> memref<1x32x128xf32, #tpu.memory_space<vmem>>
        %dma_start3A_1023 = tpu.memref_squeeze %dma_start3A_1022 : memref<1x32x128xf32, #tpu.memory_space<vmem>> -> memref<32x128xf32, #tpu.memory_space<vmem>>
        %dma_start3A_1024 = arith.constant 0 : i32
        %dma_start3A_1025 = tpu.memref_slice %arg3[%dma_start3A_1024, %multiple_of3A_1012] : memref<32x1000000xf32, #tpu.memory_space<hbm>> -> memref<32x128xf32, #tpu.memory_space<hbm>>
        tpu.enqueue_dma source(%dma_start3A_1025 : memref<32x128xf32, #tpu.memory_space<hbm>>) target(%dma_start3A_1023 : memref<32x128xf32, #tpu.memory_space<vmem>>) target_semaphore(%arg9 : memref<!tpu.dma_semaphore, #tpu.memory_space<semaphore_mem>>)
        %slice3A_1026 = vector.extract_strided_slice %get3A_941 {offsets = [2], sizes = [1], strides = [1]} : vector<16xi32> to vector<1xi32>
        %squeeze3A_1027 = vector.extract %slice3A_1026[0] : i32 from vector<1xi32>
        %jit3A_1028 = arith.constant 128 : i32
        %div3A_1029 = arith.divsi %squeeze3A_1027, %jit3A_1028 : i32
        %sign3A_1030 = arith.constant 0 : i32
        %sign3A_1031 = arith.cmpi sgt, %squeeze3A_1027, %sign3A_1030 : i32
        %sign3A_1032 = arith.extui %sign3A_1031 : i1 to i32
        %sign3A_1033 = arith.constant 0 : i32
        %sign3A_1034 = arith.cmpi slt, %squeeze3A_1027, %sign3A_1033 : i32
        %sign3A_1035 = arith.extui %sign3A_1034 : i1 to i32
        %sign3A_1036 = arith.subi %sign3A_1032, %sign3A_1035 : i32
        %sign3A_1037 = arith.constant 0 : i32
        %sign3A_1038 = arith.cmpi sgt, %jit3A_1028, %sign3A_1037 : i32
        %sign3A_1039 = arith.extui %sign3A_1038 : i1 to i32
        %sign3A_1040 = arith.constant 0 : i32
        %sign3A_1041 = arith.cmpi slt, %jit3A_1028, %sign3A_1040 : i32
        %sign3A_1042 = arith.extui %sign3A_1041 : i1 to i32
        %sign3A_1043 = arith.subi %sign3A_1039, %sign3A_1042 : i32
        %ne3A_1044 = arith.cmpi ne, %sign3A_1036, %sign3A_1043 : i32
        %rem3A_1045 = arith.remsi %squeeze3A_1027, %jit3A_1028 : i32
        %ne3A_1046 = arith.constant 0 : i32
        %ne3A_1047 = arith.cmpi ne, %rem3A_1045, %ne3A_1046 : i32
        %and3A_1048 = arith.andi %ne3A_1044, %ne3A_1047 : i1
        %sub3A_1049 = arith.constant 1 : i32
        %sub3A_1050 = arith.subi %div3A_1029, %sub3A_1049 : i32
        %select_n3A_1051 = arith.select %and3A_1048, %sub3A_1050, %div3A_1029 : i32
        %mul3A_1052 = arith.constant 128 : i32
        %mul3A_1053 = arith.muli %select_n3A_1051, %mul3A_1052 : i32
        %multiple_of3A_1054 = tpu.assume_multiple %mul3A_1053, 128 : i32
        %dma_start3A_1055 = arith.constant 10 : i32
        %dma_start3A_1056 = arith.constant 0 : i32
        %dma_start3A_1057 = arith.constant 0 : i32
        %dma_start3A_1058 = tpu.memref_slice %arg6[%dma_start3A_1055, %dma_start3A_1056, %dma_start3A_1057] : memref<16x32x128xf32, #tpu.memory_space<vmem>> -> memref<1x32x128xf32, #tpu.memory_space<vmem>>
        %dma_start3A_1059 = tpu.memref_squeeze %dma_start3A_1058 : memref<1x32x128xf32, #tpu.memory_space<vmem>> -> memref<32x128xf32, #tpu.memory_space<vmem>>
        %dma_start3A_1060 = arith.constant 0 : i32
        %dma_start3A_1061 = tpu.memref_slice %arg3[%dma_start3A_1060, %multiple_of3A_1054] : memref<32x1000000xf32, #tpu.memory_space<hbm>> -> memref<32x128xf32, #tpu.memory_space<hbm>>
        %dma_start3A_1062 = arith.constant 0 : i32
        %dma_start3A_1063 = arith.constant 0 : i32
        %dma_start3A_1064 = tpu.memref_slice %arg6[%dma_start3A_1055, %dma_start3A_1062, %dma_start3A_1063] : memref<16x32x128xf32, #tpu.memory_space<vmem>> -> memref<1x32x128xf32, #tpu.memory_space<vmem>>
        %dma_start3A_1065 = tpu.memref_squeeze %dma_start3A_1064 : memref<1x32x128xf32, #tpu.memory_space<vmem>> -> memref<32x128xf32, #tpu.memory_space<vmem>>
        %dma_start3A_1066 = arith.constant 0 : i32
        %dma_start3A_1067 = tpu.memref_slice %arg3[%dma_start3A_1066, %multiple_of3A_1054] : memref<32x1000000xf32, #tpu.memory_space<hbm>> -> memref<32x128xf32, #tpu.memory_space<hbm>>
        tpu.enqueue_dma source(%dma_start3A_1067 : memref<32x128xf32, #tpu.memory_space<hbm>>) target(%dma_start3A_1065 : memref<32x128xf32, #tpu.memory_space<vmem>>) target_semaphore(%arg9 : memref<!tpu.dma_semaphore, #tpu.memory_space<semaphore_mem>>)
        %slice3A_1068 = vector.extract_strided_slice %get3A_941 {offsets = [3], sizes = [1], strides = [1]} : vector<16xi32> to vector<1xi32>
        %squeeze3A_1069 = vector.extract %slice3A_1068[0] : i32 from vector<1xi32>
        %jit3A_1070 = arith.constant 128 : i32
        %div3A_1071 = arith.divsi %squeeze3A_1069, %jit3A_1070 : i32
        %sign3A_1072 = arith.constant 0 : i32
        %sign3A_1073 = arith.cmpi sgt, %squeeze3A_1069, %sign3A_1072 : i32
        %sign3A_1074 = arith.extui %sign3A_1073 : i1 to i32
        %sign3A_1075 = arith.constant 0 : i32
        %sign3A_1076 = arith.cmpi slt, %squeeze3A_1069, %sign3A_1075 : i32
        %sign3A_1077 = arith.extui %sign3A_1076 : i1 to i32
        %sign3A_1078 = arith.subi %sign3A_1074, %sign3A_1077 : i32
        %sign3A_1079 = arith.constant 0 : i32
        %sign3A_1080 = arith.cmpi sgt, %jit3A_1070, %sign3A_1079 : i32
        %sign3A_1081 = arith.extui %sign3A_1080 : i1 to i32
        %sign3A_1082 = arith.constant 0 : i32
        %sign3A_1083 = arith.cmpi slt, %jit3A_1070, %sign3A_1082 : i32
        %sign3A_1084 = arith.extui %sign3A_1083 : i1 to i32
        %sign3A_1085 = arith.subi %sign3A_1081, %sign3A_1084 : i32
        %ne3A_1086 = arith.cmpi ne, %sign3A_1078, %sign3A_1085 : i32
        %rem3A_1087 = arith.remsi %squeeze3A_1069, %jit3A_1070 : i32
        %ne3A_1088 = arith.constant 0 : i32
        %ne3A_1089 = arith.cmpi ne, %rem3A_1087, %ne3A_1088 : i32
        %and3A_1090 = arith.andi %ne3A_1086, %ne3A_1089 : i1
        %sub3A_1091 = arith.constant 1 : i32
        %sub3A_1092 = arith.subi %div3A_1071, %sub3A_1091 : i32
        %select_n3A_1093 = arith.select %and3A_1090, %sub3A_1092, %div3A_1071 : i32
        %mul3A_1094 = arith.constant 128 : i32
        %mul3A_1095 = arith.muli %select_n3A_1093, %mul3A_1094 : i32
        %multiple_of3A_1096 = tpu.assume_multiple %mul3A_1095, 128 : i32
        %dma_start3A_1097 = arith.constant 11 : i32
        %dma_start3A_1098 = arith.constant 0 : i32
        %dma_start3A_1099 = arith.constant 0 : i32
        %dma_start3A_1100 = tpu.memref_slice %arg6[%dma_start3A_1097, %dma_start3A_1098, %dma_start3A_1099] : memref<16x32x128xf32, #tpu.memory_space<vmem>> -> memref<1x32x128xf32, #tpu.memory_space<vmem>>
        %dma_start3A_1101 = tpu.memref_squeeze %dma_start3A_1100 : memref<1x32x128xf32, #tpu.memory_space<vmem>> -> memref<32x128xf32, #tpu.memory_space<vmem>>
        %dma_start3A_1102 = arith.constant 0 : i32
        %dma_start3A_1103 = tpu.memref_slice %arg3[%dma_start3A_1102, %multiple_of3A_1096] : memref<32x1000000xf32, #tpu.memory_space<hbm>> -> memref<32x128xf32, #tpu.memory_space<hbm>>
        %dma_start3A_1104 = arith.constant 0 : i32
        %dma_start3A_1105 = arith.constant 0 : i32
        %dma_start3A_1106 = tpu.memref_slice %arg6[%dma_start3A_1097, %dma_start3A_1104, %dma_start3A_1105] : memref<16x32x128xf32, #tpu.memory_space<vmem>> -> memref<1x32x128xf32, #tpu.memory_space<vmem>>
        %dma_start3A_1107 = tpu.memref_squeeze %dma_start3A_1106 : memref<1x32x128xf32, #tpu.memory_space<vmem>> -> memref<32x128xf32, #tpu.memory_space<vmem>>
        %dma_start3A_1108 = arith.constant 0 : i32
        %dma_start3A_1109 = tpu.memref_slice %arg3[%dma_start3A_1108, %multiple_of3A_1096] : memref<32x1000000xf32, #tpu.memory_space<hbm>> -> memref<32x128xf32, #tpu.memory_space<hbm>>
        tpu.enqueue_dma source(%dma_start3A_1109 : memref<32x128xf32, #tpu.memory_space<hbm>>) target(%dma_start3A_1107 : memref<32x128xf32, #tpu.memory_space<vmem>>) target_semaphore(%arg9 : memref<!tpu.dma_semaphore, #tpu.memory_space<semaphore_mem>>)
        %slice3A_1110 = vector.extract_strided_slice %get3A_941 {offsets = [4], sizes = [1], strides = [1]} : vector<16xi32> to vector<1xi32>
        %squeeze3A_1111 = vector.extract %slice3A_1110[0] : i32 from vector<1xi32>
        %jit3A_1112 = arith.constant 128 : i32
        %div3A_1113 = arith.divsi %squeeze3A_1111, %jit3A_1112 : i32
        %sign3A_1114 = arith.constant 0 : i32
        %sign3A_1115 = arith.cmpi sgt, %squeeze3A_1111, %sign3A_1114 : i32
        %sign3A_1116 = arith.extui %sign3A_1115 : i1 to i32
        %sign3A_1117 = arith.constant 0 : i32
        %sign3A_1118 = arith.cmpi slt, %squeeze3A_1111, %sign3A_1117 : i32
        %sign3A_1119 = arith.extui %sign3A_1118 : i1 to i32
        %sign3A_1120 = arith.subi %sign3A_1116, %sign3A_1119 : i32
        %sign3A_1121 = arith.constant 0 : i32
        %sign3A_1122 = arith.cmpi sgt, %jit3A_1112, %sign3A_1121 : i32
        %sign3A_1123 = arith.extui %sign3A_1122 : i1 to i32
        %sign3A_1124 = arith.constant 0 : i32
        %sign3A_1125 = arith.cmpi slt, %jit3A_1112, %sign3A_1124 : i32
        %sign3A_1126 = arith.extui %sign3A_1125 : i1 to i32
        %sign3A_1127 = arith.subi %sign3A_1123, %sign3A_1126 : i32
        %ne3A_1128 = arith.cmpi ne, %sign3A_1120, %sign3A_1127 : i32
        %rem3A_1129 = arith.remsi %squeeze3A_1111, %jit3A_1112 : i32
        %ne3A_1130 = arith.constant 0 : i32
        %ne3A_1131 = arith.cmpi ne, %rem3A_1129, %ne3A_1130 : i32
        %and3A_1132 = arith.andi %ne3A_1128, %ne3A_1131 : i1
        %sub3A_1133 = arith.constant 1 : i32
        %sub3A_1134 = arith.subi %div3A_1113, %sub3A_1133 : i32
        %select_n3A_1135 = arith.select %and3A_1132, %sub3A_1134, %div3A_1113 : i32
        %mul3A_1136 = arith.constant 128 : i32
        %mul3A_1137 = arith.muli %select_n3A_1135, %mul3A_1136 : i32
        %multiple_of3A_1138 = tpu.assume_multiple %mul3A_1137, 128 : i32
        %dma_start3A_1139 = arith.constant 12 : i32
        %dma_start3A_1140 = arith.constant 0 : i32
        %dma_start3A_1141 = arith.constant 0 : i32
        %dma_start3A_1142 = tpu.memref_slice %arg6[%dma_start3A_1139, %dma_start3A_1140, %dma_start3A_1141] : memref<16x32x128xf32, #tpu.memory_space<vmem>> -> memref<1x32x128xf32, #tpu.memory_space<vmem>>
        %dma_start3A_1143 = tpu.memref_squeeze %dma_start3A_1142 : memref<1x32x128xf32, #tpu.memory_space<vmem>> -> memref<32x128xf32, #tpu.memory_space<vmem>>
        %dma_start3A_1144 = arith.constant 0 : i32
        %dma_start3A_1145 = tpu.memref_slice %arg3[%dma_start3A_1144, %multiple_of3A_1138] : memref<32x1000000xf32, #tpu.memory_space<hbm>> -> memref<32x128xf32, #tpu.memory_space<hbm>>
        %dma_start3A_1146 = arith.constant 0 : i32
        %dma_start3A_1147 = arith.constant 0 : i32
        %dma_start3A_1148 = tpu.memref_slice %arg6[%dma_start3A_1139, %dma_start3A_1146, %dma_start3A_1147] : memref<16x32x128xf32, #tpu.memory_space<vmem>> -> memref<1x32x128xf32, #tpu.memory_space<vmem>>
        %dma_start3A_1149 = tpu.memref_squeeze %dma_start3A_1148 : memref<1x32x128xf32, #tpu.memory_space<vmem>> -> memref<32x128xf32, #tpu.memory_space<vmem>>
        %dma_start3A_1150 = arith.constant 0 : i32
        %dma_start3A_1151 = tpu.memref_slice %arg3[%dma_start3A_1150, %multiple_of3A_1138] : memref<32x1000000xf32, #tpu.memory_space<hbm>> -> memref<32x128xf32, #tpu.memory_space<hbm>>
        tpu.enqueue_dma source(%dma_start3A_1151 : memref<32x128xf32, #tpu.memory_space<hbm>>) target(%dma_start3A_1149 : memref<32x128xf32, #tpu.memory_space<vmem>>) target_semaphore(%arg9 : memref<!tpu.dma_semaphore, #tpu.memory_space<semaphore_mem>>)
        %slice3A_1152 = vector.extract_strided_slice %get3A_941 {offsets = [5], sizes = [1], strides = [1]} : vector<16xi32> to vector<1xi32>
        %squeeze3A_1153 = vector.extract %slice3A_1152[0] : i32 from vector<1xi32>
        %jit3A_1154 = arith.constant 128 : i32
        %div3A_1155 = arith.divsi %squeeze3A_1153, %jit3A_1154 : i32
        %sign3A_1156 = arith.constant 0 : i32
        %sign3A_1157 = arith.cmpi sgt, %squeeze3A_1153, %sign3A_1156 : i32
        %sign3A_1158 = arith.extui %sign3A_1157 : i1 to i32
        %sign3A_1159 = arith.constant 0 : i32
        %sign3A_1160 = arith.cmpi slt, %squeeze3A_1153, %sign3A_1159 : i32
        %sign3A_1161 = arith.extui %sign3A_1160 : i1 to i32
        %sign3A_1162 = arith.subi %sign3A_1158, %sign3A_1161 : i32
        %sign3A_1163 = arith.constant 0 : i32
        %sign3A_1164 = arith.cmpi sgt, %jit3A_1154, %sign3A_1163 : i32
        %sign3A_1165 = arith.extui %sign3A_1164 : i1 to i32
        %sign3A_1166 = arith.constant 0 : i32
        %sign3A_1167 = arith.cmpi slt, %jit3A_1154, %sign3A_1166 : i32
        %sign3A_1168 = arith.extui %sign3A_1167 : i1 to i32
        %sign3A_1169 = arith.subi %sign3A_1165, %sign3A_1168 : i32
        %ne3A_1170 = arith.cmpi ne, %sign3A_1162, %sign3A_1169 : i32
        %rem3A_1171 = arith.remsi %squeeze3A_1153, %jit3A_1154 : i32
        %ne3A_1172 = arith.constant 0 : i32
        %ne3A_1173 = arith.cmpi ne, %rem3A_1171, %ne3A_1172 : i32
        %and3A_1174 = arith.andi %ne3A_1170, %ne3A_1173 : i1
        %sub3A_1175 = arith.constant 1 : i32
        %sub3A_1176 = arith.subi %div3A_1155, %sub3A_1175 : i32
        %select_n3A_1177 = arith.select %and3A_1174, %sub3A_1176, %div3A_1155 : i32
        %mul3A_1178 = arith.constant 128 : i32
        %mul3A_1179 = arith.muli %select_n3A_1177, %mul3A_1178 : i32
        %multiple_of3A_1180 = tpu.assume_multiple %mul3A_1179, 128 : i32
        %dma_start3A_1181 = arith.constant 13 : i32
        %dma_start3A_1182 = arith.constant 0 : i32
        %dma_start3A_1183 = arith.constant 0 : i32
        %dma_start3A_1184 = tpu.memref_slice %arg6[%dma_start3A_1181, %dma_start3A_1182, %dma_start3A_1183] : memref<16x32x128xf32, #tpu.memory_space<vmem>> -> memref<1x32x128xf32, #tpu.memory_space<vmem>>
        %dma_start3A_1185 = tpu.memref_squeeze %dma_start3A_1184 : memref<1x32x128xf32, #tpu.memory_space<vmem>> -> memref<32x128xf32, #tpu.memory_space<vmem>>
        %dma_start3A_1186 = arith.constant 0 : i32
        %dma_start3A_1187 = tpu.memref_slice %arg3[%dma_start3A_1186, %multiple_of3A_1180] : memref<32x1000000xf32, #tpu.memory_space<hbm>> -> memref<32x128xf32, #tpu.memory_space<hbm>>
        %dma_start3A_1188 = arith.constant 0 : i32
        %dma_start3A_1189 = arith.constant 0 : i32
        %dma_start3A_1190 = tpu.memref_slice %arg6[%dma_start3A_1181, %dma_start3A_1188, %dma_start3A_1189] : memref<16x32x128xf32, #tpu.memory_space<vmem>> -> memref<1x32x128xf32, #tpu.memory_space<vmem>>
        %dma_start3A_1191 = tpu.memref_squeeze %dma_start3A_1190 : memref<1x32x128xf32, #tpu.memory_space<vmem>> -> memref<32x128xf32, #tpu.memory_space<vmem>>
        %dma_start3A_1192 = arith.constant 0 : i32
        %dma_start3A_1193 = tpu.memref_slice %arg3[%dma_start3A_1192, %multiple_of3A_1180] : memref<32x1000000xf32, #tpu.memory_space<hbm>> -> memref<32x128xf32, #tpu.memory_space<hbm>>
        tpu.enqueue_dma source(%dma_start3A_1193 : memref<32x128xf32, #tpu.memory_space<hbm>>) target(%dma_start3A_1191 : memref<32x128xf32, #tpu.memory_space<vmem>>) target_semaphore(%arg9 : memref<!tpu.dma_semaphore, #tpu.memory_space<semaphore_mem>>)
        %slice3A_1194 = vector.extract_strided_slice %get3A_941 {offsets = [6], sizes = [1], strides = [1]} : vector<16xi32> to vector<1xi32>
        %squeeze3A_1195 = vector.extract %slice3A_1194[0] : i32 from vector<1xi32>
        %jit3A_1196 = arith.constant 128 : i32
        %div3A_1197 = arith.divsi %squeeze3A_1195, %jit3A_1196 : i32
        %sign3A_1198 = arith.constant 0 : i32
        %sign3A_1199 = arith.cmpi sgt, %squeeze3A_1195, %sign3A_1198 : i32
        %sign3A_1200 = arith.extui %sign3A_1199 : i1 to i32
        %sign3A_1201 = arith.constant 0 : i32
        %sign3A_1202 = arith.cmpi slt, %squeeze3A_1195, %sign3A_1201 : i32
        %sign3A_1203 = arith.extui %sign3A_1202 : i1 to i32
        %sign3A_1204 = arith.subi %sign3A_1200, %sign3A_1203 : i32
        %sign3A_1205 = arith.constant 0 : i32
        %sign3A_1206 = arith.cmpi sgt, %jit3A_1196, %sign3A_1205 : i32
        %sign3A_1207 = arith.extui %sign3A_1206 : i1 to i32
        %sign3A_1208 = arith.constant 0 : i32
        %sign3A_1209 = arith.cmpi slt, %jit3A_1196, %sign3A_1208 : i32
        %sign3A_1210 = arith.extui %sign3A_1209 : i1 to i32
        %sign3A_1211 = arith.subi %sign3A_1207, %sign3A_1210 : i32
        %ne3A_1212 = arith.cmpi ne, %sign3A_1204, %sign3A_1211 : i32
        %rem3A_1213 = arith.remsi %squeeze3A_1195, %jit3A_1196 : i32
        %ne3A_1214 = arith.constant 0 : i32
        %ne3A_1215 = arith.cmpi ne, %rem3A_1213, %ne3A_1214 : i32
        %and3A_1216 = arith.andi %ne3A_1212, %ne3A_1215 : i1
        %sub3A_1217 = arith.constant 1 : i32
        %sub3A_1218 = arith.subi %div3A_1197, %sub3A_1217 : i32
        %select_n3A_1219 = arith.select %and3A_1216, %sub3A_1218, %div3A_1197 : i32
        %mul3A_1220 = arith.constant 128 : i32
        %mul3A_1221 = arith.muli %select_n3A_1219, %mul3A_1220 : i32
        %multiple_of3A_1222 = tpu.assume_multiple %mul3A_1221, 128 : i32
        %dma_start3A_1223 = arith.constant 14 : i32
        %dma_start3A_1224 = arith.constant 0 : i32
        %dma_start3A_1225 = arith.constant 0 : i32
        %dma_start3A_1226 = tpu.memref_slice %arg6[%dma_start3A_1223, %dma_start3A_1224, %dma_start3A_1225] : memref<16x32x128xf32, #tpu.memory_space<vmem>> -> memref<1x32x128xf32, #tpu.memory_space<vmem>>
        %dma_start3A_1227 = tpu.memref_squeeze %dma_start3A_1226 : memref<1x32x128xf32, #tpu.memory_space<vmem>> -> memref<32x128xf32, #tpu.memory_space<vmem>>
        %dma_start3A_1228 = arith.constant 0 : i32
        %dma_start3A_1229 = tpu.memref_slice %arg3[%dma_start3A_1228, %multiple_of3A_1222] : memref<32x1000000xf32, #tpu.memory_space<hbm>> -> memref<32x128xf32, #tpu.memory_space<hbm>>
        %dma_start3A_1230 = arith.constant 0 : i32
        %dma_start3A_1231 = arith.constant 0 : i32
        %dma_start3A_1232 = tpu.memref_slice %arg6[%dma_start3A_1223, %dma_start3A_1230, %dma_start3A_1231] : memref<16x32x128xf32, #tpu.memory_space<vmem>> -> memref<1x32x128xf32, #tpu.memory_space<vmem>>
        %dma_start3A_1233 = tpu.memref_squeeze %dma_start3A_1232 : memref<1x32x128xf32, #tpu.memory_space<vmem>> -> memref<32x128xf32, #tpu.memory_space<vmem>>
        %dma_start3A_1234 = arith.constant 0 : i32
        %dma_start3A_1235 = tpu.memref_slice %arg3[%dma_start3A_1234, %multiple_of3A_1222] : memref<32x1000000xf32, #tpu.memory_space<hbm>> -> memref<32x128xf32, #tpu.memory_space<hbm>>
        tpu.enqueue_dma source(%dma_start3A_1235 : memref<32x128xf32, #tpu.memory_space<hbm>>) target(%dma_start3A_1233 : memref<32x128xf32, #tpu.memory_space<vmem>>) target_semaphore(%arg9 : memref<!tpu.dma_semaphore, #tpu.memory_space<semaphore_mem>>)
        %slice3A_1236 = vector.extract_strided_slice %get3A_941 {offsets = [7], sizes = [1], strides = [1]} : vector<16xi32> to vector<1xi32>
        %squeeze3A_1237 = vector.extract %slice3A_1236[0] : i32 from vector<1xi32>
        %jit3A_1238 = arith.constant 128 : i32
        %div3A_1239 = arith.divsi %squeeze3A_1237, %jit3A_1238 : i32
        %sign3A_1240 = arith.constant 0 : i32
        %sign3A_1241 = arith.cmpi sgt, %squeeze3A_1237, %sign3A_1240 : i32
        %sign3A_1242 = arith.extui %sign3A_1241 : i1 to i32
        %sign3A_1243 = arith.constant 0 : i32
        %sign3A_1244 = arith.cmpi slt, %squeeze3A_1237, %sign3A_1243 : i32
        %sign3A_1245 = arith.extui %sign3A_1244 : i1 to i32
        %sign3A_1246 = arith.subi %sign3A_1242, %sign3A_1245 : i32
        %sign3A_1247 = arith.constant 0 : i32
        %sign3A_1248 = arith.cmpi sgt, %jit3A_1238, %sign3A_1247 : i32
        %sign3A_1249 = arith.extui %sign3A_1248 : i1 to i32
        %sign3A_1250 = arith.constant 0 : i32
        %sign3A_1251 = arith.cmpi slt, %jit3A_1238, %sign3A_1250 : i32
        %sign3A_1252 = arith.extui %sign3A_1251 : i1 to i32
        %sign3A_1253 = arith.subi %sign3A_1249, %sign3A_1252 : i32
        %ne3A_1254 = arith.cmpi ne, %sign3A_1246, %sign3A_1253 : i32
        %rem3A_1255 = arith.remsi %squeeze3A_1237, %jit3A_1238 : i32
        %ne3A_1256 = arith.constant 0 : i32
        %ne3A_1257 = arith.cmpi ne, %rem3A_1255, %ne3A_1256 : i32
        %and3A_1258 = arith.andi %ne3A_1254, %ne3A_1257 : i1
        %sub3A_1259 = arith.constant 1 : i32
        %sub3A_1260 = arith.subi %div3A_1239, %sub3A_1259 : i32
        %select_n3A_1261 = arith.select %and3A_1258, %sub3A_1260, %div3A_1239 : i32
        %mul3A_1262 = arith.constant 128 : i32
        %mul3A_1263 = arith.muli %select_n3A_1261, %mul3A_1262 : i32
        %multiple_of3A_1264 = tpu.assume_multiple %mul3A_1263, 128 : i32
        %dma_start3A_1265 = arith.constant 15 : i32
        %dma_start3A_1266 = arith.constant 0 : i32
        %dma_start3A_1267 = arith.constant 0 : i32
        %dma_start3A_1268 = tpu.memref_slice %arg6[%dma_start3A_1265, %dma_start3A_1266, %dma_start3A_1267] : memref<16x32x128xf32, #tpu.memory_space<vmem>> -> memref<1x32x128xf32, #tpu.memory_space<vmem>>
        %dma_start3A_1269 = tpu.memref_squeeze %dma_start3A_1268 : memref<1x32x128xf32, #tpu.memory_space<vmem>> -> memref<32x128xf32, #tpu.memory_space<vmem>>
        %dma_start3A_1270 = arith.constant 0 : i32
        %dma_start3A_1271 = tpu.memref_slice %arg3[%dma_start3A_1270, %multiple_of3A_1264] : memref<32x1000000xf32, #tpu.memory_space<hbm>> -> memref<32x128xf32, #tpu.memory_space<hbm>>
        %dma_start3A_1272 = arith.constant 0 : i32
        %dma_start3A_1273 = arith.constant 0 : i32
        %dma_start3A_1274 = tpu.memref_slice %arg6[%dma_start3A_1265, %dma_start3A_1272, %dma_start3A_1273] : memref<16x32x128xf32, #tpu.memory_space<vmem>> -> memref<1x32x128xf32, #tpu.memory_space<vmem>>
        %dma_start3A_1275 = tpu.memref_squeeze %dma_start3A_1274 : memref<1x32x128xf32, #tpu.memory_space<vmem>> -> memref<32x128xf32, #tpu.memory_space<vmem>>
        %dma_start3A_1276 = arith.constant 0 : i32
        %dma_start3A_1277 = tpu.memref_slice %arg3[%dma_start3A_1276, %multiple_of3A_1264] : memref<32x1000000xf32, #tpu.memory_space<hbm>> -> memref<32x128xf32, #tpu.memory_space<hbm>>
        tpu.enqueue_dma source(%dma_start3A_1277 : memref<32x128xf32, #tpu.memory_space<hbm>>) target(%dma_start3A_1275 : memref<32x128xf32, #tpu.memory_space<vmem>>) target_semaphore(%arg9 : memref<!tpu.dma_semaphore, #tpu.memory_space<semaphore_mem>>)
      } else {
      }
      %dma_wait3A = arith.constant 0 : i32
      %dma_wait3A_695 = arith.constant 0 : i32
      %dma_wait3A_696 = arith.constant 0 : i32
      %dma_wait3A_697 = tpu.memref_slice %arg6[%dma_wait3A, %dma_wait3A_695, %dma_wait3A_696] : memref<16x32x128xf32, #tpu.memory_space<vmem>> -> memref<1x32x128xf32, #tpu.memory_space<vmem>>
      %dma_wait3A_698 = tpu.memref_squeeze %dma_wait3A_697 : memref<1x32x128xf32, #tpu.memory_space<vmem>> -> memref<32x128xf32, #tpu.memory_space<vmem>>
      %dma_wait3A_699 = arith.constant 0 : i32
      %dma_wait3A_700 = arith.constant 0 : i32
      %dma_wait3A_701 = tpu.memref_slice %arg3[%dma_wait3A_699, %dma_wait3A_700] : memref<32x1000000xf32, #tpu.memory_space<hbm>> -> memref<32x128xf32, #tpu.memory_space<hbm>>
      %dma_wait3A_702 = arith.constant 0 : i32
      %dma_wait3A_703 = arith.constant 0 : i32
      %dma_wait3A_704 = tpu.memref_slice %arg6[%dma_wait3A, %dma_wait3A_702, %dma_wait3A_703] : memref<16x32x128xf32, #tpu.memory_space<vmem>> -> memref<1x32x128xf32, #tpu.memory_space<vmem>>
      %dma_wait3A_705 = tpu.memref_squeeze %dma_wait3A_704 : memref<1x32x128xf32, #tpu.memory_space<vmem>> -> memref<32x128xf32, #tpu.memory_space<vmem>>
      %dma_wait3A_706 = arith.constant 0 : i32
      %dma_wait3A_707 = arith.constant 0 : i32
      %dma_wait3A_708 = tpu.memref_slice %arg3[%dma_wait3A_706, %dma_wait3A_707] : memref<32x1000000xf32, #tpu.memory_space<hbm>> -> memref<32x128xf32, #tpu.memory_space<hbm>>
      tpu.wait_dma2 semaphore(%arg8 : memref<!tpu.dma_semaphore, #tpu.memory_space<semaphore_mem>>) src(%dma_wait3A_708 : memref<32x128xf32, #tpu.memory_space<hbm>>) dst(%dma_wait3A_705 : memref<32x128xf32, #tpu.memory_space<vmem>>)
      %dma_wait3A_709 = arith.constant 1 : i32
      %dma_wait3A_710 = arith.constant 0 : i32
      %dma_wait3A_711 = arith.constant 0 : i32
      %dma_wait3A_712 = tpu.memref_slice %arg6[%dma_wait3A_709, %dma_wait3A_710, %dma_wait3A_711] : memref<16x32x128xf32, #tpu.memory_space<vmem>> -> memref<1x32x128xf32, #tpu.memory_space<vmem>>
      %dma_wait3A_713 = tpu.memref_squeeze %dma_wait3A_712 : memref<1x32x128xf32, #tpu.memory_space<vmem>> -> memref<32x128xf32, #tpu.memory_space<vmem>>
      %dma_wait3A_714 = arith.constant 0 : i32
      %dma_wait3A_715 = arith.constant 0 : i32
      %dma_wait3A_716 = tpu.memref_slice %arg3[%dma_wait3A_714, %dma_wait3A_715] : memref<32x1000000xf32, #tpu.memory_space<hbm>> -> memref<32x128xf32, #tpu.memory_space<hbm>>
      %dma_wait3A_717 = arith.constant 0 : i32
      %dma_wait3A_718 = arith.constant 0 : i32
      %dma_wait3A_719 = tpu.memref_slice %arg6[%dma_wait3A_709, %dma_wait3A_717, %dma_wait3A_718] : memref<16x32x128xf32, #tpu.memory_space<vmem>> -> memref<1x32x128xf32, #tpu.memory_space<vmem>>
      %dma_wait3A_720 = tpu.memref_squeeze %dma_wait3A_719 : memref<1x32x128xf32, #tpu.memory_space<vmem>> -> memref<32x128xf32, #tpu.memory_space<vmem>>
      %dma_wait3A_721 = arith.constant 0 : i32
      %dma_wait3A_722 = arith.constant 0 : i32
      %dma_wait3A_723 = tpu.memref_slice %arg3[%dma_wait3A_721, %dma_wait3A_722] : memref<32x1000000xf32, #tpu.memory_space<hbm>> -> memref<32x128xf32, #tpu.memory_space<hbm>>
      tpu.wait_dma2 semaphore(%arg8 : memref<!tpu.dma_semaphore, #tpu.memory_space<semaphore_mem>>) src(%dma_wait3A_723 : memref<32x128xf32, #tpu.memory_space<hbm>>) dst(%dma_wait3A_720 : memref<32x128xf32, #tpu.memory_space<vmem>>)
      %dma_wait3A_724 = arith.constant 2 : i32
      %dma_wait3A_725 = arith.constant 0 : i32
      %dma_wait3A_726 = arith.constant 0 : i32
      %dma_wait3A_727 = tpu.memref_slice %arg6[%dma_wait3A_724, %dma_wait3A_725, %dma_wait3A_726] : memref<16x32x128xf32, #tpu.memory_space<vmem>> -> memref<1x32x128xf32, #tpu.memory_space<vmem>>
      %dma_wait3A_728 = tpu.memref_squeeze %dma_wait3A_727 : memref<1x32x128xf32, #tpu.memory_space<vmem>> -> memref<32x128xf32, #tpu.memory_space<vmem>>
      %dma_wait3A_729 = arith.constant 0 : i32
      %dma_wait3A_730 = arith.constant 0 : i32
      %dma_wait3A_731 = tpu.memref_slice %arg3[%dma_wait3A_729, %dma_wait3A_730] : memref<32x1000000xf32, #tpu.memory_space<hbm>> -> memref<32x128xf32, #tpu.memory_space<hbm>>
      %dma_wait3A_732 = arith.constant 0 : i32
      %dma_wait3A_733 = arith.constant 0 : i32
      %dma_wait3A_734 = tpu.memref_slice %arg6[%dma_wait3A_724, %dma_wait3A_732, %dma_wait3A_733] : memref<16x32x128xf32, #tpu.memory_space<vmem>> -> memref<1x32x128xf32, #tpu.memory_space<vmem>>
      %dma_wait3A_735 = tpu.memref_squeeze %dma_wait3A_734 : memref<1x32x128xf32, #tpu.memory_space<vmem>> -> memref<32x128xf32, #tpu.memory_space<vmem>>
      %dma_wait3A_736 = arith.constant 0 : i32
      %dma_wait3A_737 = arith.constant 0 : i32
      %dma_wait3A_738 = tpu.memref_slice %arg3[%dma_wait3A_736, %dma_wait3A_737] : memref<32x1000000xf32, #tpu.memory_space<hbm>> -> memref<32x128xf32, #tpu.memory_space<hbm>>
      tpu.wait_dma2 semaphore(%arg8 : memref<!tpu.dma_semaphore, #tpu.memory_space<semaphore_mem>>) src(%dma_wait3A_738 : memref<32x128xf32, #tpu.memory_space<hbm>>) dst(%dma_wait3A_735 : memref<32x128xf32, #tpu.memory_space<vmem>>)
      %dma_wait3A_739 = arith.constant 3 : i32
      %dma_wait3A_740 = arith.constant 0 : i32
      %dma_wait3A_741 = arith.constant 0 : i32
      %dma_wait3A_742 = tpu.memref_slice %arg6[%dma_wait3A_739, %dma_wait3A_740, %dma_wait3A_741] : memref<16x32x128xf32, #tpu.memory_space<vmem>> -> memref<1x32x128xf32, #tpu.memory_space<vmem>>
      %dma_wait3A_743 = tpu.memref_squeeze %dma_wait3A_742 : memref<1x32x128xf32, #tpu.memory_space<vmem>> -> memref<32x128xf32, #tpu.memory_space<vmem>>
      %dma_wait3A_744 = arith.constant 0 : i32
      %dma_wait3A_745 = arith.constant 0 : i32
      %dma_wait3A_746 = tpu.memref_slice %arg3[%dma_wait3A_744, %dma_wait3A_745] : memref<32x1000000xf32, #tpu.memory_space<hbm>> -> memref<32x128xf32, #tpu.memory_space<hbm>>
      %dma_wait3A_747 = arith.constant 0 : i32
      %dma_wait3A_748 = arith.constant 0 : i32
      %dma_wait3A_749 = tpu.memref_slice %arg6[%dma_wait3A_739, %dma_wait3A_747, %dma_wait3A_748] : memref<16x32x128xf32, #tpu.memory_space<vmem>> -> memref<1x32x128xf32, #tpu.memory_space<vmem>>
      %dma_wait3A_750 = tpu.memref_squeeze %dma_wait3A_749 : memref<1x32x128xf32, #tpu.memory_space<vmem>> -> memref<32x128xf32, #tpu.memory_space<vmem>>
      %dma_wait3A_751 = arith.constant 0 : i32
      %dma_wait3A_752 = arith.constant 0 : i32
      %dma_wait3A_753 = tpu.memref_slice %arg3[%dma_wait3A_751, %dma_wait3A_752] : memref<32x1000000xf32, #tpu.memory_space<hbm>> -> memref<32x128xf32, #tpu.memory_space<hbm>>
      tpu.wait_dma2 semaphore(%arg8 : memref<!tpu.dma_semaphore, #tpu.memory_space<semaphore_mem>>) src(%dma_wait3A_753 : memref<32x128xf32, #tpu.memory_space<hbm>>) dst(%dma_wait3A_750 : memref<32x128xf32, #tpu.memory_space<vmem>>)
      %dma_wait3A_754 = arith.constant 4 : i32
      %dma_wait3A_755 = arith.constant 0 : i32
      %dma_wait3A_756 = arith.constant 0 : i32
      %dma_wait3A_757 = tpu.memref_slice %arg6[%dma_wait3A_754, %dma_wait3A_755, %dma_wait3A_756] : memref<16x32x128xf32, #tpu.memory_space<vmem>> -> memref<1x32x128xf32, #tpu.memory_space<vmem>>
      %dma_wait3A_758 = tpu.memref_squeeze %dma_wait3A_757 : memref<1x32x128xf32, #tpu.memory_space<vmem>> -> memref<32x128xf32, #tpu.memory_space<vmem>>
      %dma_wait3A_759 = arith.constant 0 : i32
      %dma_wait3A_760 = arith.constant 0 : i32
      %dma_wait3A_761 = tpu.memref_slice %arg3[%dma_wait3A_759, %dma_wait3A_760] : memref<32x1000000xf32, #tpu.memory_space<hbm>> -> memref<32x128xf32, #tpu.memory_space<hbm>>
      %dma_wait3A_762 = arith.constant 0 : i32
      %dma_wait3A_763 = arith.constant 0 : i32
      %dma_wait3A_764 = tpu.memref_slice %arg6[%dma_wait3A_754, %dma_wait3A_762, %dma_wait3A_763] : memref<16x32x128xf32, #tpu.memory_space<vmem>> -> memref<1x32x128xf32, #tpu.memory_space<vmem>>
      %dma_wait3A_765 = tpu.memref_squeeze %dma_wait3A_764 : memref<1x32x128xf32, #tpu.memory_space<vmem>> -> memref<32x128xf32, #tpu.memory_space<vmem>>
      %dma_wait3A_766 = arith.constant 0 : i32
      %dma_wait3A_767 = arith.constant 0 : i32
      %dma_wait3A_768 = tpu.memref_slice %arg3[%dma_wait3A_766, %dma_wait3A_767] : memref<32x1000000xf32, #tpu.memory_space<hbm>> -> memref<32x128xf32, #tpu.memory_space<hbm>>
      tpu.wait_dma2 semaphore(%arg8 : memref<!tpu.dma_semaphore, #tpu.memory_space<semaphore_mem>>) src(%dma_wait3A_768 : memref<32x128xf32, #tpu.memory_space<hbm>>) dst(%dma_wait3A_765 : memref<32x128xf32, #tpu.memory_space<vmem>>)
      %dma_wait3A_769 = arith.constant 5 : i32
      %dma_wait3A_770 = arith.constant 0 : i32
      %dma_wait3A_771 = arith.constant 0 : i32
      %dma_wait3A_772 = tpu.memref_slice %arg6[%dma_wait3A_769, %dma_wait3A_770, %dma_wait3A_771] : memref<16x32x128xf32, #tpu.memory_space<vmem>> -> memref<1x32x128xf32, #tpu.memory_space<vmem>>
      %dma_wait3A_773 = tpu.memref_squeeze %dma_wait3A_772 : memref<1x32x128xf32, #tpu.memory_space<vmem>> -> memref<32x128xf32, #tpu.memory_space<vmem>>
      %dma_wait3A_774 = arith.constant 0 : i32
      %dma_wait3A_775 = arith.constant 0 : i32
      %dma_wait3A_776 = tpu.memref_slice %arg3[%dma_wait3A_774, %dma_wait3A_775] : memref<32x1000000xf32, #tpu.memory_space<hbm>> -> memref<32x128xf32, #tpu.memory_space<hbm>>
      %dma_wait3A_777 = arith.constant 0 : i32
      %dma_wait3A_778 = arith.constant 0 : i32
      %dma_wait3A_779 = tpu.memref_slice %arg6[%dma_wait3A_769, %dma_wait3A_777, %dma_wait3A_778] : memref<16x32x128xf32, #tpu.memory_space<vmem>> -> memref<1x32x128xf32, #tpu.memory_space<vmem>>
      %dma_wait3A_780 = tpu.memref_squeeze %dma_wait3A_779 : memref<1x32x128xf32, #tpu.memory_space<vmem>> -> memref<32x128xf32, #tpu.memory_space<vmem>>
      %dma_wait3A_781 = arith.constant 0 : i32
      %dma_wait3A_782 = arith.constant 0 : i32
      %dma_wait3A_783 = tpu.memref_slice %arg3[%dma_wait3A_781, %dma_wait3A_782] : memref<32x1000000xf32, #tpu.memory_space<hbm>> -> memref<32x128xf32, #tpu.memory_space<hbm>>
      tpu.wait_dma2 semaphore(%arg8 : memref<!tpu.dma_semaphore, #tpu.memory_space<semaphore_mem>>) src(%dma_wait3A_783 : memref<32x128xf32, #tpu.memory_space<hbm>>) dst(%dma_wait3A_780 : memref<32x128xf32, #tpu.memory_space<vmem>>)
      %dma_wait3A_784 = arith.constant 6 : i32
      %dma_wait3A_785 = arith.constant 0 : i32
      %dma_wait3A_786 = arith.constant 0 : i32
      %dma_wait3A_787 = tpu.memref_slice %arg6[%dma_wait3A_784, %dma_wait3A_785, %dma_wait3A_786] : memref<16x32x128xf32, #tpu.memory_space<vmem>> -> memref<1x32x128xf32, #tpu.memory_space<vmem>>
      %dma_wait3A_788 = tpu.memref_squeeze %dma_wait3A_787 : memref<1x32x128xf32, #tpu.memory_space<vmem>> -> memref<32x128xf32, #tpu.memory_space<vmem>>
      %dma_wait3A_789 = arith.constant 0 : i32
      %dma_wait3A_790 = arith.constant 0 : i32
      %dma_wait3A_791 = tpu.memref_slice %arg3[%dma_wait3A_789, %dma_wait3A_790] : memref<32x1000000xf32, #tpu.memory_space<hbm>> -> memref<32x128xf32, #tpu.memory_space<hbm>>
      %dma_wait3A_792 = arith.constant 0 : i32
      %dma_wait3A_793 = arith.constant 0 : i32
      %dma_wait3A_794 = tpu.memref_slice %arg6[%dma_wait3A_784, %dma_wait3A_792, %dma_wait3A_793] : memref<16x32x128xf32, #tpu.memory_space<vmem>> -> memref<1x32x128xf32, #tpu.memory_space<vmem>>
      %dma_wait3A_795 = tpu.memref_squeeze %dma_wait3A_794 : memref<1x32x128xf32, #tpu.memory_space<vmem>> -> memref<32x128xf32, #tpu.memory_space<vmem>>
      %dma_wait3A_796 = arith.constant 0 : i32
      %dma_wait3A_797 = arith.constant 0 : i32
      %dma_wait3A_798 = tpu.memref_slice %arg3[%dma_wait3A_796, %dma_wait3A_797] : memref<32x1000000xf32, #tpu.memory_space<hbm>> -> memref<32x128xf32, #tpu.memory_space<hbm>>
      tpu.wait_dma2 semaphore(%arg8 : memref<!tpu.dma_semaphore, #tpu.memory_space<semaphore_mem>>) src(%dma_wait3A_798 : memref<32x128xf32, #tpu.memory_space<hbm>>) dst(%dma_wait3A_795 : memref<32x128xf32, #tpu.memory_space<vmem>>)
      %dma_wait3A_799 = arith.constant 7 : i32
      %dma_wait3A_800 = arith.constant 0 : i32
      %dma_wait3A_801 = arith.constant 0 : i32
      %dma_wait3A_802 = tpu.memref_slice %arg6[%dma_wait3A_799, %dma_wait3A_800, %dma_wait3A_801] : memref<16x32x128xf32, #tpu.memory_space<vmem>> -> memref<1x32x128xf32, #tpu.memory_space<vmem>>
      %dma_wait3A_803 = tpu.memref_squeeze %dma_wait3A_802 : memref<1x32x128xf32, #tpu.memory_space<vmem>> -> memref<32x128xf32, #tpu.memory_space<vmem>>
      %dma_wait3A_804 = arith.constant 0 : i32
      %dma_wait3A_805 = arith.constant 0 : i32
      %dma_wait3A_806 = tpu.memref_slice %arg3[%dma_wait3A_804, %dma_wait3A_805] : memref<32x1000000xf32, #tpu.memory_space<hbm>> -> memref<32x128xf32, #tpu.memory_space<hbm>>
      %dma_wait3A_807 = arith.constant 0 : i32
      %dma_wait3A_808 = arith.constant 0 : i32
      %dma_wait3A_809 = tpu.memref_slice %arg6[%dma_wait3A_799, %dma_wait3A_807, %dma_wait3A_808] : memref<16x32x128xf32, #tpu.memory_space<vmem>> -> memref<1x32x128xf32, #tpu.memory_space<vmem>>
      %dma_wait3A_810 = tpu.memref_squeeze %dma_wait3A_809 : memref<1x32x128xf32, #tpu.memory_space<vmem>> -> memref<32x128xf32, #tpu.memory_space<vmem>>
      %dma_wait3A_811 = arith.constant 0 : i32
      %dma_wait3A_812 = arith.constant 0 : i32
      %dma_wait3A_813 = tpu.memref_slice %arg3[%dma_wait3A_811, %dma_wait3A_812] : memref<32x1000000xf32, #tpu.memory_space<hbm>> -> memref<32x128xf32, #tpu.memory_space<hbm>>
      tpu.wait_dma2 semaphore(%arg8 : memref<!tpu.dma_semaphore, #tpu.memory_space<semaphore_mem>>) src(%dma_wait3A_813 : memref<32x128xf32, #tpu.memory_space<hbm>>) dst(%dma_wait3A_810 : memref<32x128xf32, #tpu.memory_space<vmem>>)
      %add3A_814 = arith.constant 32 : i32
      %add3A_815 = arith.addi %add3A_814, %mul3A_687 : i32
      %mul3A_816 = arith.constant 8 : i32
      %mul3A_817 = arith.muli %add3A_815, %mul3A_816 : i32
      %get3A_818 = arith.index_cast %mul3A_817 : i32 to index
      %get3A_819 = tpu.vector_load %arg5[%get3A_818] {strides = array<i32>} : memref<528xi32, #tpu.memory_space<vmem>>, vector<16xi32>,
      %broadcast_in_dim3A = arith.constant 128 : i32
      %broadcast_in_dim3A_820 = vector.broadcast %broadcast_in_dim3A : i32 to vector<16xi32>
      %rem3A_821 = arith.remsi %get3A_819, %broadcast_in_dim3A_820 : vector<16xi32>
      %add3A_822 = arith.constant 0 : i32
      %add3A_823 = vector.broadcast %add3A_822 : i32 to vector<16xi32>
      %add3A_824 = arith.addi %iota3A, %add3A_823 : vector<16xi32>
      %mul3A_825 = arith.constant 8 : i32
      %mul3A_826 = arith.muli %mul3A_687, %mul3A_825 : i32
      %add3A_827 = vector.broadcast %mul3A_826 : i32 to vector<16xi32>
      %add3A_828 = arith.addi %add3A_827, %iota3A : vector<16xi32>
      %broadcast_in_dim3A_829 = arith.constant 0 : i32
      %broadcast_in_dim3A_830 = vector.broadcast %broadcast_in_dim3A_829 : i32 to vector<16xi32>
      %gather3A = tpu.vector_load_idx %arg6[%add3A_824, %broadcast_in_dim3A_830, %rem3A_821] : memref<16x32x128xf32, #tpu.memory_space<vmem>>[vector<16xi32>, vector<16xi32>, vector<16xi32>], vector<16xf32>,
      tpu.vector_store_idx %arg7[%add3A_828, %broadcast_in_dim3A_830], %gather3A masked %lt3A_4 : memref<256x32xf32, #tpu.memory_space<vmem>>[vector<16xi32>, vector<16xi32>], vector<16xf32>, vector<16xi1>
      %broadcast_in_dim3A_831 = arith.constant 1 : i32
      %broadcast_in_dim3A_832 = vector.broadcast %broadcast_in_dim3A_831 : i32 to vector<16xi32>
      %gather3A_833 = tpu.vector_load_idx %arg6[%add3A_824, %broadcast_in_dim3A_832, %rem3A_821] : memref<16x32x128xf32, #tpu.memory_space<vmem>>[vector<16xi32>, vector<16xi32>, vector<16xi32>], vector<16xf32>,
      tpu.vector_store_idx %arg7[%add3A_828, %broadcast_in_dim3A_832], %gather3A_833 masked %lt3A_4 : memref<256x32xf32, #tpu.memory_space<vmem>>[vector<16xi32>, vector<16xi32>], vector<16xf32>, vector<16xi1>
      %broadcast_in_dim3A_834 = arith.constant 2 : i32
      %broadcast_in_dim3A_835 = vector.broadcast %broadcast_in_dim3A_834 : i32 to vector<16xi32>
      %gather3A_836 = tpu.vector_load_idx %arg6[%add3A_824, %broadcast_in_dim3A_835, %rem3A_821] : memref<16x32x128xf32, #tpu.memory_space<vmem>>[vector<16xi32>, vector<16xi32>, vector<16xi32>], vector<16xf32>,
      tpu.vector_store_idx %arg7[%add3A_828, %broadcast_in_dim3A_835], %gather3A_836 masked %lt3A_4 : memref<256x32xf32, #tpu.memory_space<vmem>>[vector<16xi32>, vector<16xi32>], vector<16xf32>, vector<16xi1>
      %broadcast_in_dim3A_837 = arith.constant 3 : i32
      %broadcast_in_dim3A_838 = vector.broadcast %broadcast_in_dim3A_837 : i32 to vector<16xi32>
      %gather3A_839 = tpu.vector_load_idx %arg6[%add3A_824, %broadcast_in_dim3A_838, %rem3A_821] : memref<16x32x128xf32, #tpu.memory_space<vmem>>[vector<16xi32>, vector<16xi32>, vector<16xi32>], vector<16xf32>,
      tpu.vector_store_idx %arg7[%add3A_828, %broadcast_in_dim3A_838], %gather3A_839 masked %lt3A_4 : memref<256x32xf32, #tpu.memory_space<vmem>>[vector<16xi32>, vector<16xi32>], vector<16xf32>, vector<16xi1>
      %broadcast_in_dim3A_840 = arith.constant 4 : i32
      %broadcast_in_dim3A_841 = vector.broadcast %broadcast_in_dim3A_840 : i32 to vector<16xi32>
      %gather3A_842 = tpu.vector_load_idx %arg6[%add3A_824, %broadcast_in_dim3A_841, %rem3A_821] : memref<16x32x128xf32, #tpu.memory_space<vmem>>[vector<16xi32>, vector<16xi32>, vector<16xi32>], vector<16xf32>,
      tpu.vector_store_idx %arg7[%add3A_828, %broadcast_in_dim3A_841], %gather3A_842 masked %lt3A_4 : memref<256x32xf32, #tpu.memory_space<vmem>>[vector<16xi32>, vector<16xi32>], vector<16xf32>, vector<16xi1>
      %broadcast_in_dim3A_843 = arith.constant 5 : i32
      %broadcast_in_dim3A_844 = vector.broadcast %broadcast_in_dim3A_843 : i32 to vector<16xi32>
      %gather3A_845 = tpu.vector_load_idx %arg6[%add3A_824, %broadcast_in_dim3A_844, %rem3A_821] : memref<16x32x128xf32, #tpu.memory_space<vmem>>[vector<16xi32>, vector<16xi32>, vector<16xi32>], vector<16xf32>,
      tpu.vector_store_idx %arg7[%add3A_828, %broadcast_in_dim3A_844], %gather3A_845 masked %lt3A_4 : memref<256x32xf32, #tpu.memory_space<vmem>>[vector<16xi32>, vector<16xi32>], vector<16xf32>, vector<16xi1>
      %broadcast_in_dim3A_846 = arith.constant 6 : i32
      %broadcast_in_dim3A_847 = vector.broadcast %broadcast_in_dim3A_846 : i32 to vector<16xi32>
      %gather3A_848 = tpu.vector_load_idx %arg6[%add3A_824, %broadcast_in_dim3A_847, %rem3A_821] : memref<16x32x128xf32, #tpu.memory_space<vmem>>[vector<16xi32>, vector<16xi32>, vector<16xi32>], vector<16xf32>,
      tpu.vector_store_idx %arg7[%add3A_828, %broadcast_in_dim3A_847], %gather3A_848 masked %lt3A_4 : memref<256x32xf32, #tpu.memory_space<vmem>>[vector<16xi32>, vector<16xi32>], vector<16xf32>, vector<16xi1>
      %broadcast_in_dim3A_849 = arith.constant 7 : i32
      %broadcast_in_dim3A_850 = vector.broadcast %broadcast_in_dim3A_849 : i32 to vector<16xi32>
      %gather3A_851 = tpu.vector_load_idx %arg6[%add3A_824, %broadcast_in_dim3A_850, %rem3A_821] : memref<16x32x128xf32, #tpu.memory_space<vmem>>[vector<16xi32>, vector<16xi32>, vector<16xi32>], vector<16xf32>,
      tpu.vector_store_idx %arg7[%add3A_828, %broadcast_in_dim3A_850], %gather3A_851 masked %lt3A_4 : memref<256x32xf32, #tpu.memory_space<vmem>>[vector<16xi32>, vector<16xi32>], vector<16xf32>, vector<16xi1>
      %broadcast_in_dim3A_852 = arith.constant 8 : i32
      %broadcast_in_dim3A_853 = vector.broadcast %broadcast_in_dim3A_852 : i32 to vector<16xi32>
      %gather3A_854 = tpu.vector_load_idx %arg6[%add3A_824, %broadcast_in_dim3A_853, %rem3A_821] : memref<16x32x128xf32, #tpu.memory_space<vmem>>[vector<16xi32>, vector<16xi32>, vector<16xi32>], vector<16xf32>,
      tpu.vector_store_idx %arg7[%add3A_828, %broadcast_in_dim3A_853], %gather3A_854 masked %lt3A_4 : memref<256x32xf32, #tpu.memory_space<vmem>>[vector<16xi32>, vector<16xi32>], vector<16xf32>, vector<16xi1>
      %broadcast_in_dim3A_855 = arith.constant 9 : i32
      %broadcast_in_dim3A_856 = vector.broadcast %broadcast_in_dim3A_855 : i32 to vector<16xi32>
      %gather3A_857 = tpu.vector_load_idx %arg6[%add3A_824, %broadcast_in_dim3A_856, %rem3A_821] : memref<16x32x128xf32, #tpu.memory_space<vmem>>[vector<16xi32>, vector<16xi32>, vector<16xi32>], vector<16xf32>,
      tpu.vector_store_idx %arg7[%add3A_828, %broadcast_in_dim3A_856], %gather3A_857 masked %lt3A_4 : memref<256x32xf32, #tpu.memory_space<vmem>>[vector<16xi32>, vector<16xi32>], vector<16xf32>, vector<16xi1>
      %broadcast_in_dim3A_858 = arith.constant 10 : i32
      %broadcast_in_dim3A_859 = vector.broadcast %broadcast_in_dim3A_858 : i32 to vector<16xi32>
      %gather3A_860 = tpu.vector_load_idx %arg6[%add3A_824, %broadcast_in_dim3A_859, %rem3A_821] : memref<16x32x128xf32, #tpu.memory_space<vmem>>[vector<16xi32>, vector<16xi32>, vector<16xi32>], vector<16xf32>,
      tpu.vector_store_idx %arg7[%add3A_828, %broadcast_in_dim3A_859], %gather3A_860 masked %lt3A_4 : memref<256x32xf32, #tpu.memory_space<vmem>>[vector<16xi32>, vector<16xi32>], vector<16xf32>, vector<16xi1>
      %broadcast_in_dim3A_861 = arith.constant 11 : i32
      %broadcast_in_dim3A_862 = vector.broadcast %broadcast_in_dim3A_861 : i32 to vector<16xi32>
      %gather3A_863 = tpu.vector_load_idx %arg6[%add3A_824, %broadcast_in_dim3A_862, %rem3A_821] : memref<16x32x128xf32, #tpu.memory_space<vmem>>[vector<16xi32>, vector<16xi32>, vector<16xi32>], vector<16xf32>,
      tpu.vector_store_idx %arg7[%add3A_828, %broadcast_in_dim3A_862], %gather3A_863 masked %lt3A_4 : memref<256x32xf32, #tpu.memory_space<vmem>>[vector<16xi32>, vector<16xi32>], vector<16xf32>, vector<16xi1>
      %broadcast_in_dim3A_864 = arith.constant 12 : i32
      %broadcast_in_dim3A_865 = vector.broadcast %broadcast_in_dim3A_864 : i32 to vector<16xi32>
      %gather3A_866 = tpu.vector_load_idx %arg6[%add3A_824, %broadcast_in_dim3A_865, %rem3A_821] : memref<16x32x128xf32, #tpu.memory_space<vmem>>[vector<16xi32>, vector<16xi32>, vector<16xi32>], vector<16xf32>,
      tpu.vector_store_idx %arg7[%add3A_828, %broadcast_in_dim3A_865], %gather3A_866 masked %lt3A_4 : memref<256x32xf32, #tpu.memory_space<vmem>>[vector<16xi32>, vector<16xi32>], vector<16xf32>, vector<16xi1>
      %broadcast_in_dim3A_867 = arith.constant 13 : i32
      %broadcast_in_dim3A_868 = vector.broadcast %broadcast_in_dim3A_867 : i32 to vector<16xi32>
      %gather3A_869 = tpu.vector_load_idx %arg6[%add3A_824, %broadcast_in_dim3A_868, %rem3A_821] : memref<16x32x128xf32, #tpu.memory_space<vmem>>[vector<16xi32>, vector<16xi32>, vector<16xi32>], vector<16xf32>,
      tpu.vector_store_idx %arg7[%add3A_828, %broadcast_in_dim3A_868], %gather3A_869 masked %lt3A_4 : memref<256x32xf32, #tpu.memory_space<vmem>>[vector<16xi32>, vector<16xi32>], vector<16xf32>, vector<16xi1>
      %broadcast_in_dim3A_870 = arith.constant 14 : i32
      %broadcast_in_dim3A_871 = vector.broadcast %broadcast_in_dim3A_870 : i32 to vector<16xi32>
      %gather3A_872 = tpu.vector_load_idx %arg6[%add3A_824, %broadcast_in_dim3A_871, %rem3A_821] : memref<16x32x128xf32, #tpu.memory_space<vmem>>[vector<16xi32>, vector<16xi32>, vector<16xi32>], vector<16xf32>,
      tpu.vector_store_idx %arg7[%add3A_828, %broadcast_in_dim3A_871], %gather3A_872 masked %lt3A_4 : memref<256x32xf32, #tpu.memory_space<vmem>>[vector<16xi32>, vector<16xi32>], vector<16xf32>, vector<16xi1>
      %broadcast_in_dim3A_873 = arith.constant 15 : i32
      %broadcast_in_dim3A_874 = vector.broadcast %broadcast_in_dim3A_873 : i32 to vector<16xi32>
      %gather3A_875 = tpu.vector_load_idx %arg6[%add3A_824, %broadcast_in_dim3A_874, %rem3A_821] : memref<16x32x128xf32, #tpu.memory_space<vmem>>[vector<16xi32>, vector<16xi32>, vector<16xi32>], vector<16xf32>,
      tpu.vector_store_idx %arg7[%add3A_828, %broadcast_in_dim3A_874], %gather3A_875 masked %lt3A_4 : memref<256x32xf32, #tpu.memory_space<vmem>>[vector<16xi32>, vector<16xi32>], vector<16xf32>, vector<16xi1>
      %broadcast_in_dim3A_876 = arith.constant 16 : i32
      %broadcast_in_dim3A_877 = vector.broadcast %broadcast_in_dim3A_876 : i32 to vector<16xi32>
      %gather3A_878 = tpu.vector_load_idx %arg6[%add3A_824, %broadcast_in_dim3A_877, %rem3A_821] : memref<16x32x128xf32, #tpu.memory_space<vmem>>[vector<16xi32>, vector<16xi32>, vector<16xi32>], vector<16xf32>,
      tpu.vector_store_idx %arg7[%add3A_828, %broadcast_in_dim3A_877], %gather3A_878 masked %lt3A_4 : memref<256x32xf32, #tpu.memory_space<vmem>>[vector<16xi32>, vector<16xi32>], vector<16xf32>, vector<16xi1>
      %broadcast_in_dim3A_879 = arith.constant 17 : i32
      %broadcast_in_dim3A_880 = vector.broadcast %broadcast_in_dim3A_879 : i32 to vector<16xi32>
      %gather3A_881 = tpu.vector_load_idx %arg6[%add3A_824, %broadcast_in_dim3A_880, %rem3A_821] : memref<16x32x128xf32, #tpu.memory_space<vmem>>[vector<16xi32>, vector<16xi32>, vector<16xi32>], vector<16xf32>,
      tpu.vector_store_idx %arg7[%add3A_828, %broadcast_in_dim3A_880], %gather3A_881 masked %lt3A_4 : memref<256x32xf32, #tpu.memory_space<vmem>>[vector<16xi32>, vector<16xi32>], vector<16xf32>, vector<16xi1>
      %broadcast_in_dim3A_882 = arith.constant 18 : i32
      %broadcast_in_dim3A_883 = vector.broadcast %broadcast_in_dim3A_882 : i32 to vector<16xi32>
      %gather3A_884 = tpu.vector_load_idx %arg6[%add3A_824, %broadcast_in_dim3A_883, %rem3A_821] : memref<16x32x128xf32, #tpu.memory_space<vmem>>[vector<16xi32>, vector<16xi32>, vector<16xi32>], vector<16xf32>,
      tpu.vector_store_idx %arg7[%add3A_828, %broadcast_in_dim3A_883], %gather3A_884 masked %lt3A_4 : memref<256x32xf32, #tpu.memory_space<vmem>>[vector<16xi32>, vector<16xi32>], vector<16xf32>, vector<16xi1>
      %broadcast_in_dim3A_885 = arith.constant 19 : i32
      %broadcast_in_dim3A_886 = vector.broadcast %broadcast_in_dim3A_885 : i32 to vector<16xi32>
      %gather3A_887 = tpu.vector_load_idx %arg6[%add3A_824, %broadcast_in_dim3A_886, %rem3A_821] : memref<16x32x128xf32, #tpu.memory_space<vmem>>[vector<16xi32>, vector<16xi32>, vector<16xi32>], vector<16xf32>,
      tpu.vector_store_idx %arg7[%add3A_828, %broadcast_in_dim3A_886], %gather3A_887 masked %lt3A_4 : memref<256x32xf32, #tpu.memory_space<vmem>>[vector<16xi32>, vector<16xi32>], vector<16xf32>, vector<16xi1>
      %broadcast_in_dim3A_888 = arith.constant 20 : i32
      %broadcast_in_dim3A_889 = vector.broadcast %broadcast_in_dim3A_888 : i32 to vector<16xi32>
      %gather3A_890 = tpu.vector_load_idx %arg6[%add3A_824, %broadcast_in_dim3A_889, %rem3A_821] : memref<16x32x128xf32, #tpu.memory_space<vmem>>[vector<16xi32>, vector<16xi32>, vector<16xi32>], vector<16xf32>,
      tpu.vector_store_idx %arg7[%add3A_828, %broadcast_in_dim3A_889], %gather3A_890 masked %lt3A_4 : memref<256x32xf32, #tpu.memory_space<vmem>>[vector<16xi32>, vector<16xi32>], vector<16xf32>, vector<16xi1>
      %broadcast_in_dim3A_891 = arith.constant 21 : i32
      %broadcast_in_dim3A_892 = vector.broadcast %broadcast_in_dim3A_891 : i32 to vector<16xi32>
      %gather3A_893 = tpu.vector_load_idx %arg6[%add3A_824, %broadcast_in_dim3A_892, %rem3A_821] : memref<16x32x128xf32, #tpu.memory_space<vmem>>[vector<16xi32>, vector<16xi32>, vector<16xi32>], vector<16xf32>,
      tpu.vector_store_idx %arg7[%add3A_828, %broadcast_in_dim3A_892], %gather3A_893 masked %lt3A_4 : memref<256x32xf32, #tpu.memory_space<vmem>>[vector<16xi32>, vector<16xi32>], vector<16xf32>, vector<16xi1>
      %broadcast_in_dim3A_894 = arith.constant 22 : i32
      %broadcast_in_dim3A_895 = vector.broadcast %broadcast_in_dim3A_894 : i32 to vector<16xi32>
      %gather3A_896 = tpu.vector_load_idx %arg6[%add3A_824, %broadcast_in_dim3A_895, %rem3A_821] : memref<16x32x128xf32, #tpu.memory_space<vmem>>[vector<16xi32>, vector<16xi32>, vector<16xi32>], vector<16xf32>,
      tpu.vector_store_idx %arg7[%add3A_828, %broadcast_in_dim3A_895], %gather3A_896 masked %lt3A_4 : memref<256x32xf32, #tpu.memory_space<vmem>>[vector<16xi32>, vector<16xi32>], vector<16xf32>, vector<16xi1>
      %broadcast_in_dim3A_897 = arith.constant 23 : i32
      %broadcast_in_dim3A_898 = vector.broadcast %broadcast_in_dim3A_897 : i32 to vector<16xi32>
      %gather3A_899 = tpu.vector_load_idx %arg6[%add3A_824, %broadcast_in_dim3A_898, %rem3A_821] : memref<16x32x128xf32, #tpu.memory_space<vmem>>[vector<16xi32>, vector<16xi32>, vector<16xi32>], vector<16xf32>,
      tpu.vector_store_idx %arg7[%add3A_828, %broadcast_in_dim3A_898], %gather3A_899 masked %lt3A_4 : memref<256x32xf32, #tpu.memory_space<vmem>>[vector<16xi32>, vector<16xi32>], vector<16xf32>, vector<16xi1>
      %broadcast_in_dim3A_900 = arith.constant 24 : i32
      %broadcast_in_dim3A_901 = vector.broadcast %broadcast_in_dim3A_900 : i32 to vector<16xi32>
      %gather3A_902 = tpu.vector_load_idx %arg6[%add3A_824, %broadcast_in_dim3A_901, %rem3A_821] : memref<16x32x128xf32, #tpu.memory_space<vmem>>[vector<16xi32>, vector<16xi32>, vector<16xi32>], vector<16xf32>,
      tpu.vector_store_idx %arg7[%add3A_828, %broadcast_in_dim3A_901], %gather3A_902 masked %lt3A_4 : memref<256x32xf32, #tpu.memory_space<vmem>>[vector<16xi32>, vector<16xi32>], vector<16xf32>, vector<16xi1>
      %broadcast_in_dim3A_903 = arith.constant 25 : i32
      %broadcast_in_dim3A_904 = vector.broadcast %broadcast_in_dim3A_903 : i32 to vector<16xi32>
      %gather3A_905 = tpu.vector_load_idx %arg6[%add3A_824, %broadcast_in_dim3A_904, %rem3A_821] : memref<16x32x128xf32, #tpu.memory_space<vmem>>[vector<16xi32>, vector<16xi32>, vector<16xi32>], vector<16xf32>,
      tpu.vector_store_idx %arg7[%add3A_828, %broadcast_in_dim3A_904], %gather3A_905 masked %lt3A_4 : memref<256x32xf32, #tpu.memory_space<vmem>>[vector<16xi32>, vector<16xi32>], vector<16xf32>, vector<16xi1>
      %broadcast_in_dim3A_906 = arith.constant 26 : i32
      %broadcast_in_dim3A_907 = vector.broadcast %broadcast_in_dim3A_906 : i32 to vector<16xi32>
      %gather3A_908 = tpu.vector_load_idx %arg6[%add3A_824, %broadcast_in_dim3A_907, %rem3A_821] : memref<16x32x128xf32, #tpu.memory_space<vmem>>[vector<16xi32>, vector<16xi32>, vector<16xi32>], vector<16xf32>,
      tpu.vector_store_idx %arg7[%add3A_828, %broadcast_in_dim3A_907], %gather3A_908 masked %lt3A_4 : memref<256x32xf32, #tpu.memory_space<vmem>>[vector<16xi32>, vector<16xi32>], vector<16xf32>, vector<16xi1>
      %broadcast_in_dim3A_909 = arith.constant 27 : i32
      %broadcast_in_dim3A_910 = vector.broadcast %broadcast_in_dim3A_909 : i32 to vector<16xi32>
      %gather3A_911 = tpu.vector_load_idx %arg6[%add3A_824, %broadcast_in_dim3A_910, %rem3A_821] : memref<16x32x128xf32, #tpu.memory_space<vmem>>[vector<16xi32>, vector<16xi32>, vector<16xi32>], vector<16xf32>,
      tpu.vector_store_idx %arg7[%add3A_828, %broadcast_in_dim3A_910], %gather3A_911 masked %lt3A_4 : memref<256x32xf32, #tpu.memory_space<vmem>>[vector<16xi32>, vector<16xi32>], vector<16xf32>, vector<16xi1>
      %broadcast_in_dim3A_912 = arith.constant 28 : i32
      %broadcast_in_dim3A_913 = vector.broadcast %broadcast_in_dim3A_912 : i32 to vector<16xi32>
      %gather3A_914 = tpu.vector_load_idx %arg6[%add3A_824, %broadcast_in_dim3A_913, %rem3A_821] : memref<16x32x128xf32, #tpu.memory_space<vmem>>[vector<16xi32>, vector<16xi32>, vector<16xi32>], vector<16xf32>,
      tpu.vector_store_idx %arg7[%add3A_828, %broadcast_in_dim3A_913], %gather3A_914 masked %lt3A_4 : memref<256x32xf32, #tpu.memory_space<vmem>>[vector<16xi32>, vector<16xi32>], vector<16xf32>, vector<16xi1>
      %broadcast_in_dim3A_915 = arith.constant 29 : i32
      %broadcast_in_dim3A_916 = vector.broadcast %broadcast_in_dim3A_915 : i32 to vector<16xi32>
      %gather3A_917 = tpu.vector_load_idx %arg6[%add3A_824, %broadcast_in_dim3A_916, %rem3A_821] : memref<16x32x128xf32, #tpu.memory_space<vmem>>[vector<16xi32>, vector<16xi32>, vector<16xi32>], vector<16xf32>,
      tpu.vector_store_idx %arg7[%add3A_828, %broadcast_in_dim3A_916], %gather3A_917 masked %lt3A_4 : memref<256x32xf32, #tpu.memory_space<vmem>>[vector<16xi32>, vector<16xi32>], vector<16xf32>, vector<16xi1>
      %broadcast_in_dim3A_918 = arith.constant 30 : i32
      %broadcast_in_dim3A_919 = vector.broadcast %broadcast_in_dim3A_918 : i32 to vector<16xi32>
      %gather3A_920 = tpu.vector_load_idx %arg6[%add3A_824, %broadcast_in_dim3A_919, %rem3A_821] : memref<16x32x128xf32, #tpu.memory_space<vmem>>[vector<16xi32>, vector<16xi32>, vector<16xi32>], vector<16xf32>,
      tpu.vector_store_idx %arg7[%add3A_828, %broadcast_in_dim3A_919], %gather3A_920 masked %lt3A_4 : memref<256x32xf32, #tpu.memory_space<vmem>>[vector<16xi32>, vector<16xi32>], vector<16xf32>, vector<16xi1>
      %broadcast_in_dim3A_921 = arith.constant 31 : i32
      %broadcast_in_dim3A_922 = vector.broadcast %broadcast_in_dim3A_921 : i32 to vector<16xi32>
      %gather3A_923 = tpu.vector_load_idx %arg6[%add3A_824, %broadcast_in_dim3A_922, %rem3A_821] : memref<16x32x128xf32, #tpu.memory_space<vmem>>[vector<16xi32>, vector<16xi32>, vector<16xi32>], vector<16xf32>,
      tpu.vector_store_idx %arg7[%add3A_828, %broadcast_in_dim3A_922], %gather3A_923 masked %lt3A_4 : memref<256x32xf32, #tpu.memory_space<vmem>>[vector<16xi32>, vector<16xi32>], vector<16xf32>, vector<16xi1>
      %add3A_924 = arith.constant 1 : i32
      %add3A_925 = arith.addi %add3A_691, %add3A_924 : i32
      %lt3A_926 = arith.constant 32 : i32
      %lt3A_927 = arith.cmpi slt, %add3A_925, %lt3A_926 : i32
      %convert_element_type3A_928 = arith.extui %lt3A_927 : i1 to i32
      %cond3A_929 = arith.constant 0 : i32
      %cond3A_930 = arith.cmpi ne, %convert_element_type3A_928, %cond3A_929 : i32
      scf.if %cond3A_930 {
        %add3A_936 = arith.constant 32 : i32
        %add3A_937 = arith.addi %add3A_936, %add3A_691 : i32
        %add3A_938 = arith.constant 1 : i32
        %add3A_939 = arith.addi %add3A_937, %add3A_938 : i32
        %mul3A_940 = arith.constant 8 : i32
        %mul3A_941 = arith.muli %add3A_939, %mul3A_940 : i32
        %get3A_942 = arith.index_cast %mul3A_941 : i32 to index
        %get3A_943 = tpu.vector_load %arg5[%get3A_942] {strides = array<i32>} : memref<528xi32, #tpu.memory_space<vmem>>, vector<16xi32>,
        %slice3A_944 = vector.extract_strided_slice %get3A_943 {offsets = [0], sizes = [1], strides = [1]} : vector<16xi32> to vector<1xi32>
        %squeeze3A_945 = vector.extract %slice3A_944[0] : i32 from vector<1xi32>
        %jit3A_946 = arith.constant 128 : i32
        %div3A_947 = arith.divsi %squeeze3A_945, %jit3A_946 : i32
        %sign3A_948 = arith.constant 0 : i32
        %sign3A_949 = arith.cmpi sgt, %squeeze3A_945, %sign3A_948 : i32
        %sign3A_950 = arith.extui %sign3A_949 : i1 to i32
        %sign3A_951 = arith.constant 0 : i32
        %sign3A_952 = arith.cmpi slt, %squeeze3A_945, %sign3A_951 : i32
        %sign3A_953 = arith.extui %sign3A_952 : i1 to i32
        %sign3A_954 = arith.subi %sign3A_950, %sign3A_953 : i32
        %sign3A_955 = arith.constant 0 : i32
        %sign3A_956 = arith.cmpi sgt, %jit3A_946, %sign3A_955 : i32
        %sign3A_957 = arith.extui %sign3A_956 : i1 to i32
        %sign3A_958 = arith.constant 0 : i32
        %sign3A_959 = arith.cmpi slt, %jit3A_946, %sign3A_958 : i32
        %sign3A_960 = arith.extui %sign3A_959 : i1 to i32
        %sign3A_961 = arith.subi %sign3A_957, %sign3A_960 : i32
        %ne3A_962 = arith.cmpi ne, %sign3A_954, %sign3A_961 : i32
        %rem3A_963 = arith.remsi %squeeze3A_945, %jit3A_946 : i32
        %ne3A_964 = arith.constant 0 : i32
        %ne3A_965 = arith.cmpi ne, %rem3A_963, %ne3A_964 : i32
        %and3A_966 = arith.andi %ne3A_962, %ne3A_965 : i1
        %sub3A_967 = arith.constant 1 : i32
        %sub3A_968 = arith.subi %div3A_947, %sub3A_967 : i32
        %select_n3A_969 = arith.select %and3A_966, %sub3A_968, %div3A_947 : i32
        %mul3A_970 = arith.constant 128 : i32
        %mul3A_971 = arith.muli %select_n3A_969, %mul3A_970 : i32
        %multiple_of3A_972 = tpu.assume_multiple %mul3A_971, 128 : i32
        %dma_start3A_973 = arith.constant 0 : i32
        %dma_start3A_974 = arith.constant 0 : i32
        %dma_start3A_975 = arith.constant 0 : i32
        %dma_start3A_976 = tpu.memref_slice %arg6[%dma_start3A_973, %dma_start3A_974, %dma_start3A_975] : memref<16x32x128xf32, #tpu.memory_space<vmem>> -> memref<1x32x128xf32, #tpu.memory_space<vmem>>
        %dma_start3A_977 = tpu.memref_squeeze %dma_start3A_976 : memref<1x32x128xf32, #tpu.memory_space<vmem>> -> memref<32x128xf32, #tpu.memory_space<vmem>>
        %dma_start3A_978 = arith.constant 0 : i32
        %dma_start3A_979 = tpu.memref_slice %arg3[%dma_start3A_978, %multiple_of3A_972] : memref<32x1000000xf32, #tpu.memory_space<hbm>> -> memref<32x128xf32, #tpu.memory_space<hbm>>
        %dma_start3A_980 = arith.constant 0 : i32
        %dma_start3A_981 = arith.constant 0 : i32
        %dma_start3A_982 = tpu.memref_slice %arg6[%dma_start3A_973, %dma_start3A_980, %dma_start3A_981] : memref<16x32x128xf32, #tpu.memory_space<vmem>> -> memref<1x32x128xf32, #tpu.memory_space<vmem>>
        %dma_start3A_983 = tpu.memref_squeeze %dma_start3A_982 : memref<1x32x128xf32, #tpu.memory_space<vmem>> -> memref<32x128xf32, #tpu.memory_space<vmem>>
        %dma_start3A_984 = arith.constant 0 : i32
        %dma_start3A_985 = tpu.memref_slice %arg3[%dma_start3A_984, %multiple_of3A_972] : memref<32x1000000xf32, #tpu.memory_space<hbm>> -> memref<32x128xf32, #tpu.memory_space<hbm>>
        tpu.enqueue_dma source(%dma_start3A_985 : memref<32x128xf32, #tpu.memory_space<hbm>>) target(%dma_start3A_983 : memref<32x128xf32, #tpu.memory_space<vmem>>) target_semaphore(%arg8 : memref<!tpu.dma_semaphore, #tpu.memory_space<semaphore_mem>>)
        %slice3A_986 = vector.extract_strided_slice %get3A_943 {offsets = [1], sizes = [1], strides = [1]} : vector<16xi32> to vector<1xi32>
        %squeeze3A_987 = vector.extract %slice3A_986[0] : i32 from vector<1xi32>
        %jit3A_988 = arith.constant 128 : i32
        %div3A_989 = arith.divsi %squeeze3A_987, %jit3A_988 : i32
        %sign3A_990 = arith.constant 0 : i32
        %sign3A_991 = arith.cmpi sgt, %squeeze3A_987, %sign3A_990 : i32
        %sign3A_992 = arith.extui %sign3A_991 : i1 to i32
        %sign3A_993 = arith.constant 0 : i32
        %sign3A_994 = arith.cmpi slt, %squeeze3A_987, %sign3A_993 : i32
        %sign3A_995 = arith.extui %sign3A_994 : i1 to i32
        %sign3A_996 = arith.subi %sign3A_992, %sign3A_995 : i32
        %sign3A_997 = arith.constant 0 : i32
        %sign3A_998 = arith.cmpi sgt, %jit3A_988, %sign3A_997 : i32
        %sign3A_999 = arith.extui %sign3A_998 : i1 to i32
        %sign3A_1000 = arith.constant 0 : i32
        %sign3A_1001 = arith.cmpi slt, %jit3A_988, %sign3A_1000 : i32
        %sign3A_1002 = arith.extui %sign3A_1001 : i1 to i32
        %sign3A_1003 = arith.subi %sign3A_999, %sign3A_1002 : i32
        %ne3A_1004 = arith.cmpi ne, %sign3A_996, %sign3A_1003 : i32
        %rem3A_1005 = arith.remsi %squeeze3A_987, %jit3A_988 : i32
        %ne3A_1006 = arith.constant 0 : i32
        %ne3A_1007 = arith.cmpi ne, %rem3A_1005, %ne3A_1006 : i32
        %and3A_1008 = arith.andi %ne3A_1004, %ne3A_1007 : i1
        %sub3A_1009 = arith.constant 1 : i32
        %sub3A_1010 = arith.subi %div3A_989, %sub3A_1009 : i32
        %select_n3A_1011 = arith.select %and3A_1008, %sub3A_1010, %div3A_989 : i32
        %mul3A_1012 = arith.constant 128 : i32
        %mul3A_1013 = arith.muli %select_n3A_1011, %mul3A_1012 : i32
        %multiple_of3A_1014 = tpu.assume_multiple %mul3A_1013, 128 : i32
        %dma_start3A_1015 = arith.constant 1 : i32
        %dma_start3A_1016 = arith.constant 0 : i32
        %dma_start3A_1017 = arith.constant 0 : i32
        %dma_start3A_1018 = tpu.memref_slice %arg6[%dma_start3A_1015, %dma_start3A_1016, %dma_start3A_1017] : memref<16x32x128xf32, #tpu.memory_space<vmem>> -> memref<1x32x128xf32, #tpu.memory_space<vmem>>
        %dma_start3A_1019 = tpu.memref_squeeze %dma_start3A_1018 : memref<1x32x128xf32, #tpu.memory_space<vmem>> -> memref<32x128xf32, #tpu.memory_space<vmem>>
        %dma_start3A_1020 = arith.constant 0 : i32
        %dma_start3A_1021 = tpu.memref_slice %arg3[%dma_start3A_1020, %multiple_of3A_1014] : memref<32x1000000xf32, #tpu.memory_space<hbm>> -> memref<32x128xf32, #tpu.memory_space<hbm>>
        %dma_start3A_1022 = arith.constant 0 : i32
        %dma_start3A_1023 = arith.constant 0 : i32
        %dma_start3A_1024 = tpu.memref_slice %arg6[%dma_start3A_1015, %dma_start3A_1022, %dma_start3A_1023] : memref<16x32x128xf32, #tpu.memory_space<vmem>> -> memref<1x32x128xf32, #tpu.memory_space<vmem>>
        %dma_start3A_1025 = tpu.memref_squeeze %dma_start3A_1024 : memref<1x32x128xf32, #tpu.memory_space<vmem>> -> memref<32x128xf32, #tpu.memory_space<vmem>>
        %dma_start3A_1026 = arith.constant 0 : i32
        %dma_start3A_1027 = tpu.memref_slice %arg3[%dma_start3A_1026, %multiple_of3A_1014] : memref<32x1000000xf32, #tpu.memory_space<hbm>> -> memref<32x128xf32, #tpu.memory_space<hbm>>
        tpu.enqueue_dma source(%dma_start3A_1027 : memref<32x128xf32, #tpu.memory_space<hbm>>) target(%dma_start3A_1025 : memref<32x128xf32, #tpu.memory_space<vmem>>) target_semaphore(%arg8 : memref<!tpu.dma_semaphore, #tpu.memory_space<semaphore_mem>>)
        %slice3A_1028 = vector.extract_strided_slice %get3A_943 {offsets = [2], sizes = [1], strides = [1]} : vector<16xi32> to vector<1xi32>
        %squeeze3A_1029 = vector.extract %slice3A_1028[0] : i32 from vector<1xi32>
        %jit3A_1030 = arith.constant 128 : i32
        %div3A_1031 = arith.divsi %squeeze3A_1029, %jit3A_1030 : i32
        %sign3A_1032 = arith.constant 0 : i32
        %sign3A_1033 = arith.cmpi sgt, %squeeze3A_1029, %sign3A_1032 : i32
        %sign3A_1034 = arith.extui %sign3A_1033 : i1 to i32
        %sign3A_1035 = arith.constant 0 : i32
        %sign3A_1036 = arith.cmpi slt, %squeeze3A_1029, %sign3A_1035 : i32
        %sign3A_1037 = arith.extui %sign3A_1036 : i1 to i32
        %sign3A_1038 = arith.subi %sign3A_1034, %sign3A_1037 : i32
        %sign3A_1039 = arith.constant 0 : i32
        %sign3A_1040 = arith.cmpi sgt, %jit3A_1030, %sign3A_1039 : i32
        %sign3A_1041 = arith.extui %sign3A_1040 : i1 to i32
        %sign3A_1042 = arith.constant 0 : i32
        %sign3A_1043 = arith.cmpi slt, %jit3A_1030, %sign3A_1042 : i32
        %sign3A_1044 = arith.extui %sign3A_1043 : i1 to i32
        %sign3A_1045 = arith.subi %sign3A_1041, %sign3A_1044 : i32
        %ne3A_1046 = arith.cmpi ne, %sign3A_1038, %sign3A_1045 : i32
        %rem3A_1047 = arith.remsi %squeeze3A_1029, %jit3A_1030 : i32
        %ne3A_1048 = arith.constant 0 : i32
        %ne3A_1049 = arith.cmpi ne, %rem3A_1047, %ne3A_1048 : i32
        %and3A_1050 = arith.andi %ne3A_1046, %ne3A_1049 : i1
        %sub3A_1051 = arith.constant 1 : i32
        %sub3A_1052 = arith.subi %div3A_1031, %sub3A_1051 : i32
        %select_n3A_1053 = arith.select %and3A_1050, %sub3A_1052, %div3A_1031 : i32
        %mul3A_1054 = arith.constant 128 : i32
        %mul3A_1055 = arith.muli %select_n3A_1053, %mul3A_1054 : i32
        %multiple_of3A_1056 = tpu.assume_multiple %mul3A_1055, 128 : i32
        %dma_start3A_1057 = arith.constant 2 : i32
        %dma_start3A_1058 = arith.constant 0 : i32
        %dma_start3A_1059 = arith.constant 0 : i32
        %dma_start3A_1060 = tpu.memref_slice %arg6[%dma_start3A_1057, %dma_start3A_1058, %dma_start3A_1059] : memref<16x32x128xf32, #tpu.memory_space<vmem>> -> memref<1x32x128xf32, #tpu.memory_space<vmem>>
        %dma_start3A_1061 = tpu.memref_squeeze %dma_start3A_1060 : memref<1x32x128xf32, #tpu.memory_space<vmem>> -> memref<32x128xf32, #tpu.memory_space<vmem>>
        %dma_start3A_1062 = arith.constant 0 : i32
        %dma_start3A_1063 = tpu.memref_slice %arg3[%dma_start3A_1062, %multiple_of3A_1056] : memref<32x1000000xf32, #tpu.memory_space<hbm>> -> memref<32x128xf32, #tpu.memory_space<hbm>>
        %dma_start3A_1064 = arith.constant 0 : i32
        %dma_start3A_1065 = arith.constant 0 : i32
        %dma_start3A_1066 = tpu.memref_slice %arg6[%dma_start3A_1057, %dma_start3A_1064, %dma_start3A_1065] : memref<16x32x128xf32, #tpu.memory_space<vmem>> -> memref<1x32x128xf32, #tpu.memory_space<vmem>>
        %dma_start3A_1067 = tpu.memref_squeeze %dma_start3A_1066 : memref<1x32x128xf32, #tpu.memory_space<vmem>> -> memref<32x128xf32, #tpu.memory_space<vmem>>
        %dma_start3A_1068 = arith.constant 0 : i32
        %dma_start3A_1069 = tpu.memref_slice %arg3[%dma_start3A_1068, %multiple_of3A_1056] : memref<32x1000000xf32, #tpu.memory_space<hbm>> -> memref<32x128xf32, #tpu.memory_space<hbm>>
        tpu.enqueue_dma source(%dma_start3A_1069 : memref<32x128xf32, #tpu.memory_space<hbm>>) target(%dma_start3A_1067 : memref<32x128xf32, #tpu.memory_space<vmem>>) target_semaphore(%arg8 : memref<!tpu.dma_semaphore, #tpu.memory_space<semaphore_mem>>)
        %slice3A_1070 = vector.extract_strided_slice %get3A_943 {offsets = [3], sizes = [1], strides = [1]} : vector<16xi32> to vector<1xi32>
        %squeeze3A_1071 = vector.extract %slice3A_1070[0] : i32 from vector<1xi32>
        %jit3A_1072 = arith.constant 128 : i32
        %div3A_1073 = arith.divsi %squeeze3A_1071, %jit3A_1072 : i32
        %sign3A_1074 = arith.constant 0 : i32
        %sign3A_1075 = arith.cmpi sgt, %squeeze3A_1071, %sign3A_1074 : i32
        %sign3A_1076 = arith.extui %sign3A_1075 : i1 to i32
        %sign3A_1077 = arith.constant 0 : i32
        %sign3A_1078 = arith.cmpi slt, %squeeze3A_1071, %sign3A_1077 : i32
        %sign3A_1079 = arith.extui %sign3A_1078 : i1 to i32
        %sign3A_1080 = arith.subi %sign3A_1076, %sign3A_1079 : i32
        %sign3A_1081 = arith.constant 0 : i32
        %sign3A_1082 = arith.cmpi sgt, %jit3A_1072, %sign3A_1081 : i32
        %sign3A_1083 = arith.extui %sign3A_1082 : i1 to i32
        %sign3A_1084 = arith.constant 0 : i32
        %sign3A_1085 = arith.cmpi slt, %jit3A_1072, %sign3A_1084 : i32
        %sign3A_1086 = arith.extui %sign3A_1085 : i1 to i32
        %sign3A_1087 = arith.subi %sign3A_1083, %sign3A_1086 : i32
        %ne3A_1088 = arith.cmpi ne, %sign3A_1080, %sign3A_1087 : i32
        %rem3A_1089 = arith.remsi %squeeze3A_1071, %jit3A_1072 : i32
        %ne3A_1090 = arith.constant 0 : i32
        %ne3A_1091 = arith.cmpi ne, %rem3A_1089, %ne3A_1090 : i32
        %and3A_1092 = arith.andi %ne3A_1088, %ne3A_1091 : i1
        %sub3A_1093 = arith.constant 1 : i32
        %sub3A_1094 = arith.subi %div3A_1073, %sub3A_1093 : i32
        %select_n3A_1095 = arith.select %and3A_1092, %sub3A_1094, %div3A_1073 : i32
        %mul3A_1096 = arith.constant 128 : i32
        %mul3A_1097 = arith.muli %select_n3A_1095, %mul3A_1096 : i32
        %multiple_of3A_1098 = tpu.assume_multiple %mul3A_1097, 128 : i32
        %dma_start3A_1099 = arith.constant 3 : i32
        %dma_start3A_1100 = arith.constant 0 : i32
        %dma_start3A_1101 = arith.constant 0 : i32
        %dma_start3A_1102 = tpu.memref_slice %arg6[%dma_start3A_1099, %dma_start3A_1100, %dma_start3A_1101] : memref<16x32x128xf32, #tpu.memory_space<vmem>> -> memref<1x32x128xf32, #tpu.memory_space<vmem>>
        %dma_start3A_1103 = tpu.memref_squeeze %dma_start3A_1102 : memref<1x32x128xf32, #tpu.memory_space<vmem>> -> memref<32x128xf32, #tpu.memory_space<vmem>>
        %dma_start3A_1104 = arith.constant 0 : i32
        %dma_start3A_1105 = tpu.memref_slice %arg3[%dma_start3A_1104, %multiple_of3A_1098] : memref<32x1000000xf32, #tpu.memory_space<hbm>> -> memref<32x128xf32, #tpu.memory_space<hbm>>
        %dma_start3A_1106 = arith.constant 0 : i32
        %dma_start3A_1107 = arith.constant 0 : i32
        %dma_start3A_1108 = tpu.memref_slice %arg6[%dma_start3A_1099, %dma_start3A_1106, %dma_start3A_1107] : memref<16x32x128xf32, #tpu.memory_space<vmem>> -> memref<1x32x128xf32, #tpu.memory_space<vmem>>
        %dma_start3A_1109 = tpu.memref_squeeze %dma_start3A_1108 : memref<1x32x128xf32, #tpu.memory_space<vmem>> -> memref<32x128xf32, #tpu.memory_space<vmem>>
        %dma_start3A_1110 = arith.constant 0 : i32
        %dma_start3A_1111 = tpu.memref_slice %arg3[%dma_start3A_1110, %multiple_of3A_1098] : memref<32x1000000xf32, #tpu.memory_space<hbm>> -> memref<32x128xf32, #tpu.memory_space<hbm>>
        tpu.enqueue_dma source(%dma_start3A_1111 : memref<32x128xf32, #tpu.memory_space<hbm>>) target(%dma_start3A_1109 : memref<32x128xf32, #tpu.memory_space<vmem>>) target_semaphore(%arg8 : memref<!tpu.dma_semaphore, #tpu.memory_space<semaphore_mem>>)
        %slice3A_1112 = vector.extract_strided_slice %get3A_943 {offsets = [4], sizes = [1], strides = [1]} : vector<16xi32> to vector<1xi32>
        %squeeze3A_1113 = vector.extract %slice3A_1112[0] : i32 from vector<1xi32>
        %jit3A_1114 = arith.constant 128 : i32
        %div3A_1115 = arith.divsi %squeeze3A_1113, %jit3A_1114 : i32
        %sign3A_1116 = arith.constant 0 : i32
        %sign3A_1117 = arith.cmpi sgt, %squeeze3A_1113, %sign3A_1116 : i32
        %sign3A_1118 = arith.extui %sign3A_1117 : i1 to i32
        %sign3A_1119 = arith.constant 0 : i32
        %sign3A_1120 = arith.cmpi slt, %squeeze3A_1113, %sign3A_1119 : i32
        %sign3A_1121 = arith.extui %sign3A_1120 : i1 to i32
        %sign3A_1122 = arith.subi %sign3A_1118, %sign3A_1121 : i32
        %sign3A_1123 = arith.constant 0 : i32
        %sign3A_1124 = arith.cmpi sgt, %jit3A_1114, %sign3A_1123 : i32
        %sign3A_1125 = arith.extui %sign3A_1124 : i1 to i32
        %sign3A_1126 = arith.constant 0 : i32
        %sign3A_1127 = arith.cmpi slt, %jit3A_1114, %sign3A_1126 : i32
        %sign3A_1128 = arith.extui %sign3A_1127 : i1 to i32
        %sign3A_1129 = arith.subi %sign3A_1125, %sign3A_1128 : i32
        %ne3A_1130 = arith.cmpi ne, %sign3A_1122, %sign3A_1129 : i32
        %rem3A_1131 = arith.remsi %squeeze3A_1113, %jit3A_1114 : i32
        %ne3A_1132 = arith.constant 0 : i32
        %ne3A_1133 = arith.cmpi ne, %rem3A_1131, %ne3A_1132 : i32
        %and3A_1134 = arith.andi %ne3A_1130, %ne3A_1133 : i1
        %sub3A_1135 = arith.constant 1 : i32
        %sub3A_1136 = arith.subi %div3A_1115, %sub3A_1135 : i32
        %select_n3A_1137 = arith.select %and3A_1134, %sub3A_1136, %div3A_1115 : i32
        %mul3A_1138 = arith.constant 128 : i32
        %mul3A_1139 = arith.muli %select_n3A_1137, %mul3A_1138 : i32
        %multiple_of3A_1140 = tpu.assume_multiple %mul3A_1139, 128 : i32
        %dma_start3A_1141 = arith.constant 4 : i32
        %dma_start3A_1142 = arith.constant 0 : i32
        %dma_start3A_1143 = arith.constant 0 : i32
        %dma_start3A_1144 = tpu.memref_slice %arg6[%dma_start3A_1141, %dma_start3A_1142, %dma_start3A_1143] : memref<16x32x128xf32, #tpu.memory_space<vmem>> -> memref<1x32x128xf32, #tpu.memory_space<vmem>>
        %dma_start3A_1145 = tpu.memref_squeeze %dma_start3A_1144 : memref<1x32x128xf32, #tpu.memory_space<vmem>> -> memref<32x128xf32, #tpu.memory_space<vmem>>
        %dma_start3A_1146 = arith.constant 0 : i32
        %dma_start3A_1147 = tpu.memref_slice %arg3[%dma_start3A_1146, %multiple_of3A_1140] : memref<32x1000000xf32, #tpu.memory_space<hbm>> -> memref<32x128xf32, #tpu.memory_space<hbm>>
        %dma_start3A_1148 = arith.constant 0 : i32
        %dma_start3A_1149 = arith.constant 0 : i32
        %dma_start3A_1150 = tpu.memref_slice %arg6[%dma_start3A_1141, %dma_start3A_1148, %dma_start3A_1149] : memref<16x32x128xf32, #tpu.memory_space<vmem>> -> memref<1x32x128xf32, #tpu.memory_space<vmem>>
        %dma_start3A_1151 = tpu.memref_squeeze %dma_start3A_1150 : memref<1x32x128xf32, #tpu.memory_space<vmem>> -> memref<32x128xf32, #tpu.memory_space<vmem>>
        %dma_start3A_1152 = arith.constant 0 : i32
        %dma_start3A_1153 = tpu.memref_slice %arg3[%dma_start3A_1152, %multiple_of3A_1140] : memref<32x1000000xf32, #tpu.memory_space<hbm>> -> memref<32x128xf32, #tpu.memory_space<hbm>>
        tpu.enqueue_dma source(%dma_start3A_1153 : memref<32x128xf32, #tpu.memory_space<hbm>>) target(%dma_start3A_1151 : memref<32x128xf32, #tpu.memory_space<vmem>>) target_semaphore(%arg8 : memref<!tpu.dma_semaphore, #tpu.memory_space<semaphore_mem>>)
        %slice3A_1154 = vector.extract_strided_slice %get3A_943 {offsets = [5], sizes = [1], strides = [1]} : vector<16xi32> to vector<1xi32>
        %squeeze3A_1155 = vector.extract %slice3A_1154[0] : i32 from vector<1xi32>
        %jit3A_1156 = arith.constant 128 : i32
        %div3A_1157 = arith.divsi %squeeze3A_1155, %jit3A_1156 : i32
        %sign3A_1158 = arith.constant 0 : i32
        %sign3A_1159 = arith.cmpi sgt, %squeeze3A_1155, %sign3A_1158 : i32
        %sign3A_1160 = arith.extui %sign3A_1159 : i1 to i32
        %sign3A_1161 = arith.constant 0 : i32
        %sign3A_1162 = arith.cmpi slt, %squeeze3A_1155, %sign3A_1161 : i32
        %sign3A_1163 = arith.extui %sign3A_1162 : i1 to i32
        %sign3A_1164 = arith.subi %sign3A_1160, %sign3A_1163 : i32
        %sign3A_1165 = arith.constant 0 : i32
        %sign3A_1166 = arith.cmpi sgt, %jit3A_1156, %sign3A_1165 : i32
        %sign3A_1167 = arith.extui %sign3A_1166 : i1 to i32
        %sign3A_1168 = arith.constant 0 : i32
        %sign3A_1169 = arith.cmpi slt, %jit3A_1156, %sign3A_1168 : i32
        %sign3A_1170 = arith.extui %sign3A_1169 : i1 to i32
        %sign3A_1171 = arith.subi %sign3A_1167, %sign3A_1170 : i32
        %ne3A_1172 = arith.cmpi ne, %sign3A_1164, %sign3A_1171 : i32
        %rem3A_1173 = arith.remsi %squeeze3A_1155, %jit3A_1156 : i32
        %ne3A_1174 = arith.constant 0 : i32
        %ne3A_1175 = arith.cmpi ne, %rem3A_1173, %ne3A_1174 : i32
        %and3A_1176 = arith.andi %ne3A_1172, %ne3A_1175 : i1
        %sub3A_1177 = arith.constant 1 : i32
        %sub3A_1178 = arith.subi %div3A_1157, %sub3A_1177 : i32
        %select_n3A_1179 = arith.select %and3A_1176, %sub3A_1178, %div3A_1157 : i32
        %mul3A_1180 = arith.constant 128 : i32
        %mul3A_1181 = arith.muli %select_n3A_1179, %mul3A_1180 : i32
        %multiple_of3A_1182 = tpu.assume_multiple %mul3A_1181, 128 : i32
        %dma_start3A_1183 = arith.constant 5 : i32
        %dma_start3A_1184 = arith.constant 0 : i32
        %dma_start3A_1185 = arith.constant 0 : i32
        %dma_start3A_1186 = tpu.memref_slice %arg6[%dma_start3A_1183, %dma_start3A_1184, %dma_start3A_1185] : memref<16x32x128xf32, #tpu.memory_space<vmem>> -> memref<1x32x128xf32, #tpu.memory_space<vmem>>
        %dma_start3A_1187 = tpu.memref_squeeze %dma_start3A_1186 : memref<1x32x128xf32, #tpu.memory_space<vmem>> -> memref<32x128xf32, #tpu.memory_space<vmem>>
        %dma_start3A_1188 = arith.constant 0 : i32
        %dma_start3A_1189 = tpu.memref_slice %arg3[%dma_start3A_1188, %multiple_of3A_1182] : memref<32x1000000xf32, #tpu.memory_space<hbm>> -> memref<32x128xf32, #tpu.memory_space<hbm>>
        %dma_start3A_1190 = arith.constant 0 : i32
        %dma_start3A_1191 = arith.constant 0 : i32
        %dma_start3A_1192 = tpu.memref_slice %arg6[%dma_start3A_1183, %dma_start3A_1190, %dma_start3A_1191] : memref<16x32x128xf32, #tpu.memory_space<vmem>> -> memref<1x32x128xf32, #tpu.memory_space<vmem>>
        %dma_start3A_1193 = tpu.memref_squeeze %dma_start3A_1192 : memref<1x32x128xf32, #tpu.memory_space<vmem>> -> memref<32x128xf32, #tpu.memory_space<vmem>>
        %dma_start3A_1194 = arith.constant 0 : i32
        %dma_start3A_1195 = tpu.memref_slice %arg3[%dma_start3A_1194, %multiple_of3A_1182] : memref<32x1000000xf32, #tpu.memory_space<hbm>> -> memref<32x128xf32, #tpu.memory_space<hbm>>
        tpu.enqueue_dma source(%dma_start3A_1195 : memref<32x128xf32, #tpu.memory_space<hbm>>) target(%dma_start3A_1193 : memref<32x128xf32, #tpu.memory_space<vmem>>) target_semaphore(%arg8 : memref<!tpu.dma_semaphore, #tpu.memory_space<semaphore_mem>>)
        %slice3A_1196 = vector.extract_strided_slice %get3A_943 {offsets = [6], sizes = [1], strides = [1]} : vector<16xi32> to vector<1xi32>
        %squeeze3A_1197 = vector.extract %slice3A_1196[0] : i32 from vector<1xi32>
        %jit3A_1198 = arith.constant 128 : i32
        %div3A_1199 = arith.divsi %squeeze3A_1197, %jit3A_1198 : i32
        %sign3A_1200 = arith.constant 0 : i32
        %sign3A_1201 = arith.cmpi sgt, %squeeze3A_1197, %sign3A_1200 : i32
        %sign3A_1202 = arith.extui %sign3A_1201 : i1 to i32
        %sign3A_1203 = arith.constant 0 : i32
        %sign3A_1204 = arith.cmpi slt, %squeeze3A_1197, %sign3A_1203 : i32
        %sign3A_1205 = arith.extui %sign3A_1204 : i1 to i32
        %sign3A_1206 = arith.subi %sign3A_1202, %sign3A_1205 : i32
        %sign3A_1207 = arith.constant 0 : i32
        %sign3A_1208 = arith.cmpi sgt, %jit3A_1198, %sign3A_1207 : i32
        %sign3A_1209 = arith.extui %sign3A_1208 : i1 to i32
        %sign3A_1210 = arith.constant 0 : i32
        %sign3A_1211 = arith.cmpi slt, %jit3A_1198, %sign3A_1210 : i32
        %sign3A_1212 = arith.extui %sign3A_1211 : i1 to i32
        %sign3A_1213 = arith.subi %sign3A_1209, %sign3A_1212 : i32
        %ne3A_1214 = arith.cmpi ne, %sign3A_1206, %sign3A_1213 : i32
        %rem3A_1215 = arith.remsi %squeeze3A_1197, %jit3A_1198 : i32
        %ne3A_1216 = arith.constant 0 : i32
        %ne3A_1217 = arith.cmpi ne, %rem3A_1215, %ne3A_1216 : i32
        %and3A_1218 = arith.andi %ne3A_1214, %ne3A_1217 : i1
        %sub3A_1219 = arith.constant 1 : i32
        %sub3A_1220 = arith.subi %div3A_1199, %sub3A_1219 : i32
        %select_n3A_1221 = arith.select %and3A_1218, %sub3A_1220, %div3A_1199 : i32
        %mul3A_1222 = arith.constant 128 : i32
        %mul3A_1223 = arith.muli %select_n3A_1221, %mul3A_1222 : i32
        %multiple_of3A_1224 = tpu.assume_multiple %mul3A_1223, 128 : i32
        %dma_start3A_1225 = arith.constant 6 : i32
        %dma_start3A_1226 = arith.constant 0 : i32
        %dma_start3A_1227 = arith.constant 0 : i32
        %dma_start3A_1228 = tpu.memref_slice %arg6[%dma_start3A_1225, %dma_start3A_1226, %dma_start3A_1227] : memref<16x32x128xf32, #tpu.memory_space<vmem>> -> memref<1x32x128xf32, #tpu.memory_space<vmem>>
        %dma_start3A_1229 = tpu.memref_squeeze %dma_start3A_1228 : memref<1x32x128xf32, #tpu.memory_space<vmem>> -> memref<32x128xf32, #tpu.memory_space<vmem>>
        %dma_start3A_1230 = arith.constant 0 : i32
        %dma_start3A_1231 = tpu.memref_slice %arg3[%dma_start3A_1230, %multiple_of3A_1224] : memref<32x1000000xf32, #tpu.memory_space<hbm>> -> memref<32x128xf32, #tpu.memory_space<hbm>>
        %dma_start3A_1232 = arith.constant 0 : i32
        %dma_start3A_1233 = arith.constant 0 : i32
        %dma_start3A_1234 = tpu.memref_slice %arg6[%dma_start3A_1225, %dma_start3A_1232, %dma_start3A_1233] : memref<16x32x128xf32, #tpu.memory_space<vmem>> -> memref<1x32x128xf32, #tpu.memory_space<vmem>>
        %dma_start3A_1235 = tpu.memref_squeeze %dma_start3A_1234 : memref<1x32x128xf32, #tpu.memory_space<vmem>> -> memref<32x128xf32, #tpu.memory_space<vmem>>
        %dma_start3A_1236 = arith.constant 0 : i32
        %dma_start3A_1237 = tpu.memref_slice %arg3[%dma_start3A_1236, %multiple_of3A_1224] : memref<32x1000000xf32, #tpu.memory_space<hbm>> -> memref<32x128xf32, #tpu.memory_space<hbm>>
        tpu.enqueue_dma source(%dma_start3A_1237 : memref<32x128xf32, #tpu.memory_space<hbm>>) target(%dma_start3A_1235 : memref<32x128xf32, #tpu.memory_space<vmem>>) target_semaphore(%arg8 : memref<!tpu.dma_semaphore, #tpu.memory_space<semaphore_mem>>)
        %slice3A_1238 = vector.extract_strided_slice %get3A_943 {offsets = [7], sizes = [1], strides = [1]} : vector<16xi32> to vector<1xi32>
        %squeeze3A_1239 = vector.extract %slice3A_1238[0] : i32 from vector<1xi32>
        %jit3A_1240 = arith.constant 128 : i32
        %div3A_1241 = arith.divsi %squeeze3A_1239, %jit3A_1240 : i32
        %sign3A_1242 = arith.constant 0 : i32
        %sign3A_1243 = arith.cmpi sgt, %squeeze3A_1239, %sign3A_1242 : i32
        %sign3A_1244 = arith.extui %sign3A_1243 : i1 to i32
        %sign3A_1245 = arith.constant 0 : i32
        %sign3A_1246 = arith.cmpi slt, %squeeze3A_1239, %sign3A_1245 : i32
        %sign3A_1247 = arith.extui %sign3A_1246 : i1 to i32
        %sign3A_1248 = arith.subi %sign3A_1244, %sign3A_1247 : i32
        %sign3A_1249 = arith.constant 0 : i32
        %sign3A_1250 = arith.cmpi sgt, %jit3A_1240, %sign3A_1249 : i32
        %sign3A_1251 = arith.extui %sign3A_1250 : i1 to i32
        %sign3A_1252 = arith.constant 0 : i32
        %sign3A_1253 = arith.cmpi slt, %jit3A_1240, %sign3A_1252 : i32
        %sign3A_1254 = arith.extui %sign3A_1253 : i1 to i32
        %sign3A_1255 = arith.subi %sign3A_1251, %sign3A_1254 : i32
        %ne3A_1256 = arith.cmpi ne, %sign3A_1248, %sign3A_1255 : i32
        %rem3A_1257 = arith.remsi %squeeze3A_1239, %jit3A_1240 : i32
        %ne3A_1258 = arith.constant 0 : i32
        %ne3A_1259 = arith.cmpi ne, %rem3A_1257, %ne3A_1258 : i32
        %and3A_1260 = arith.andi %ne3A_1256, %ne3A_1259 : i1
        %sub3A_1261 = arith.constant 1 : i32
        %sub3A_1262 = arith.subi %div3A_1241, %sub3A_1261 : i32
        %select_n3A_1263 = arith.select %and3A_1260, %sub3A_1262, %div3A_1241 : i32
        %mul3A_1264 = arith.constant 128 : i32
        %mul3A_1265 = arith.muli %select_n3A_1263, %mul3A_1264 : i32
        %multiple_of3A_1266 = tpu.assume_multiple %mul3A_1265, 128 : i32
        %dma_start3A_1267 = arith.constant 7 : i32
        %dma_start3A_1268 = arith.constant 0 : i32
        %dma_start3A_1269 = arith.constant 0 : i32
        %dma_start3A_1270 = tpu.memref_slice %arg6[%dma_start3A_1267, %dma_start3A_1268, %dma_start3A_1269] : memref<16x32x128xf32, #tpu.memory_space<vmem>> -> memref<1x32x128xf32, #tpu.memory_space<vmem>>
        %dma_start3A_1271 = tpu.memref_squeeze %dma_start3A_1270 : memref<1x32x128xf32, #tpu.memory_space<vmem>> -> memref<32x128xf32, #tpu.memory_space<vmem>>
        %dma_start3A_1272 = arith.constant 0 : i32
        %dma_start3A_1273 = tpu.memref_slice %arg3[%dma_start3A_1272, %multiple_of3A_1266] : memref<32x1000000xf32, #tpu.memory_space<hbm>> -> memref<32x128xf32, #tpu.memory_space<hbm>>
        %dma_start3A_1274 = arith.constant 0 : i32
        %dma_start3A_1275 = arith.constant 0 : i32
        %dma_start3A_1276 = tpu.memref_slice %arg6[%dma_start3A_1267, %dma_start3A_1274, %dma_start3A_1275] : memref<16x32x128xf32, #tpu.memory_space<vmem>> -> memref<1x32x128xf32, #tpu.memory_space<vmem>>
        %dma_start3A_1277 = tpu.memref_squeeze %dma_start3A_1276 : memref<1x32x128xf32, #tpu.memory_space<vmem>> -> memref<32x128xf32, #tpu.memory_space<vmem>>
        %dma_start3A_1278 = arith.constant 0 : i32
        %dma_start3A_1279 = tpu.memref_slice %arg3[%dma_start3A_1278, %multiple_of3A_1266] : memref<32x1000000xf32, #tpu.memory_space<hbm>> -> memref<32x128xf32, #tpu.memory_space<hbm>>
        tpu.enqueue_dma source(%dma_start3A_1279 : memref<32x128xf32, #tpu.memory_space<hbm>>) target(%dma_start3A_1277 : memref<32x128xf32, #tpu.memory_space<vmem>>) target_semaphore(%arg8 : memref<!tpu.dma_semaphore, #tpu.memory_space<semaphore_mem>>)
      } else {
      }
      %lt3A_931 = arith.constant 32 : i32
      %lt3A_932 = arith.cmpi slt, %add3A_691, %lt3A_931 : i32
      %convert_element_type3A_933 = arith.extui %lt3A_932 : i1 to i32
      %cond3A_934 = arith.constant 0 : i32
      %cond3A_935 = arith.cmpi ne, %convert_element_type3A_933, %cond3A_934 : i32
      scf.if %cond3A_935 {
        %dma_wait3A_936 = arith.constant 8 : i32
        %dma_wait3A_937 = arith.constant 0 : i32
        %dma_wait3A_938 = arith.constant 0 : i32
        %dma_wait3A_939 = tpu.memref_slice %arg6[%dma_wait3A_936, %dma_wait3A_937, %dma_wait3A_938] : memref<16x32x128xf32, #tpu.memory_space<vmem>> -> memref<1x32x128xf32, #tpu.memory_space<vmem>>
        %dma_wait3A_940 = tpu.memref_squeeze %dma_wait3A_939 : memref<1x32x128xf32, #tpu.memory_space<vmem>> -> memref<32x128xf32, #tpu.memory_space<vmem>>
        %dma_wait3A_941 = arith.constant 0 : i32
        %dma_wait3A_942 = arith.constant 0 : i32
        %dma_wait3A_943 = tpu.memref_slice %arg3[%dma_wait3A_941, %dma_wait3A_942] : memref<32x1000000xf32, #tpu.memory_space<hbm>> -> memref<32x128xf32, #tpu.memory_space<hbm>>
        %dma_wait3A_944 = arith.constant 0 : i32
        %dma_wait3A_945 = arith.constant 0 : i32
        %dma_wait3A_946 = tpu.memref_slice %arg6[%dma_wait3A_936, %dma_wait3A_944, %dma_wait3A_945] : memref<16x32x128xf32, #tpu.memory_space<vmem>> -> memref<1x32x128xf32, #tpu.memory_space<vmem>>
        %dma_wait3A_947 = tpu.memref_squeeze %dma_wait3A_946 : memref<1x32x128xf32, #tpu.memory_space<vmem>> -> memref<32x128xf32, #tpu.memory_space<vmem>>
        %dma_wait3A_948 = arith.constant 0 : i32
        %dma_wait3A_949 = arith.constant 0 : i32
        %dma_wait3A_950 = tpu.memref_slice %arg3[%dma_wait3A_948, %dma_wait3A_949] : memref<32x1000000xf32, #tpu.memory_space<hbm>> -> memref<32x128xf32, #tpu.memory_space<hbm>>
        tpu.wait_dma2 semaphore(%arg9 : memref<!tpu.dma_semaphore, #tpu.memory_space<semaphore_mem>>) src(%dma_wait3A_950 : memref<32x128xf32, #tpu.memory_space<hbm>>) dst(%dma_wait3A_947 : memref<32x128xf32, #tpu.memory_space<vmem>>)
        %dma_wait3A_951 = arith.constant 9 : i32
        %dma_wait3A_952 = arith.constant 0 : i32
        %dma_wait3A_953 = arith.constant 0 : i32
        %dma_wait3A_954 = tpu.memref_slice %arg6[%dma_wait3A_951, %dma_wait3A_952, %dma_wait3A_953] : memref<16x32x128xf32, #tpu.memory_space<vmem>> -> memref<1x32x128xf32, #tpu.memory_space<vmem>>
        %dma_wait3A_955 = tpu.memref_squeeze %dma_wait3A_954 : memref<1x32x128xf32, #tpu.memory_space<vmem>> -> memref<32x128xf32, #tpu.memory_space<vmem>>
        %dma_wait3A_956 = arith.constant 0 : i32
        %dma_wait3A_957 = arith.constant 0 : i32
        %dma_wait3A_958 = tpu.memref_slice %arg3[%dma_wait3A_956, %dma_wait3A_957] : memref<32x1000000xf32, #tpu.memory_space<hbm>> -> memref<32x128xf32, #tpu.memory_space<hbm>>
        %dma_wait3A_959 = arith.constant 0 : i32
        %dma_wait3A_960 = arith.constant 0 : i32
        %dma_wait3A_961 = tpu.memref_slice %arg6[%dma_wait3A_951, %dma_wait3A_959, %dma_wait3A_960] : memref<16x32x128xf32, #tpu.memory_space<vmem>> -> memref<1x32x128xf32, #tpu.memory_space<vmem>>
        %dma_wait3A_962 = tpu.memref_squeeze %dma_wait3A_961 : memref<1x32x128xf32, #tpu.memory_space<vmem>> -> memref<32x128xf32, #tpu.memory_space<vmem>>
        %dma_wait3A_963 = arith.constant 0 : i32
        %dma_wait3A_964 = arith.constant 0 : i32
        %dma_wait3A_965 = tpu.memref_slice %arg3[%dma_wait3A_963, %dma_wait3A_964] : memref<32x1000000xf32, #tpu.memory_space<hbm>> -> memref<32x128xf32, #tpu.memory_space<hbm>>
        tpu.wait_dma2 semaphore(%arg9 : memref<!tpu.dma_semaphore, #tpu.memory_space<semaphore_mem>>) src(%dma_wait3A_965 : memref<32x128xf32, #tpu.memory_space<hbm>>) dst(%dma_wait3A_962 : memref<32x128xf32, #tpu.memory_space<vmem>>)
        %dma_wait3A_966 = arith.constant 10 : i32
        %dma_wait3A_967 = arith.constant 0 : i32
        %dma_wait3A_968 = arith.constant 0 : i32
        %dma_wait3A_969 = tpu.memref_slice %arg6[%dma_wait3A_966, %dma_wait3A_967, %dma_wait3A_968] : memref<16x32x128xf32, #tpu.memory_space<vmem>> -> memref<1x32x128xf32, #tpu.memory_space<vmem>>
        %dma_wait3A_970 = tpu.memref_squeeze %dma_wait3A_969 : memref<1x32x128xf32, #tpu.memory_space<vmem>> -> memref<32x128xf32, #tpu.memory_space<vmem>>
        %dma_wait3A_971 = arith.constant 0 : i32
        %dma_wait3A_972 = arith.constant 0 : i32
        %dma_wait3A_973 = tpu.memref_slice %arg3[%dma_wait3A_971, %dma_wait3A_972] : memref<32x1000000xf32, #tpu.memory_space<hbm>> -> memref<32x128xf32, #tpu.memory_space<hbm>>
        %dma_wait3A_974 = arith.constant 0 : i32
        %dma_wait3A_975 = arith.constant 0 : i32
        %dma_wait3A_976 = tpu.memref_slice %arg6[%dma_wait3A_966, %dma_wait3A_974, %dma_wait3A_975] : memref<16x32x128xf32, #tpu.memory_space<vmem>> -> memref<1x32x128xf32, #tpu.memory_space<vmem>>
        %dma_wait3A_977 = tpu.memref_squeeze %dma_wait3A_976 : memref<1x32x128xf32, #tpu.memory_space<vmem>> -> memref<32x128xf32, #tpu.memory_space<vmem>>
        %dma_wait3A_978 = arith.constant 0 : i32
        %dma_wait3A_979 = arith.constant 0 : i32
        %dma_wait3A_980 = tpu.memref_slice %arg3[%dma_wait3A_978, %dma_wait3A_979] : memref<32x1000000xf32, #tpu.memory_space<hbm>> -> memref<32x128xf32, #tpu.memory_space<hbm>>
        tpu.wait_dma2 semaphore(%arg9 : memref<!tpu.dma_semaphore, #tpu.memory_space<semaphore_mem>>) src(%dma_wait3A_980 : memref<32x128xf32, #tpu.memory_space<hbm>>) dst(%dma_wait3A_977 : memref<32x128xf32, #tpu.memory_space<vmem>>)
        %dma_wait3A_981 = arith.constant 11 : i32
        %dma_wait3A_982 = arith.constant 0 : i32
        %dma_wait3A_983 = arith.constant 0 : i32
        %dma_wait3A_984 = tpu.memref_slice %arg6[%dma_wait3A_981, %dma_wait3A_982, %dma_wait3A_983] : memref<16x32x128xf32, #tpu.memory_space<vmem>> -> memref<1x32x128xf32, #tpu.memory_space<vmem>>
        %dma_wait3A_985 = tpu.memref_squeeze %dma_wait3A_984 : memref<1x32x128xf32, #tpu.memory_space<vmem>> -> memref<32x128xf32, #tpu.memory_space<vmem>>
        %dma_wait3A_986 = arith.constant 0 : i32
        %dma_wait3A_987 = arith.constant 0 : i32
        %dma_wait3A_988 = tpu.memref_slice %arg3[%dma_wait3A_986, %dma_wait3A_987] : memref<32x1000000xf32, #tpu.memory_space<hbm>> -> memref<32x128xf32, #tpu.memory_space<hbm>>
        %dma_wait3A_989 = arith.constant 0 : i32
        %dma_wait3A_990 = arith.constant 0 : i32
        %dma_wait3A_991 = tpu.memref_slice %arg6[%dma_wait3A_981, %dma_wait3A_989, %dma_wait3A_990] : memref<16x32x128xf32, #tpu.memory_space<vmem>> -> memref<1x32x128xf32, #tpu.memory_space<vmem>>
        %dma_wait3A_992 = tpu.memref_squeeze %dma_wait3A_991 : memref<1x32x128xf32, #tpu.memory_space<vmem>> -> memref<32x128xf32, #tpu.memory_space<vmem>>
        %dma_wait3A_993 = arith.constant 0 : i32
        %dma_wait3A_994 = arith.constant 0 : i32
        %dma_wait3A_995 = tpu.memref_slice %arg3[%dma_wait3A_993, %dma_wait3A_994] : memref<32x1000000xf32, #tpu.memory_space<hbm>> -> memref<32x128xf32, #tpu.memory_space<hbm>>
        tpu.wait_dma2 semaphore(%arg9 : memref<!tpu.dma_semaphore, #tpu.memory_space<semaphore_mem>>) src(%dma_wait3A_995 : memref<32x128xf32, #tpu.memory_space<hbm>>) dst(%dma_wait3A_992 : memref<32x128xf32, #tpu.memory_space<vmem>>)
        %dma_wait3A_996 = arith.constant 12 : i32
        %dma_wait3A_997 = arith.constant 0 : i32
        %dma_wait3A_998 = arith.constant 0 : i32
        %dma_wait3A_999 = tpu.memref_slice %arg6[%dma_wait3A_996, %dma_wait3A_997, %dma_wait3A_998] : memref<16x32x128xf32, #tpu.memory_space<vmem>> -> memref<1x32x128xf32, #tpu.memory_space<vmem>>
        %dma_wait3A_1000 = tpu.memref_squeeze %dma_wait3A_999 : memref<1x32x128xf32, #tpu.memory_space<vmem>> -> memref<32x128xf32, #tpu.memory_space<vmem>>
        %dma_wait3A_1001 = arith.constant 0 : i32
        %dma_wait3A_1002 = arith.constant 0 : i32
        %dma_wait3A_1003 = tpu.memref_slice %arg3[%dma_wait3A_1001, %dma_wait3A_1002] : memref<32x1000000xf32, #tpu.memory_space<hbm>> -> memref<32x128xf32, #tpu.memory_space<hbm>>
        %dma_wait3A_1004 = arith.constant 0 : i32
        %dma_wait3A_1005 = arith.constant 0 : i32
        %dma_wait3A_1006 = tpu.memref_slice %arg6[%dma_wait3A_996, %dma_wait3A_1004, %dma_wait3A_1005] : memref<16x32x128xf32, #tpu.memory_space<vmem>> -> memref<1x32x128xf32, #tpu.memory_space<vmem>>
        %dma_wait3A_1007 = tpu.memref_squeeze %dma_wait3A_1006 : memref<1x32x128xf32, #tpu.memory_space<vmem>> -> memref<32x128xf32, #tpu.memory_space<vmem>>
        %dma_wait3A_1008 = arith.constant 0 : i32
        %dma_wait3A_1009 = arith.constant 0 : i32
        %dma_wait3A_1010 = tpu.memref_slice %arg3[%dma_wait3A_1008, %dma_wait3A_1009] : memref<32x1000000xf32, #tpu.memory_space<hbm>> -> memref<32x128xf32, #tpu.memory_space<hbm>>
        tpu.wait_dma2 semaphore(%arg9 : memref<!tpu.dma_semaphore, #tpu.memory_space<semaphore_mem>>) src(%dma_wait3A_1010 : memref<32x128xf32, #tpu.memory_space<hbm>>) dst(%dma_wait3A_1007 : memref<32x128xf32, #tpu.memory_space<vmem>>)
        %dma_wait3A_1011 = arith.constant 13 : i32
        %dma_wait3A_1012 = arith.constant 0 : i32
        %dma_wait3A_1013 = arith.constant 0 : i32
        %dma_wait3A_1014 = tpu.memref_slice %arg6[%dma_wait3A_1011, %dma_wait3A_1012, %dma_wait3A_1013] : memref<16x32x128xf32, #tpu.memory_space<vmem>> -> memref<1x32x128xf32, #tpu.memory_space<vmem>>
        %dma_wait3A_1015 = tpu.memref_squeeze %dma_wait3A_1014 : memref<1x32x128xf32, #tpu.memory_space<vmem>> -> memref<32x128xf32, #tpu.memory_space<vmem>>
        %dma_wait3A_1016 = arith.constant 0 : i32
        %dma_wait3A_1017 = arith.constant 0 : i32
        %dma_wait3A_1018 = tpu.memref_slice %arg3[%dma_wait3A_1016, %dma_wait3A_1017] : memref<32x1000000xf32, #tpu.memory_space<hbm>> -> memref<32x128xf32, #tpu.memory_space<hbm>>
        %dma_wait3A_1019 = arith.constant 0 : i32
        %dma_wait3A_1020 = arith.constant 0 : i32
        %dma_wait3A_1021 = tpu.memref_slice %arg6[%dma_wait3A_1011, %dma_wait3A_1019, %dma_wait3A_1020] : memref<16x32x128xf32, #tpu.memory_space<vmem>> -> memref<1x32x128xf32, #tpu.memory_space<vmem>>
        %dma_wait3A_1022 = tpu.memref_squeeze %dma_wait3A_1021 : memref<1x32x128xf32, #tpu.memory_space<vmem>> -> memref<32x128xf32, #tpu.memory_space<vmem>>
        %dma_wait3A_1023 = arith.constant 0 : i32
        %dma_wait3A_1024 = arith.constant 0 : i32
        %dma_wait3A_1025 = tpu.memref_slice %arg3[%dma_wait3A_1023, %dma_wait3A_1024] : memref<32x1000000xf32, #tpu.memory_space<hbm>> -> memref<32x128xf32, #tpu.memory_space<hbm>>
        tpu.wait_dma2 semaphore(%arg9 : memref<!tpu.dma_semaphore, #tpu.memory_space<semaphore_mem>>) src(%dma_wait3A_1025 : memref<32x128xf32, #tpu.memory_space<hbm>>) dst(%dma_wait3A_1022 : memref<32x128xf32, #tpu.memory_space<vmem>>)
        %dma_wait3A_1026 = arith.constant 14 : i32
        %dma_wait3A_1027 = arith.constant 0 : i32
        %dma_wait3A_1028 = arith.constant 0 : i32
        %dma_wait3A_1029 = tpu.memref_slice %arg6[%dma_wait3A_1026, %dma_wait3A_1027, %dma_wait3A_1028] : memref<16x32x128xf32, #tpu.memory_space<vmem>> -> memref<1x32x128xf32, #tpu.memory_space<vmem>>
        %dma_wait3A_1030 = tpu.memref_squeeze %dma_wait3A_1029 : memref<1x32x128xf32, #tpu.memory_space<vmem>> -> memref<32x128xf32, #tpu.memory_space<vmem>>
        %dma_wait3A_1031 = arith.constant 0 : i32
        %dma_wait3A_1032 = arith.constant 0 : i32
        %dma_wait3A_1033 = tpu.memref_slice %arg3[%dma_wait3A_1031, %dma_wait3A_1032] : memref<32x1000000xf32, #tpu.memory_space<hbm>> -> memref<32x128xf32, #tpu.memory_space<hbm>>
        %dma_wait3A_1034 = arith.constant 0 : i32
        %dma_wait3A_1035 = arith.constant 0 : i32
        %dma_wait3A_1036 = tpu.memref_slice %arg6[%dma_wait3A_1026, %dma_wait3A_1034, %dma_wait3A_1035] : memref<16x32x128xf32, #tpu.memory_space<vmem>> -> memref<1x32x128xf32, #tpu.memory_space<vmem>>
        %dma_wait3A_1037 = tpu.memref_squeeze %dma_wait3A_1036 : memref<1x32x128xf32, #tpu.memory_space<vmem>> -> memref<32x128xf32, #tpu.memory_space<vmem>>
        %dma_wait3A_1038 = arith.constant 0 : i32
        %dma_wait3A_1039 = arith.constant 0 : i32
        %dma_wait3A_1040 = tpu.memref_slice %arg3[%dma_wait3A_1038, %dma_wait3A_1039] : memref<32x1000000xf32, #tpu.memory_space<hbm>> -> memref<32x128xf32, #tpu.memory_space<hbm>>
        tpu.wait_dma2 semaphore(%arg9 : memref<!tpu.dma_semaphore, #tpu.memory_space<semaphore_mem>>) src(%dma_wait3A_1040 : memref<32x128xf32, #tpu.memory_space<hbm>>) dst(%dma_wait3A_1037 : memref<32x128xf32, #tpu.memory_space<vmem>>)
        %dma_wait3A_1041 = arith.constant 15 : i32
        %dma_wait3A_1042 = arith.constant 0 : i32
        %dma_wait3A_1043 = arith.constant 0 : i32
        %dma_wait3A_1044 = tpu.memref_slice %arg6[%dma_wait3A_1041, %dma_wait3A_1042, %dma_wait3A_1043] : memref<16x32x128xf32, #tpu.memory_space<vmem>> -> memref<1x32x128xf32, #tpu.memory_space<vmem>>
        %dma_wait3A_1045 = tpu.memref_squeeze %dma_wait3A_1044 : memref<1x32x128xf32, #tpu.memory_space<vmem>> -> memref<32x128xf32, #tpu.memory_space<vmem>>
        %dma_wait3A_1046 = arith.constant 0 : i32
        %dma_wait3A_1047 = arith.constant 0 : i32
        %dma_wait3A_1048 = tpu.memref_slice %arg3[%dma_wait3A_1046, %dma_wait3A_1047] : memref<32x1000000xf32, #tpu.memory_space<hbm>> -> memref<32x128xf32, #tpu.memory_space<hbm>>
        %dma_wait3A_1049 = arith.constant 0 : i32
        %dma_wait3A_1050 = arith.constant 0 : i32
        %dma_wait3A_1051 = tpu.memref_slice %arg6[%dma_wait3A_1041, %dma_wait3A_1049, %dma_wait3A_1050] : memref<16x32x128xf32, #tpu.memory_space<vmem>> -> memref<1x32x128xf32, #tpu.memory_space<vmem>>
        %dma_wait3A_1052 = tpu.memref_squeeze %dma_wait3A_1051 : memref<1x32x128xf32, #tpu.memory_space<vmem>> -> memref<32x128xf32, #tpu.memory_space<vmem>>
        %dma_wait3A_1053 = arith.constant 0 : i32
        %dma_wait3A_1054 = arith.constant 0 : i32
        %dma_wait3A_1055 = tpu.memref_slice %arg3[%dma_wait3A_1053, %dma_wait3A_1054] : memref<32x1000000xf32, #tpu.memory_space<hbm>> -> memref<32x128xf32, #tpu.memory_space<hbm>>
        tpu.wait_dma2 semaphore(%arg9 : memref<!tpu.dma_semaphore, #tpu.memory_space<semaphore_mem>>) src(%dma_wait3A_1055 : memref<32x128xf32, #tpu.memory_space<hbm>>) dst(%dma_wait3A_1052 : memref<32x128xf32, #tpu.memory_space<vmem>>)
        %add3A_1056 = arith.constant 32 : i32
        %add3A_1057 = arith.addi %add3A_1056, %add3A_691 : i32
        %mul3A_1058 = arith.constant 8 : i32
        %mul3A_1059 = arith.muli %add3A_1057, %mul3A_1058 : i32
        %get3A_1060 = arith.index_cast %mul3A_1059 : i32 to index
        %get3A_1061 = tpu.vector_load %arg5[%get3A_1060] {strides = array<i32>} : memref<528xi32, #tpu.memory_space<vmem>>, vector<16xi32>,
        %broadcast_in_dim3A_1062 = arith.constant 128 : i32
        %broadcast_in_dim3A_1063 = vector.broadcast %broadcast_in_dim3A_1062 : i32 to vector<16xi32>
        %rem3A_1064 = arith.remsi %get3A_1061, %broadcast_in_dim3A_1063 : vector<16xi32>
        %add3A_1065 = arith.constant 8 : i32
        %add3A_1066 = vector.broadcast %add3A_1065 : i32 to vector<16xi32>
        %add3A_1067 = arith.addi %iota3A, %add3A_1066 : vector<16xi32>
        %mul3A_1068 = arith.constant 8 : i32
        %mul3A_1069 = arith.muli %add3A_691, %mul3A_1068 : i32
        %add3A_1070 = vector.broadcast %mul3A_1069 : i32 to vector<16xi32>
        %add3A_1071 = arith.addi %add3A_1070, %iota3A : vector<16xi32>
        %broadcast_in_dim3A_1072 = arith.constant 0 : i32
        %broadcast_in_dim3A_1073 = vector.broadcast %broadcast_in_dim3A_1072 : i32 to vector<16xi32>
        %gather3A_1074 = tpu.vector_load_idx %arg6[%add3A_1067, %broadcast_in_dim3A_1073, %rem3A_1064] : memref<16x32x128xf32, #tpu.memory_space<vmem>>[vector<16xi32>, vector<16xi32>, vector<16xi32>], vector<16xf32>,
        tpu.vector_store_idx %arg7[%add3A_1071, %broadcast_in_dim3A_1073], %gather3A_1074 masked %lt3A_4 : memref<256x32xf32, #tpu.memory_space<vmem>>[vector<16xi32>, vector<16xi32>], vector<16xf32>, vector<16xi1>
        %broadcast_in_dim3A_1075 = arith.constant 1 : i32
        %broadcast_in_dim3A_1076 = vector.broadcast %broadcast_in_dim3A_1075 : i32 to vector<16xi32>
        %gather3A_1077 = tpu.vector_load_idx %arg6[%add3A_1067, %broadcast_in_dim3A_1076, %rem3A_1064] : memref<16x32x128xf32, #tpu.memory_space<vmem>>[vector<16xi32>, vector<16xi32>, vector<16xi32>], vector<16xf32>,
        tpu.vector_store_idx %arg7[%add3A_1071, %broadcast_in_dim3A_1076], %gather3A_1077 masked %lt3A_4 : memref<256x32xf32, #tpu.memory_space<vmem>>[vector<16xi32>, vector<16xi32>], vector<16xf32>, vector<16xi1>
        %broadcast_in_dim3A_1078 = arith.constant 2 : i32
        %broadcast_in_dim3A_1079 = vector.broadcast %broadcast_in_dim3A_1078 : i32 to vector<16xi32>
        %gather3A_1080 = tpu.vector_load_idx %arg6[%add3A_1067, %broadcast_in_dim3A_1079, %rem3A_1064] : memref<16x32x128xf32, #tpu.memory_space<vmem>>[vector<16xi32>, vector<16xi32>, vector<16xi32>], vector<16xf32>,
        tpu.vector_store_idx %arg7[%add3A_1071, %broadcast_in_dim3A_1079], %gather3A_1080 masked %lt3A_4 : memref<256x32xf32, #tpu.memory_space<vmem>>[vector<16xi32>, vector<16xi32>], vector<16xf32>, vector<16xi1>
        %broadcast_in_dim3A_1081 = arith.constant 3 : i32
        %broadcast_in_dim3A_1082 = vector.broadcast %broadcast_in_dim3A_1081 : i32 to vector<16xi32>
        %gather3A_1083 = tpu.vector_load_idx %arg6[%add3A_1067, %broadcast_in_dim3A_1082, %rem3A_1064] : memref<16x32x128xf32, #tpu.memory_space<vmem>>[vector<16xi32>, vector<16xi32>, vector<16xi32>], vector<16xf32>,
        tpu.vector_store_idx %arg7[%add3A_1071, %broadcast_in_dim3A_1082], %gather3A_1083 masked %lt3A_4 : memref<256x32xf32, #tpu.memory_space<vmem>>[vector<16xi32>, vector<16xi32>], vector<16xf32>, vector<16xi1>
        %broadcast_in_dim3A_1084 = arith.constant 4 : i32
        %broadcast_in_dim3A_1085 = vector.broadcast %broadcast_in_dim3A_1084 : i32 to vector<16xi32>
        %gather3A_1086 = tpu.vector_load_idx %arg6[%add3A_1067, %broadcast_in_dim3A_1085, %rem3A_1064] : memref<16x32x128xf32, #tpu.memory_space<vmem>>[vector<16xi32>, vector<16xi32>, vector<16xi32>], vector<16xf32>,
        tpu.vector_store_idx %arg7[%add3A_1071, %broadcast_in_dim3A_1085], %gather3A_1086 masked %lt3A_4 : memref<256x32xf32, #tpu.memory_space<vmem>>[vector<16xi32>, vector<16xi32>], vector<16xf32>, vector<16xi1>
        %broadcast_in_dim3A_1087 = arith.constant 5 : i32
        %broadcast_in_dim3A_1088 = vector.broadcast %broadcast_in_dim3A_1087 : i32 to vector<16xi32>
        %gather3A_1089 = tpu.vector_load_idx %arg6[%add3A_1067, %broadcast_in_dim3A_1088, %rem3A_1064] : memref<16x32x128xf32, #tpu.memory_space<vmem>>[vector<16xi32>, vector<16xi32>, vector<16xi32>], vector<16xf32>,
        tpu.vector_store_idx %arg7[%add3A_1071, %broadcast_in_dim3A_1088], %gather3A_1089 masked %lt3A_4 : memref<256x32xf32, #tpu.memory_space<vmem>>[vector<16xi32>, vector<16xi32>], vector<16xf32>, vector<16xi1>
        %broadcast_in_dim3A_1090 = arith.constant 6 : i32
        %broadcast_in_dim3A_1091 = vector.broadcast %broadcast_in_dim3A_1090 : i32 to vector<16xi32>
        %gather3A_1092 = tpu.vector_load_idx %arg6[%add3A_1067, %broadcast_in_dim3A_1091, %rem3A_1064] : memref<16x32x128xf32, #tpu.memory_space<vmem>>[vector<16xi32>, vector<16xi32>, vector<16xi32>], vector<16xf32>,
        tpu.vector_store_idx %arg7[%add3A_1071, %broadcast_in_dim3A_1091], %gather3A_1092 masked %lt3A_4 : memref<256x32xf32, #tpu.memory_space<vmem>>[vector<16xi32>, vector<16xi32>], vector<16xf32>, vector<16xi1>
        %broadcast_in_dim3A_1093 = arith.constant 7 : i32
        %broadcast_in_dim3A_1094 = vector.broadcast %broadcast_in_dim3A_1093 : i32 to vector<16xi32>
        %gather3A_1095 = tpu.vector_load_idx %arg6[%add3A_1067, %broadcast_in_dim3A_1094, %rem3A_1064] : memref<16x32x128xf32, #tpu.memory_space<vmem>>[vector<16xi32>, vector<16xi32>, vector<16xi32>], vector<16xf32>,
        tpu.vector_store_idx %arg7[%add3A_1071, %broadcast_in_dim3A_1094], %gather3A_1095 masked %lt3A_4 : memref<256x32xf32, #tpu.memory_space<vmem>>[vector<16xi32>, vector<16xi32>], vector<16xf32>, vector<16xi1>
        %broadcast_in_dim3A_1096 = arith.constant 8 : i32
        %broadcast_in_dim3A_1097 = vector.broadcast %broadcast_in_dim3A_1096 : i32 to vector<16xi32>
        %gather3A_1098 = tpu.vector_load_idx %arg6[%add3A_1067, %broadcast_in_dim3A_1097, %rem3A_1064] : memref<16x32x128xf32, #tpu.memory_space<vmem>>[vector<16xi32>, vector<16xi32>, vector<16xi32>], vector<16xf32>,
        tpu.vector_store_idx %arg7[%add3A_1071, %broadcast_in_dim3A_1097], %gather3A_1098 masked %lt3A_4 : memref<256x32xf32, #tpu.memory_space<vmem>>[vector<16xi32>, vector<16xi32>], vector<16xf32>, vector<16xi1>
        %broadcast_in_dim3A_1099 = arith.constant 9 : i32
        %broadcast_in_dim3A_1100 = vector.broadcast %broadcast_in_dim3A_1099 : i32 to vector<16xi32>
        %gather3A_1101 = tpu.vector_load_idx %arg6[%add3A_1067, %broadcast_in_dim3A_1100, %rem3A_1064] : memref<16x32x128xf32, #tpu.memory_space<vmem>>[vector<16xi32>, vector<16xi32>, vector<16xi32>], vector<16xf32>,
        tpu.vector_store_idx %arg7[%add3A_1071, %broadcast_in_dim3A_1100], %gather3A_1101 masked %lt3A_4 : memref<256x32xf32, #tpu.memory_space<vmem>>[vector<16xi32>, vector<16xi32>], vector<16xf32>, vector<16xi1>
        %broadcast_in_dim3A_1102 = arith.constant 10 : i32
        %broadcast_in_dim3A_1103 = vector.broadcast %broadcast_in_dim3A_1102 : i32 to vector<16xi32>
        %gather3A_1104 = tpu.vector_load_idx %arg6[%add3A_1067, %broadcast_in_dim3A_1103, %rem3A_1064] : memref<16x32x128xf32, #tpu.memory_space<vmem>>[vector<16xi32>, vector<16xi32>, vector<16xi32>], vector<16xf32>,
        tpu.vector_store_idx %arg7[%add3A_1071, %broadcast_in_dim3A_1103], %gather3A_1104 masked %lt3A_4 : memref<256x32xf32, #tpu.memory_space<vmem>>[vector<16xi32>, vector<16xi32>], vector<16xf32>, vector<16xi1>
        %broadcast_in_dim3A_1105 = arith.constant 11 : i32
        %broadcast_in_dim3A_1106 = vector.broadcast %broadcast_in_dim3A_1105 : i32 to vector<16xi32>
        %gather3A_1107 = tpu.vector_load_idx %arg6[%add3A_1067, %broadcast_in_dim3A_1106, %rem3A_1064] : memref<16x32x128xf32, #tpu.memory_space<vmem>>[vector<16xi32>, vector<16xi32>, vector<16xi32>], vector<16xf32>,
        tpu.vector_store_idx %arg7[%add3A_1071, %broadcast_in_dim3A_1106], %gather3A_1107 masked %lt3A_4 : memref<256x32xf32, #tpu.memory_space<vmem>>[vector<16xi32>, vector<16xi32>], vector<16xf32>, vector<16xi1>
        %broadcast_in_dim3A_1108 = arith.constant 12 : i32
        %broadcast_in_dim3A_1109 = vector.broadcast %broadcast_in_dim3A_1108 : i32 to vector<16xi32>
        %gather3A_1110 = tpu.vector_load_idx %arg6[%add3A_1067, %broadcast_in_dim3A_1109, %rem3A_1064] : memref<16x32x128xf32, #tpu.memory_space<vmem>>[vector<16xi32>, vector<16xi32>, vector<16xi32>], vector<16xf32>,
        tpu.vector_store_idx %arg7[%add3A_1071, %broadcast_in_dim3A_1109], %gather3A_1110 masked %lt3A_4 : memref<256x32xf32, #tpu.memory_space<vmem>>[vector<16xi32>, vector<16xi32>], vector<16xf32>, vector<16xi1>
        %broadcast_in_dim3A_1111 = arith.constant 13 : i32
        %broadcast_in_dim3A_1112 = vector.broadcast %broadcast_in_dim3A_1111 : i32 to vector<16xi32>
        %gather3A_1113 = tpu.vector_load_idx %arg6[%add3A_1067, %broadcast_in_dim3A_1112, %rem3A_1064] : memref<16x32x128xf32, #tpu.memory_space<vmem>>[vector<16xi32>, vector<16xi32>, vector<16xi32>], vector<16xf32>,
        tpu.vector_store_idx %arg7[%add3A_1071, %broadcast_in_dim3A_1112], %gather3A_1113 masked %lt3A_4 : memref<256x32xf32, #tpu.memory_space<vmem>>[vector<16xi32>, vector<16xi32>], vector<16xf32>, vector<16xi1>
        %broadcast_in_dim3A_1114 = arith.constant 14 : i32
        %broadcast_in_dim3A_1115 = vector.broadcast %broadcast_in_dim3A_1114 : i32 to vector<16xi32>
        %gather3A_1116 = tpu.vector_load_idx %arg6[%add3A_1067, %broadcast_in_dim3A_1115, %rem3A_1064] : memref<16x32x128xf32, #tpu.memory_space<vmem>>[vector<16xi32>, vector<16xi32>, vector<16xi32>], vector<16xf32>,
        tpu.vector_store_idx %arg7[%add3A_1071, %broadcast_in_dim3A_1115], %gather3A_1116 masked %lt3A_4 : memref<256x32xf32, #tpu.memory_space<vmem>>[vector<16xi32>, vector<16xi32>], vector<16xf32>, vector<16xi1>
        %broadcast_in_dim3A_1117 = arith.constant 15 : i32
        %broadcast_in_dim3A_1118 = vector.broadcast %broadcast_in_dim3A_1117 : i32 to vector<16xi32>
        %gather3A_1119 = tpu.vector_load_idx %arg6[%add3A_1067, %broadcast_in_dim3A_1118, %rem3A_1064] : memref<16x32x128xf32, #tpu.memory_space<vmem>>[vector<16xi32>, vector<16xi32>, vector<16xi32>], vector<16xf32>,
        tpu.vector_store_idx %arg7[%add3A_1071, %broadcast_in_dim3A_1118], %gather3A_1119 masked %lt3A_4 : memref<256x32xf32, #tpu.memory_space<vmem>>[vector<16xi32>, vector<16xi32>], vector<16xf32>, vector<16xi1>
        %broadcast_in_dim3A_1120 = arith.constant 16 : i32
        %broadcast_in_dim3A_1121 = vector.broadcast %broadcast_in_dim3A_1120 : i32 to vector<16xi32>
        %gather3A_1122 = tpu.vector_load_idx %arg6[%add3A_1067, %broadcast_in_dim3A_1121, %rem3A_1064] : memref<16x32x128xf32, #tpu.memory_space<vmem>>[vector<16xi32>, vector<16xi32>, vector<16xi32>], vector<16xf32>,
        tpu.vector_store_idx %arg7[%add3A_1071, %broadcast_in_dim3A_1121], %gather3A_1122 masked %lt3A_4 : memref<256x32xf32, #tpu.memory_space<vmem>>[vector<16xi32>, vector<16xi32>], vector<16xf32>, vector<16xi1>
        %broadcast_in_dim3A_1123 = arith.constant 17 : i32
        %broadcast_in_dim3A_1124 = vector.broadcast %broadcast_in_dim3A_1123 : i32 to vector<16xi32>
        %gather3A_1125 = tpu.vector_load_idx %arg6[%add3A_1067, %broadcast_in_dim3A_1124, %rem3A_1064] : memref<16x32x128xf32, #tpu.memory_space<vmem>>[vector<16xi32>, vector<16xi32>, vector<16xi32>], vector<16xf32>,
        tpu.vector_store_idx %arg7[%add3A_1071, %broadcast_in_dim3A_1124], %gather3A_1125 masked %lt3A_4 : memref<256x32xf32, #tpu.memory_space<vmem>>[vector<16xi32>, vector<16xi32>], vector<16xf32>, vector<16xi1>
        %broadcast_in_dim3A_1126 = arith.constant 18 : i32
        %broadcast_in_dim3A_1127 = vector.broadcast %broadcast_in_dim3A_1126 : i32 to vector<16xi32>
        %gather3A_1128 = tpu.vector_load_idx %arg6[%add3A_1067, %broadcast_in_dim3A_1127, %rem3A_1064] : memref<16x32x128xf32, #tpu.memory_space<vmem>>[vector<16xi32>, vector<16xi32>, vector<16xi32>], vector<16xf32>,
        tpu.vector_store_idx %arg7[%add3A_1071, %broadcast_in_dim3A_1127], %gather3A_1128 masked %lt3A_4 : memref<256x32xf32, #tpu.memory_space<vmem>>[vector<16xi32>, vector<16xi32>], vector<16xf32>, vector<16xi1>
        %broadcast_in_dim3A_1129 = arith.constant 19 : i32
        %broadcast_in_dim3A_1130 = vector.broadcast %broadcast_in_dim3A_1129 : i32 to vector<16xi32>
        %gather3A_1131 = tpu.vector_load_idx %arg6[%add3A_1067, %broadcast_in_dim3A_1130, %rem3A_1064] : memref<16x32x128xf32, #tpu.memory_space<vmem>>[vector<16xi32>, vector<16xi32>, vector<16xi32>], vector<16xf32>,
        tpu.vector_store_idx %arg7[%add3A_1071, %broadcast_in_dim3A_1130], %gather3A_1131 masked %lt3A_4 : memref<256x32xf32, #tpu.memory_space<vmem>>[vector<16xi32>, vector<16xi32>], vector<16xf32>, vector<16xi1>
        %broadcast_in_dim3A_1132 = arith.constant 20 : i32
        %broadcast_in_dim3A_1133 = vector.broadcast %broadcast_in_dim3A_1132 : i32 to vector<16xi32>
        %gather3A_1134 = tpu.vector_load_idx %arg6[%add3A_1067, %broadcast_in_dim3A_1133, %rem3A_1064] : memref<16x32x128xf32, #tpu.memory_space<vmem>>[vector<16xi32>, vector<16xi32>, vector<16xi32>], vector<16xf32>,
        tpu.vector_store_idx %arg7[%add3A_1071, %broadcast_in_dim3A_1133], %gather3A_1134 masked %lt3A_4 : memref<256x32xf32, #tpu.memory_space<vmem>>[vector<16xi32>, vector<16xi32>], vector<16xf32>, vector<16xi1>
        %broadcast_in_dim3A_1135 = arith.constant 21 : i32
        %broadcast_in_dim3A_1136 = vector.broadcast %broadcast_in_dim3A_1135 : i32 to vector<16xi32>
        %gather3A_1137 = tpu.vector_load_idx %arg6[%add3A_1067, %broadcast_in_dim3A_1136, %rem3A_1064] : memref<16x32x128xf32, #tpu.memory_space<vmem>>[vector<16xi32>, vector<16xi32>, vector<16xi32>], vector<16xf32>,
        tpu.vector_store_idx %arg7[%add3A_1071, %broadcast_in_dim3A_1136], %gather3A_1137 masked %lt3A_4 : memref<256x32xf32, #tpu.memory_space<vmem>>[vector<16xi32>, vector<16xi32>], vector<16xf32>, vector<16xi1>
        %broadcast_in_dim3A_1138 = arith.constant 22 : i32
        %broadcast_in_dim3A_1139 = vector.broadcast %broadcast_in_dim3A_1138 : i32 to vector<16xi32>
        %gather3A_1140 = tpu.vector_load_idx %arg6[%add3A_1067, %broadcast_in_dim3A_1139, %rem3A_1064] : memref<16x32x128xf32, #tpu.memory_space<vmem>>[vector<16xi32>, vector<16xi32>, vector<16xi32>], vector<16xf32>,
        tpu.vector_store_idx %arg7[%add3A_1071, %broadcast_in_dim3A_1139], %gather3A_1140 masked %lt3A_4 : memref<256x32xf32, #tpu.memory_space<vmem>>[vector<16xi32>, vector<16xi32>], vector<16xf32>, vector<16xi1>
        %broadcast_in_dim3A_1141 = arith.constant 23 : i32
        %broadcast_in_dim3A_1142 = vector.broadcast %broadcast_in_dim3A_1141 : i32 to vector<16xi32>
        %gather3A_1143 = tpu.vector_load_idx %arg6[%add3A_1067, %broadcast_in_dim3A_1142, %rem3A_1064] : memref<16x32x128xf32, #tpu.memory_space<vmem>>[vector<16xi32>, vector<16xi32>, vector<16xi32>], vector<16xf32>,
        tpu.vector_store_idx %arg7[%add3A_1071, %broadcast_in_dim3A_1142], %gather3A_1143 masked %lt3A_4 : memref<256x32xf32, #tpu.memory_space<vmem>>[vector<16xi32>, vector<16xi32>], vector<16xf32>, vector<16xi1>
        %broadcast_in_dim3A_1144 = arith.constant 24 : i32
        %broadcast_in_dim3A_1145 = vector.broadcast %broadcast_in_dim3A_1144 : i32 to vector<16xi32>
        %gather3A_1146 = tpu.vector_load_idx %arg6[%add3A_1067, %broadcast_in_dim3A_1145, %rem3A_1064] : memref<16x32x128xf32, #tpu.memory_space<vmem>>[vector<16xi32>, vector<16xi32>, vector<16xi32>], vector<16xf32>,
        tpu.vector_store_idx %arg7[%add3A_1071, %broadcast_in_dim3A_1145], %gather3A_1146 masked %lt3A_4 : memref<256x32xf32, #tpu.memory_space<vmem>>[vector<16xi32>, vector<16xi32>], vector<16xf32>, vector<16xi1>
        %broadcast_in_dim3A_1147 = arith.constant 25 : i32
        %broadcast_in_dim3A_1148 = vector.broadcast %broadcast_in_dim3A_1147 : i32 to vector<16xi32>
        %gather3A_1149 = tpu.vector_load_idx %arg6[%add3A_1067, %broadcast_in_dim3A_1148, %rem3A_1064] : memref<16x32x128xf32, #tpu.memory_space<vmem>>[vector<16xi32>, vector<16xi32>, vector<16xi32>], vector<16xf32>,
        tpu.vector_store_idx %arg7[%add3A_1071, %broadcast_in_dim3A_1148], %gather3A_1149 masked %lt3A_4 : memref<256x32xf32, #tpu.memory_space<vmem>>[vector<16xi32>, vector<16xi32>], vector<16xf32>, vector<16xi1>
        %broadcast_in_dim3A_1150 = arith.constant 26 : i32
        %broadcast_in_dim3A_1151 = vector.broadcast %broadcast_in_dim3A_1150 : i32 to vector<16xi32>
        %gather3A_1152 = tpu.vector_load_idx %arg6[%add3A_1067, %broadcast_in_dim3A_1151, %rem3A_1064] : memref<16x32x128xf32, #tpu.memory_space<vmem>>[vector<16xi32>, vector<16xi32>, vector<16xi32>], vector<16xf32>,
        tpu.vector_store_idx %arg7[%add3A_1071, %broadcast_in_dim3A_1151], %gather3A_1152 masked %lt3A_4 : memref<256x32xf32, #tpu.memory_space<vmem>>[vector<16xi32>, vector<16xi32>], vector<16xf32>, vector<16xi1>
        %broadcast_in_dim3A_1153 = arith.constant 27 : i32
        %broadcast_in_dim3A_1154 = vector.broadcast %broadcast_in_dim3A_1153 : i32 to vector<16xi32>
        %gather3A_1155 = tpu.vector_load_idx %arg6[%add3A_1067, %broadcast_in_dim3A_1154, %rem3A_1064] : memref<16x32x128xf32, #tpu.memory_space<vmem>>[vector<16xi32>, vector<16xi32>, vector<16xi32>], vector<16xf32>,
        tpu.vector_store_idx %arg7[%add3A_1071, %broadcast_in_dim3A_1154], %gather3A_1155 masked %lt3A_4 : memref<256x32xf32, #tpu.memory_space<vmem>>[vector<16xi32>, vector<16xi32>], vector<16xf32>, vector<16xi1>
        %broadcast_in_dim3A_1156 = arith.constant 28 : i32
        %broadcast_in_dim3A_1157 = vector.broadcast %broadcast_in_dim3A_1156 : i32 to vector<16xi32>
        %gather3A_1158 = tpu.vector_load_idx %arg6[%add3A_1067, %broadcast_in_dim3A_1157, %rem3A_1064] : memref<16x32x128xf32, #tpu.memory_space<vmem>>[vector<16xi32>, vector<16xi32>, vector<16xi32>], vector<16xf32>,
        tpu.vector_store_idx %arg7[%add3A_1071, %broadcast_in_dim3A_1157], %gather3A_1158 masked %lt3A_4 : memref<256x32xf32, #tpu.memory_space<vmem>>[vector<16xi32>, vector<16xi32>], vector<16xf32>, vector<16xi1>
        %broadcast_in_dim3A_1159 = arith.constant 29 : i32
        %broadcast_in_dim3A_1160 = vector.broadcast %broadcast_in_dim3A_1159 : i32 to vector<16xi32>
        %gather3A_1161 = tpu.vector_load_idx %arg6[%add3A_1067, %broadcast_in_dim3A_1160, %rem3A_1064] : memref<16x32x128xf32, #tpu.memory_space<vmem>>[vector<16xi32>, vector<16xi32>, vector<16xi32>], vector<16xf32>,
        tpu.vector_store_idx %arg7[%add3A_1071, %broadcast_in_dim3A_1160], %gather3A_1161 masked %lt3A_4 : memref<256x32xf32, #tpu.memory_space<vmem>>[vector<16xi32>, vector<16xi32>], vector<16xf32>, vector<16xi1>
        %broadcast_in_dim3A_1162 = arith.constant 30 : i32
        %broadcast_in_dim3A_1163 = vector.broadcast %broadcast_in_dim3A_1162 : i32 to vector<16xi32>
        %gather3A_1164 = tpu.vector_load_idx %arg6[%add3A_1067, %broadcast_in_dim3A_1163, %rem3A_1064] : memref<16x32x128xf32, #tpu.memory_space<vmem>>[vector<16xi32>, vector<16xi32>, vector<16xi32>], vector<16xf32>,
        tpu.vector_store_idx %arg7[%add3A_1071, %broadcast_in_dim3A_1163], %gather3A_1164 masked %lt3A_4 : memref<256x32xf32, #tpu.memory_space<vmem>>[vector<16xi32>, vector<16xi32>], vector<16xf32>, vector<16xi1>
        %broadcast_in_dim3A_1165 = arith.constant 31 : i32
        %broadcast_in_dim3A_1166 = vector.broadcast %broadcast_in_dim3A_1165 : i32 to vector<16xi32>
        %gather3A_1167 = tpu.vector_load_idx %arg6[%add3A_1067, %broadcast_in_dim3A_1166, %rem3A_1064] : memref<16x32x128xf32, #tpu.memory_space<vmem>>[vector<16xi32>, vector<16xi32>, vector<16xi32>], vector<16xf32>,
        tpu.vector_store_idx %arg7[%add3A_1071, %broadcast_in_dim3A_1166], %gather3A_1167 masked %lt3A_4 : memref<256x32xf32, #tpu.memory_space<vmem>>[vector<16xi32>, vector<16xi32>], vector<16xf32>, vector<16xi1>
      } else {
      }
    }
    %scan3A_678 = arith.constant 16 : i32
    %add3A_679 = arith.constant 256 : i32
    %add3A_680 = arith.addi %mul3A_2, %add3A_679 : i32
    "tpu.region"() ({
      %run_scoped3A = tpu.sem_alloc : memref<!tpu.dma_semaphore, #tpu.memory_space<semaphore_mem>>
      %dma_start3A_681 = arith.constant 0 : i32
      %dma_start3A_682 = tpu.memref_slice %arg4[%add3A_680, %dma_start3A_681] : memref<16384x32xf32, #tpu.memory_space<hbm>> -> memref<256x32xf32, #tpu.memory_space<hbm>>
      %dma_start3A_683 = arith.constant 0 : i32
      %dma_start3A_684 = tpu.memref_slice %arg4[%add3A_680, %dma_start3A_683] : memref<16384x32xf32, #tpu.memory_space<hbm>> -> memref<256x32xf32, #tpu.memory_space<hbm>>
      tpu.enqueue_dma source(%arg7 : memref<256x32xf32, #tpu.memory_space<vmem>>) target(%dma_start3A_684 : memref<256x32xf32, #tpu.memory_space<hbm>>) target_semaphore(%run_scoped3A : memref<!tpu.dma_semaphore, #tpu.memory_space<semaphore_mem>>)
      %dma_wait3A = arith.constant 0 : i32
      %dma_wait3A_685 = tpu.memref_slice %arg4[%add3A_680, %dma_wait3A] : memref<16384x32xf32, #tpu.memory_space<hbm>> -> memref<256x32xf32, #tpu.memory_space<hbm>>
      %dma_wait3A_686 = arith.constant 0 : i32
      %dma_wait3A_687 = tpu.memref_slice %arg4[%add3A_680, %dma_wait3A_686] : memref<16384x32xf32, #tpu.memory_space<hbm>> -> memref<256x32xf32, #tpu.memory_space<hbm>>
      tpu.wait_dma2 semaphore(%run_scoped3A : memref<!tpu.dma_semaphore, #tpu.memory_space<semaphore_mem>>) src(%arg7 : memref<256x32xf32, #tpu.memory_space<vmem>>) dst(%dma_wait3A_687 : memref<256x32xf32, #tpu.memory_space<hbm>>)
      tpu.yield
    }) : () -> ()
    return
  }
}

</mosaic_0001>

<sc_bundles>
// kernel: kernel.3.cloned.1.call-start
scs
__scs_entry_jumppad:
0x0: {  	(pc) =	sbr.rel $0x88, $3  }
0x1: {  	(tag) =	ssettag $0x0;
	lr =	simm.s32 $0x1  }
0x2: {  	[smem:$0x3F9F] =	sst lr;
	_ =	strace $0xD0000000  }
0x3: {  	_ = 	snop  }
0x4: {  	_ = 	snop  }
0x5: {  	_ = 	snop  }
0x6: {  	_ = 	snop  }
0x7: {  	_ = 	snop  }
__scs_overlays_trampoline_lowered:
0x8: {  	[smem:$0x3FAE] =	sst s0  }
0x9: {  	[smem:$0x3FAF] =	sst s1  }
0xa: {  	[smem:$0x3FB0] =	sst s2  }
0xb: {  	[smem:$0x3FB1] =	sst s3  }
0xc: {  	[smem:$0x3FB2] =	sst s4  }
0xd: {  	[smem:$0x3FB3] =	sst s5  }
0xe: {  	[smem:$0x3FB4] =	sst s6  }
0xf: {  	[smem:$0x3FB5] =	sst s7  }
0x10: {  	[smem:$0x3FB6] =	sst s8  }
0x11: {  	[smem:$0x3FB7] =	sst s9;
	s0 =	simm.s32 @!p0 $0x0  }
0x12: {  	s1 =	sld [smem:$0x3F9D];
	s0 =	simm.s32 @p0 $0x1  }
0x13: {  	[smem:$0x3FB8] =	sst s0;
	s0 =	simm.s32 @!p1 $0x0  }
0x14: {  	s2 =	sld [smem:$0x3F9C];
	s0 =	simm.s32 @p1 $0x1  }
0x15: {  	[smem:$0x3FB9] =	sst s0;
	s0 =	simm.s32 @!p2 $0x0  }
0x16: {  	s3 =	sld [smem:$0x3FDB];
	s0 =	simm.s32 @p2 $0x1  }
0x17: {  	s4 =	simm.s32 $0x1BF5;
	[smem:$0x3FBB] =	sst s0  }
0x18: {  	s0 =	sld [smem:$0x3F9E];
	_ =	swait.ge [sflag:s4], $0x0  }
0x19: {  	s7 =	sld [smem:$0x3F9F]  }
0x1a: {  	s8 =	sadd.s32 $0xFFFFE003, lr  }
0x1b: {  	s9 =	sadd.s32 $0xFFFFFEF7, lr;
	s5 =	simm.s32 $0xFFFFFFFF;
	p2 =	slt.u32 s8, $0xFFFFF086  }
0x1c: {  	p1 =	slt.u32 s9, $0xF7A;
	s5 =	simm.s32 @!p2 $0x0  }
0x1d: {  	s5 =	simm.s32 @p1 $0x1;
	p0 =	seq.s32 s7, s2  }
0x1e: {  	s7 =	smul.u32 @!p0 $0xF7A, s2;
	p2 =	seq.s32 @!p0 s5, $0x0  }
0x1f: {  	s9 =	smul.u32 $0xF7A, s1;
	s8 =	simm.s32 @!p0 $0x1BF5;
	p2 =	por !p2, p0  }
0x20: {  	[sflag:s8] =	ssyncset.s32 @!p0 $0xFFFFF086;
	s6 =	sadd.s32 @!p0 s3, s7;
	s7 =	simm.s32 @!p0 $0x108  }
0x21: {  	s3 =	sadd.s32 s3, s9;
	s6 =	sadd.s32 @!p0 $0x88, s6;
	s7 =	simm.s32 @p2 $0x1082  }
0x22: {  	[simem:s7], [sflag:s8] =	dma.local @!p0 [hbm:s6], $0xF7A  }
0x23: {  	s9 =	sor.u32 $0xD0000000, s2;
	s6 =	simm.s32 $0x108;
	_ =	swait.ge @!p0 [sflag:s8], $0x0  }
0x24: {  	s3 =	sadd.s32 $0x88, s3;
	s6 =	simm.s32 @!p1 $0x1082;
	[sflag:s4] =	ssyncset.s32 $0xFFFFF086  }
0x25: {  	[simem:s6], [sflag:s4] =	dma.local [hbm:s3], $0xF7A  }
0x26: {  	[smem:$0x3F9F] =	sst s1;
	(tag) =	ssettag s2;
	_ =	strace s9  }
0x27: {  	s1 =	sld [smem:$0x3FAF]  }
0x28: {  	s2 =	sld [smem:$0x3FB0]  }
0x29: {  	s4 =	sld [smem:$0x3FB2]  }
0x2a: {  	p0 =	seq.s32 s5, $0x0;
	s5 =	sld [smem:$0x3FB3]  }
0x2b: {  	s6 =	sld [smem:$0x3FB4]  }
0x2c: {  	s7 =	sld [smem:$0x3FB5]  }
0x2d: {  	s3 =	simm.s32 $0x108;
	s8 =	sld [smem:$0x3FB6]  }
0x2e: {  	s3 =	simm.s32 @!p0 $0x1082;
	s9 =	sld [smem:$0x3FB7]  }
0x2f: {  	lr =	sadd.s32 s0, s3;
	s0 =	sld [smem:$0x3FAE]  }
0x30: {  	s3 =	sld [smem:$0x3FB1]  }
0x31: {  	[smem:$0x3FBA] =	sst s10  }
0x32: {  	s10 =	sld [smem:$0x3FB8];
	_ =	sdelay $0x3  }
0x33: {  	p0 =	seq.s32 s10, $0x1;
	s10 =	sld [smem:$0x3FBA];
	_ =	sdelay $0x3  }
0x34: {  	[smem:$0x3FBA] =	sst s10  }
0x35: {  	s10 =	sld [smem:$0x3FB9];
	_ =	sdelay $0x3  }
0x36: {  	p1 =	seq.s32 s10, $0x1;
	s10 =	sld [smem:$0x3FBA];
	_ =	sdelay $0x3  }
0x37: {  	[smem:$0x3FBA] =	sst s10  }
0x38: {  	s10 =	sld [smem:$0x3FBB]  }
0x39: {  	_ = 	snop;
	(pc) =	sbr.ind lr, $3  }
0x3a: {  	_ = 	snop  }
0x3b: {  	_ = 	snop  }
0x3c: {  	p2 =	seq.s32 s10, $0x1;
	s10 =	sld [smem:$0x3FBA]  }
0x3d: {  	_ =	shalt  }
0x3e: {  	_ =	shalt  }
0x3f: {  	_ =	shalt  }
0x40: {  	_ =	shalt  }
0x41: {  	_ =	shalt  }
0x42: {  	_ =	shalt  }
0x43: {  	_ =	shalt  }
0x44: {  	_ =	shalt  }
0x45: {  	_ =	shalt  }
0x46: {  	_ =	shalt  }
0x47: {  	_ =	shalt  }
0x48: {  	_ =	shalt  }
0x49: {  	_ =	shalt  }
0x4a: {  	_ =	shalt  }
0x4b: {  	_ =	shalt  }
0x4c: {  	_ =	shalt  }
0x4d: {  	_ =	shalt  }
0x4e: {  	_ =	shalt  }
0x4f: {  	_ =	shalt  }
0x50: {  	_ =	shalt  }
0x51: {  	_ =	shalt  }
0x52: {  	_ =	shalt  }
0x53: {  	_ =	shalt  }
0x54: {  	_ =	shalt  }
0x55: {  	_ =	shalt  }
0x56: {  	_ =	shalt  }
0x57: {  	_ =	shalt  }
0x58: {  	_ =	shalt  }
0x59: {  	_ =	shalt  }
0x5a: {  	_ =	shalt  }
0x5b: {  	_ =	shalt  }
0x5c: {  	_ =	shalt  }
0x5d: {  	_ =	shalt  }
0x5e: {  	_ =	shalt  }
0x5f: {  	_ =	shalt  }
0x60: {  	_ =	shalt  }
0x61: {  	_ =	shalt  }
0x62: {  	_ =	shalt  }
0x63: {  	_ =	shalt  }
0x64: {  	_ =	shalt  }
0x65: {  	_ =	shalt  }
0x66: {  	_ =	shalt  }
0x67: {  	_ =	shalt  }
0x68: {  	_ =	shalt  }
0x69: {  	_ =	shalt  }
0x6a: {  	_ =	shalt  }
0x6b: {  	_ =	shalt  }
0x6c: {  	_ =	shalt  }
0x6d: {  	_ =	shalt  }
0x6e: {  	_ =	shalt  }
0x6f: {  	_ =	shalt  }
0x70: {  	_ =	shalt  }
0x71: {  	_ =	shalt  }
0x72: {  	_ =	shalt  }
0x73: {  	_ =	shalt  }
0x74: {  	_ =	shalt  }
0x75: {  	_ =	shalt  }
0x76: {  	_ =	shalt  }
0x77: {  	_ =	shalt  }
0x78: {  	_ =	shalt  }
0x79: {  	_ =	shalt  }
0x7a: {  	_ =	shalt  }
0x7b: {  	_ =	shalt  }
0x7c: {  	_ =	shalt  }
0x7d: {  	_ =	shalt  }
0x7e: {  	_ =	shalt  }
0x7f: {  	_ =	shalt  }
0x80: {  	_ =	shalt  }
0x81: {  	_ =	shalt  }
0x82: {  	_ =	shalt  }
0x83: {  	_ =	shalt  }
0x84: {  	_ =	shalt  }
0x85: {  	_ =	shalt  }
0x86: {  	_ =	shalt  }
0x87: {  	_ =	shalt  }
.Lfunc_end0:
.L_simem_size_0:
called_computation_lowered:
.L_overlay_start_0:
0x88: {  	s2 =	sld [smem:$0x3FD9]  }
0x89: {  	s3 =	sld [smem:$0x3FFE];
	_ =	sdelay $0x1  }
0x8a: {  	s1 =	srdreg.scid  }
0x8b: {  	s0 =	sand.u32 $0x1, s1  }
0x8c: {  	s17 =	sshll.u32 s0, $0xA;
	s2 =	sadd.s32 s3, s2  }
0x8d: {  	s2 =	sadd.s32 s2, s17  }
0x8e: {  	[smem:$0x3FC6] =	sst s2  }
0x8f: {  	_ = 	snop  }
0x90: {  	s2 =	sld [smem:$0x3FC9]  }
0x91: {  	s18 =	sld [smem:$0x3FC8];
	(tm) =	ssettm $0x1  }
0x92: {  	s4 =	sld [smem:$0x3FFB];
	_ =	sdelay $0x3  }
0x93: {  	_ =	strace s4  }
0x94: {  	s4 =	sld [smem:$0x3FFC];
	_ =	sdelay $0x3  }
0x95: {  	_ =	strace s4  }
0x96: {  	s4 =	sld [smem:$0x3FFD];
	_ =	sdelay $0x3  }
0x97: {  	_ =	strace s4  }
0x98: {  	_ =	strace $0x8FFFFFFF  }
0x99: {  	s19 =	sld [smem:$0x3FDB];
	_ =	sdelay $0x1  }
0x9a: {  	s5 =	simm.s32 $_scs_section_size  }
0x9b: {  	s6 =	simm.s32 $_size__tile_overlayer_lowered;
	s7 =	simm.s32 $_tile_overlayer_lowered  }
0x9c: {  	s22 =	simm.s32 $0x1BFF;
	s21 =	sshll.u32 s7, $0x1;
	s4 =	sadd.s32 s5, s19  }
0x9d: {  	s8 =	simm.s32 $0x0;
	s20 =	sshll.u32 s6, $0x1;
	s6 =	sadd.s32 s21, s4  }
0x9e: {  	[timem:s8], [sflag:s22] =	dma.local [hbm:s6], s20  }
0x9f: {  	_ =	swait.ge [sflag:s22], s20  }
0xa0: {  	s5 =	ssub.s32 $0x0, s20;
	[sflag:s22] =	ssyncset.done $0x0  }
0xa1: {  	[sflag:s22] =	ssyncadd.s32 s5;
	_ =	sdelay $0x1  }
0xa2: {  	s23 =	simm.s32 $0x1B8B  }
0xa3: {  	_ =	swait.ge [sflag:s23], $0x1  }
0xa4: {  	[sflag:s23] =	ssyncset.done $0x0  }
0xa5: {  	s25 =	simm.s32 $0x1B8E;
	s24 =	sld [smem:$0x3FFE];
	[sflag:s23] =	ssyncadd.s32 $0xFFFFFFFF  }
0xa6: {  	s26 =	simm.s32 $execute0_lowered;
	[smem:$0x3FD2] =	sst s25  }
0xa7: {  	s6 =	sshll.u32 s26, $0x1;
	_ =	strace $0x80000046;
	[dreg:$0x1] =	wrdreg $0xFFFFFFFF  }
0xa8: {  	s28 =	simm.s32 $_size_execute0_lowered;
	s4 =	sadd.s32 s4, s6;
	[dreg:$0x0] =	wrdreg $0x0  }
0xa9: {  	s6 =	sshll.u32 s28, $0x1;
	[dreg:$0x2] =	wrdreg s4  }
0xaa: {  	[dreg:$0x3] =	wrdreg s6  }
0xab: {  	[dreg:$0x4] =	wrdreg $0xC0  }
0xac: {  	_ =	task [dreg:s8], $0x5FFFF  }
0xad: {  	[dreg:$0x1] =	wrdreg $0xFFFFFFFF  }
0xae: {  	[dreg:$0x0] =	wrdreg $0x60  }
0xaf: {  	[dreg:$0x2] =	wrdreg s2  }
0xb0: {  	[dreg:$0x3] =	wrdreg s18  }
0xb1: {  	[dreg:$0x4] =	wrdreg s24  }
0xb2: {  	[dreg:$0x5] =	wrdreg $0x9  }
0xb3: {  	_ =	task.clear_ibuf [dreg:s8], $0x6FFFF;
	_ =	strace $0x90000046  }
0xb4: {  	s29 =	simm.s32 $0x9;
	_ =	strace $0x80000048  }
0xb5: {  	_ =	swait.ge [sflag:s29], $0x1  }
0xb6: {  	[sflag:s29] =	ssyncadd.s32 $0xFFFFFFFF  }
0xb7: {  	_ =	strace $0x90000048  }
0xb8: {  	_ =	sfence  }
0xb9: {  	s30 =	sld [smem:$0x0];
	_ =	sdelay $0x2  }
0xba: {  	s31 =	sshll.u32 s1, $0xD;
	s1 =	sshrl.u32 s1, $0x2  }
0xbb: {  	s3 =	sand.u32 $0x4000, s31;
	s1 =	sadd.s32 s1, s30  }
0xbc: {  	s0 =	sor.u32 s3, s0;
	s1 =	sshll.u32 s1, $0x11  }
0xbd: {  	s0 =	sor.u32 s1, s0  }
0xbe: {  	s0 =	sadd.s32 $0x8F2B, s0  }
0xbf: {  	[sflag:s0] =	ssyncadd.remote.s32 $0x1  }
0xc0: {  	_ =	sfence.sel $0xFFFF  }
0xc1: {  	[dreg:$0x0] =	wrdreg $0xFFFFFFFF;
	(pc) =	sbr.abs _section_cstart, $3  }
0xc2: {  	[dreg:$0x1] =	wrdreg $0xFFFFFFFF  }
0xc3: {  	_ =	task.clear_ibuf [dreg:s8], $0x2FFFF;
	_ =	strace $0x9FFFFFFF  }
0xc4: {  	(tm) =	ssettm $0x7FFFFFFF  }
0xc5: {  	_ =	shalt  }
tec
execute0_lowered:
.L_overlay_start_1:
0x0: {  	(tag) =	ssettag $0x1  }
0x1: {  	v1 =	vlaneseq.u32  }
0x2: {  	v0 =	vmul.u32 $0x1000, v1  }
0x3: {  	v1 =	vmul.u32 $0x80, v1  }
0x4: {  	v7 =	vor.u32 $0x80, v0;
	v2 =	vor.u32 $0x100, v0;
	v9 =	vor.u32 $0x400, v0  }
0x5: {  	v10 =	vor.u32 $0x480, v0;
	v11 =	vor.u32 $0x500, v0;
	v12 =	vor.u32 $0x580, v0  }
0x6: {  	s1 =	rddreg [dreg:$0x0];
	v13 =	vor.u32 $0x600, v0;
	v14 =	vor.u32 $0x680, v0;
	v15 =	vor.u32 $0x700, v0  }
0x7: {  	s0 =	rddreg [dreg:$0x1];
	v16 =	vor.u32 $0x780, v0;
	v17 =	vor.u32 $0x800, v0;
	v18 =	vor.u32 $0x880, v0  }
0x8: {  	s2 =	rddreg [dreg:$0x2];
	v19 =	vor.u32 $0x900, v0;
	v20 =	vor.u32 $0x980, v0;
	v21 =	vor.u32 $0xA00, v0  }
0x9: {  	s3 =	srdreg.scid;
	s5 =	stileid.u32;
	v22 =	vor.u32 $0xA80, v0;
	v23 =	vor.u32 $0xB00, v0;
	v24 =	vor.u32 $0xB80, v0  }
0xa: {  	s8 =	simm.s32 $0x3;
	s9 =	simm.s32 $0x400;
	s11 =	simm.s32 $0x7A1400;
	v25 =	vor.u32 $0xC00, v0;
	v26 =	vor.u32 $0xC80, v0;
	v27 =	vor.u32 $0xD00, v0  }
0xb: {  	s10 =	simm.s32 $0x1;
	s12 =	simm.s32 $0x280;
	s13 =	simm.s32 $0x1280;
	v28 =	vor.u32 $0xD80, v0;
	v29 =	vor.u32 $0xE00, v0;
	v30 =	vor.u32 $0xE80, v0  }
0xc: {  	s14 =	simm.s32 $0x2280;
	s15 =	simm.s32 $0x3280;
	s16 =	simm.s32 $0x4280;
	v31 =	vor.u32 $0xF00, v0;
	v32 =	vor.u32 $0xF80, v0;
	v33 =	vadd.s32 $0x8000, v0  }
0xd: {  	s17 =	simm.s32 $0x5280;
	s18 =	simm.s32 $0x6280;
	s19 =	simm.s32 $0x7280;
	v34 =	vadd.s32 $0x8080, v0;
	v35 =	vadd.s32 $0x8100, v0;
	v36 =	vadd.s32 $0x8180, v0  }
0xe: {  	s20 =	simm.s32 $0x8280;
	s21 =	simm.s32 $0x9280;
	s22 =	simm.s32 $0xA280;
	v37 =	vadd.s32 $0x8200, v0;
	v38 =	vadd.s32 $0x8280, v0;
	v39 =	vadd.s32 $0x8300, v0  }
0xf: {  	s23 =	simm.s32 $0xB280;
	s24 =	simm.s32 $0xC280;
	s25 =	simm.s32 $0xD280;
	v40 =	vadd.s32 $0x8380, v0;
	v41 =	vadd.s32 $0x8400, v0;
	v42 =	vadd.s32 $0x8480, v0  }
0x10: {  	s28 =	simm.s32 $0xF280;
	s29 =	simm.s32 $0x10280;
	s30 =	simm.s32 $0x2;
	v43 =	vadd.s32 $0x8500, v0;
	v44 =	vadd.s32 $0x8580, v0;
	v45 =	vadd.s32 $0x8600, v0  }
0x11: {  	s4 =	sand.u32 $0x1, s3;
	s3 =	simm.s32 $0x0;
	s5 =	sshll.u32 s5, $0xA;
	v46 =	vadd.s32 $0x8680, v0;
	v47 =	vadd.s32 $0x8700, v0;
	[tilespmem:$0x1FFA0] =	vst v2;
	v2 =	vor.u32 $0x180, v0  }
0x12: {  	s31 =	simm.s32 $0x0;
	s6 =	sshll.u32 s4, $0x9;
	[smem:$0x7FF] =	sst s3;
	v48 =	vadd.s32 $0x8780, v0;
	v49 =	vadd.s32 $0x8800, v0;
	[tilespmem:$0x1FFB0] =	vst v2;
	v2 =	vor.u32 $0x200, v0  }
.Ltmp0:
0x13: {  	s4 =	ssub.s32 $0x2, s4;
	s5 =	sor.u32 s6, s5;
	v50 =	vadd.s32 $0x8880, v0;
	v51 =	vadd.s32 $0x8900, v0;
	[tilespmem:$0x1FFC0] =	vst v2;
	v2 =	vor.u32 $0x280, v0;
	(pc) =	sbr.rel .LBB2_1-.Ltmp0, $4  }
0x14: {  	s7 =	sshrl.u32 s4, $0x1;
	v52 =	vadd.s32 $0x8980, v0;
	v53 =	vadd.s32 $0x8A00, v0;
	s6 =	sshll.u32 s5, $0x4;
	s26 =	sshrl.u32 s5, $0x3;
	[tilespmem:$0x1FFD0] =	vst v2;
	v2 =	vor.u32 $0x300, v0  }
0x15: {  	v54 =	vadd.s32 $0x8A80, v0;
	v55 =	vadd.s32 $0x8B00, v0;
	s7 =	ssub.s32 s4, s7;
	s2 =	sadd.s32 s6, s2;
	s1 =	sadd.s32 s1, s26;
	[tilespmem:$0x1FFE0] =	vst v2;
	v2 =	vor.u32 $0x380, v0  }
0x16: {  	v56 =	vadd.s32 $0x8B80, v0;
	v57 =	vadd.s32 $0x8C00, v0;
	v58 =	vadd.s32 $0x8C80, v0;
	s7 =	smax.u32 s7, $0x1;
	s26 =	simm.s32 $0xE280;
	s5 =	sadd.s32 $0x400, s2;
	[tilespmem:$0x1FFF0] =	vst v2  }
0x17: {  	v59 =	vadd.s32 $0x8D00, v0;
	v60 =	vadd.s32 $0x8D80, v0;
	v61 =	vadd.s32 $0x8E00, v0;
	s6 =	sadd.s32 $0x1400, s2;
	_ =	strace $0x80000047;
	[dreg:$0x4] =	wrdreg s1  }
.LBB2_9:
0x18: {  	s31 =	sadd.s32 $0x1, s31  }
0x19: {  	p0 =	sne.s32 s31, s7  }
.Ltmp1:
0x1a: {  	s3 =	simm.s32 $0x0;
	(pc) =	sbr.rel @!p0 .LBB2_10-.Ltmp1, $4  }
0x1b: {  	[hbm4b:s6+s3] =	stream.linear.scatter [tilespmem:s29], [sflag:$0x3], $0x8000, $0x38;
	[tilespmem:$0x18280] =	vst v63  }
0x1c: {  	_ =	swait.ge [sflag:s8], $0x8000  }
0x1d: {  	[sflag:s8] =	ssyncset.done $0x0  }
0x1e: {  	[sflag:s8] =	ssyncadd.s32 $0xFFFF8000  }
.LBB2_1:
0x1f: {  	s1 =	rddreg [dreg:$0x4]  }
0x20: {  	[tilespmem:s3], [sflag:$0x3] =	stream.linear.gather [hbm4b:s1+s3], $0x200, $0x38;
	[tilespmem:$0x18280] =	vst v63  }
0x21: {  	_ =	swait.ge [sflag:s8], $0x200  }
0x22: {  	[sflag:s8] =	ssyncset.done $0x0  }
0x23: {  	[sflag:s8] =	ssyncadd.s32 $0xFFFFFE00  }
0x24: {  	v2 =	vld [tilespmem:$0x0];
	_ =	sdelay $0x4  }
0x25: {  	(v2sf) =	vpush v2, $0x0;
	_ =	sdelay $0xa  }
0x26: {  	(v2sf) =	vpush v2, $0x1;
	_ =	sdelay $0x3  }
0x27: {  	s3 =	spop (v2sf)  }
0x28: {  	s2 =	sand.u32 $0x7F, s3  }
0x29: {  	s4 =	sshra.s32 s3, $0x1F;
	p1 =	slt.s32 s3, $0x1;
	p0 =	sne.s32 s2, $0x0  }
0x2a: {  	s2 =	sshrl.u32 s4, $0x19;
	p0 =	por !p1, !p0  }
0x2b: {  	s1 =	sadd.s32 s2, s3;
	s2 =	simm.s32 $0x1;
	p0 =	por !p0, !p0  }
0x2c: {  	s1 =	sshrl.u32 s1, $0x7;
	s2 =	simm.s32 @!p0 $0x0  }
0x2d: {  	s1 =	ssub.s32 s1, s2  }
0x2e: {  	(v2sf) =	vpush v2, $0x2;
	s1 =	sshll.u32 s1, $0x7  }
0x2f: {  	s1 =	sand.u32 $0x1FFFFF80, s1  }
0x30: {  	s1 =	sadd.s32 s0, s1  }
0x31: {  	[tilespmem:s12], [sflag:$0x1] =	stream.strided.gather [hbm4b:s1+s9], $0x1000, s11, s9, $0x38;
	[tilespmem:$0x18280] =	vst v63  }
0x32: {  	s1 =	spop (v2sf)  }
0x33: {  	s3 =	sand.u32 $0x7F, s1  }
0x34: {  	s4 =	sshra.s32 s1, $0x1F;
	p6 =	slt.s32 s1, $0x1;
	p5 =	sne.s32 s3, $0x0  }
0x35: {  	s2 =	sshrl.u32 s4, $0x19;
	p0 =	por !p6, !p5  }
0x36: {  	s1 =	sadd.s32 s2, s1;
	s2 =	simm.s32 $0x1;
	p0 =	por !p0, !p0  }
0x37: {  	s1 =	sshrl.u32 s1, $0x7;
	s2 =	simm.s32 @!p0 $0x0  }
0x38: {  	s1 =	ssub.s32 s1, s2  }
0x39: {  	(v2sf) =	vpush v2, $0x3;
	s1 =	sshll.u32 s1, $0x7  }
0x3a: {  	s1 =	sand.u32 $0x1FFFFF80, s1  }
0x3b: {  	s1 =	sadd.s32 s0, s1  }
0x3c: {  	[tilespmem:s13], [sflag:$0x1] =	stream.strided.gather [hbm4b:s1+s9], $0x1000, s11, s9, $0x38;
	[tilespmem:$0x18280] =	vst v63  }
0x3d: {  	s1 =	spop (v2sf)  }
0x3e: {  	s3 =	sand.u32 $0x7F, s1  }
0x3f: {  	s4 =	sshra.s32 s1, $0x1F;
	p2 =	slt.s32 s1, $0x1;
	p1 =	sne.s32 s3, $0x0  }
0x40: {  	s2 =	sshrl.u32 s4, $0x19;
	p0 =	por !p2, !p1  }
0x41: {  	s1 =	sadd.s32 s2, s1;
	s2 =	simm.s32 $0x1;
	p0 =	por !p0, !p0  }
0x42: {  	s1 =	sshrl.u32 s1, $0x7;
	s2 =	simm.s32 @!p0 $0x0  }
0x43: {  	s1 =	ssub.s32 s1, s2  }
0x44: {  	(v2sf) =	vpush v2, $0x4;
	s1 =	sshll.u32 s1, $0x7  }
0x45: {  	s1 =	sand.u32 $0x1FFFFF80, s1  }
0x46: {  	s1 =	sadd.s32 s0, s1  }
0x47: {  	[tilespmem:s14], [sflag:$0x1] =	stream.strided.gather [hbm4b:s1+s9], $0x1000, s11, s9, $0x38;
	[tilespmem:$0x18280] =	vst v63  }
0x48: {  	s1 =	spop (v2sf)  }
0x49: {  	s3 =	sand.u32 $0x7F, s1  }
0x4a: {  	s4 =	sshra.s32 s1, $0x1F;
	p4 =	slt.s32 s1, $0x1;
	p3 =	sne.s32 s3, $0x0  }
0x4b: {  	s2 =	sshrl.u32 s4, $0x19;
	p0 =	por !p4, !p3  }
0x4c: {  	s1 =	sadd.s32 s2, s1;
	s2 =	simm.s32 $0x1;
	p0 =	por !p0, !p0  }
0x4d: {  	s1 =	sshrl.u32 s1, $0x7;
	s2 =	simm.s32 @!p0 $0x0  }
0x4e: {  	s1 =	ssub.s32 s1, s2  }
0x4f: {  	(v2sf) =	vpush v2, $0x5;
	s1 =	sshll.u32 s1, $0x7  }
0x50: {  	s1 =	sand.u32 $0x1FFFFF80, s1  }
0x51: {  	s1 =	sadd.s32 s0, s1  }
0x52: {  	[tilespmem:s15], [sflag:$0x1] =	stream.strided.gather [hbm4b:s1+s9], $0x1000, s11, s9, $0x38;
	[tilespmem:$0x18280] =	vst v63  }
0x53: {  	s1 =	spop (v2sf)  }
0x54: {  	s3 =	sand.u32 $0x7F, s1  }
0x55: {  	s4 =	sshra.s32 s1, $0x1F;
	p6 =	slt.s32 s1, $0x1;
	p5 =	sne.s32 s3, $0x0  }
0x56: {  	(v2sf) =	vpush v2, $0x6;
	s2 =	sshrl.u32 s4, $0x19;
	p0 =	por !p6, !p5  }
0x57: {  	s1 =	sadd.s32 s2, s1;
	s2 =	simm.s32 $0x1;
	p0 =	por !p0, !p0  }
0x58: {  	s1 =	sshrl.u32 s1, $0x7;
	s2 =	simm.s32 @!p0 $0x0  }
0x59: {  	s1 =	ssub.s32 s1, s2  }
0x5a: {  	s1 =	sshll.u32 s1, $0x7  }
0x5b: {  	s1 =	sand.u32 $0x1FFFFF80, s1  }
0x5c: {  	s1 =	sadd.s32 s0, s1  }
0x5d: {  	[tilespmem:s16], [sflag:$0x1] =	stream.strided.gather [hbm4b:s1+s9], $0x1000, s11, s9, $0x38;
	[tilespmem:$0x18280] =	vst v63  }
0x5e: {  	s1 =	spop (v2sf)  }
0x5f: {  	s3 =	sand.u32 $0x7F, s1  }
0x60: {  	s4 =	sshra.s32 s1, $0x1F;
	p2 =	slt.s32 s1, $0x1;
	p1 =	sne.s32 s3, $0x0  }
0x61: {  	s2 =	sshrl.u32 s4, $0x19;
	p0 =	por !p2, !p1  }
0x62: {  	(v2sf) =	vpush v2, $0x7;
	s1 =	sadd.s32 s2, s1;
	s2 =	simm.s32 $0x1;
	p0 =	por !p0, !p0  }
0x63: {  	s1 =	sshrl.u32 s1, $0x7;
	s2 =	simm.s32 @!p0 $0x0  }
0x64: {  	s1 =	ssub.s32 s1, s2  }
0x65: {  	s2 =	spop (v2sf);
	s1 =	sshll.u32 s1, $0x7  }
0x66: {  	s3 =	sand.u32 $0x7F, s2;
	s4 =	sshra.s32 s2, $0x1F;
	s1 =	sand.u32 $0x1FFFFF80, s1  }
0x67: {  	p4 =	slt.s32 s2, $0x1;
	p3 =	sne.s32 s3, $0x0;
	s1 =	sadd.s32 s0, s1  }
0x68: {  	[tilespmem:s17], [sflag:$0x1] =	stream.strided.gather [hbm4b:s1+s9], $0x1000, s11, s9, $0x38;
	[tilespmem:$0x18280] =	vst v63  }
0x69: {  	p0 =	por !p4, !p3;
	s1 =	sshrl.u32 s4, $0x19  }
0x6a: {  	p0 =	por !p0, !p0;
	s1 =	sadd.s32 s1, s2;
	s2 =	simm.s32 $0x1  }
0x6b: {  	s1 =	sshrl.u32 s1, $0x7;
	s2 =	simm.s32 @!p0 $0x0  }
0x6c: {  	s1 =	ssub.s32 s1, s2  }
0x6d: {  	s1 =	sshll.u32 s1, $0x7  }
0x6e: {  	s1 =	sand.u32 $0x1FFFFF80, s1  }
0x6f: {  	s1 =	sadd.s32 s0, s1  }
0x70: {  	[tilespmem:s18], [sflag:$0x1] =	stream.strided.gather [hbm4b:s1+s9], $0x1000, s11, s9, $0x38;
	[tilespmem:$0x18280] =	vst v63  }
0x71: {  	s1 =	spop (v2sf)  }
0x72: {  	s3 =	sand.u32 $0x7F, s1  }
0x73: {  	s4 =	sshra.s32 s1, $0x1F;
	p6 =	slt.s32 s1, $0x1;
	p5 =	sne.s32 s3, $0x0  }
0x74: {  	s2 =	sshrl.u32 s4, $0x19;
	p0 =	por !p6, !p5  }
0x75: {  	s1 =	sadd.s32 s2, s1;
	s2 =	simm.s32 $0x1;
	p0 =	por !p0, !p0  }
0x76: {  	s1 =	sshrl.u32 s1, $0x7;
	s2 =	simm.s32 @!p0 $0x0  }
0x77: {  	s1 =	ssub.s32 s1, s2  }
.Ltmp2:
0x78: {  	s1 =	sshll.u32 s1, $0x7;
	(pc) =	sbr.rel .LBB2_2-.Ltmp2, $4  }
0x79: {  	s1 =	sand.u32 $0x1FFFFF80, s1  }
0x7a: {  	s1 =	sadd.s32 s0, s1  }
0x7b: {  	[tilespmem:s19], [sflag:$0x1] =	stream.strided.gather [hbm4b:s1+s9], $0x1000, s11, s9, $0x38;
	[tilespmem:$0x18280] =	vst v63  }
0x7c: {  	s2 =	simm.s32 $0x0;
	s1 =	simm.s32 $0x8  }
.LBB2_4:
0x7d: {  	_ =	swait.ge [sflag:s30], $0x1000  }
0x7e: {  	[sflag:s30] =	ssyncset.done $0x0  }
0x7f: {  	[sflag:s30] =	ssyncadd.s32 $0xFFFFF000  }
0x80: {  	_ =	swait.ge [sflag:s30], $0x1000  }
0x81: {  	[sflag:s30] =	ssyncset.done $0x0  }
0x82: {  	[sflag:s30] =	ssyncadd.s32 $0xFFFFF000  }
0x83: {  	_ =	swait.ge [sflag:s30], $0x1000  }
0x84: {  	[sflag:s30] =	ssyncset.done $0x0  }
0x85: {  	[sflag:s30] =	ssyncadd.s32 $0xFFFFF000  }
0x86: {  	_ =	swait.ge [sflag:s30], $0x1000  }
0x87: {  	[sflag:s30] =	ssyncset.done $0x0  }
0x88: {  	[sflag:s30] =	ssyncadd.s32 $0xFFFFF000  }
0x89: {  	_ =	swait.ge [sflag:s30], $0x1000  }
0x8a: {  	[sflag:s30] =	ssyncset.done $0x0  }
0x8b: {  	[sflag:s30] =	ssyncadd.s32 $0xFFFFF000  }
0x8c: {  	_ =	swait.ge [sflag:s30], $0x1000  }
0x8d: {  	[sflag:s30] =	ssyncset.done $0x0  }
0x8e: {  	[sflag:s30] =	ssyncadd.s32 $0xFFFFF000  }
0x8f: {  	_ =	swait.ge [sflag:s30], $0x1000  }
0x90: {  	[sflag:s30] =	ssyncset.done $0x0  }
0x91: {  	[sflag:s30] =	ssyncadd.s32 $0xFFFFF000  }
0x92: {  	_ =	swait.ge [sflag:s30], $0x1000  }
0x93: {  	[sflag:s30] =	ssyncset.done $0x0  }
0x94: {  	[sflag:s30] =	ssyncadd.s32 $0xFFFFF000  }
0x95: {  	v2 =	vld [tilespmem:s1+$0x0];
	_ =	sdelay $0x4  }
0x96: {  	v3 =	vshra.s32 v2, $0x1F  }
0x97: {  	v3 =	vshrl.u32 v3, $0x19  }
0x98: {  	v3 =	vadd.s32 v3, v2  }
0x99: {  	v3 =	vshrl.u32 v3, $0x7  }
0x9a: {  	v3 =	vshll.u32 v3, $0x7  }
0x9b: {  	v3 =	vsub.s32 v2, v3  }
0x9c: {  	v2 =	vadd.s32 v33, v3;
	_ =	sdelay $0x1  }
0x9d: {  	s3 =	sadd.s32 $0x8, s2  }
0x9e: {  	v4 =	vmov s3  }
0x9f: {  	v4 =	vshll.u32 v4, $0x7  }
0xa0: {  	v4 =	vadd.s32 v1, v4;
	v2 =	vld.idx.msk [tilespmem:v2+s12+$0x0], $0xffff  }
0xa1: {  	v62 =	vadd.s32 v34, v3;
	_ =	sdelay $0x3  }
0xa2: {  	[tilespmem:v4+s29+$0x0] =	vst.idx.msk $0xff, v2  }
0xa3: {  	v2 =	vld.idx.msk [tilespmem:v62+s12+$0x0], $0xffff;
	v62 =	vor.u32 $0x1, v4  }
0xa4: {  	v63 =	vadd.s32 v35, v3;
	_ =	sdelay $0x3  }
0xa5: {  	[tilespmem:v62+s29+$0x0] =	vst.idx.msk $0xff, v2  }
0xa6: {  	v62 =	vor.u32 $0x2, v4;
	v2 =	vld.idx.msk [tilespmem:v63+s12+$0x0], $0xffff  }
0xa7: {  	v63 =	vadd.s32 v36, v3;
	_ =	sdelay $0x3  }
0xa8: {  	[tilespmem:v62+s29+$0x0] =	vst.idx.msk $0xff, v2  }
0xa9: {  	v62 =	vor.u32 $0x3, v4;
	v2 =	vld.idx.msk [tilespmem:v63+s12+$0x0], $0xffff  }
0xaa: {  	v63 =	vadd.s32 v37, v3;
	_ =	sdelay $0x3  }
0xab: {  	[tilespmem:v62+s29+$0x0] =	vst.idx.msk $0xff, v2  }
0xac: {  	v62 =	vor.u32 $0x4, v4;
	v2 =	vld.idx.msk [tilespmem:v63+s12+$0x0], $0xffff  }
0xad: {  	v63 =	vadd.s32 v38, v3;
	_ =	sdelay $0x3  }
0xae: {  	[tilespmem:v62+s29+$0x0] =	vst.idx.msk $0xff, v2  }
0xaf: {  	v62 =	vor.u32 $0x5, v4;
	v2 =	vld.idx.msk [tilespmem:v63+s12+$0x0], $0xffff  }
0xb0: {  	v63 =	vadd.s32 v39, v3;
	_ =	sdelay $0x3  }
0xb1: {  	[tilespmem:v62+s29+$0x0] =	vst.idx.msk $0xff, v2  }
0xb2: {  	v62 =	vor.u32 $0x6, v4;
	v2 =	vld.idx.msk [tilespmem:v63+s12+$0x0], $0xffff  }
0xb3: {  	v63 =	vadd.s32 v40, v3;
	_ =	sdelay $0x3  }
0xb4: {  	[tilespmem:v62+s29+$0x0] =	vst.idx.msk $0xff, v2  }
0xb5: {  	v62 =	vor.u32 $0x7, v4;
	v2 =	vld.idx.msk [tilespmem:v63+s12+$0x0], $0xffff  }
0xb6: {  	v63 =	vadd.s32 v41, v3;
	_ =	sdelay $0x3  }
0xb7: {  	[tilespmem:v62+s29+$0x0] =	vst.idx.msk $0xff, v2  }
0xb8: {  	v62 =	vor.u32 $0x8, v4;
	v2 =	vld.idx.msk [tilespmem:v63+s12+$0x0], $0xffff  }
0xb9: {  	v63 =	vadd.s32 v42, v3;
	_ =	sdelay $0x3  }
0xba: {  	[tilespmem:v62+s29+$0x0] =	vst.idx.msk $0xff, v2  }
0xbb: {  	v62 =	vor.u32 $0x9, v4;
	v2 =	vld.idx.msk [tilespmem:v63+s12+$0x0], $0xffff  }
0xbc: {  	v63 =	vadd.s32 v43, v3;
	_ =	sdelay $0x3  }
0xbd: {  	[tilespmem:v62+s29+$0x0] =	vst.idx.msk $0xff, v2  }
0xbe: {  	v62 =	vor.u32 $0xA, v4;
	v2 =	vld.idx.msk [tilespmem:v63+s12+$0x0], $0xffff  }
0xbf: {  	v63 =	vadd.s32 v44, v3;
	_ =	sdelay $0x3  }
0xc0: {  	[tilespmem:v62+s29+$0x0] =	vst.idx.msk $0xff, v2  }
0xc1: {  	v62 =	vor.u32 $0xB, v4;
	v2 =	vld.idx.msk [tilespmem:v63+s12+$0x0], $0xffff  }
0xc2: {  	v63 =	vadd.s32 v45, v3;
	_ =	sdelay $0x3  }
0xc3: {  	[tilespmem:v62+s29+$0x0] =	vst.idx.msk $0xff, v2  }
0xc4: {  	v62 =	vor.u32 $0xC, v4;
	v2 =	vld.idx.msk [tilespmem:v63+s12+$0x0], $0xffff  }
0xc5: {  	v63 =	vadd.s32 v46, v3;
	_ =	sdelay $0x3  }
0xc6: {  	[tilespmem:v62+s29+$0x0] =	vst.idx.msk $0xff, v2  }
0xc7: {  	v62 =	vor.u32 $0xD, v4;
	v2 =	vld.idx.msk [tilespmem:v63+s12+$0x0], $0xffff  }
0xc8: {  	v63 =	vadd.s32 v47, v3;
	_ =	sdelay $0x3  }
0xc9: {  	[tilespmem:v62+s29+$0x0] =	vst.idx.msk $0xff, v2  }
0xca: {  	v62 =	vor.u32 $0xE, v4;
	v2 =	vld.idx.msk [tilespmem:v63+s12+$0x0], $0xffff  }
0xcb: {  	v63 =	vadd.s32 v48, v3;
	_ =	sdelay $0x3  }
0xcc: {  	[tilespmem:v62+s29+$0x0] =	vst.idx.msk $0xff, v2  }
0xcd: {  	v62 =	vor.u32 $0xF, v4;
	v2 =	vld.idx.msk [tilespmem:v63+s12+$0x0], $0xffff  }
0xce: {  	v63 =	vadd.s32 v49, v3;
	_ =	sdelay $0x3  }
0xcf: {  	[tilespmem:v62+s29+$0x0] =	vst.idx.msk $0xff, v2  }
0xd0: {  	v62 =	vor.u32 $0x10, v4;
	v2 =	vld.idx.msk [tilespmem:v63+s12+$0x0], $0xffff  }
0xd1: {  	v63 =	vadd.s32 v50, v3;
	_ =	sdelay $0x3  }
0xd2: {  	[tilespmem:v62+s29+$0x0] =	vst.idx.msk $0xff, v2  }
0xd3: {  	v62 =	vor.u32 $0x11, v4;
	v2 =	vld.idx.msk [tilespmem:v63+s12+$0x0], $0xffff  }
0xd4: {  	v63 =	vadd.s32 v51, v3;
	_ =	sdelay $0x3  }
0xd5: {  	[tilespmem:v62+s29+$0x0] =	vst.idx.msk $0xff, v2  }
0xd6: {  	v62 =	vor.u32 $0x12, v4;
	v2 =	vld.idx.msk [tilespmem:v63+s12+$0x0], $0xffff  }
0xd7: {  	v63 =	vadd.s32 v52, v3;
	_ =	sdelay $0x3  }
0xd8: {  	[tilespmem:v62+s29+$0x0] =	vst.idx.msk $0xff, v2  }
0xd9: {  	v62 =	vor.u32 $0x13, v4;
	v2 =	vld.idx.msk [tilespmem:v63+s12+$0x0], $0xffff  }
0xda: {  	v63 =	vadd.s32 v53, v3;
	_ =	sdelay $0x3  }
0xdb: {  	[tilespmem:v62+s29+$0x0] =	vst.idx.msk $0xff, v2  }
0xdc: {  	v62 =	vor.u32 $0x14, v4;
	v2 =	vld.idx.msk [tilespmem:v63+s12+$0x0], $0xffff  }
0xdd: {  	v63 =	vadd.s32 v54, v3;
	_ =	sdelay $0x3  }
0xde: {  	[tilespmem:v62+s29+$0x0] =	vst.idx.msk $0xff, v2  }
0xdf: {  	v62 =	vor.u32 $0x15, v4;
	v2 =	vld.idx.msk [tilespmem:v63+s12+$0x0], $0xffff  }
0xe0: {  	v63 =	vadd.s32 v55, v3;
	_ =	sdelay $0x3  }
0xe1: {  	[tilespmem:v62+s29+$0x0] =	vst.idx.msk $0xff, v2  }
0xe2: {  	v62 =	vor.u32 $0x16, v4;
	v2 =	vld.idx.msk [tilespmem:v63+s12+$0x0], $0xffff  }
0xe3: {  	v63 =	vadd.s32 v56, v3;
	_ =	sdelay $0x3  }
0xe4: {  	[tilespmem:v62+s29+$0x0] =	vst.idx.msk $0xff, v2  }
0xe5: {  	v62 =	vor.u32 $0x17, v4;
	v2 =	vld.idx.msk [tilespmem:v63+s12+$0x0], $0xffff  }
0xe6: {  	v63 =	vadd.s32 v57, v3;
	_ =	sdelay $0x3  }
0xe7: {  	[tilespmem:v62+s29+$0x0] =	vst.idx.msk $0xff, v2  }
0xe8: {  	v62 =	vor.u32 $0x18, v4;
	v2 =	vld.idx.msk [tilespmem:v63+s12+$0x0], $0xffff  }
0xe9: {  	v63 =	vadd.s32 v58, v3;
	_ =	sdelay $0x3  }
0xea: {  	[tilespmem:v62+s29+$0x0] =	vst.idx.msk $0xff, v2  }
0xeb: {  	v62 =	vor.u32 $0x19, v4;
	v2 =	vld.idx.msk [tilespmem:v63+s12+$0x0], $0xffff  }
0xec: {  	v63 =	vadd.s32 v59, v3;
	_ =	sdelay $0x3  }
0xed: {  	[tilespmem:v62+s29+$0x0] =	vst.idx.msk $0xff, v2  }
0xee: {  	v62 =	vor.u32 $0x1A, v4;
	v2 =	vld.idx.msk [tilespmem:v63+s12+$0x0], $0xffff  }
0xef: {  	v63 =	vadd.s32 v60, v3;
	_ =	sdelay $0x3  }
0xf0: {  	[tilespmem:v62+s29+$0x0] =	vst.idx.msk $0xff, v2  }
0xf1: {  	v62 =	vor.u32 $0x1B, v4;
	v2 =	vld.idx.msk [tilespmem:v63+s12+$0x0], $0xffff  }
0xf2: {  	v63 =	vadd.s32 v61, v3;
	_ =	sdelay $0x3  }
0xf3: {  	[tilespmem:v62+s29+$0x0] =	vst.idx.msk $0xff, v2  }
0xf4: {  	v62 =	vadd.s32 $0x8E80, v0;
	v2 =	vld.idx.msk [tilespmem:v63+s12+$0x0], $0xffff;
	v63 =	vor.u32 $0x1C, v4  }
0xf5: {  	v5 =	vadd.s32 v62, v3;
	_ =	sdelay $0x3  }
0xf6: {  	[tilespmem:v63+s29+$0x0] =	vst.idx.msk $0xff, v2  }
0xf7: {  	v63 =	vadd.s32 $0x8F00, v0;
	v2 =	vld.idx.msk [tilespmem:v5+s12+$0x0], $0xffff;
	v5 =	vor.u32 $0x1D, v4  }
0xf8: {  	v6 =	vadd.s32 v63, v3;
	_ =	sdelay $0x3  }
0xf9: {  	[tilespmem:v5+s29+$0x0] =	vst.idx.msk $0xff, v2  }
0xfa: {  	v2 =	vadd.s32 $0x8F80, v0;
	v5 =	vld.idx.msk [tilespmem:v6+s12+$0x0], $0xffff;
	v6 =	vor.u32 $0x1E, v4  }
0xfb: {  	v3 =	vadd.s32 v2, v3;
	_ =	sdelay $0x3  }
0xfc: {  	s2 =	sadd.s32 $0x10, s2;
	[tilespmem:v6+s29+$0x0] =	vst.idx.msk $0xff, v5  }
0xfd: {  	p0 =	sne.s32 s2, $0x100;
	v4 =	vor.u32 $0x1F, v4;
	v3 =	vld.idx.msk [tilespmem:v3+s12+$0x0], $0xffff  }
.Ltmp3:
0xfe: {  	_ = 	snop;
	(pc) =	sbr.rel @!p0 .LBB2_5-.Ltmp3, $2  }
0xff: {  	_ =	sdelay $0x2  }
0x100: {  	s1 =	sadd.s32 $0x10, s1;
	[tilespmem:v4+s29+$0x0] =	vst.idx.msk $0xff, v3  }
.LBB2_2:
0x101: {  	v2 =	vld [tilespmem:s1+$0x0];
	_ =	sdelay $0x4  }
0x102: {  	(v2sf) =	vpush v2, $0x0;
	_ =	sdelay $0xa  }
0x103: {  	(v2sf) =	vpush v2, $0x1;
	_ =	sdelay $0x3  }
0x104: {  	s3 =	spop (v2sf)  }
0x105: {  	s4 =	sand.u32 $0x7F, s3  }
0x106: {  	p1 =	slt.s32 s3, $0x1;
	p0 =	sne.s32 s4, $0x0;
	s4 =	sshra.s32 s3, $0x1F  }
0x107: {  	s4 =	sshrl.u32 s4, $0x19;
	p0 =	por !p1, !p0  }
0x108: {  	s3 =	sadd.s32 s4, s3;
	p0 =	por !p0, !p0;
	s4 =	simm.s32 $0x1  }
0x109: {  	s3 =	sshrl.u32 s3, $0x7;
	s4 =	simm.s32 @!p0 $0x0  }
0x10a: {  	s3 =	ssub.s32 s3, s4  }
0x10b: {  	(v2sf) =	vpush v2, $0x2;
	s3 =	sshll.u32 s3, $0x7  }
0x10c: {  	s3 =	sand.u32 $0x1FFFFF80, s3  }
0x10d: {  	s3 =	sadd.s32 s0, s3  }
0x10e: {  	[tilespmem:s20], [sflag:$0x2] =	stream.strided.gather [hbm4b:s3+s9], $0x1000, s11, s9, $0x38;
	[tilespmem:$0x18280] =	vst v63  }
0x10f: {  	s3 =	spop (v2sf)  }
0x110: {  	s4 =	sand.u32 $0x7F, s3  }
0x111: {  	p6 =	slt.s32 s3, $0x1;
	p5 =	sne.s32 s4, $0x0;
	s4 =	sshra.s32 s3, $0x1F  }
0x112: {  	s4 =	sshrl.u32 s4, $0x19;
	p0 =	por !p6, !p5  }
0x113: {  	s3 =	sadd.s32 s4, s3;
	p0 =	por !p0, !p0;
	s4 =	simm.s32 $0x1  }
0x114: {  	s3 =	sshrl.u32 s3, $0x7;
	s4 =	simm.s32 @!p0 $0x0  }
0x115: {  	s3 =	ssub.s32 s3, s4  }
0x116: {  	(v2sf) =	vpush v2, $0x3;
	s3 =	sshll.u32 s3, $0x7  }
0x117: {  	s3 =	sand.u32 $0x1FFFFF80, s3  }
0x118: {  	s3 =	sadd.s32 s0, s3  }
0x119: {  	[tilespmem:s21], [sflag:$0x2] =	stream.strided.gather [hbm4b:s3+s9], $0x1000, s11, s9, $0x38;
	[tilespmem:$0x18280] =	vst v63  }
0x11a: {  	s3 =	spop (v2sf)  }
0x11b: {  	s4 =	sand.u32 $0x7F, s3  }
0x11c: {  	p2 =	slt.s32 s3, $0x1;
	p1 =	sne.s32 s4, $0x0;
	s4 =	sshra.s32 s3, $0x1F  }
0x11d: {  	s4 =	sshrl.u32 s4, $0x19;
	p0 =	por !p2, !p1  }
0x11e: {  	s3 =	sadd.s32 s4, s3;
	p0 =	por !p0, !p0;
	s4 =	simm.s32 $0x1  }
0x11f: {  	s3 =	sshrl.u32 s3, $0x7;
	s4 =	simm.s32 @!p0 $0x0  }
0x120: {  	s3 =	ssub.s32 s3, s4  }
0x121: {  	(v2sf) =	vpush v2, $0x4;
	s3 =	sshll.u32 s3, $0x7  }
0x122: {  	s3 =	sand.u32 $0x1FFFFF80, s3  }
0x123: {  	s3 =	sadd.s32 s0, s3  }
0x124: {  	[tilespmem:s22], [sflag:$0x2] =	stream.strided.gather [hbm4b:s3+s9], $0x1000, s11, s9, $0x38;
	[tilespmem:$0x18280] =	vst v63  }
0x125: {  	s3 =	spop (v2sf)  }
0x126: {  	s4 =	sand.u32 $0x7F, s3  }
0x127: {  	p4 =	slt.s32 s3, $0x1;
	p3 =	sne.s32 s4, $0x0;
	s4 =	sshra.s32 s3, $0x1F  }
0x128: {  	s4 =	sshrl.u32 s4, $0x19;
	p0 =	por !p4, !p3  }
0x129: {  	s3 =	sadd.s32 s4, s3;
	p0 =	por !p0, !p0;
	s4 =	simm.s32 $0x1  }
0x12a: {  	s3 =	sshrl.u32 s3, $0x7;
	s4 =	simm.s32 @!p0 $0x0  }
0x12b: {  	s3 =	ssub.s32 s3, s4  }
0x12c: {  	(v2sf) =	vpush v2, $0x5;
	s3 =	sshll.u32 s3, $0x7  }
0x12d: {  	s3 =	sand.u32 $0x1FFFFF80, s3  }
0x12e: {  	s3 =	sadd.s32 s0, s3  }
0x12f: {  	[tilespmem:s23], [sflag:$0x2] =	stream.strided.gather [hbm4b:s3+s9], $0x1000, s11, s9, $0x38;
	[tilespmem:$0x18280] =	vst v63  }
0x130: {  	s3 =	spop (v2sf)  }
0x131: {  	s4 =	sand.u32 $0x7F, s3  }
0x132: {  	p6 =	slt.s32 s3, $0x1;
	p5 =	sne.s32 s4, $0x0;
	s4 =	sshra.s32 s3, $0x1F  }
0x133: {  	s4 =	sshrl.u32 s4, $0x19;
	p0 =	por !p6, !p5  }
0x134: {  	s3 =	sadd.s32 s4, s3;
	p0 =	por !p0, !p0;
	s4 =	simm.s32 $0x1  }
0x135: {  	(v2sf) =	vpush v2, $0x6;
	s3 =	sshrl.u32 s3, $0x7;
	s4 =	simm.s32 @!p0 $0x0  }
0x136: {  	s3 =	ssub.s32 s3, s4  }
0x137: {  	s3 =	sshll.u32 s3, $0x7  }
0x138: {  	s3 =	sand.u32 $0x1FFFFF80, s3  }
0x139: {  	s3 =	sadd.s32 s0, s3  }
0x13a: {  	[tilespmem:s24], [sflag:$0x2] =	stream.strided.gather [hbm4b:s3+s9], $0x1000, s11, s9, $0x38;
	[tilespmem:$0x18280] =	vst v63  }
0x13b: {  	s3 =	spop (v2sf)  }
0x13c: {  	s4 =	sand.u32 $0x7F, s3  }
0x13d: {  	p2 =	slt.s32 s3, $0x1;
	p1 =	sne.s32 s4, $0x0;
	s4 =	sshra.s32 s3, $0x1F  }
0x13e: {  	s4 =	sshrl.u32 s4, $0x19;
	p0 =	por !p2, !p1  }
0x13f: {  	s3 =	sadd.s32 s4, s3;
	p0 =	por !p0, !p0;
	s4 =	simm.s32 $0x1  }
0x140: {  	s3 =	sshrl.u32 s3, $0x7;
	s4 =	simm.s32 @!p0 $0x0  }
0x141: {  	(v2sf) =	vpush v2, $0x7;
	s3 =	ssub.s32 s3, s4  }
0x142: {  	s3 =	sshll.u32 s3, $0x7  }
0x143: {  	s3 =	sand.u32 $0x1FFFFF80, s3  }
0x144: {  	s4 =	spop (v2sf);
	s3 =	sadd.s32 s0, s3  }
0x145: {  	[tilespmem:s25], [sflag:$0x2] =	stream.strided.gather [hbm4b:s3+s9], $0x1000, s11, s9, $0x38;
	[tilespmem:$0x18280] =	vst v63  }
0x146: {  	s3 =	sand.u32 $0x7F, s4  }
0x147: {  	p4 =	slt.s32 s4, $0x1;
	p3 =	sne.s32 s3, $0x0;
	s3 =	sshra.s32 s4, $0x1F  }
0x148: {  	s3 =	sshrl.u32 s3, $0x19;
	p0 =	por !p4, !p3  }
0x149: {  	s3 =	sadd.s32 s3, s4;
	p0 =	por !p0, !p0;
	s4 =	simm.s32 $0x1  }
0x14a: {  	s3 =	sshrl.u32 s3, $0x7;
	s4 =	simm.s32 @!p0 $0x0  }
0x14b: {  	s3 =	ssub.s32 s3, s4  }
0x14c: {  	s3 =	sshll.u32 s3, $0x7  }
0x14d: {  	s3 =	sand.u32 $0x1FFFFF80, s3  }
0x14e: {  	s3 =	sadd.s32 s0, s3  }
0x14f: {  	[tilespmem:s26], [sflag:$0x2] =	stream.strided.gather [hbm4b:s3+s9], $0x1000, s11, s9, $0x38;
	[tilespmem:$0x18280] =	vst v63  }
0x150: {  	s3 =	spop (v2sf)  }
0x151: {  	s4 =	sand.u32 $0x7F, s3  }
0x152: {  	p6 =	slt.s32 s3, $0x1;
	p5 =	sne.s32 s4, $0x0;
	s4 =	sshra.s32 s3, $0x1F  }
0x153: {  	s4 =	sshrl.u32 s4, $0x19;
	p0 =	por !p6, !p5  }
0x154: {  	s3 =	sadd.s32 s4, s3;
	p0 =	por !p0, !p0;
	s4 =	simm.s32 $0x1  }
0x155: {  	s3 =	sshrl.u32 s3, $0x7;
	s4 =	simm.s32 @!p0 $0x0  }
0x156: {  	s3 =	ssub.s32 s3, s4  }
0x157: {  	s3 =	sshll.u32 s3, $0x7  }
0x158: {  	s3 =	sand.u32 $0x1FFFFF80, s3  }
0x159: {  	s3 =	sadd.s32 s0, s3  }
0x15a: {  	[tilespmem:s28], [sflag:$0x2] =	stream.strided.gather [hbm4b:s3+s9], $0x1000, s11, s9, $0x38;
	[tilespmem:$0x18280] =	vst v63  }
0x15b: {  	_ =	swait.ge [sflag:s10], $0x1000  }
0x15c: {  	[sflag:s10] =	ssyncset.done $0x0  }
0x15d: {  	[sflag:s10] =	ssyncadd.s32 $0xFFFFF000  }
0x15e: {  	_ =	swait.ge [sflag:s10], $0x1000  }
0x15f: {  	[sflag:s10] =	ssyncset.done $0x0  }
0x160: {  	[sflag:s10] =	ssyncadd.s32 $0xFFFFF000  }
0x161: {  	_ =	swait.ge [sflag:s10], $0x1000  }
0x162: {  	[sflag:s10] =	ssyncset.done $0x0  }
0x163: {  	[sflag:s10] =	ssyncadd.s32 $0xFFFFF000  }
0x164: {  	_ =	swait.ge [sflag:s10], $0x1000  }
0x165: {  	[sflag:s10] =	ssyncset.done $0x0  }
0x166: {  	[sflag:s10] =	ssyncadd.s32 $0xFFFFF000  }
0x167: {  	_ =	swait.ge [sflag:s10], $0x1000  }
0x168: {  	[sflag:s10] =	ssyncset.done $0x0  }
0x169: {  	[sflag:s10] =	ssyncadd.s32 $0xFFFFF000  }
0x16a: {  	_ =	swait.ge [sflag:s10], $0x1000  }
0x16b: {  	[sflag:s10] =	ssyncset.done $0x0  }
0x16c: {  	[sflag:s10] =	ssyncadd.s32 $0xFFFFF000  }
0x16d: {  	_ =	swait.ge [sflag:s10], $0x1000  }
0x16e: {  	[sflag:s10] =	ssyncset.done $0x0  }
0x16f: {  	[sflag:s10] =	ssyncadd.s32 $0xFFFFF000  }
0x170: {  	_ =	swait.ge [sflag:s10], $0x1000  }
0x171: {  	[sflag:s10] =	ssyncset.done $0x0  }
0x172: {  	[sflag:s10] =	ssyncadd.s32 $0xFFFFF000  }
0x173: {  	v2 =	vld [tilespmem:s1+$0xFFFFFFF8];
	_ =	sdelay $0x4  }
0x174: {  	v3 =	vshra.s32 v2, $0x1F  }
0x175: {  	v3 =	vshrl.u32 v3, $0x19  }
0x176: {  	v3 =	vadd.s32 v3, v2  }
0x177: {  	v3 =	vshrl.u32 v3, $0x7  }
0x178: {  	v3 =	vshll.u32 v3, $0x7  }
0x179: {  	v2 =	vsub.s32 v2, v3  }
0x17a: {  	v3 =	vadd.s32 v0, v2;
	_ =	sdelay $0x2  }
0x17b: {  	v62 =	vmov s2  }
0x17c: {  	v62 =	vshll.u32 v62, $0x7  }
0x17d: {  	v62 =	vor.u32 v1, v62;
	v3 =	vld.idx.msk [tilespmem:v3+s12+$0x0], $0xffff  }
0x17e: {  	v63 =	vadd.s32 v7, v2  }
0x17f: {  	v4 =	vld [tilespmem:$0x1FFA0];
	_ =	sdelay $0x2  }
0x180: {  	[tilespmem:v62+s29+$0x0] =	vst.idx.msk $0xff, v3  }
0x181: {  	v3 =	vld.idx.msk [tilespmem:v63+s12+$0x0], $0xffff;
	v63 =	vor.u32 $0x1, v62  }
0x182: {  	v4 =	vadd.s32 v4, v2  }
0x183: {  	v5 =	vld [tilespmem:$0x1FFB0];
	_ =	sdelay $0x2  }
0x184: {  	[tilespmem:v63+s29+$0x0] =	vst.idx.msk $0xff, v3  }
0x185: {  	v3 =	vld.idx.msk [tilespmem:v4+s12+$0x0], $0xffff;
	v4 =	vor.u32 $0x2, v62  }
0x186: {  	v63 =	vadd.s32 v5, v2  }
0x187: {  	v5 =	vld [tilespmem:$0x1FFC0];
	_ =	sdelay $0x2  }
0x188: {  	[tilespmem:v4+s29+$0x0] =	vst.idx.msk $0xff, v3  }
0x189: {  	v4 =	vor.u32 $0x3, v62;
	v3 =	vld.idx.msk [tilespmem:v63+s12+$0x0], $0xffff  }
0x18a: {  	v63 =	vadd.s32 v5, v2  }
0x18b: {  	v5 =	vld [tilespmem:$0x1FFD0];
	_ =	sdelay $0x2  }
0x18c: {  	[tilespmem:v4+s29+$0x0] =	vst.idx.msk $0xff, v3  }
0x18d: {  	v4 =	vor.u32 $0x4, v62;
	v3 =	vld.idx.msk [tilespmem:v63+s12+$0x0], $0xffff  }
0x18e: {  	v63 =	vadd.s32 v5, v2  }
0x18f: {  	v5 =	vld [tilespmem:$0x1FFE0];
	_ =	sdelay $0x2  }
0x190: {  	[tilespmem:v4+s29+$0x0] =	vst.idx.msk $0xff, v3  }
0x191: {  	v4 =	vor.u32 $0x5, v62;
	v3 =	vld.idx.msk [tilespmem:v63+s12+$0x0], $0xffff  }
0x192: {  	v63 =	vadd.s32 v5, v2  }
0x193: {  	v5 =	vld [tilespmem:$0x1FFF0];
	_ =	sdelay $0x2  }
0x194: {  	[tilespmem:v4+s29+$0x0] =	vst.idx.msk $0xff, v3  }
0x195: {  	v4 =	vor.u32 $0x6, v62;
	v3 =	vld.idx.msk [tilespmem:v63+s12+$0x0], $0xffff  }
0x196: {  	v63 =	vadd.s32 v5, v2;
	_ =	sdelay $0x3  }
0x197: {  	[tilespmem:v4+s29+$0x0] =	vst.idx.msk $0xff, v3  }
0x198: {  	v4 =	vor.u32 $0x7, v62;
	v3 =	vld.idx.msk [tilespmem:v63+s12+$0x0], $0xffff  }
0x199: {  	v63 =	vadd.s32 v9, v2;
	_ =	sdelay $0x3  }
0x19a: {  	[tilespmem:v4+s29+$0x0] =	vst.idx.msk $0xff, v3  }
0x19b: {  	v4 =	vor.u32 $0x8, v62;
	v3 =	vld.idx.msk [tilespmem:v63+s12+$0x0], $0xffff  }
0x19c: {  	v63 =	vadd.s32 v10, v2;
	_ =	sdelay $0x3  }
0x19d: {  	[tilespmem:v4+s29+$0x0] =	vst.idx.msk $0xff, v3  }
0x19e: {  	v4 =	vor.u32 $0x9, v62;
	v3 =	vld.idx.msk [tilespmem:v63+s12+$0x0], $0xffff  }
0x19f: {  	v63 =	vadd.s32 v11, v2;
	_ =	sdelay $0x3  }
0x1a0: {  	[tilespmem:v4+s29+$0x0] =	vst.idx.msk $0xff, v3  }
0x1a1: {  	v4 =	vor.u32 $0xA, v62;
	v3 =	vld.idx.msk [tilespmem:v63+s12+$0x0], $0xffff  }
0x1a2: {  	v63 =	vadd.s32 v12, v2;
	_ =	sdelay $0x3  }
0x1a3: {  	[tilespmem:v4+s29+$0x0] =	vst.idx.msk $0xff, v3  }
0x1a4: {  	v4 =	vor.u32 $0xB, v62;
	v3 =	vld.idx.msk [tilespmem:v63+s12+$0x0], $0xffff  }
0x1a5: {  	v63 =	vadd.s32 v13, v2;
	_ =	sdelay $0x3  }
0x1a6: {  	[tilespmem:v4+s29+$0x0] =	vst.idx.msk $0xff, v3  }
0x1a7: {  	v4 =	vor.u32 $0xC, v62;
	v3 =	vld.idx.msk [tilespmem:v63+s12+$0x0], $0xffff  }
0x1a8: {  	v63 =	vadd.s32 v14, v2;
	_ =	sdelay $0x3  }
0x1a9: {  	[tilespmem:v4+s29+$0x0] =	vst.idx.msk $0xff, v3  }
0x1aa: {  	v4 =	vor.u32 $0xD, v62;
	v3 =	vld.idx.msk [tilespmem:v63+s12+$0x0], $0xffff  }
0x1ab: {  	v63 =	vadd.s32 v15, v2;
	_ =	sdelay $0x3  }
0x1ac: {  	[tilespmem:v4+s29+$0x0] =	vst.idx.msk $0xff, v3  }
0x1ad: {  	v4 =	vor.u32 $0xE, v62;
	v3 =	vld.idx.msk [tilespmem:v63+s12+$0x0], $0xffff  }
0x1ae: {  	v63 =	vadd.s32 v16, v2;
	_ =	sdelay $0x3  }
0x1af: {  	[tilespmem:v4+s29+$0x0] =	vst.idx.msk $0xff, v3  }
0x1b0: {  	v4 =	vor.u32 $0xF, v62;
	v3 =	vld.idx.msk [tilespmem:v63+s12+$0x0], $0xffff  }
0x1b1: {  	v63 =	vadd.s32 v17, v2;
	_ =	sdelay $0x3  }
0x1b2: {  	[tilespmem:v4+s29+$0x0] =	vst.idx.msk $0xff, v3  }
0x1b3: {  	v4 =	vor.u32 $0x10, v62;
	v3 =	vld.idx.msk [tilespmem:v63+s12+$0x0], $0xffff  }
0x1b4: {  	v63 =	vadd.s32 v18, v2;
	_ =	sdelay $0x3  }
0x1b5: {  	[tilespmem:v4+s29+$0x0] =	vst.idx.msk $0xff, v3  }
0x1b6: {  	v4 =	vor.u32 $0x11, v62;
	v3 =	vld.idx.msk [tilespmem:v63+s12+$0x0], $0xffff  }
0x1b7: {  	v63 =	vadd.s32 v19, v2;
	_ =	sdelay $0x3  }
0x1b8: {  	[tilespmem:v4+s29+$0x0] =	vst.idx.msk $0xff, v3  }
0x1b9: {  	v4 =	vor.u32 $0x12, v62;
	v3 =	vld.idx.msk [tilespmem:v63+s12+$0x0], $0xffff  }
0x1ba: {  	v63 =	vadd.s32 v20, v2;
	_ =	sdelay $0x3  }
0x1bb: {  	[tilespmem:v4+s29+$0x0] =	vst.idx.msk $0xff, v3  }
0x1bc: {  	v4 =	vor.u32 $0x13, v62;
	v3 =	vld.idx.msk [tilespmem:v63+s12+$0x0], $0xffff  }
0x1bd: {  	v63 =	vadd.s32 v21, v2;
	_ =	sdelay $0x3  }
0x1be: {  	[tilespmem:v4+s29+$0x0] =	vst.idx.msk $0xff, v3  }
0x1bf: {  	v4 =	vor.u32 $0x14, v62;
	v3 =	vld.idx.msk [tilespmem:v63+s12+$0x0], $0xffff  }
0x1c0: {  	v63 =	vadd.s32 v22, v2;
	_ =	sdelay $0x3  }
0x1c1: {  	[tilespmem:v4+s29+$0x0] =	vst.idx.msk $0xff, v3  }
0x1c2: {  	v4 =	vor.u32 $0x15, v62;
	v3 =	vld.idx.msk [tilespmem:v63+s12+$0x0], $0xffff  }
0x1c3: {  	v63 =	vadd.s32 v23, v2;
	_ =	sdelay $0x3  }
0x1c4: {  	[tilespmem:v4+s29+$0x0] =	vst.idx.msk $0xff, v3  }
0x1c5: {  	v4 =	vor.u32 $0x16, v62;
	v3 =	vld.idx.msk [tilespmem:v63+s12+$0x0], $0xffff  }
0x1c6: {  	v63 =	vadd.s32 v24, v2;
	_ =	sdelay $0x3  }
0x1c7: {  	[tilespmem:v4+s29+$0x0] =	vst.idx.msk $0xff, v3  }
0x1c8: {  	v4 =	vor.u32 $0x17, v62;
	v3 =	vld.idx.msk [tilespmem:v63+s12+$0x0], $0xffff  }
0x1c9: {  	v63 =	vadd.s32 v25, v2;
	_ =	sdelay $0x3  }
0x1ca: {  	[tilespmem:v4+s29+$0x0] =	vst.idx.msk $0xff, v3  }
0x1cb: {  	v4 =	vor.u32 $0x18, v62;
	v3 =	vld.idx.msk [tilespmem:v63+s12+$0x0], $0xffff  }
0x1cc: {  	v63 =	vadd.s32 v26, v2;
	_ =	sdelay $0x3  }
0x1cd: {  	[tilespmem:v4+s29+$0x0] =	vst.idx.msk $0xff, v3  }
0x1ce: {  	v4 =	vor.u32 $0x19, v62;
	v3 =	vld.idx.msk [tilespmem:v63+s12+$0x0], $0xffff  }
0x1cf: {  	v63 =	vadd.s32 v27, v2;
	_ =	sdelay $0x3  }
0x1d0: {  	[tilespmem:v4+s29+$0x0] =	vst.idx.msk $0xff, v3  }
0x1d1: {  	v4 =	vor.u32 $0x1A, v62;
	v3 =	vld.idx.msk [tilespmem:v63+s12+$0x0], $0xffff  }
0x1d2: {  	v63 =	vadd.s32 v28, v2;
	_ =	sdelay $0x3  }
0x1d3: {  	[tilespmem:v4+s29+$0x0] =	vst.idx.msk $0xff, v3  }
0x1d4: {  	v4 =	vor.u32 $0x1B, v62;
	v3 =	vld.idx.msk [tilespmem:v63+s12+$0x0], $0xffff  }
0x1d5: {  	v63 =	vadd.s32 v29, v2;
	_ =	sdelay $0x3  }
0x1d6: {  	[tilespmem:v4+s29+$0x0] =	vst.idx.msk $0xff, v3  }
0x1d7: {  	v4 =	vor.u32 $0x1C, v62;
	v3 =	vld.idx.msk [tilespmem:v63+s12+$0x0], $0xffff  }
0x1d8: {  	v63 =	vadd.s32 v30, v2;
	_ =	sdelay $0x3  }
0x1d9: {  	[tilespmem:v4+s29+$0x0] =	vst.idx.msk $0xff, v3  }
0x1da: {  	v4 =	vor.u32 $0x1D, v62;
	v3 =	vld.idx.msk [tilespmem:v63+s12+$0x0], $0xffff  }
0x1db: {  	v63 =	vadd.s32 v31, v2;
	_ =	sdelay $0x3  }
0x1dc: {  	[tilespmem:v4+s29+$0x0] =	vst.idx.msk $0xff, v3  }
0x1dd: {  	v4 =	vor.u32 $0x1E, v62;
	v3 =	vld.idx.msk [tilespmem:v63+s12+$0x0], $0xffff  }
0x1de: {  	v2 =	vadd.s32 v32, v2;
	_ =	sdelay $0x3  }
0x1df: {  	[tilespmem:v4+s29+$0x0] =	vst.idx.msk $0xff, v3  }
0x1e0: {  	p0 =	seq.s32 s2, $0xF0;
	v3 =	vor.u32 $0x1F, v62;
	v2 =	vld.idx.msk [tilespmem:v2+s12+$0x0], $0xffff  }
.Ltmp4:
0x1e1: {  	_ = 	snop;
	(pc) =	sbr.rel @p0 .LBB2_4-.Ltmp4, $2  }
0x1e2: {  	_ =	sdelay $0x2  }
0x1e3: {  	[tilespmem:v3+s29+$0x0] =	vst.idx.msk $0xff, v2  }
0x1e4: {  	v2 =	vld [tilespmem:s1+$0x8];
	_ =	sdelay $0x4  }
0x1e5: {  	(v2sf) =	vpush v2, $0x0;
	_ =	sdelay $0xa  }
0x1e6: {  	(v2sf) =	vpush v2, $0x1;
	_ =	sdelay $0x3  }
0x1e7: {  	s3 =	spop (v2sf)  }
0x1e8: {  	s4 =	sand.u32 $0x7F, s3  }
0x1e9: {  	p1 =	slt.s32 s3, $0x1;
	p0 =	sne.s32 s4, $0x0;
	s4 =	sshra.s32 s3, $0x1F  }
0x1ea: {  	s4 =	sshrl.u32 s4, $0x19;
	p0 =	por !p1, !p0  }
0x1eb: {  	s3 =	sadd.s32 s4, s3;
	p0 =	por !p0, !p0;
	s4 =	simm.s32 $0x1  }
0x1ec: {  	s3 =	sshrl.u32 s3, $0x7;
	s4 =	simm.s32 @!p0 $0x0  }
0x1ed: {  	s3 =	ssub.s32 s3, s4  }
0x1ee: {  	(v2sf) =	vpush v2, $0x2;
	s3 =	sshll.u32 s3, $0x7  }
0x1ef: {  	s3 =	sand.u32 $0x1FFFFF80, s3  }
0x1f0: {  	s3 =	sadd.s32 s0, s3  }
0x1f1: {  	[tilespmem:s12], [sflag:$0x1] =	stream.strided.gather [hbm4b:s3+s9], $0x1000, s11, s9, $0x38;
	[tilespmem:$0x18280] =	vst v63  }
0x1f2: {  	s3 =	spop (v2sf)  }
0x1f3: {  	s4 =	sand.u32 $0x7F, s3  }
0x1f4: {  	p6 =	slt.s32 s3, $0x1;
	p5 =	sne.s32 s4, $0x0;
	s4 =	sshra.s32 s3, $0x1F  }
0x1f5: {  	s4 =	sshrl.u32 s4, $0x19;
	p0 =	por !p6, !p5  }
0x1f6: {  	s3 =	sadd.s32 s4, s3;
	p0 =	por !p0, !p0;
	s4 =	simm.s32 $0x1  }
0x1f7: {  	s3 =	sshrl.u32 s3, $0x7;
	s4 =	simm.s32 @!p0 $0x0  }
0x1f8: {  	s3 =	ssub.s32 s3, s4  }
0x1f9: {  	(v2sf) =	vpush v2, $0x3;
	s3 =	sshll.u32 s3, $0x7  }
0x1fa: {  	s3 =	sand.u32 $0x1FFFFF80, s3  }
0x1fb: {  	s3 =	sadd.s32 s0, s3  }
0x1fc: {  	[tilespmem:s13], [sflag:$0x1] =	stream.strided.gather [hbm4b:s3+s9], $0x1000, s11, s9, $0x38;
	[tilespmem:$0x18280] =	vst v63  }
0x1fd: {  	s3 =	spop (v2sf)  }
0x1fe: {  	s4 =	sand.u32 $0x7F, s3  }
0x1ff: {  	p2 =	slt.s32 s3, $0x1;
	p1 =	sne.s32 s4, $0x0;
	s4 =	sshra.s32 s3, $0x1F  }
0x200: {  	s4 =	sshrl.u32 s4, $0x19;
	p0 =	por !p2, !p1  }
0x201: {  	s3 =	sadd.s32 s4, s3;
	p0 =	por !p0, !p0;
	s4 =	simm.s32 $0x1  }
0x202: {  	s3 =	sshrl.u32 s3, $0x7;
	s4 =	simm.s32 @!p0 $0x0  }
0x203: {  	s3 =	ssub.s32 s3, s4  }
0x204: {  	(v2sf) =	vpush v2, $0x4;
	s3 =	sshll.u32 s3, $0x7  }
0x205: {  	s3 =	sand.u32 $0x1FFFFF80, s3  }
0x206: {  	s3 =	sadd.s32 s0, s3  }
0x207: {  	[tilespmem:s14], [sflag:$0x1] =	stream.strided.gather [hbm4b:s3+s9], $0x1000, s11, s9, $0x38;
	[tilespmem:$0x18280] =	vst v63  }
0x208: {  	s3 =	spop (v2sf)  }
0x209: {  	s4 =	sand.u32 $0x7F, s3  }
0x20a: {  	p4 =	slt.s32 s3, $0x1;
	p3 =	sne.s32 s4, $0x0;
	s4 =	sshra.s32 s3, $0x1F  }
0x20b: {  	s4 =	sshrl.u32 s4, $0x19;
	p0 =	por !p4, !p3  }
0x20c: {  	s3 =	sadd.s32 s4, s3;
	p0 =	por !p0, !p0;
	s4 =	simm.s32 $0x1  }
0x20d: {  	s3 =	sshrl.u32 s3, $0x7;
	s4 =	simm.s32 @!p0 $0x0  }
0x20e: {  	s3 =	ssub.s32 s3, s4  }
0x20f: {  	(v2sf) =	vpush v2, $0x5;
	s3 =	sshll.u32 s3, $0x7  }
0x210: {  	s3 =	sand.u32 $0x1FFFFF80, s3  }
0x211: {  	s3 =	sadd.s32 s0, s3  }
0x212: {  	[tilespmem:s15], [sflag:$0x1] =	stream.strided.gather [hbm4b:s3+s9], $0x1000, s11, s9, $0x38;
	[tilespmem:$0x18280] =	vst v63  }
0x213: {  	s3 =	spop (v2sf)  }
0x214: {  	s4 =	sand.u32 $0x7F, s3  }
0x215: {  	p6 =	slt.s32 s3, $0x1;
	p5 =	sne.s32 s4, $0x0;
	s4 =	sshra.s32 s3, $0x1F  }
0x216: {  	s4 =	sshrl.u32 s4, $0x19;
	p0 =	por !p6, !p5  }
0x217: {  	s3 =	sadd.s32 s4, s3;
	p0 =	por !p0, !p0;
	s4 =	simm.s32 $0x1  }
0x218: {  	(v2sf) =	vpush v2, $0x6;
	s3 =	sshrl.u32 s3, $0x7;
	s4 =	simm.s32 @!p0 $0x0  }
0x219: {  	s3 =	ssub.s32 s3, s4  }
0x21a: {  	s3 =	sshll.u32 s3, $0x7  }
0x21b: {  	s3 =	sand.u32 $0x1FFFFF80, s3  }
0x21c: {  	s3 =	sadd.s32 s0, s3  }
0x21d: {  	[tilespmem:s16], [sflag:$0x1] =	stream.strided.gather [hbm4b:s3+s9], $0x1000, s11, s9, $0x38;
	[tilespmem:$0x18280] =	vst v63  }
0x21e: {  	s3 =	spop (v2sf)  }
0x21f: {  	s4 =	sand.u32 $0x7F, s3  }
0x220: {  	p2 =	slt.s32 s3, $0x1;
	p1 =	sne.s32 s4, $0x0;
	s4 =	sshra.s32 s3, $0x1F  }
0x221: {  	s4 =	sshrl.u32 s4, $0x19;
	p0 =	por !p2, !p1  }
0x222: {  	s3 =	sadd.s32 s4, s3;
	p0 =	por !p0, !p0;
	s4 =	simm.s32 $0x1  }
0x223: {  	s3 =	sshrl.u32 s3, $0x7;
	s4 =	simm.s32 @!p0 $0x0  }
0x224: {  	(v2sf) =	vpush v2, $0x7;
	s3 =	ssub.s32 s3, s4  }
0x225: {  	s3 =	sshll.u32 s3, $0x7  }
0x226: {  	s3 =	sand.u32 $0x1FFFFF80, s3  }
0x227: {  	s4 =	spop (v2sf);
	s3 =	sadd.s32 s0, s3  }
0x228: {  	[tilespmem:s17], [sflag:$0x1] =	stream.strided.gather [hbm4b:s3+s9], $0x1000, s11, s9, $0x38;
	[tilespmem:$0x18280] =	vst v63  }
0x229: {  	s3 =	sand.u32 $0x7F, s4  }
0x22a: {  	p4 =	slt.s32 s4, $0x1;
	p3 =	sne.s32 s3, $0x0;
	s3 =	sshra.s32 s4, $0x1F  }
0x22b: {  	s3 =	sshrl.u32 s3, $0x19;
	p0 =	por !p4, !p3  }
0x22c: {  	s3 =	sadd.s32 s3, s4;
	p0 =	por !p0, !p0;
	s4 =	simm.s32 $0x1  }
0x22d: {  	s3 =	sshrl.u32 s3, $0x7;
	s4 =	simm.s32 @!p0 $0x0  }
0x22e: {  	s3 =	ssub.s32 s3, s4  }
0x22f: {  	s3 =	sshll.u32 s3, $0x7  }
0x230: {  	s3 =	sand.u32 $0x1FFFFF80, s3  }
0x231: {  	s3 =	sadd.s32 s0, s3  }
0x232: {  	[tilespmem:s18], [sflag:$0x1] =	stream.strided.gather [hbm4b:s3+s9], $0x1000, s11, s9, $0x38;
	[tilespmem:$0x18280] =	vst v63  }
0x233: {  	s3 =	spop (v2sf)  }
0x234: {  	s4 =	sand.u32 $0x7F, s3  }
0x235: {  	p6 =	slt.s32 s3, $0x1;
	p5 =	sne.s32 s4, $0x0;
	s4 =	sshra.s32 s3, $0x1F  }
0x236: {  	s4 =	sshrl.u32 s4, $0x19;
	p0 =	por !p6, !p5  }
0x237: {  	s3 =	sadd.s32 s4, s3;
	p0 =	por !p0, !p0;
	s4 =	simm.s32 $0x1  }
0x238: {  	s3 =	sshrl.u32 s3, $0x7;
	s4 =	simm.s32 @!p0 $0x0  }
.Ltmp5:
0x239: {  	s3 =	ssub.s32 s3, s4;
	(pc) =	sbr.rel .LBB2_4-.Ltmp5, $4  }
0x23a: {  	s3 =	sshll.u32 s3, $0x7  }
0x23b: {  	s3 =	sand.u32 $0x1FFFFF80, s3  }
0x23c: {  	s3 =	sadd.s32 s0, s3  }
0x23d: {  	[tilespmem:s19], [sflag:$0x1] =	stream.strided.gather [hbm4b:s3+s9], $0x1000, s11, s9, $0x38;
	[tilespmem:$0x18280] =	vst v63  }
.LBB2_5:
0x23e: {  	s1 =	simm.s32 $0x0  }
0x23f: {  	[hbm4b:s5+s1] =	stream.linear.scatter [tilespmem:s29], [sflag:$0x3], $0x8000, $0x38;
	[tilespmem:$0x18280] =	vst v63  }
0x240: {  	_ =	swait.ge [sflag:s8], $0x8000  }
0x241: {  	[sflag:s8] =	ssyncset.done $0x0  }
0x242: {  	[sflag:s8] =	ssyncadd.s32 $0xFFFF8000  }
0x243: {  	v3 =	vld [tilespmem:$0x100];
	_ =	sdelay $0x4  }
0x244: {  	(v2sf) =	vpush v3, $0x0;
	_ =	sdelay $0xa  }
0x245: {  	(v2sf) =	vpush v3, $0x1;
	_ =	sdelay $0x3  }
0x246: {  	s2 =	spop (v2sf)  }
0x247: {  	s3 =	sand.u32 $0x7F, s2  }
0x248: {  	s4 =	sshra.s32 s2, $0x1F;
	p1 =	slt.s32 s2, $0x1;
	p0 =	sne.s32 s3, $0x0  }
0x249: {  	s3 =	sshrl.u32 s4, $0x19;
	p0 =	por !p1, !p0  }
0x24a: {  	s2 =	sadd.s32 s3, s2;
	s3 =	simm.s32 $0x1;
	p0 =	por !p0, !p0  }
0x24b: {  	s2 =	sshrl.u32 s2, $0x7;
	s3 =	simm.s32 @!p0 $0x0  }
0x24c: {  	s2 =	ssub.s32 s2, s3  }
0x24d: {  	(v2sf) =	vpush v3, $0x2;
	s2 =	sshll.u32 s2, $0x7  }
0x24e: {  	s2 =	sand.u32 $0x1FFFFF80, s2  }
0x24f: {  	s2 =	sadd.s32 s0, s2  }
0x250: {  	[tilespmem:s12], [sflag:$0x1] =	stream.strided.gather [hbm4b:s2+s9], $0x1000, s11, s9, $0x38;
	[tilespmem:$0x18280] =	vst v63  }
0x251: {  	s2 =	spop (v2sf)  }
0x252: {  	s4 =	sand.u32 $0x7F, s2  }
0x253: {  	p6 =	slt.s32 s2, $0x1;
	p5 =	sne.s32 s4, $0x0;
	s4 =	sshra.s32 s2, $0x1F  }
0x254: {  	s3 =	sshrl.u32 s4, $0x19;
	p0 =	por !p6, !p5  }
0x255: {  	s2 =	sadd.s32 s3, s2;
	p0 =	por !p0, !p0;
	s3 =	simm.s32 $0x1  }
0x256: {  	s2 =	sshrl.u32 s2, $0x7;
	s3 =	simm.s32 @!p0 $0x0  }
0x257: {  	s2 =	ssub.s32 s2, s3  }
0x258: {  	(v2sf) =	vpush v3, $0x3;
	s2 =	sshll.u32 s2, $0x7  }
0x259: {  	s2 =	sand.u32 $0x1FFFFF80, s2  }
0x25a: {  	s2 =	sadd.s32 s0, s2  }
0x25b: {  	[tilespmem:s13], [sflag:$0x1] =	stream.strided.gather [hbm4b:s2+s9], $0x1000, s11, s9, $0x38;
	[tilespmem:$0x18280] =	vst v63  }
0x25c: {  	s2 =	spop (v2sf)  }
0x25d: {  	s4 =	sand.u32 $0x7F, s2  }
0x25e: {  	p2 =	slt.s32 s2, $0x1;
	p1 =	sne.s32 s4, $0x0;
	s4 =	sshra.s32 s2, $0x1F  }
0x25f: {  	s3 =	sshrl.u32 s4, $0x19;
	p0 =	por !p2, !p1  }
0x260: {  	s2 =	sadd.s32 s3, s2;
	p0 =	por !p0, !p0;
	s3 =	simm.s32 $0x1  }
0x261: {  	s2 =	sshrl.u32 s2, $0x7;
	s3 =	simm.s32 @!p0 $0x0  }
0x262: {  	s2 =	ssub.s32 s2, s3  }
0x263: {  	(v2sf) =	vpush v3, $0x4;
	s2 =	sshll.u32 s2, $0x7  }
0x264: {  	s2 =	sand.u32 $0x1FFFFF80, s2  }
0x265: {  	s2 =	sadd.s32 s0, s2  }
0x266: {  	[tilespmem:s14], [sflag:$0x1] =	stream.strided.gather [hbm4b:s2+s9], $0x1000, s11, s9, $0x38;
	[tilespmem:$0x18280] =	vst v63  }
0x267: {  	s2 =	spop (v2sf)  }
0x268: {  	s4 =	sand.u32 $0x7F, s2  }
0x269: {  	p4 =	slt.s32 s2, $0x1;
	p3 =	sne.s32 s4, $0x0;
	s4 =	sshra.s32 s2, $0x1F  }
0x26a: {  	s3 =	sshrl.u32 s4, $0x19;
	p0 =	por !p4, !p3  }
0x26b: {  	s2 =	sadd.s32 s3, s2;
	p0 =	por !p0, !p0;
	s3 =	simm.s32 $0x1  }
0x26c: {  	s2 =	sshrl.u32 s2, $0x7;
	s3 =	simm.s32 @!p0 $0x0  }
0x26d: {  	s2 =	ssub.s32 s2, s3  }
0x26e: {  	(v2sf) =	vpush v3, $0x5;
	s2 =	sshll.u32 s2, $0x7  }
0x26f: {  	s2 =	sand.u32 $0x1FFFFF80, s2  }
0x270: {  	s2 =	sadd.s32 s0, s2  }
0x271: {  	[tilespmem:s15], [sflag:$0x1] =	stream.strided.gather [hbm4b:s2+s9], $0x1000, s11, s9, $0x38;
	[tilespmem:$0x18280] =	vst v63  }
0x272: {  	s2 =	spop (v2sf)  }
0x273: {  	s4 =	sand.u32 $0x7F, s2  }
0x274: {  	p6 =	slt.s32 s2, $0x1;
	p5 =	sne.s32 s4, $0x0;
	s4 =	sshra.s32 s2, $0x1F  }
0x275: {  	(v2sf) =	vpush v3, $0x6;
	s3 =	sshrl.u32 s4, $0x19;
	p0 =	por !p6, !p5  }
0x276: {  	s2 =	sadd.s32 s3, s2;
	p0 =	por !p0, !p0;
	s3 =	simm.s32 $0x1  }
0x277: {  	s2 =	sshrl.u32 s2, $0x7;
	s3 =	simm.s32 @!p0 $0x0  }
0x278: {  	s2 =	ssub.s32 s2, s3  }
0x279: {  	s2 =	sshll.u32 s2, $0x7  }
0x27a: {  	s2 =	sand.u32 $0x1FFFFF80, s2  }
0x27b: {  	s2 =	sadd.s32 s0, s2  }
0x27c: {  	[tilespmem:s16], [sflag:$0x1] =	stream.strided.gather [hbm4b:s2+s9], $0x1000, s11, s9, $0x38;
	[tilespmem:$0x18280] =	vst v63  }
0x27d: {  	s2 =	spop (v2sf)  }
0x27e: {  	s4 =	sand.u32 $0x7F, s2  }
0x27f: {  	p2 =	slt.s32 s2, $0x1;
	p1 =	sne.s32 s4, $0x0;
	s4 =	sshra.s32 s2, $0x1F  }
0x280: {  	s3 =	sshrl.u32 s4, $0x19;
	p0 =	por !p2, !p1  }
0x281: {  	(v2sf) =	vpush v3, $0x7;
	s2 =	sadd.s32 s3, s2;
	p0 =	por !p0, !p0;
	s3 =	simm.s32 $0x1  }
0x282: {  	s2 =	sshrl.u32 s2, $0x7;
	s3 =	simm.s32 @!p0 $0x0  }
0x283: {  	s2 =	ssub.s32 s2, s3  }
0x284: {  	s3 =	spop (v2sf);
	s2 =	sshll.u32 s2, $0x7  }
0x285: {  	s4 =	sand.u32 $0x7F, s3;
	p4 =	slt.s32 s3, $0x1;
	s2 =	sand.u32 $0x1FFFFF80, s2  }
0x286: {  	p3 =	sne.s32 s4, $0x0;
	s4 =	sshra.s32 s3, $0x1F;
	s2 =	sadd.s32 s0, s2  }
0x287: {  	[tilespmem:s17], [sflag:$0x1] =	stream.strided.gather [hbm4b:s2+s9], $0x1000, s11, s9, $0x38;
	[tilespmem:$0x18280] =	vst v63  }
0x288: {  	p0 =	por !p4, !p3;
	s2 =	sshrl.u32 s4, $0x19  }
0x289: {  	p0 =	por !p0, !p0;
	s2 =	sadd.s32 s2, s3;
	s3 =	simm.s32 $0x1  }
0x28a: {  	s2 =	sshrl.u32 s2, $0x7;
	s3 =	simm.s32 @!p0 $0x0  }
0x28b: {  	s2 =	ssub.s32 s2, s3  }
0x28c: {  	s2 =	sshll.u32 s2, $0x7  }
0x28d: {  	s2 =	sand.u32 $0x1FFFFF80, s2  }
0x28e: {  	s2 =	sadd.s32 s0, s2  }
0x28f: {  	[tilespmem:s18], [sflag:$0x1] =	stream.strided.gather [hbm4b:s2+s9], $0x1000, s11, s9, $0x38;
	[tilespmem:$0x18280] =	vst v63  }
0x290: {  	s2 =	spop (v2sf)  }
0x291: {  	s4 =	sand.u32 $0x7F, s2  }
0x292: {  	p6 =	slt.s32 s2, $0x1;
	p5 =	sne.s32 s4, $0x0;
	s4 =	sshra.s32 s2, $0x1F  }
0x293: {  	s3 =	sshrl.u32 s4, $0x19;
	p0 =	por !p6, !p5  }
0x294: {  	s2 =	sadd.s32 s3, s2;
	p0 =	por !p0, !p0;
	s3 =	simm.s32 $0x1  }
0x295: {  	s2 =	sshrl.u32 s2, $0x7;
	s3 =	simm.s32 @!p0 $0x0  }
0x296: {  	s2 =	ssub.s32 s2, s3  }
.Ltmp6:
0x297: {  	s2 =	sshll.u32 s2, $0x7;
	(pc) =	sbr.rel .LBB2_6-.Ltmp6, $4  }
0x298: {  	s2 =	sand.u32 $0x1FFFFF80, s2  }
0x299: {  	s2 =	sadd.s32 s0, s2  }
0x29a: {  	[tilespmem:s19], [sflag:$0x1] =	stream.strided.gather [hbm4b:s2+s9], $0x1000, s11, s9, $0x38;
	[tilespmem:$0x18280] =	vst v63  }
0x29b: {  	s2 =	simm.s32 $0x108  }
.LBB2_8:
0x29c: {  	_ =	swait.ge [sflag:s30], $0x1000  }
0x29d: {  	[sflag:s30] =	ssyncset.done $0x0  }
0x29e: {  	[sflag:s30] =	ssyncadd.s32 $0xFFFFF000  }
0x29f: {  	_ =	swait.ge [sflag:s30], $0x1000  }
0x2a0: {  	[sflag:s30] =	ssyncset.done $0x0  }
0x2a1: {  	[sflag:s30] =	ssyncadd.s32 $0xFFFFF000  }
0x2a2: {  	_ =	swait.ge [sflag:s30], $0x1000  }
0x2a3: {  	[sflag:s30] =	ssyncset.done $0x0  }
0x2a4: {  	[sflag:s30] =	ssyncadd.s32 $0xFFFFF000  }
0x2a5: {  	_ =	swait.ge [sflag:s30], $0x1000  }
0x2a6: {  	[sflag:s30] =	ssyncset.done $0x0  }
0x2a7: {  	[sflag:s30] =	ssyncadd.s32 $0xFFFFF000  }
0x2a8: {  	_ =	swait.ge [sflag:s30], $0x1000  }
0x2a9: {  	[sflag:s30] =	ssyncset.done $0x0  }
0x2aa: {  	[sflag:s30] =	ssyncadd.s32 $0xFFFFF000  }
0x2ab: {  	_ =	swait.ge [sflag:s30], $0x1000  }
0x2ac: {  	[sflag:s30] =	ssyncset.done $0x0  }
0x2ad: {  	[sflag:s30] =	ssyncadd.s32 $0xFFFFF000  }
0x2ae: {  	_ =	swait.ge [sflag:s30], $0x1000  }
0x2af: {  	[sflag:s30] =	ssyncset.done $0x0  }
0x2b0: {  	[sflag:s30] =	ssyncadd.s32 $0xFFFFF000  }
0x2b1: {  	_ =	swait.ge [sflag:s30], $0x1000  }
0x2b2: {  	[sflag:s30] =	ssyncset.done $0x0  }
0x2b3: {  	[sflag:s30] =	ssyncadd.s32 $0xFFFFF000  }
0x2b4: {  	v3 =	vld [tilespmem:s2+$0x0];
	_ =	sdelay $0x4  }
0x2b5: {  	v4 =	vshra.s32 v3, $0x1F  }
0x2b6: {  	v4 =	vshrl.u32 v4, $0x19  }
0x2b7: {  	v4 =	vadd.s32 v4, v3  }
0x2b8: {  	v4 =	vshrl.u32 v4, $0x7  }
0x2b9: {  	v4 =	vshll.u32 v4, $0x7  }
0x2ba: {  	v3 =	vsub.s32 v3, v4  }
0x2bb: {  	v4 =	vadd.s32 v33, v3;
	_ =	sdelay $0x1  }
0x2bc: {  	s3 =	sadd.s32 $0x8, s1  }
0x2bd: {  	v5 =	vmov s3  }
0x2be: {  	v5 =	vshll.u32 v5, $0x7  }
0x2bf: {  	v5 =	vadd.s32 v1, v5;
	v4 =	vld.idx.msk [tilespmem:v4+s12+$0x0], $0xffff  }
0x2c0: {  	v6 =	vadd.s32 v34, v3;
	_ =	sdelay $0x3  }
0x2c1: {  	[tilespmem:v5+s29+$0x0] =	vst.idx.msk $0xff, v4  }
0x2c2: {  	v4 =	vld.idx.msk [tilespmem:v6+s12+$0x0], $0xffff;
	v6 =	vor.u32 $0x1, v5  }
0x2c3: {  	v7 =	vadd.s32 v35, v3;
	_ =	sdelay $0x3  }
0x2c4: {  	[tilespmem:v6+s29+$0x0] =	vst.idx.msk $0xff, v4  }
0x2c5: {  	v6 =	vor.u32 $0x2, v5;
	v4 =	vld.idx.msk [tilespmem:v7+s12+$0x0], $0xffff  }
0x2c6: {  	v7 =	vadd.s32 v36, v3;
	_ =	sdelay $0x3  }
0x2c7: {  	[tilespmem:v6+s29+$0x0] =	vst.idx.msk $0xff, v4  }
0x2c8: {  	v6 =	vor.u32 $0x3, v5;
	v4 =	vld.idx.msk [tilespmem:v7+s12+$0x0], $0xffff  }
0x2c9: {  	v7 =	vadd.s32 v37, v3;
	_ =	sdelay $0x3  }
0x2ca: {  	[tilespmem:v6+s29+$0x0] =	vst.idx.msk $0xff, v4  }
0x2cb: {  	v6 =	vor.u32 $0x4, v5;
	v4 =	vld.idx.msk [tilespmem:v7+s12+$0x0], $0xffff  }
0x2cc: {  	v7 =	vadd.s32 v38, v3;
	_ =	sdelay $0x3  }
0x2cd: {  	[tilespmem:v6+s29+$0x0] =	vst.idx.msk $0xff, v4  }
0x2ce: {  	v6 =	vor.u32 $0x5, v5;
	v4 =	vld.idx.msk [tilespmem:v7+s12+$0x0], $0xffff  }
0x2cf: {  	v7 =	vadd.s32 v39, v3;
	_ =	sdelay $0x3  }
0x2d0: {  	[tilespmem:v6+s29+$0x0] =	vst.idx.msk $0xff, v4  }
0x2d1: {  	v6 =	vor.u32 $0x6, v5;
	v4 =	vld.idx.msk [tilespmem:v7+s12+$0x0], $0xffff  }
0x2d2: {  	v7 =	vadd.s32 v40, v3;
	_ =	sdelay $0x3  }
0x2d3: {  	[tilespmem:v6+s29+$0x0] =	vst.idx.msk $0xff, v4  }
0x2d4: {  	v6 =	vor.u32 $0x7, v5;
	v4 =	vld.idx.msk [tilespmem:v7+s12+$0x0], $0xffff  }
0x2d5: {  	v7 =	vadd.s32 v41, v3;
	_ =	sdelay $0x3  }
0x2d6: {  	[tilespmem:v6+s29+$0x0] =	vst.idx.msk $0xff, v4  }
0x2d7: {  	v6 =	vor.u32 $0x8, v5;
	v4 =	vld.idx.msk [tilespmem:v7+s12+$0x0], $0xffff  }
0x2d8: {  	v7 =	vadd.s32 v42, v3;
	_ =	sdelay $0x3  }
0x2d9: {  	[tilespmem:v6+s29+$0x0] =	vst.idx.msk $0xff, v4  }
0x2da: {  	v6 =	vor.u32 $0x9, v5;
	v4 =	vld.idx.msk [tilespmem:v7+s12+$0x0], $0xffff  }
0x2db: {  	v7 =	vadd.s32 v43, v3;
	_ =	sdelay $0x3  }
0x2dc: {  	[tilespmem:v6+s29+$0x0] =	vst.idx.msk $0xff, v4  }
0x2dd: {  	v6 =	vor.u32 $0xA, v5;
	v4 =	vld.idx.msk [tilespmem:v7+s12+$0x0], $0xffff  }
0x2de: {  	v7 =	vadd.s32 v44, v3;
	_ =	sdelay $0x3  }
0x2df: {  	[tilespmem:v6+s29+$0x0] =	vst.idx.msk $0xff, v4  }
0x2e0: {  	v6 =	vor.u32 $0xB, v5;
	v4 =	vld.idx.msk [tilespmem:v7+s12+$0x0], $0xffff  }
0x2e1: {  	v7 =	vadd.s32 v45, v3;
	_ =	sdelay $0x3  }
0x2e2: {  	[tilespmem:v6+s29+$0x0] =	vst.idx.msk $0xff, v4  }
0x2e3: {  	v6 =	vor.u32 $0xC, v5;
	v4 =	vld.idx.msk [tilespmem:v7+s12+$0x0], $0xffff  }
0x2e4: {  	v7 =	vadd.s32 v46, v3;
	_ =	sdelay $0x3  }
0x2e5: {  	[tilespmem:v6+s29+$0x0] =	vst.idx.msk $0xff, v4  }
0x2e6: {  	v6 =	vor.u32 $0xD, v5;
	v4 =	vld.idx.msk [tilespmem:v7+s12+$0x0], $0xffff  }
0x2e7: {  	v7 =	vadd.s32 v47, v3;
	_ =	sdelay $0x3  }
0x2e8: {  	[tilespmem:v6+s29+$0x0] =	vst.idx.msk $0xff, v4  }
0x2e9: {  	v6 =	vor.u32 $0xE, v5;
	v4 =	vld.idx.msk [tilespmem:v7+s12+$0x0], $0xffff  }
0x2ea: {  	v7 =	vadd.s32 v48, v3;
	_ =	sdelay $0x3  }
0x2eb: {  	[tilespmem:v6+s29+$0x0] =	vst.idx.msk $0xff, v4  }
0x2ec: {  	v6 =	vor.u32 $0xF, v5;
	v4 =	vld.idx.msk [tilespmem:v7+s12+$0x0], $0xffff  }
0x2ed: {  	v7 =	vadd.s32 v49, v3;
	_ =	sdelay $0x3  }
0x2ee: {  	[tilespmem:v6+s29+$0x0] =	vst.idx.msk $0xff, v4  }
0x2ef: {  	v6 =	vor.u32 $0x10, v5;
	v4 =	vld.idx.msk [tilespmem:v7+s12+$0x0], $0xffff  }
0x2f0: {  	v7 =	vadd.s32 v50, v3;
	_ =	sdelay $0x3  }
0x2f1: {  	[tilespmem:v6+s29+$0x0] =	vst.idx.msk $0xff, v4  }
0x2f2: {  	v6 =	vor.u32 $0x11, v5;
	v4 =	vld.idx.msk [tilespmem:v7+s12+$0x0], $0xffff  }
0x2f3: {  	v7 =	vadd.s32 v51, v3;
	_ =	sdelay $0x3  }
0x2f4: {  	[tilespmem:v6+s29+$0x0] =	vst.idx.msk $0xff, v4  }
0x2f5: {  	v6 =	vor.u32 $0x12, v5;
	v4 =	vld.idx.msk [tilespmem:v7+s12+$0x0], $0xffff  }
0x2f6: {  	v7 =	vadd.s32 v52, v3;
	_ =	sdelay $0x3  }
0x2f7: {  	[tilespmem:v6+s29+$0x0] =	vst.idx.msk $0xff, v4  }
0x2f8: {  	v6 =	vor.u32 $0x13, v5;
	v4 =	vld.idx.msk [tilespmem:v7+s12+$0x0], $0xffff  }
0x2f9: {  	v7 =	vadd.s32 v53, v3;
	_ =	sdelay $0x3  }
0x2fa: {  	[tilespmem:v6+s29+$0x0] =	vst.idx.msk $0xff, v4  }
0x2fb: {  	v6 =	vor.u32 $0x14, v5;
	v4 =	vld.idx.msk [tilespmem:v7+s12+$0x0], $0xffff  }
0x2fc: {  	v7 =	vadd.s32 v54, v3;
	_ =	sdelay $0x3  }
0x2fd: {  	[tilespmem:v6+s29+$0x0] =	vst.idx.msk $0xff, v4  }
0x2fe: {  	v6 =	vor.u32 $0x15, v5;
	v4 =	vld.idx.msk [tilespmem:v7+s12+$0x0], $0xffff  }
0x2ff: {  	v7 =	vadd.s32 v55, v3;
	_ =	sdelay $0x3  }
0x300: {  	[tilespmem:v6+s29+$0x0] =	vst.idx.msk $0xff, v4  }
0x301: {  	v6 =	vor.u32 $0x16, v5;
	v4 =	vld.idx.msk [tilespmem:v7+s12+$0x0], $0xffff  }
0x302: {  	v7 =	vadd.s32 v56, v3;
	_ =	sdelay $0x3  }
0x303: {  	[tilespmem:v6+s29+$0x0] =	vst.idx.msk $0xff, v4  }
0x304: {  	v6 =	vor.u32 $0x17, v5;
	v4 =	vld.idx.msk [tilespmem:v7+s12+$0x0], $0xffff  }
0x305: {  	v7 =	vadd.s32 v57, v3;
	_ =	sdelay $0x3  }
0x306: {  	[tilespmem:v6+s29+$0x0] =	vst.idx.msk $0xff, v4  }
0x307: {  	v6 =	vor.u32 $0x18, v5;
	v4 =	vld.idx.msk [tilespmem:v7+s12+$0x0], $0xffff  }
0x308: {  	v7 =	vadd.s32 v58, v3;
	_ =	sdelay $0x3  }
0x309: {  	[tilespmem:v6+s29+$0x0] =	vst.idx.msk $0xff, v4  }
0x30a: {  	v6 =	vor.u32 $0x19, v5;
	v4 =	vld.idx.msk [tilespmem:v7+s12+$0x0], $0xffff  }
0x30b: {  	v7 =	vadd.s32 v59, v3;
	_ =	sdelay $0x3  }
0x30c: {  	[tilespmem:v6+s29+$0x0] =	vst.idx.msk $0xff, v4  }
0x30d: {  	v6 =	vor.u32 $0x1A, v5;
	v4 =	vld.idx.msk [tilespmem:v7+s12+$0x0], $0xffff  }
0x30e: {  	v7 =	vadd.s32 v60, v3;
	_ =	sdelay $0x3  }
0x30f: {  	[tilespmem:v6+s29+$0x0] =	vst.idx.msk $0xff, v4  }
0x310: {  	v6 =	vor.u32 $0x1B, v5;
	v4 =	vld.idx.msk [tilespmem:v7+s12+$0x0], $0xffff  }
0x311: {  	v7 =	vadd.s32 v61, v3;
	_ =	sdelay $0x3  }
0x312: {  	[tilespmem:v6+s29+$0x0] =	vst.idx.msk $0xff, v4  }
0x313: {  	v6 =	vor.u32 $0x1C, v5;
	v4 =	vld.idx.msk [tilespmem:v7+s12+$0x0], $0xffff  }
0x314: {  	v7 =	vadd.s32 v62, v3;
	_ =	sdelay $0x3  }
0x315: {  	[tilespmem:v6+s29+$0x0] =	vst.idx.msk $0xff, v4  }
0x316: {  	v6 =	vor.u32 $0x1D, v5;
	v4 =	vld.idx.msk [tilespmem:v7+s12+$0x0], $0xffff  }
0x317: {  	v7 =	vadd.s32 v63, v3;
	_ =	sdelay $0x3  }
0x318: {  	[tilespmem:v6+s29+$0x0] =	vst.idx.msk $0xff, v4  }
0x319: {  	v6 =	vor.u32 $0x1E, v5;
	v4 =	vld.idx.msk [tilespmem:v7+s12+$0x0], $0xffff  }
0x31a: {  	v3 =	vadd.s32 v2, v3;
	_ =	sdelay $0x3  }
0x31b: {  	s1 =	sadd.s32 $0x10, s1;
	[tilespmem:v6+s29+$0x0] =	vst.idx.msk $0xff, v4  }
0x31c: {  	p0 =	sne.s32 s1, $0x100;
	v4 =	vor.u32 $0x1F, v5;
	v3 =	vld.idx.msk [tilespmem:v3+s12+$0x0], $0xffff  }
.Ltmp7:
0x31d: {  	_ = 	snop;
	(pc) =	sbr.rel @!p0 .LBB2_9-.Ltmp7, $2  }
0x31e: {  	_ =	sdelay $0x2  }
0x31f: {  	s2 =	sadd.s32 $0x10, s2;
	v7 =	vmov v8;
	[tilespmem:v4+s29+$0x0] =	vst.idx.msk $0xff, v3  }
.LBB2_6:
0x320: {  	v3 =	vld [tilespmem:s2+$0x0];
	_ =	sdelay $0x4  }
0x321: {  	(v2sf) =	vpush v3, $0x0;
	_ =	sdelay $0xa  }
0x322: {  	(v2sf) =	vpush v3, $0x1;
	_ =	sdelay $0x3  }
0x323: {  	s3 =	spop (v2sf)  }
0x324: {  	s4 =	sand.u32 $0x7F, s3  }
0x325: {  	p1 =	slt.s32 s3, $0x1;
	p0 =	sne.s32 s4, $0x0;
	s4 =	sshra.s32 s3, $0x1F  }
0x326: {  	s4 =	sshrl.u32 s4, $0x19;
	p0 =	por !p1, !p0  }
0x327: {  	s3 =	sadd.s32 s4, s3;
	p0 =	por !p0, !p0;
	s4 =	simm.s32 $0x1  }
0x328: {  	s3 =	sshrl.u32 s3, $0x7;
	s4 =	simm.s32 @!p0 $0x0  }
0x329: {  	s3 =	ssub.s32 s3, s4  }
0x32a: {  	(v2sf) =	vpush v3, $0x2;
	s3 =	sshll.u32 s3, $0x7  }
0x32b: {  	s3 =	sand.u32 $0x1FFFFF80, s3  }
0x32c: {  	s3 =	sadd.s32 s0, s3  }
0x32d: {  	[tilespmem:s20], [sflag:$0x2] =	stream.strided.gather [hbm4b:s3+s9], $0x1000, s11, s9, $0x38;
	[tilespmem:$0x18280] =	vst v63  }
0x32e: {  	s3 =	spop (v2sf)  }
0x32f: {  	s4 =	sand.u32 $0x7F, s3  }
0x330: {  	p6 =	slt.s32 s3, $0x1;
	p5 =	sne.s32 s4, $0x0;
	s4 =	sshra.s32 s3, $0x1F  }
0x331: {  	s4 =	sshrl.u32 s4, $0x19;
	p0 =	por !p6, !p5  }
0x332: {  	s3 =	sadd.s32 s4, s3;
	p0 =	por !p0, !p0;
	s4 =	simm.s32 $0x1  }
0x333: {  	s3 =	sshrl.u32 s3, $0x7;
	s4 =	simm.s32 @!p0 $0x0  }
0x334: {  	s3 =	ssub.s32 s3, s4  }
0x335: {  	(v2sf) =	vpush v3, $0x3;
	s3 =	sshll.u32 s3, $0x7  }
0x336: {  	s3 =	sand.u32 $0x1FFFFF80, s3  }
0x337: {  	s3 =	sadd.s32 s0, s3  }
0x338: {  	[tilespmem:s21], [sflag:$0x2] =	stream.strided.gather [hbm4b:s3+s9], $0x1000, s11, s9, $0x38;
	[tilespmem:$0x18280] =	vst v63  }
0x339: {  	s3 =	spop (v2sf)  }
0x33a: {  	s4 =	sand.u32 $0x7F, s3  }
0x33b: {  	p2 =	slt.s32 s3, $0x1;
	p1 =	sne.s32 s4, $0x0;
	s4 =	sshra.s32 s3, $0x1F  }
0x33c: {  	s4 =	sshrl.u32 s4, $0x19;
	p0 =	por !p2, !p1  }
0x33d: {  	s3 =	sadd.s32 s4, s3;
	p0 =	por !p0, !p0;
	s4 =	simm.s32 $0x1  }
0x33e: {  	s3 =	sshrl.u32 s3, $0x7;
	s4 =	simm.s32 @!p0 $0x0  }
0x33f: {  	s3 =	ssub.s32 s3, s4  }
0x340: {  	(v2sf) =	vpush v3, $0x4;
	s3 =	sshll.u32 s3, $0x7  }
0x341: {  	s3 =	sand.u32 $0x1FFFFF80, s3  }
0x342: {  	s3 =	sadd.s32 s0, s3  }
0x343: {  	[tilespmem:s22], [sflag:$0x2] =	stream.strided.gather [hbm4b:s3+s9], $0x1000, s11, s9, $0x38;
	[tilespmem:$0x18280] =	vst v63  }
0x344: {  	s3 =	spop (v2sf)  }
0x345: {  	s4 =	sand.u32 $0x7F, s3  }
0x346: {  	p4 =	slt.s32 s3, $0x1;
	p3 =	sne.s32 s4, $0x0;
	s4 =	sshra.s32 s3, $0x1F  }
0x347: {  	s4 =	sshrl.u32 s4, $0x19;
	p0 =	por !p4, !p3  }
0x348: {  	s3 =	sadd.s32 s4, s3;
	p0 =	por !p0, !p0;
	s4 =	simm.s32 $0x1  }
0x349: {  	s3 =	sshrl.u32 s3, $0x7;
	s4 =	simm.s32 @!p0 $0x0  }
0x34a: {  	s3 =	ssub.s32 s3, s4  }
0x34b: {  	(v2sf) =	vpush v3, $0x5;
	s3 =	sshll.u32 s3, $0x7  }
0x34c: {  	s3 =	sand.u32 $0x1FFFFF80, s3  }
0x34d: {  	s3 =	sadd.s32 s0, s3  }
0x34e: {  	[tilespmem:s23], [sflag:$0x2] =	stream.strided.gather [hbm4b:s3+s9], $0x1000, s11, s9, $0x38;
	[tilespmem:$0x18280] =	vst v63  }
0x34f: {  	s3 =	spop (v2sf)  }
0x350: {  	s4 =	sand.u32 $0x7F, s3  }
0x351: {  	p6 =	slt.s32 s3, $0x1;
	p5 =	sne.s32 s4, $0x0;
	s4 =	sshra.s32 s3, $0x1F  }
0x352: {  	s4 =	sshrl.u32 s4, $0x19;
	p0 =	por !p6, !p5  }
0x353: {  	s3 =	sadd.s32 s4, s3;
	p0 =	por !p0, !p0;
	s4 =	simm.s32 $0x1  }
0x354: {  	(v2sf) =	vpush v3, $0x6;
	s3 =	sshrl.u32 s3, $0x7;
	s4 =	simm.s32 @!p0 $0x0  }
0x355: {  	s3 =	ssub.s32 s3, s4  }
0x356: {  	s3 =	sshll.u32 s3, $0x7  }
0x357: {  	s3 =	sand.u32 $0x1FFFFF80, s3  }
0x358: {  	s3 =	sadd.s32 s0, s3  }
0x359: {  	[tilespmem:s24], [sflag:$0x2] =	stream.strided.gather [hbm4b:s3+s9], $0x1000, s11, s9, $0x38;
	[tilespmem:$0x18280] =	vst v63  }
0x35a: {  	s3 =	spop (v2sf)  }
0x35b: {  	s4 =	sand.u32 $0x7F, s3  }
0x35c: {  	p2 =	slt.s32 s3, $0x1;
	p1 =	sne.s32 s4, $0x0;
	s4 =	sshra.s32 s3, $0x1F  }
0x35d: {  	s4 =	sshrl.u32 s4, $0x19;
	p0 =	por !p2, !p1  }
0x35e: {  	s3 =	sadd.s32 s4, s3;
	p0 =	por !p0, !p0;
	s4 =	simm.s32 $0x1  }
0x35f: {  	s3 =	sshrl.u32 s3, $0x7;
	s4 =	simm.s32 @!p0 $0x0  }
0x360: {  	(v2sf) =	vpush v3, $0x7;
	s3 =	ssub.s32 s3, s4  }
0x361: {  	s3 =	sshll.u32 s3, $0x7  }
0x362: {  	s3 =	sand.u32 $0x1FFFFF80, s3  }
0x363: {  	s4 =	spop (v2sf);
	s3 =	sadd.s32 s0, s3  }
0x364: {  	[tilespmem:s25], [sflag:$0x2] =	stream.strided.gather [hbm4b:s3+s9], $0x1000, s11, s9, $0x38;
	[tilespmem:$0x18280] =	vst v63  }
0x365: {  	s3 =	sand.u32 $0x7F, s4  }
0x366: {  	p4 =	slt.s32 s4, $0x1;
	p3 =	sne.s32 s3, $0x0;
	s3 =	sshra.s32 s4, $0x1F  }
0x367: {  	s3 =	sshrl.u32 s3, $0x19;
	p0 =	por !p4, !p3  }
0x368: {  	s3 =	sadd.s32 s3, s4;
	p0 =	por !p0, !p0;
	s4 =	simm.s32 $0x1  }
0x369: {  	s3 =	sshrl.u32 s3, $0x7;
	s4 =	simm.s32 @!p0 $0x0  }
0x36a: {  	s3 =	ssub.s32 s3, s4  }
0x36b: {  	s3 =	sshll.u32 s3, $0x7  }
0x36c: {  	s3 =	sand.u32 $0x1FFFFF80, s3  }
0x36d: {  	s3 =	sadd.s32 s0, s3  }
0x36e: {  	[tilespmem:s26], [sflag:$0x2] =	stream.strided.gather [hbm4b:s3+s9], $0x1000, s11, s9, $0x38;
	[tilespmem:$0x18280] =	vst v63  }
0x36f: {  	s3 =	spop (v2sf)  }
0x370: {  	s4 =	sand.u32 $0x7F, s3  }
0x371: {  	p6 =	slt.s32 s3, $0x1;
	p5 =	sne.s32 s4, $0x0;
	s4 =	sshra.s32 s3, $0x1F  }
0x372: {  	s4 =	sshrl.u32 s4, $0x19;
	p0 =	por !p6, !p5  }
0x373: {  	s3 =	sadd.s32 s4, s3;
	p0 =	por !p0, !p0;
	s4 =	simm.s32 $0x1  }
0x374: {  	s3 =	sshrl.u32 s3, $0x7;
	s4 =	simm.s32 @!p0 $0x0  }
0x375: {  	s3 =	ssub.s32 s3, s4  }
0x376: {  	s3 =	sshll.u32 s3, $0x7  }
0x377: {  	s3 =	sand.u32 $0x1FFFFF80, s3  }
0x378: {  	s3 =	sadd.s32 s0, s3  }
0x379: {  	[tilespmem:s28], [sflag:$0x2] =	stream.strided.gather [hbm4b:s3+s9], $0x1000, s11, s9, $0x38;
	[tilespmem:$0x18280] =	vst v63  }
0x37a: {  	_ =	swait.ge [sflag:s10], $0x1000  }
0x37b: {  	[sflag:s10] =	ssyncset.done $0x0  }
0x37c: {  	[sflag:s10] =	ssyncadd.s32 $0xFFFFF000  }
0x37d: {  	_ =	swait.ge [sflag:s10], $0x1000  }
0x37e: {  	[sflag:s10] =	ssyncset.done $0x0  }
0x37f: {  	[sflag:s10] =	ssyncadd.s32 $0xFFFFF000  }
0x380: {  	_ =	swait.ge [sflag:s10], $0x1000  }
0x381: {  	[sflag:s10] =	ssyncset.done $0x0  }
0x382: {  	[sflag:s10] =	ssyncadd.s32 $0xFFFFF000  }
0x383: {  	_ =	swait.ge [sflag:s10], $0x1000  }
0x384: {  	[sflag:s10] =	ssyncset.done $0x0  }
0x385: {  	[sflag:s10] =	ssyncadd.s32 $0xFFFFF000  }
0x386: {  	_ =	swait.ge [sflag:s10], $0x1000  }
0x387: {  	[sflag:s10] =	ssyncset.done $0x0  }
0x388: {  	[sflag:s10] =	ssyncadd.s32 $0xFFFFF000  }
0x389: {  	_ =	swait.ge [sflag:s10], $0x1000  }
0x38a: {  	[sflag:s10] =	ssyncset.done $0x0  }
0x38b: {  	[sflag:s10] =	ssyncadd.s32 $0xFFFFF000  }
0x38c: {  	_ =	swait.ge [sflag:s10], $0x1000  }
0x38d: {  	[sflag:s10] =	ssyncset.done $0x0  }
0x38e: {  	[sflag:s10] =	ssyncadd.s32 $0xFFFFF000  }
0x38f: {  	_ =	swait.ge [sflag:s10], $0x1000  }
0x390: {  	[sflag:s10] =	ssyncset.done $0x0  }
0x391: {  	s4 =	sand.u32 $0xF0, s1;
	[sflag:s10] =	ssyncadd.s32 $0xFFFFF000  }
0x392: {  	v3 =	vld [tilespmem:s4+$0x100];
	_ =	sdelay $0x4  }
0x393: {  	v4 =	vshra.s32 v3, $0x1F  }
0x394: {  	v4 =	vshrl.u32 v4, $0x19  }
0x395: {  	v4 =	vadd.s32 v4, v3  }
0x396: {  	v4 =	vshrl.u32 v4, $0x7  }
0x397: {  	v4 =	vshll.u32 v4, $0x7  }
0x398: {  	v3 =	vsub.s32 v3, v4  }
0x399: {  	v4 =	vadd.s32 v0, v3;
	_ =	sdelay $0x2  }
0x39a: {  	v5 =	vmov s1  }
0x39b: {  	v5 =	vshll.u32 v5, $0x7  }
0x39c: {  	v5 =	vor.u32 v1, v5;
	v4 =	vld.idx.msk [tilespmem:v4+s12+$0x0], $0xffff  }
0x39d: {  	v6 =	vadd.s32 v7, v3  }
0x39e: {  	v8 =	vmov v7;
	v7 =	vld [tilespmem:$0x1FFA0];
	_ =	sdelay $0x2  }
0x39f: {  	[tilespmem:v5+s29+$0x0] =	vst.idx.msk $0xff, v4  }
0x3a0: {  	v4 =	vld.idx.msk [tilespmem:v6+s12+$0x0], $0xffff;
	v6 =	vor.u32 $0x1, v5  }
0x3a1: {  	v7 =	vadd.s32 v7, v3;
	_ =	sdelay $0x3  }
0x3a2: {  	[tilespmem:v6+s29+$0x0] =	vst.idx.msk $0xff, v4  }
0x3a3: {  	v4 =	vld.idx.msk [tilespmem:v7+s12+$0x0], $0xffff  }
0x3a4: {  	v7 =	vld [tilespmem:$0x1FFB0];
	_ =	sdelay $0x3  }
0x3a5: {  	v6 =	vor.u32 $0x2, v5  }
0x3a6: {  	v7 =	vadd.s32 v7, v3;
	_ =	sdelay $0x3  }
0x3a7: {  	[tilespmem:v6+s29+$0x0] =	vst.idx.msk $0xff, v4  }
0x3a8: {  	v4 =	vld.idx.msk [tilespmem:v7+s12+$0x0], $0xffff  }
0x3a9: {  	v7 =	vld [tilespmem:$0x1FFC0];
	_ =	sdelay $0x3  }
0x3aa: {  	v6 =	vor.u32 $0x3, v5  }
0x3ab: {  	v7 =	vadd.s32 v7, v3;
	_ =	sdelay $0x3  }
0x3ac: {  	[tilespmem:v6+s29+$0x0] =	vst.idx.msk $0xff, v4  }
0x3ad: {  	v4 =	vld.idx.msk [tilespmem:v7+s12+$0x0], $0xffff  }
0x3ae: {  	v7 =	vld [tilespmem:$0x1FFD0];
	_ =	sdelay $0x3  }
0x3af: {  	v6 =	vor.u32 $0x4, v5  }
0x3b0: {  	v7 =	vadd.s32 v7, v3;
	_ =	sdelay $0x3  }
0x3b1: {  	[tilespmem:v6+s29+$0x0] =	vst.idx.msk $0xff, v4  }
0x3b2: {  	v4 =	vld.idx.msk [tilespmem:v7+s12+$0x0], $0xffff  }
0x3b3: {  	v7 =	vld [tilespmem:$0x1FFE0];
	_ =	sdelay $0x3  }
0x3b4: {  	v6 =	vor.u32 $0x5, v5  }
0x3b5: {  	v7 =	vadd.s32 v7, v3;
	_ =	sdelay $0x3  }
0x3b6: {  	[tilespmem:v6+s29+$0x0] =	vst.idx.msk $0xff, v4  }
0x3b7: {  	v4 =	vld.idx.msk [tilespmem:v7+s12+$0x0], $0xffff  }
0x3b8: {  	v7 =	vld [tilespmem:$0x1FFF0];
	_ =	sdelay $0x3  }
0x3b9: {  	v6 =	vor.u32 $0x6, v5  }
0x3ba: {  	v7 =	vadd.s32 v7, v3;
	_ =	sdelay $0x3  }
0x3bb: {  	[tilespmem:v6+s29+$0x0] =	vst.idx.msk $0xff, v4  }
0x3bc: {  	v6 =	vor.u32 $0x7, v5;
	v4 =	vld.idx.msk [tilespmem:v7+s12+$0x0], $0xffff  }
0x3bd: {  	v7 =	vadd.s32 v9, v3;
	_ =	sdelay $0x3  }
0x3be: {  	[tilespmem:v6+s29+$0x0] =	vst.idx.msk $0xff, v4  }
0x3bf: {  	v6 =	vor.u32 $0x8, v5;
	v4 =	vld.idx.msk [tilespmem:v7+s12+$0x0], $0xffff  }
0x3c0: {  	v7 =	vadd.s32 v10, v3;
	_ =	sdelay $0x3  }
0x3c1: {  	[tilespmem:v6+s29+$0x0] =	vst.idx.msk $0xff, v4  }
0x3c2: {  	v6 =	vor.u32 $0x9, v5;
	v4 =	vld.idx.msk [tilespmem:v7+s12+$0x0], $0xffff  }
0x3c3: {  	v7 =	vadd.s32 v11, v3;
	_ =	sdelay $0x3  }
0x3c4: {  	[tilespmem:v6+s29+$0x0] =	vst.idx.msk $0xff, v4  }
0x3c5: {  	v6 =	vor.u32 $0xA, v5;
	v4 =	vld.idx.msk [tilespmem:v7+s12+$0x0], $0xffff  }
0x3c6: {  	v7 =	vadd.s32 v12, v3;
	_ =	sdelay $0x3  }
0x3c7: {  	[tilespmem:v6+s29+$0x0] =	vst.idx.msk $0xff, v4  }
0x3c8: {  	v6 =	vor.u32 $0xB, v5;
	v4 =	vld.idx.msk [tilespmem:v7+s12+$0x0], $0xffff  }
0x3c9: {  	v7 =	vadd.s32 v13, v3;
	_ =	sdelay $0x3  }
0x3ca: {  	[tilespmem:v6+s29+$0x0] =	vst.idx.msk $0xff, v4  }
0x3cb: {  	v6 =	vor.u32 $0xC, v5;
	v4 =	vld.idx.msk [tilespmem:v7+s12+$0x0], $0xffff  }
0x3cc: {  	v7 =	vadd.s32 v14, v3;
	_ =	sdelay $0x3  }
0x3cd: {  	[tilespmem:v6+s29+$0x0] =	vst.idx.msk $0xff, v4  }
0x3ce: {  	v6 =	vor.u32 $0xD, v5;
	v4 =	vld.idx.msk [tilespmem:v7+s12+$0x0], $0xffff  }
0x3cf: {  	v7 =	vadd.s32 v15, v3;
	_ =	sdelay $0x3  }
0x3d0: {  	[tilespmem:v6+s29+$0x0] =	vst.idx.msk $0xff, v4  }
0x3d1: {  	v6 =	vor.u32 $0xE, v5;
	v4 =	vld.idx.msk [tilespmem:v7+s12+$0x0], $0xffff  }
0x3d2: {  	v7 =	vadd.s32 v16, v3;
	_ =	sdelay $0x3  }
0x3d3: {  	[tilespmem:v6+s29+$0x0] =	vst.idx.msk $0xff, v4  }
0x3d4: {  	v6 =	vor.u32 $0xF, v5;
	v4 =	vld.idx.msk [tilespmem:v7+s12+$0x0], $0xffff  }
0x3d5: {  	v7 =	vadd.s32 v17, v3;
	_ =	sdelay $0x3  }
0x3d6: {  	[tilespmem:v6+s29+$0x0] =	vst.idx.msk $0xff, v4  }
0x3d7: {  	v6 =	vor.u32 $0x10, v5;
	v4 =	vld.idx.msk [tilespmem:v7+s12+$0x0], $0xffff  }
0x3d8: {  	v7 =	vadd.s32 v18, v3;
	_ =	sdelay $0x3  }
0x3d9: {  	[tilespmem:v6+s29+$0x0] =	vst.idx.msk $0xff, v4  }
0x3da: {  	v6 =	vor.u32 $0x11, v5;
	v4 =	vld.idx.msk [tilespmem:v7+s12+$0x0], $0xffff  }
0x3db: {  	v7 =	vadd.s32 v19, v3;
	_ =	sdelay $0x3  }
0x3dc: {  	[tilespmem:v6+s29+$0x0] =	vst.idx.msk $0xff, v4  }
0x3dd: {  	v6 =	vor.u32 $0x12, v5;
	v4 =	vld.idx.msk [tilespmem:v7+s12+$0x0], $0xffff  }
0x3de: {  	v7 =	vadd.s32 v20, v3;
	_ =	sdelay $0x3  }
0x3df: {  	[tilespmem:v6+s29+$0x0] =	vst.idx.msk $0xff, v4  }
0x3e0: {  	v6 =	vor.u32 $0x13, v5;
	v4 =	vld.idx.msk [tilespmem:v7+s12+$0x0], $0xffff  }
0x3e1: {  	v7 =	vadd.s32 v21, v3;
	_ =	sdelay $0x3  }
0x3e2: {  	[tilespmem:v6+s29+$0x0] =	vst.idx.msk $0xff, v4  }
0x3e3: {  	v6 =	vor.u32 $0x14, v5;
	v4 =	vld.idx.msk [tilespmem:v7+s12+$0x0], $0xffff  }
0x3e4: {  	v7 =	vadd.s32 v22, v3;
	_ =	sdelay $0x3  }
0x3e5: {  	[tilespmem:v6+s29+$0x0] =	vst.idx.msk $0xff, v4  }
0x3e6: {  	v6 =	vor.u32 $0x15, v5;
	v4 =	vld.idx.msk [tilespmem:v7+s12+$0x0], $0xffff  }
0x3e7: {  	v7 =	vadd.s32 v23, v3;
	_ =	sdelay $0x3  }
0x3e8: {  	[tilespmem:v6+s29+$0x0] =	vst.idx.msk $0xff, v4  }
0x3e9: {  	v6 =	vor.u32 $0x16, v5;
	v4 =	vld.idx.msk [tilespmem:v7+s12+$0x0], $0xffff  }
0x3ea: {  	v7 =	vadd.s32 v24, v3;
	_ =	sdelay $0x3  }
0x3eb: {  	[tilespmem:v6+s29+$0x0] =	vst.idx.msk $0xff, v4  }
0x3ec: {  	v6 =	vor.u32 $0x17, v5;
	v4 =	vld.idx.msk [tilespmem:v7+s12+$0x0], $0xffff  }
0x3ed: {  	v7 =	vadd.s32 v25, v3;
	_ =	sdelay $0x3  }
0x3ee: {  	[tilespmem:v6+s29+$0x0] =	vst.idx.msk $0xff, v4  }
0x3ef: {  	v6 =	vor.u32 $0x18, v5;
	v4 =	vld.idx.msk [tilespmem:v7+s12+$0x0], $0xffff  }
0x3f0: {  	v7 =	vadd.s32 v26, v3;
	_ =	sdelay $0x3  }
0x3f1: {  	[tilespmem:v6+s29+$0x0] =	vst.idx.msk $0xff, v4  }
0x3f2: {  	v6 =	vor.u32 $0x19, v5;
	v4 =	vld.idx.msk [tilespmem:v7+s12+$0x0], $0xffff  }
0x3f3: {  	v7 =	vadd.s32 v27, v3;
	_ =	sdelay $0x3  }
0x3f4: {  	[tilespmem:v6+s29+$0x0] =	vst.idx.msk $0xff, v4  }
0x3f5: {  	v6 =	vor.u32 $0x1A, v5;
	v4 =	vld.idx.msk [tilespmem:v7+s12+$0x0], $0xffff  }
0x3f6: {  	v7 =	vadd.s32 v28, v3;
	_ =	sdelay $0x3  }
0x3f7: {  	[tilespmem:v6+s29+$0x0] =	vst.idx.msk $0xff, v4  }
0x3f8: {  	v6 =	vor.u32 $0x1B, v5;
	v4 =	vld.idx.msk [tilespmem:v7+s12+$0x0], $0xffff  }
0x3f9: {  	v7 =	vadd.s32 v29, v3;
	_ =	sdelay $0x3  }
0x3fa: {  	[tilespmem:v6+s29+$0x0] =	vst.idx.msk $0xff, v4  }
0x3fb: {  	v6 =	vor.u32 $0x1C, v5;
	v4 =	vld.idx.msk [tilespmem:v7+s12+$0x0], $0xffff  }
0x3fc: {  	v7 =	vadd.s32 v30, v3;
	_ =	sdelay $0x3  }
0x3fd: {  	[tilespmem:v6+s29+$0x0] =	vst.idx.msk $0xff, v4  }
0x3fe: {  	v6 =	vor.u32 $0x1D, v5;
	v4 =	vld.idx.msk [tilespmem:v7+s12+$0x0], $0xffff  }
0x3ff: {  	v7 =	vadd.s32 v31, v3;
	_ =	sdelay $0x3  }
0x400: {  	[tilespmem:v6+s29+$0x0] =	vst.idx.msk $0xff, v4  }
0x401: {  	v6 =	vor.u32 $0x1E, v5;
	v4 =	vld.idx.msk [tilespmem:v7+s12+$0x0], $0xffff  }
0x402: {  	v3 =	vadd.s32 v32, v3;
	_ =	sdelay $0x3  }
0x403: {  	[tilespmem:v6+s29+$0x0] =	vst.idx.msk $0xff, v4  }
0x404: {  	p0 =	seq.s32 s1, $0xF0;
	v4 =	vor.u32 $0x1F, v5;
	v3 =	vld.idx.msk [tilespmem:v3+s12+$0x0], $0xffff  }
.Ltmp8:
0x405: {  	_ = 	snop;
	(pc) =	sbr.rel @p0 .LBB2_8-.Ltmp8, $2  }
0x406: {  	_ =	sdelay $0x2  }
0x407: {  	[tilespmem:v4+s29+$0x0] =	vst.idx.msk $0xff, v3  }
0x408: {  	v3 =	vld [tilespmem:s2+$0x8];
	_ =	sdelay $0x4  }
0x409: {  	(v2sf) =	vpush v3, $0x0;
	_ =	sdelay $0xa  }
0x40a: {  	(v2sf) =	vpush v3, $0x1;
	_ =	sdelay $0x3  }
0x40b: {  	s3 =	spop (v2sf)  }
0x40c: {  	s4 =	sand.u32 $0x7F, s3  }
0x40d: {  	p1 =	slt.s32 s3, $0x1;
	p0 =	sne.s32 s4, $0x0;
	s4 =	sshra.s32 s3, $0x1F  }
0x40e: {  	s4 =	sshrl.u32 s4, $0x19;
	p0 =	por !p1, !p0  }
0x40f: {  	s3 =	sadd.s32 s4, s3;
	p0 =	por !p0, !p0;
	s4 =	simm.s32 $0x1  }
0x410: {  	s3 =	sshrl.u32 s3, $0x7;
	s4 =	simm.s32 @!p0 $0x0  }
0x411: {  	s3 =	ssub.s32 s3, s4  }
0x412: {  	(v2sf) =	vpush v3, $0x2;
	s3 =	sshll.u32 s3, $0x7  }
0x413: {  	s3 =	sand.u32 $0x1FFFFF80, s3  }
0x414: {  	s3 =	sadd.s32 s0, s3  }
0x415: {  	[tilespmem:s12], [sflag:$0x1] =	stream.strided.gather [hbm4b:s3+s9], $0x1000, s11, s9, $0x38;
	[tilespmem:$0x18280] =	vst v63  }
0x416: {  	s3 =	spop (v2sf)  }
0x417: {  	s4 =	sand.u32 $0x7F, s3  }
0x418: {  	p6 =	slt.s32 s3, $0x1;
	p5 =	sne.s32 s4, $0x0;
	s4 =	sshra.s32 s3, $0x1F  }
0x419: {  	s4 =	sshrl.u32 s4, $0x19;
	p0 =	por !p6, !p5  }
0x41a: {  	s3 =	sadd.s32 s4, s3;
	p0 =	por !p0, !p0;
	s4 =	simm.s32 $0x1  }
0x41b: {  	s3 =	sshrl.u32 s3, $0x7;
	s4 =	simm.s32 @!p0 $0x0  }
0x41c: {  	s3 =	ssub.s32 s3, s4  }
0x41d: {  	(v2sf) =	vpush v3, $0x3;
	s3 =	sshll.u32 s3, $0x7  }
0x41e: {  	s3 =	sand.u32 $0x1FFFFF80, s3  }
0x41f: {  	s3 =	sadd.s32 s0, s3  }
0x420: {  	[tilespmem:s13], [sflag:$0x1] =	stream.strided.gather [hbm4b:s3+s9], $0x1000, s11, s9, $0x38;
	[tilespmem:$0x18280] =	vst v63  }
0x421: {  	s3 =	spop (v2sf)  }
0x422: {  	s4 =	sand.u32 $0x7F, s3  }
0x423: {  	p2 =	slt.s32 s3, $0x1;
	p1 =	sne.s32 s4, $0x0;
	s4 =	sshra.s32 s3, $0x1F  }
0x424: {  	s4 =	sshrl.u32 s4, $0x19;
	p0 =	por !p2, !p1  }
0x425: {  	s3 =	sadd.s32 s4, s3;
	p0 =	por !p0, !p0;
	s4 =	simm.s32 $0x1  }
0x426: {  	s3 =	sshrl.u32 s3, $0x7;
	s4 =	simm.s32 @!p0 $0x0  }
0x427: {  	s3 =	ssub.s32 s3, s4  }
0x428: {  	(v2sf) =	vpush v3, $0x4;
	s3 =	sshll.u32 s3, $0x7  }
0x429: {  	s3 =	sand.u32 $0x1FFFFF80, s3  }
0x42a: {  	s3 =	sadd.s32 s0, s3  }
0x42b: {  	[tilespmem:s14], [sflag:$0x1] =	stream.strided.gather [hbm4b:s3+s9], $0x1000, s11, s9, $0x38;
	[tilespmem:$0x18280] =	vst v63  }
0x42c: {  	s3 =	spop (v2sf)  }
0x42d: {  	s4 =	sand.u32 $0x7F, s3  }
0x42e: {  	p4 =	slt.s32 s3, $0x1;
	p3 =	sne.s32 s4, $0x0;
	s4 =	sshra.s32 s3, $0x1F  }
0x42f: {  	s4 =	sshrl.u32 s4, $0x19;
	p0 =	por !p4, !p3  }
0x430: {  	s3 =	sadd.s32 s4, s3;
	p0 =	por !p0, !p0;
	s4 =	simm.s32 $0x1  }
0x431: {  	s3 =	sshrl.u32 s3, $0x7;
	s4 =	simm.s32 @!p0 $0x0  }
0x432: {  	s3 =	ssub.s32 s3, s4  }
0x433: {  	(v2sf) =	vpush v3, $0x5;
	s3 =	sshll.u32 s3, $0x7  }
0x434: {  	s3 =	sand.u32 $0x1FFFFF80, s3  }
0x435: {  	s3 =	sadd.s32 s0, s3  }
0x436: {  	[tilespmem:s15], [sflag:$0x1] =	stream.strided.gather [hbm4b:s3+s9], $0x1000, s11, s9, $0x38;
	[tilespmem:$0x18280] =	vst v63  }
0x437: {  	s3 =	spop (v2sf)  }
0x438: {  	s4 =	sand.u32 $0x7F, s3  }
0x439: {  	p6 =	slt.s32 s3, $0x1;
	p5 =	sne.s32 s4, $0x0;
	s4 =	sshra.s32 s3, $0x1F  }
0x43a: {  	s4 =	sshrl.u32 s4, $0x19;
	p0 =	por !p6, !p5  }
0x43b: {  	s3 =	sadd.s32 s4, s3;
	p0 =	por !p0, !p0;
	s4 =	simm.s32 $0x1  }
0x43c: {  	(v2sf) =	vpush v3, $0x6;
	s3 =	sshrl.u32 s3, $0x7;
	s4 =	simm.s32 @!p0 $0x0  }
0x43d: {  	s3 =	ssub.s32 s3, s4  }
0x43e: {  	s3 =	sshll.u32 s3, $0x7  }
0x43f: {  	s3 =	sand.u32 $0x1FFFFF80, s3  }
0x440: {  	s3 =	sadd.s32 s0, s3  }
0x441: {  	[tilespmem:s16], [sflag:$0x1] =	stream.strided.gather [hbm4b:s3+s9], $0x1000, s11, s9, $0x38;
	[tilespmem:$0x18280] =	vst v63  }
0x442: {  	s3 =	spop (v2sf)  }
0x443: {  	s4 =	sand.u32 $0x7F, s3  }
0x444: {  	p2 =	slt.s32 s3, $0x1;
	p1 =	sne.s32 s4, $0x0;
	s4 =	sshra.s32 s3, $0x1F  }
0x445: {  	s4 =	sshrl.u32 s4, $0x19;
	p0 =	por !p2, !p1  }
0x446: {  	s3 =	sadd.s32 s4, s3;
	p0 =	por !p0, !p0;
	s4 =	simm.s32 $0x1  }
0x447: {  	s3 =	sshrl.u32 s3, $0x7;
	s4 =	simm.s32 @!p0 $0x0  }
0x448: {  	(v2sf) =	vpush v3, $0x7;
	s3 =	ssub.s32 s3, s4  }
0x449: {  	s3 =	sshll.u32 s3, $0x7  }
0x44a: {  	s3 =	sand.u32 $0x1FFFFF80, s3  }
0x44b: {  	s4 =	spop (v2sf);
	s3 =	sadd.s32 s0, s3  }
0x44c: {  	[tilespmem:s17], [sflag:$0x1] =	stream.strided.gather [hbm4b:s3+s9], $0x1000, s11, s9, $0x38;
	[tilespmem:$0x18280] =	vst v63  }
0x44d: {  	s3 =	sand.u32 $0x7F, s4  }
0x44e: {  	p4 =	slt.s32 s4, $0x1;
	p3 =	sne.s32 s3, $0x0;
	s3 =	sshra.s32 s4, $0x1F  }
0x44f: {  	s3 =	sshrl.u32 s3, $0x19;
	p0 =	por !p4, !p3  }
0x450: {  	s3 =	sadd.s32 s3, s4;
	p0 =	por !p0, !p0;
	s4 =	simm.s32 $0x1  }
0x451: {  	s3 =	sshrl.u32 s3, $0x7;
	s4 =	simm.s32 @!p0 $0x0  }
0x452: {  	s3 =	ssub.s32 s3, s4  }
0x453: {  	s3 =	sshll.u32 s3, $0x7  }
0x454: {  	s3 =	sand.u32 $0x1FFFFF80, s3  }
0x455: {  	s3 =	sadd.s32 s0, s3  }
0x456: {  	[tilespmem:s18], [sflag:$0x1] =	stream.strided.gather [hbm4b:s3+s9], $0x1000, s11, s9, $0x38;
	[tilespmem:$0x18280] =	vst v63  }
0x457: {  	s3 =	spop (v2sf)  }
0x458: {  	s4 =	sand.u32 $0x7F, s3  }
0x459: {  	p6 =	slt.s32 s3, $0x1;
	p5 =	sne.s32 s4, $0x0;
	s4 =	sshra.s32 s3, $0x1F  }
0x45a: {  	s4 =	sshrl.u32 s4, $0x19;
	p0 =	por !p6, !p5  }
0x45b: {  	s3 =	sadd.s32 s4, s3;
	p0 =	por !p0, !p0;
	s4 =	simm.s32 $0x1  }
0x45c: {  	s3 =	sshrl.u32 s3, $0x7;
	s4 =	simm.s32 @!p0 $0x0  }
.Ltmp9:
0x45d: {  	s3 =	ssub.s32 s3, s4;
	(pc) =	sbr.rel .LBB2_8-.Ltmp9, $4  }
0x45e: {  	s3 =	sshll.u32 s3, $0x7  }
0x45f: {  	s3 =	sand.u32 $0x1FFFFF80, s3  }
0x460: {  	s3 =	sadd.s32 s0, s3  }
0x461: {  	[tilespmem:s19], [sflag:$0x1] =	stream.strided.gather [hbm4b:s3+s9], $0x1000, s11, s9, $0x38;
	[tilespmem:$0x18280] =	vst v63  }
.LBB2_10:
0x462: {  	_ =	sfence.sel $0x180000  }
0x463: {  	[bflag:$0x0] =	sbarrier.arrive $0xFFFF  }
0x464: {  	_ =	strace $0x90000047  }
0x465: {  	s0 =	stileid.u32;
	[bflag:$0x2] =	sbarrier.arrive $0xFFFF  }
0x466: {  	p0 =	sne.s32 s0, $0x0;
	s0 =	rddreg [dreg:$0x3]  }
0x467: {  	s0 =	sadd.s32 @!p0 $0x100000, s0  }
0x468: {  	[sflag:s0] =	ssyncadd.tile.s32 @!p0 $0x1;
	_ =	shalt  }
.Lfunc_end2:
_tile_overlayer_lowered:
.L_overlay_start_2:
0x469: {  	(tag) =	ssettag $0x2  }
0x46a: {  	s0 =	rddreg [dreg:$0x0];
	s2 =	stileid.u32  }
0x46b: {  	s1 =	rddreg [dreg:$0x1];
	p0 =	sne.s32 s2, $0x0  }
0x46c: {  	s3 =	rddreg [dreg:$0x2];
	[bflag:$0x3] =	sbarrier.arrive $0xFFFF;
	s2 =	simm.s32 @!p0 $0x1C03  }
0x46d: {  	[timem:s3], [sflag:s2] =	dma.local @!p0 [hbm:s0], s1  }
0x46e: {  	s0 =	simm.s32 @!p0 $0x3  }
0x46f: {  	_ =	swait.ge @!p0 [sflag:s0], s1  }
0x470: {  	s1 =	ssub.s32 @!p0 $0x0, s1;
	[sflag:s0] =	ssyncset.done @!p0 $0x0  }
0x471: {  	[sflag:s0] =	ssyncadd.s32 @!p0 s1  }
0x472: {  	[bflag:$0x3] =	sbarrier.arrive $0xFFFF  }
0x473: {  	_ =	shalt  }

</sc_bundles>
